<compile_context>
chip_gen: v7x
topology: tpu7x:2x2x1
jax: 0.10.2.dev20260603
libtpu: 0.0.44.dev20260713+nightly
codegen_flags: <defaults>
</compile_context>

<pallas_src>
import functools

import jax
import jax.numpy as jnp
from jax import lax
from jax.experimental import pallas as pl
from jax.experimental.pallas import tpu as pltpu
from jax.experimental.pallas import tpu_sc as plsc

BATCH = 16
DIM = 4096
NOUT = 4096

K_BLK = 2048
NTILE = NOUT // 128


def _project_sample_body(s2_ref, w_ref, g_ref, out_ref, rmax_ref, rarg_ref):
    j = pl.program_id(0)
    nj = pl.num_programs(0)

    prod = jnp.dot(s2_ref[...], w_ref[:, 0, 0, :],
                   preferred_element_type=jnp.float32)
    d = prod * prod
    probs = d[:BATCH, :] + d[BATCH:, :]
    scores = jnp.log(probs + 1e-10) + g_ref[...]
    bmax = jnp.max(scores, axis=1, keepdims=True)
    lane = lax.broadcasted_iota(jnp.int32, scores.shape, 1)
    barg = jnp.min(jnp.where(scores == bmax, lane, jnp.int32(2 ** 30)),
                   axis=1, keepdims=True) + j * 128

    @pl.when(j == 0)
    def _():
        rmax_ref[...] = bmax
        rarg_ref[...] = barg

    @pl.when(j > 0)
    def _():
        upd = bmax > rmax_ref[...]
        rmax_ref[...] = jnp.where(upd, bmax, rmax_ref[...])
        rarg_ref[...] = jnp.where(upd, barg, rarg_ref[...])

    @pl.when(j == nj - 1)
    def _():
        out_ref[...] = jnp.broadcast_to(rarg_ref[...], (BATCH, 16))


def _project_sample(s2, wv, g):
    return pl.pallas_call(
        _project_sample_body,
        grid=(NTILE,),
        in_specs=[
            pl.BlockSpec((2 * BATCH, DIM), lambda j: (0, 0)),
            pl.BlockSpec((DIM, 1, 1, 128), lambda j: (0, 2 * j, 0, 0)),
            pl.BlockSpec((BATCH, 128), lambda j: (0, j)),
        ],
        out_specs=pl.BlockSpec((BATCH, 16), lambda j: (0, 0)),
        out_shape=jax.ShapeDtypeStruct((BATCH, 16), jnp.int32),
        scratch_shapes=[
            pltpu.VMEM((BATCH, 1), jnp.float32),
            pltpu.VMEM((BATCH, 1), jnp.int32),
        ],
    )(s2, wv, g)


_HALF = DIM // 2


def _collapse_gather(basis_flat, outcome):
    mesh = plsc.VectorSubcoreMesh(core_axis_name="c", subcore_axis_name="s")

    @functools.partial(
        pl.kernel,
        mesh=mesh,
        out_type=jax.ShapeDtypeStruct((BATCH * DIM * 2,), jnp.float32),
        scratch_types=[
            pltpu.VMEM((16,), jnp.int32),
            pltpu.VMEM((16, 128), jnp.int32),
            pltpu.VMEM((2 * _HALF,), jnp.float32),
            pltpu.SemaphoreType.DMA,
        ],
        compiler_params=pltpu.CompilerParams(use_tc_tiling_on_sc=False),
    )
    def gath(tab_hbm, oc_hbm, out_hbm, oc_v, idx_v, rows_v, sem):
        cid = lax.axis_index("c")
        sid = lax.axis_index("s")
        wid = sid * 2 + cid
        b = wid // 2
        half = wid % 2
        d0 = half * _HALF
        pltpu.sync_copy(oc_hbm.at[pl.ds(b * 16, 16)], oc_v)
        lanes = lax.iota(jnp.int32, 16)
        ob = oc_v[...]
        obpart = (ob >> 7) * 256 + (ob & 127)
        zeros16 = jnp.zeros((16,), jnp.float32)
        for jt in range(16):
            for j in range(8):
                d = d0 + jt * 128 + j * 16 + lanes
                idx_v[jt, pl.ds(j * 16, 16)] = d * 8192 + obpart
                rows_v[pl.ds(jt * 256 + 128 + j * 16, 16)] = zeros16
        copies = []
        for jt in range(16):
            cp = pltpu.make_async_copy(
                tab_hbm.at[idx_v.at[jt]],
                rows_v.at[pl.ds(jt * 256, 128)],
                sem,
            )
            cp.start()
            copies.append(cp)
        for cp in copies:
            cp.wait()
        pltpu.sync_copy(rows_v,
                        out_hbm.at[pl.ds(b * 8192 + half * 2 * _HALF,
                                         2 * _HALF)])

    return gath(basis_flat, outcome)


def kernel(state, basis):
    s2 = jnp.moveaxis(state, -1, 0).reshape(2 * BATCH, DIM)
    wv = basis.reshape(DIM, NTILE, 128, 2).swapaxes(2, 3).reshape(
        DIM, 2 * NTILE, 1, 128)
    basis_flat = wv.reshape(DIM * NOUT * 2)
    g = jax.random.gumbel(jax.random.key(42), (BATCH, NOUT), jnp.float32)

    out = _project_sample(s2, wv, g)
    outcome = out[:, 0]
    out1d = _collapse_gather(basis_flat, out.reshape(BATCH * 16))
    collapsed = (out1d.reshape(BATCH, NTILE, 2, 128).swapaxes(2, 3)
                 .reshape(BATCH, DIM, 2))
    return (outcome, collapsed)

# --- scband reference (transcript-rebuilt; emitter-appended) ---
"""Pipeline reference for scband-projective-measurement-24043226923419 (READ-ONLY COPY).

The authoritative reference and input builder live on the scoring server;
editing this copy changes nothing except your own understanding.
"""

import jax, jax.numpy as jnp
import numpy as np

B, DIM, NUM_OUTCOMES = 16, 4096, 4096


def setup_inputs(seed: int = 0) -> dict:
    key = jax.random.key(seed)
    k1, k2 = jax.random.split(key)
    state = jax.random.normal(k1, (B, DIM, 2), dtype=jnp.float32)
    A = jax.random.normal(k2, (DIM, NUM_OUTCOMES), dtype=jnp.float32)
    Q, _ = jnp.linalg.qr(A)
    basis = jnp.stack([Q, jnp.zeros_like(Q)], axis=-1)  # [dim, num_outcomes, 2]
    return {"state": state, "basis": basis}


def _probabilities(state, basis):
    # P(i) = |<e_i|psi>|^2, complex inner product split into real/imag parts
    inner_real = (jnp.einsum('bd,do->bo', state[..., 0], basis[..., 0])
                  + jnp.einsum('bd,do->bo', state[..., 1], basis[..., 1]))
    inner_imag = (jnp.einsum('bd,do->bo', state[..., 1], basis[..., 0])
                  - jnp.einsum('bd,do->bo', state[..., 0], basis[..., 1]))
    return inner_real ** 2 + inner_imag ** 2


def reference(state, basis):
    # measure(state, return_collapsed=True)
    probs = _probabilities(state, basis)
    key = jax.random.key(42)
    # torch.multinomial(probs + 1e-10, 1) -> categorical sample over outcomes
    outcome = jax.random.categorical(key, jnp.log(probs + 1e-10), axis=-1)  # [B]
    # collapsed[b] = basis[:, outcome[b]]  -> gather columns of basis
    collapsed = jnp.transpose(basis, (1, 0, 2))[outcome]  # [B, dim, 2]
    return (outcome, collapsed)

if __name__ == "__main__":
    import jax
    _d = setup_inputs()
    print(jax.jit(kernel)(*tuple(_d.values())))

</pallas_src>

<mosaic_0001>
#map = affine_map<(d0, d1) -> (0)>
module attributes {stable_mosaic.version = 14 : i64} {
  func.func @gath(%arg0: i32, %arg1: i32, %arg2: memref<33554432xf32, #tpu.memory_space<hbm>>, %arg3: memref<256xi32, #tpu.memory_space<hbm>>, %arg4: memref<131072xf32, #tpu.memory_space<hbm>>, %arg5: memref<16xi32, #tpu.memory_space<vmem>>, %arg6: memref<16x128xi32, #tpu.memory_space<vmem>>, %arg7: memref<4096xf32, #tpu.memory_space<vmem>>, %arg8: memref<!tpu.dma_semaphore, #tpu.memory_space<semaphore_mem>>) attributes {dimension_semantics = [#tpu.dimension_semantics<core_parallel>, #tpu.dimension_semantics<subcore_parallel>], iteration_bounds = array<i64: 2, 16>, scalar_prefetch = 0 : i64, scratch_operands = 4 : i64, tpu.core_type = #tpu.core_type<sc_vector_subcore>, window_params = [{transform_indices = #map}, {transform_indices = #map}, {transform_indices = #map}]} {
    %mul3A = arith.constant 2 : i32
    %mul3A_0 = arith.muli %arg1, %mul3A : i32
    %add3A = arith.addi %mul3A_0, %arg0 : i32
    %jit3A = arith.constant 2 : i32
    %div3A = arith.divsi %add3A, %jit3A : i32
    %sign3A = arith.constant 0 : i32
    %sign3A_1 = arith.cmpi sgt, %add3A, %sign3A : i32
    %sign3A_2 = arith.extui %sign3A_1 : i1 to i32
    %sign3A_3 = arith.constant 0 : i32
    %sign3A_4 = arith.cmpi slt, %add3A, %sign3A_3 : i32
    %sign3A_5 = arith.extui %sign3A_4 : i1 to i32
    %sign3A_6 = arith.subi %sign3A_2, %sign3A_5 : i32
    %sign3A_7 = arith.constant 0 : i32
    %sign3A_8 = arith.cmpi sgt, %jit3A, %sign3A_7 : i32
    %sign3A_9 = arith.extui %sign3A_8 : i1 to i32
    %sign3A_10 = arith.constant 0 : i32
    %sign3A_11 = arith.cmpi slt, %jit3A, %sign3A_10 : i32
    %sign3A_12 = arith.extui %sign3A_11 : i1 to i32
    %sign3A_13 = arith.subi %sign3A_9, %sign3A_12 : i32
    %ne3A = arith.cmpi ne, %sign3A_6, %sign3A_13 : i32
    %rem3A = arith.remsi %add3A, %jit3A : i32
    %ne3A_14 = arith.constant 0 : i32
    %ne3A_15 = arith.cmpi ne, %rem3A, %ne3A_14 : i32
    %and3A = arith.andi %ne3A, %ne3A_15 : i1
    %sub3A = arith.constant 1 : i32
    %sub3A_16 = arith.subi %div3A, %sub3A : i32
    %select_n3A = arith.select %and3A, %sub3A_16, %div3A : i32
    %jit3A_17 = arith.constant 2 : i32
    %eq3A = arith.constant 0 : i32
    %eq3A_18 = arith.cmpi eq, %jit3A_17, %eq3A : i32
    %jit3A_19 = arith.constant 1 : i32
    %select_n3A_20 = arith.select %eq3A_18, %jit3A_19, %jit3A_17 : i32
    %rem3A_21 = arith.remsi %add3A, %select_n3A_20 : i32
    %ne3A_22 = arith.constant 0 : i32
    %ne3A_23 = arith.cmpi ne, %rem3A_21, %ne3A_22 : i32
    %lt3A = arith.constant 0 : i32
    %lt3A_24 = arith.cmpi slt, %rem3A_21, %lt3A : i32
    %lt3A_25 = arith.constant 0 : i32
    %lt3A_26 = arith.cmpi slt, %select_n3A_20, %lt3A_25 : i32
    %ne3A_27 = arith.xori %lt3A_24, %lt3A_26 : i1
    %and3A_28 = arith.andi %ne3A_27, %ne3A_23 : i1
    %add3A_29 = arith.addi %rem3A_21, %select_n3A_20 : i32
    %select_n3A_30 = arith.select %and3A_28, %add3A_29, %rem3A_21 : i32
    %mul3A_31 = arith.constant 2048 : i32
    %mul3A_32 = arith.muli %select_n3A_30, %mul3A_31 : i32
    %mul3A_33 = arith.constant 16 : i32
    %mul3A_34 = arith.muli %select_n3A, %mul3A_33 : i32
    "tpu.region"() ({
      %run_scoped3A = tpu.sem_alloc : memref<!tpu.dma_semaphore, #tpu.memory_space<semaphore_mem>>
      %dma_start3A_2867 = tpu.memref_slice %arg3[%mul3A_34] : memref<256xi32, #tpu.memory_space<hbm>> -> memref<16xi32, #tpu.memory_space<hbm>>
      %dma_start3A_2868 = tpu.memref_slice %arg3[%mul3A_34] : memref<256xi32, #tpu.memory_space<hbm>> -> memref<16xi32, #tpu.memory_space<hbm>>
      tpu.enqueue_dma source(%dma_start3A_2868 : memref<16xi32, #tpu.memory_space<hbm>>) target(%arg5 : memref<16xi32, #tpu.memory_space<vmem>>) target_semaphore(%run_scoped3A : memref<!tpu.dma_semaphore, #tpu.memory_space<semaphore_mem>>)
      %dma_wait3A_2869 = tpu.memref_slice %arg3[%mul3A_34] : memref<256xi32, #tpu.memory_space<hbm>> -> memref<16xi32, #tpu.memory_space<hbm>>
      %dma_wait3A_2870 = tpu.memref_slice %arg3[%mul3A_34] : memref<256xi32, #tpu.memory_space<hbm>> -> memref<16xi32, #tpu.memory_space<hbm>>
      tpu.wait_dma2 semaphore(%run_scoped3A : memref<!tpu.dma_semaphore, #tpu.memory_space<semaphore_mem>>) src(%dma_wait3A_2870 : memref<16xi32, #tpu.memory_space<hbm>>) dst(%arg5 : memref<16xi32, #tpu.memory_space<vmem>>)
      tpu.yield
    }) : () -> ()
    %iota3A = tpu.iota {dimensions = array<i32: 0>} : vector<16xi32>
    %get3A = arith.constant 0 : index
    %get3A_35 = tpu.vector_load %arg5[%get3A] {strides = array<i32>} : memref<16xi32, #tpu.memory_space<vmem>>, vector<16xi32>,
    %get3A_36 = vector.shape_cast %get3A_35 : vector<16xi32> to vector<16xi32>
    %shift_right_arithmetic3A = arith.constant 7 : i32
    %shift_right_arithmetic3A_37 = vector.broadcast %shift_right_arithmetic3A : i32 to vector<16xi32>
    %shift_right_arithmetic3A_38 = arith.shrsi %get3A_36, %shift_right_arithmetic3A_37 : vector<16xi32>
    %mul3A_39 = arith.constant 256 : i32
    %mul3A_40 = vector.broadcast %mul3A_39 : i32 to vector<16xi32>
    %mul3A_41 = arith.muli %shift_right_arithmetic3A_38, %mul3A_40 : vector<16xi32>
    %and3A_42 = arith.constant 127 : i32
    %and3A_43 = vector.broadcast %and3A_42 : i32 to vector<16xi32>
    %and3A_44 = arith.andi %get3A_36, %and3A_43 : vector<16xi32>
    %add3A_45 = arith.addi %mul3A_41, %and3A_44 : vector<16xi32>
    %broadcast_in_dim3A = arith.constant 0.000000e+00 : f32
    %broadcast_in_dim3A_46 = vector.broadcast %broadcast_in_dim3A : f32 to vector<16xf32>
    %add3A_47 = arith.constant 0 : i32
    %add3A_48 = arith.addi %mul3A_32, %add3A_47 : i32
    %add3A_49 = arith.constant 0 : i32
    %add3A_50 = arith.addi %add3A_48, %add3A_49 : i32
    %add3A_51 = vector.broadcast %add3A_50 : i32 to vector<16xi32>
    %add3A_52 = arith.addi %add3A_51, %iota3A : vector<16xi32>
    %mul3A_53 = arith.constant 8192 : i32
    %mul3A_54 = vector.broadcast %mul3A_53 : i32 to vector<16xi32>
    %mul3A_55 = arith.muli %add3A_52, %mul3A_54 : vector<16xi32>
    %add3A_56 = arith.addi %mul3A_55, %add3A_45 : vector<16xi32>
    %swap3A = arith.constant 0 : i32
    %swap3A_57 = arith.index_cast %swap3A : i32 to index
    %swap3A_58 = arith.constant 0 : index
    %swap3A_59 = tpu.vector_load %arg6[%swap3A_57, %swap3A_58] {strides = array<i32>} : memref<16x128xi32, #tpu.memory_space<vmem>>, vector<1x16xi32>,
    %swap3A_60 = vector.shape_cast %swap3A_59 : vector<1x16xi32> to vector<16xi32>
    %swap3A_61 = vector.shape_cast %add3A_56 : vector<16xi32> to vector<1x16xi32>
    tpu.vector_store %arg6[%swap3A_57, %swap3A_58], %swap3A_61 {strides = array<i32>} : memref<16x128xi32, #tpu.memory_space<vmem>>, vector<1x16xi32>,
    %swap3A_62 = arith.constant 128 : index
    %swap3A_63 = tpu.vector_load %arg7[%swap3A_62] {strides = array<i32>} : memref<4096xf32, #tpu.memory_space<vmem>>, vector<16xf32>,
    %swap3A_64 = vector.shape_cast %swap3A_63 : vector<16xf32> to vector<16xf32>
    %swap3A_65 = vector.shape_cast %broadcast_in_dim3A_46 : vector<16xf32> to vector<16xf32>
    tpu.vector_store %arg7[%swap3A_62], %swap3A_65 {strides = array<i32>} : memref<4096xf32, #tpu.memory_space<vmem>>, vector<16xf32>,
    %add3A_66 = arith.constant 0 : i32
    %add3A_67 = arith.addi %mul3A_32, %add3A_66 : i32
    %add3A_68 = arith.constant 16 : i32
    %add3A_69 = arith.addi %add3A_67, %add3A_68 : i32
    %add3A_70 = vector.broadcast %add3A_69 : i32 to vector<16xi32>
    %add3A_71 = arith.addi %add3A_70, %iota3A : vector<16xi32>
    %mul3A_72 = arith.constant 8192 : i32
    %mul3A_73 = vector.broadcast %mul3A_72 : i32 to vector<16xi32>
    %mul3A_74 = arith.muli %add3A_71, %mul3A_73 : vector<16xi32>
    %add3A_75 = arith.addi %mul3A_74, %add3A_45 : vector<16xi32>
    %swap3A_76 = arith.constant 0 : i32
    %swap3A_77 = arith.index_cast %swap3A_76 : i32 to index
    %swap3A_78 = arith.constant 16 : index
    %swap3A_79 = tpu.vector_load %arg6[%swap3A_77, %swap3A_78] {strides = array<i32>} : memref<16x128xi32, #tpu.memory_space<vmem>>, vector<1x16xi32>,
    %swap3A_80 = vector.shape_cast %swap3A_79 : vector<1x16xi32> to vector<16xi32>
    %swap3A_81 = vector.shape_cast %add3A_75 : vector<16xi32> to vector<1x16xi32>
    tpu.vector_store %arg6[%swap3A_77, %swap3A_78], %swap3A_81 {strides = array<i32>} : memref<16x128xi32, #tpu.memory_space<vmem>>, vector<1x16xi32>,
    %swap3A_82 = arith.constant 144 : index
    %swap3A_83 = tpu.vector_load %arg7[%swap3A_82] {strides = array<i32>} : memref<4096xf32, #tpu.memory_space<vmem>>, vector<16xf32>,
    %swap3A_84 = vector.shape_cast %swap3A_83 : vector<16xf32> to vector<16xf32>
    %swap3A_85 = vector.shape_cast %broadcast_in_dim3A_46 : vector<16xf32> to vector<16xf32>
    tpu.vector_store %arg7[%swap3A_82], %swap3A_85 {strides = array<i32>} : memref<4096xf32, #tpu.memory_space<vmem>>, vector<16xf32>,
    %add3A_86 = arith.constant 0 : i32
    %add3A_87 = arith.addi %mul3A_32, %add3A_86 : i32
    %add3A_88 = arith.constant 32 : i32
    %add3A_89 = arith.addi %add3A_87, %add3A_88 : i32
    %add3A_90 = vector.broadcast %add3A_89 : i32 to vector<16xi32>
    %add3A_91 = arith.addi %add3A_90, %iota3A : vector<16xi32>
    %mul3A_92 = arith.constant 8192 : i32
    %mul3A_93 = vector.broadcast %mul3A_92 : i32 to vector<16xi32>
    %mul3A_94 = arith.muli %add3A_91, %mul3A_93 : vector<16xi32>
    %add3A_95 = arith.addi %mul3A_94, %add3A_45 : vector<16xi32>
    %swap3A_96 = arith.constant 0 : i32
    %swap3A_97 = arith.index_cast %swap3A_96 : i32 to index
    %swap3A_98 = arith.constant 32 : index
    %swap3A_99 = tpu.vector_load %arg6[%swap3A_97, %swap3A_98] {strides = array<i32>} : memref<16x128xi32, #tpu.memory_space<vmem>>, vector<1x16xi32>,
    %swap3A_100 = vector.shape_cast %swap3A_99 : vector<1x16xi32> to vector<16xi32>
    %swap3A_101 = vector.shape_cast %add3A_95 : vector<16xi32> to vector<1x16xi32>
    tpu.vector_store %arg6[%swap3A_97, %swap3A_98], %swap3A_101 {strides = array<i32>} : memref<16x128xi32, #tpu.memory_space<vmem>>, vector<1x16xi32>,
    %swap3A_102 = arith.constant 160 : index
    %swap3A_103 = tpu.vector_load %arg7[%swap3A_102] {strides = array<i32>} : memref<4096xf32, #tpu.memory_space<vmem>>, vector<16xf32>,
    %swap3A_104 = vector.shape_cast %swap3A_103 : vector<16xf32> to vector<16xf32>
    %swap3A_105 = vector.shape_cast %broadcast_in_dim3A_46 : vector<16xf32> to vector<16xf32>
    tpu.vector_store %arg7[%swap3A_102], %swap3A_105 {strides = array<i32>} : memref<4096xf32, #tpu.memory_space<vmem>>, vector<16xf32>,
    %add3A_106 = arith.constant 0 : i32
    %add3A_107 = arith.addi %mul3A_32, %add3A_106 : i32
    %add3A_108 = arith.constant 48 : i32
    %add3A_109 = arith.addi %add3A_107, %add3A_108 : i32
    %add3A_110 = vector.broadcast %add3A_109 : i32 to vector<16xi32>
    %add3A_111 = arith.addi %add3A_110, %iota3A : vector<16xi32>
    %mul3A_112 = arith.constant 8192 : i32
    %mul3A_113 = vector.broadcast %mul3A_112 : i32 to vector<16xi32>
    %mul3A_114 = arith.muli %add3A_111, %mul3A_113 : vector<16xi32>
    %add3A_115 = arith.addi %mul3A_114, %add3A_45 : vector<16xi32>
    %swap3A_116 = arith.constant 0 : i32
    %swap3A_117 = arith.index_cast %swap3A_116 : i32 to index
    %swap3A_118 = arith.constant 48 : index
    %swap3A_119 = tpu.vector_load %arg6[%swap3A_117, %swap3A_118] {strides = array<i32>} : memref<16x128xi32, #tpu.memory_space<vmem>>, vector<1x16xi32>,
    %swap3A_120 = vector.shape_cast %swap3A_119 : vector<1x16xi32> to vector<16xi32>
    %swap3A_121 = vector.shape_cast %add3A_115 : vector<16xi32> to vector<1x16xi32>
    tpu.vector_store %arg6[%swap3A_117, %swap3A_118], %swap3A_121 {strides = array<i32>} : memref<16x128xi32, #tpu.memory_space<vmem>>, vector<1x16xi32>,
    %swap3A_122 = arith.constant 176 : index
    %swap3A_123 = tpu.vector_load %arg7[%swap3A_122] {strides = array<i32>} : memref<4096xf32, #tpu.memory_space<vmem>>, vector<16xf32>,
    %swap3A_124 = vector.shape_cast %swap3A_123 : vector<16xf32> to vector<16xf32>
    %swap3A_125 = vector.shape_cast %broadcast_in_dim3A_46 : vector<16xf32> to vector<16xf32>
    tpu.vector_store %arg7[%swap3A_122], %swap3A_125 {strides = array<i32>} : memref<4096xf32, #tpu.memory_space<vmem>>, vector<16xf32>,
    %add3A_126 = arith.constant 0 : i32
    %add3A_127 = arith.addi %mul3A_32, %add3A_126 : i32
    %add3A_128 = arith.constant 64 : i32
    %add3A_129 = arith.addi %add3A_127, %add3A_128 : i32
    %add3A_130 = vector.broadcast %add3A_129 : i32 to vector<16xi32>
    %add3A_131 = arith.addi %add3A_130, %iota3A : vector<16xi32>
    %mul3A_132 = arith.constant 8192 : i32
    %mul3A_133 = vector.broadcast %mul3A_132 : i32 to vector<16xi32>
    %mul3A_134 = arith.muli %add3A_131, %mul3A_133 : vector<16xi32>
    %add3A_135 = arith.addi %mul3A_134, %add3A_45 : vector<16xi32>
    %swap3A_136 = arith.constant 0 : i32
    %swap3A_137 = arith.index_cast %swap3A_136 : i32 to index
    %swap3A_138 = arith.constant 64 : index
    %swap3A_139 = tpu.vector_load %arg6[%swap3A_137, %swap3A_138] {strides = array<i32>} : memref<16x128xi32, #tpu.memory_space<vmem>>, vector<1x16xi32>,
    %swap3A_140 = vector.shape_cast %swap3A_139 : vector<1x16xi32> to vector<16xi32>
    %swap3A_141 = vector.shape_cast %add3A_135 : vector<16xi32> to vector<1x16xi32>
    tpu.vector_store %arg6[%swap3A_137, %swap3A_138], %swap3A_141 {strides = array<i32>} : memref<16x128xi32, #tpu.memory_space<vmem>>, vector<1x16xi32>,
    %swap3A_142 = arith.constant 192 : index
    %swap3A_143 = tpu.vector_load %arg7[%swap3A_142] {strides = array<i32>} : memref<4096xf32, #tpu.memory_space<vmem>>, vector<16xf32>,
    %swap3A_144 = vector.shape_cast %swap3A_143 : vector<16xf32> to vector<16xf32>
    %swap3A_145 = vector.shape_cast %broadcast_in_dim3A_46 : vector<16xf32> to vector<16xf32>
    tpu.vector_store %arg7[%swap3A_142], %swap3A_145 {strides = array<i32>} : memref<4096xf32, #tpu.memory_space<vmem>>, vector<16xf32>,
    %add3A_146 = arith.constant 0 : i32
    %add3A_147 = arith.addi %mul3A_32, %add3A_146 : i32
    %add3A_148 = arith.constant 80 : i32
    %add3A_149 = arith.addi %add3A_147, %add3A_148 : i32
    %add3A_150 = vector.broadcast %add3A_149 : i32 to vector<16xi32>
    %add3A_151 = arith.addi %add3A_150, %iota3A : vector<16xi32>
    %mul3A_152 = arith.constant 8192 : i32
    %mul3A_153 = vector.broadcast %mul3A_152 : i32 to vector<16xi32>
    %mul3A_154 = arith.muli %add3A_151, %mul3A_153 : vector<16xi32>
    %add3A_155 = arith.addi %mul3A_154, %add3A_45 : vector<16xi32>
    %swap3A_156 = arith.constant 0 : i32
    %swap3A_157 = arith.index_cast %swap3A_156 : i32 to index
    %swap3A_158 = arith.constant 80 : index
    %swap3A_159 = tpu.vector_load %arg6[%swap3A_157, %swap3A_158] {strides = array<i32>} : memref<16x128xi32, #tpu.memory_space<vmem>>, vector<1x16xi32>,
    %swap3A_160 = vector.shape_cast %swap3A_159 : vector<1x16xi32> to vector<16xi32>
    %swap3A_161 = vector.shape_cast %add3A_155 : vector<16xi32> to vector<1x16xi32>
    tpu.vector_store %arg6[%swap3A_157, %swap3A_158], %swap3A_161 {strides = array<i32>} : memref<16x128xi32, #tpu.memory_space<vmem>>, vector<1x16xi32>,
    %swap3A_162 = arith.constant 208 : index
    %swap3A_163 = tpu.vector_load %arg7[%swap3A_162] {strides = array<i32>} : memref<4096xf32, #tpu.memory_space<vmem>>, vector<16xf32>,
    %swap3A_164 = vector.shape_cast %swap3A_163 : vector<16xf32> to vector<16xf32>
    %swap3A_165 = vector.shape_cast %broadcast_in_dim3A_46 : vector<16xf32> to vector<16xf32>
    tpu.vector_store %arg7[%swap3A_162], %swap3A_165 {strides = array<i32>} : memref<4096xf32, #tpu.memory_space<vmem>>, vector<16xf32>,
    %add3A_166 = arith.constant 0 : i32
    %add3A_167 = arith.addi %mul3A_32, %add3A_166 : i32
    %add3A_168 = arith.constant 96 : i32
    %add3A_169 = arith.addi %add3A_167, %add3A_168 : i32
    %add3A_170 = vector.broadcast %add3A_169 : i32 to vector<16xi32>
    %add3A_171 = arith.addi %add3A_170, %iota3A : vector<16xi32>
    %mul3A_172 = arith.constant 8192 : i32
    %mul3A_173 = vector.broadcast %mul3A_172 : i32 to vector<16xi32>
    %mul3A_174 = arith.muli %add3A_171, %mul3A_173 : vector<16xi32>
    %add3A_175 = arith.addi %mul3A_174, %add3A_45 : vector<16xi32>
    %swap3A_176 = arith.constant 0 : i32
    %swap3A_177 = arith.index_cast %swap3A_176 : i32 to index
    %swap3A_178 = arith.constant 96 : index
    %swap3A_179 = tpu.vector_load %arg6[%swap3A_177, %swap3A_178] {strides = array<i32>} : memref<16x128xi32, #tpu.memory_space<vmem>>, vector<1x16xi32>,
    %swap3A_180 = vector.shape_cast %swap3A_179 : vector<1x16xi32> to vector<16xi32>
    %swap3A_181 = vector.shape_cast %add3A_175 : vector<16xi32> to vector<1x16xi32>
    tpu.vector_store %arg6[%swap3A_177, %swap3A_178], %swap3A_181 {strides = array<i32>} : memref<16x128xi32, #tpu.memory_space<vmem>>, vector<1x16xi32>,
    %swap3A_182 = arith.constant 224 : index
    %swap3A_183 = tpu.vector_load %arg7[%swap3A_182] {strides = array<i32>} : memref<4096xf32, #tpu.memory_space<vmem>>, vector<16xf32>,
    %swap3A_184 = vector.shape_cast %swap3A_183 : vector<16xf32> to vector<16xf32>
    %swap3A_185 = vector.shape_cast %broadcast_in_dim3A_46 : vector<16xf32> to vector<16xf32>
    tpu.vector_store %arg7[%swap3A_182], %swap3A_185 {strides = array<i32>} : memref<4096xf32, #tpu.memory_space<vmem>>, vector<16xf32>,
    %add3A_186 = arith.constant 0 : i32
    %add3A_187 = arith.addi %mul3A_32, %add3A_186 : i32
    %add3A_188 = arith.constant 112 : i32
    %add3A_189 = arith.addi %add3A_187, %add3A_188 : i32
    %add3A_190 = vector.broadcast %add3A_189 : i32 to vector<16xi32>
    %add3A_191 = arith.addi %add3A_190, %iota3A : vector<16xi32>
    %mul3A_192 = arith.constant 8192 : i32
    %mul3A_193 = vector.broadcast %mul3A_192 : i32 to vector<16xi32>
    %mul3A_194 = arith.muli %add3A_191, %mul3A_193 : vector<16xi32>
    %add3A_195 = arith.addi %mul3A_194, %add3A_45 : vector<16xi32>
    %swap3A_196 = arith.constant 0 : i32
    %swap3A_197 = arith.index_cast %swap3A_196 : i32 to index
    %swap3A_198 = arith.constant 112 : index
    %swap3A_199 = tpu.vector_load %arg6[%swap3A_197, %swap3A_198] {strides = array<i32>} : memref<16x128xi32, #tpu.memory_space<vmem>>, vector<1x16xi32>,
    %swap3A_200 = vector.shape_cast %swap3A_199 : vector<1x16xi32> to vector<16xi32>
    %swap3A_201 = vector.shape_cast %add3A_195 : vector<16xi32> to vector<1x16xi32>
    tpu.vector_store %arg6[%swap3A_197, %swap3A_198], %swap3A_201 {strides = array<i32>} : memref<16x128xi32, #tpu.memory_space<vmem>>, vector<1x16xi32>,
    %swap3A_202 = arith.constant 240 : index
    %swap3A_203 = tpu.vector_load %arg7[%swap3A_202] {strides = array<i32>} : memref<4096xf32, #tpu.memory_space<vmem>>, vector<16xf32>,
    %swap3A_204 = vector.shape_cast %swap3A_203 : vector<16xf32> to vector<16xf32>
    %swap3A_205 = vector.shape_cast %broadcast_in_dim3A_46 : vector<16xf32> to vector<16xf32>
    tpu.vector_store %arg7[%swap3A_202], %swap3A_205 {strides = array<i32>} : memref<4096xf32, #tpu.memory_space<vmem>>, vector<16xf32>,
    %add3A_206 = arith.constant 128 : i32
    %add3A_207 = arith.addi %mul3A_32, %add3A_206 : i32
    %add3A_208 = arith.constant 0 : i32
    %add3A_209 = arith.addi %add3A_207, %add3A_208 : i32
    %add3A_210 = vector.broadcast %add3A_209 : i32 to vector<16xi32>
    %add3A_211 = arith.addi %add3A_210, %iota3A : vector<16xi32>
    %mul3A_212 = arith.constant 8192 : i32
    %mul3A_213 = vector.broadcast %mul3A_212 : i32 to vector<16xi32>
    %mul3A_214 = arith.muli %add3A_211, %mul3A_213 : vector<16xi32>
    %add3A_215 = arith.addi %mul3A_214, %add3A_45 : vector<16xi32>
    %swap3A_216 = arith.constant 1 : i32
    %swap3A_217 = arith.index_cast %swap3A_216 : i32 to index
    %swap3A_218 = arith.constant 0 : index
    %swap3A_219 = tpu.vector_load %arg6[%swap3A_217, %swap3A_218] {strides = array<i32>} : memref<16x128xi32, #tpu.memory_space<vmem>>, vector<1x16xi32>,
    %swap3A_220 = vector.shape_cast %swap3A_219 : vector<1x16xi32> to vector<16xi32>
    %swap3A_221 = vector.shape_cast %add3A_215 : vector<16xi32> to vector<1x16xi32>
    tpu.vector_store %arg6[%swap3A_217, %swap3A_218], %swap3A_221 {strides = array<i32>} : memref<16x128xi32, #tpu.memory_space<vmem>>, vector<1x16xi32>,
    %swap3A_222 = arith.constant 384 : index
    %swap3A_223 = tpu.vector_load %arg7[%swap3A_222] {strides = array<i32>} : memref<4096xf32, #tpu.memory_space<vmem>>, vector<16xf32>,
    %swap3A_224 = vector.shape_cast %swap3A_223 : vector<16xf32> to vector<16xf32>
    %swap3A_225 = vector.shape_cast %broadcast_in_dim3A_46 : vector<16xf32> to vector<16xf32>
    tpu.vector_store %arg7[%swap3A_222], %swap3A_225 {strides = array<i32>} : memref<4096xf32, #tpu.memory_space<vmem>>, vector<16xf32>,
    %add3A_226 = arith.constant 128 : i32
    %add3A_227 = arith.addi %mul3A_32, %add3A_226 : i32
    %add3A_228 = arith.constant 16 : i32
    %add3A_229 = arith.addi %add3A_227, %add3A_228 : i32
    %add3A_230 = vector.broadcast %add3A_229 : i32 to vector<16xi32>
    %add3A_231 = arith.addi %add3A_230, %iota3A : vector<16xi32>
    %mul3A_232 = arith.constant 8192 : i32
    %mul3A_233 = vector.broadcast %mul3A_232 : i32 to vector<16xi32>
    %mul3A_234 = arith.muli %add3A_231, %mul3A_233 : vector<16xi32>
    %add3A_235 = arith.addi %mul3A_234, %add3A_45 : vector<16xi32>
    %swap3A_236 = arith.constant 1 : i32
    %swap3A_237 = arith.index_cast %swap3A_236 : i32 to index
    %swap3A_238 = arith.constant 16 : index
    %swap3A_239 = tpu.vector_load %arg6[%swap3A_237, %swap3A_238] {strides = array<i32>} : memref<16x128xi32, #tpu.memory_space<vmem>>, vector<1x16xi32>,
    %swap3A_240 = vector.shape_cast %swap3A_239 : vector<1x16xi32> to vector<16xi32>
    %swap3A_241 = vector.shape_cast %add3A_235 : vector<16xi32> to vector<1x16xi32>
    tpu.vector_store %arg6[%swap3A_237, %swap3A_238], %swap3A_241 {strides = array<i32>} : memref<16x128xi32, #tpu.memory_space<vmem>>, vector<1x16xi32>,
    %swap3A_242 = arith.constant 400 : index
    %swap3A_243 = tpu.vector_load %arg7[%swap3A_242] {strides = array<i32>} : memref<4096xf32, #tpu.memory_space<vmem>>, vector<16xf32>,
    %swap3A_244 = vector.shape_cast %swap3A_243 : vector<16xf32> to vector<16xf32>
    %swap3A_245 = vector.shape_cast %broadcast_in_dim3A_46 : vector<16xf32> to vector<16xf32>
    tpu.vector_store %arg7[%swap3A_242], %swap3A_245 {strides = array<i32>} : memref<4096xf32, #tpu.memory_space<vmem>>, vector<16xf32>,
    %add3A_246 = arith.constant 128 : i32
    %add3A_247 = arith.addi %mul3A_32, %add3A_246 : i32
    %add3A_248 = arith.constant 32 : i32
    %add3A_249 = arith.addi %add3A_247, %add3A_248 : i32
    %add3A_250 = vector.broadcast %add3A_249 : i32 to vector<16xi32>
    %add3A_251 = arith.addi %add3A_250, %iota3A : vector<16xi32>
    %mul3A_252 = arith.constant 8192 : i32
    %mul3A_253 = vector.broadcast %mul3A_252 : i32 to vector<16xi32>
    %mul3A_254 = arith.muli %add3A_251, %mul3A_253 : vector<16xi32>
    %add3A_255 = arith.addi %mul3A_254, %add3A_45 : vector<16xi32>
    %swap3A_256 = arith.constant 1 : i32
    %swap3A_257 = arith.index_cast %swap3A_256 : i32 to index
    %swap3A_258 = arith.constant 32 : index
    %swap3A_259 = tpu.vector_load %arg6[%swap3A_257, %swap3A_258] {strides = array<i32>} : memref<16x128xi32, #tpu.memory_space<vmem>>, vector<1x16xi32>,
    %swap3A_260 = vector.shape_cast %swap3A_259 : vector<1x16xi32> to vector<16xi32>
    %swap3A_261 = vector.shape_cast %add3A_255 : vector<16xi32> to vector<1x16xi32>
    tpu.vector_store %arg6[%swap3A_257, %swap3A_258], %swap3A_261 {strides = array<i32>} : memref<16x128xi32, #tpu.memory_space<vmem>>, vector<1x16xi32>,
    %swap3A_262 = arith.constant 416 : index
    %swap3A_263 = tpu.vector_load %arg7[%swap3A_262] {strides = array<i32>} : memref<4096xf32, #tpu.memory_space<vmem>>, vector<16xf32>,
    %swap3A_264 = vector.shape_cast %swap3A_263 : vector<16xf32> to vector<16xf32>
    %swap3A_265 = vector.shape_cast %broadcast_in_dim3A_46 : vector<16xf32> to vector<16xf32>
    tpu.vector_store %arg7[%swap3A_262], %swap3A_265 {strides = array<i32>} : memref<4096xf32, #tpu.memory_space<vmem>>, vector<16xf32>,
    %add3A_266 = arith.constant 128 : i32
    %add3A_267 = arith.addi %mul3A_32, %add3A_266 : i32
    %add3A_268 = arith.constant 48 : i32
    %add3A_269 = arith.addi %add3A_267, %add3A_268 : i32
    %add3A_270 = vector.broadcast %add3A_269 : i32 to vector<16xi32>
    %add3A_271 = arith.addi %add3A_270, %iota3A : vector<16xi32>
    %mul3A_272 = arith.constant 8192 : i32
    %mul3A_273 = vector.broadcast %mul3A_272 : i32 to vector<16xi32>
    %mul3A_274 = arith.muli %add3A_271, %mul3A_273 : vector<16xi32>
    %add3A_275 = arith.addi %mul3A_274, %add3A_45 : vector<16xi32>
    %swap3A_276 = arith.constant 1 : i32
    %swap3A_277 = arith.index_cast %swap3A_276 : i32 to index
    %swap3A_278 = arith.constant 48 : index
    %swap3A_279 = tpu.vector_load %arg6[%swap3A_277, %swap3A_278] {strides = array<i32>} : memref<16x128xi32, #tpu.memory_space<vmem>>, vector<1x16xi32>,
    %swap3A_280 = vector.shape_cast %swap3A_279 : vector<1x16xi32> to vector<16xi32>
    %swap3A_281 = vector.shape_cast %add3A_275 : vector<16xi32> to vector<1x16xi32>
    tpu.vector_store %arg6[%swap3A_277, %swap3A_278], %swap3A_281 {strides = array<i32>} : memref<16x128xi32, #tpu.memory_space<vmem>>, vector<1x16xi32>,
    %swap3A_282 = arith.constant 432 : index
    %swap3A_283 = tpu.vector_load %arg7[%swap3A_282] {strides = array<i32>} : memref<4096xf32, #tpu.memory_space<vmem>>, vector<16xf32>,
    %swap3A_284 = vector.shape_cast %swap3A_283 : vector<16xf32> to vector<16xf32>
    %swap3A_285 = vector.shape_cast %broadcast_in_dim3A_46 : vector<16xf32> to vector<16xf32>
    tpu.vector_store %arg7[%swap3A_282], %swap3A_285 {strides = array<i32>} : memref<4096xf32, #tpu.memory_space<vmem>>, vector<16xf32>,
    %add3A_286 = arith.constant 128 : i32
    %add3A_287 = arith.addi %mul3A_32, %add3A_286 : i32
    %add3A_288 = arith.constant 64 : i32
    %add3A_289 = arith.addi %add3A_287, %add3A_288 : i32
    %add3A_290 = vector.broadcast %add3A_289 : i32 to vector<16xi32>
    %add3A_291 = arith.addi %add3A_290, %iota3A : vector<16xi32>
    %mul3A_292 = arith.constant 8192 : i32
    %mul3A_293 = vector.broadcast %mul3A_292 : i32 to vector<16xi32>
    %mul3A_294 = arith.muli %add3A_291, %mul3A_293 : vector<16xi32>
    %add3A_295 = arith.addi %mul3A_294, %add3A_45 : vector<16xi32>
    %swap3A_296 = arith.constant 1 : i32
    %swap3A_297 = arith.index_cast %swap3A_296 : i32 to index
    %swap3A_298 = arith.constant 64 : index
    %swap3A_299 = tpu.vector_load %arg6[%swap3A_297, %swap3A_298] {strides = array<i32>} : memref<16x128xi32, #tpu.memory_space<vmem>>, vector<1x16xi32>,
    %swap3A_300 = vector.shape_cast %swap3A_299 : vector<1x16xi32> to vector<16xi32>
    %swap3A_301 = vector.shape_cast %add3A_295 : vector<16xi32> to vector<1x16xi32>
    tpu.vector_store %arg6[%swap3A_297, %swap3A_298], %swap3A_301 {strides = array<i32>} : memref<16x128xi32, #tpu.memory_space<vmem>>, vector<1x16xi32>,
    %swap3A_302 = arith.constant 448 : index
    %swap3A_303 = tpu.vector_load %arg7[%swap3A_302] {strides = array<i32>} : memref<4096xf32, #tpu.memory_space<vmem>>, vector<16xf32>,
    %swap3A_304 = vector.shape_cast %swap3A_303 : vector<16xf32> to vector<16xf32>
    %swap3A_305 = vector.shape_cast %broadcast_in_dim3A_46 : vector<16xf32> to vector<16xf32>
    tpu.vector_store %arg7[%swap3A_302], %swap3A_305 {strides = array<i32>} : memref<4096xf32, #tpu.memory_space<vmem>>, vector<16xf32>,
    %add3A_306 = arith.constant 128 : i32
    %add3A_307 = arith.addi %mul3A_32, %add3A_306 : i32
    %add3A_308 = arith.constant 80 : i32
    %add3A_309 = arith.addi %add3A_307, %add3A_308 : i32
    %add3A_310 = vector.broadcast %add3A_309 : i32 to vector<16xi32>
    %add3A_311 = arith.addi %add3A_310, %iota3A : vector<16xi32>
    %mul3A_312 = arith.constant 8192 : i32
    %mul3A_313 = vector.broadcast %mul3A_312 : i32 to vector<16xi32>
    %mul3A_314 = arith.muli %add3A_311, %mul3A_313 : vector<16xi32>
    %add3A_315 = arith.addi %mul3A_314, %add3A_45 : vector<16xi32>
    %swap3A_316 = arith.constant 1 : i32
    %swap3A_317 = arith.index_cast %swap3A_316 : i32 to index
    %swap3A_318 = arith.constant 80 : index
    %swap3A_319 = tpu.vector_load %arg6[%swap3A_317, %swap3A_318] {strides = array<i32>} : memref<16x128xi32, #tpu.memory_space<vmem>>, vector<1x16xi32>,
    %swap3A_320 = vector.shape_cast %swap3A_319 : vector<1x16xi32> to vector<16xi32>
    %swap3A_321 = vector.shape_cast %add3A_315 : vector<16xi32> to vector<1x16xi32>
    tpu.vector_store %arg6[%swap3A_317, %swap3A_318], %swap3A_321 {strides = array<i32>} : memref<16x128xi32, #tpu.memory_space<vmem>>, vector<1x16xi32>,
    %swap3A_322 = arith.constant 464 : index
    %swap3A_323 = tpu.vector_load %arg7[%swap3A_322] {strides = array<i32>} : memref<4096xf32, #tpu.memory_space<vmem>>, vector<16xf32>,
    %swap3A_324 = vector.shape_cast %swap3A_323 : vector<16xf32> to vector<16xf32>
    %swap3A_325 = vector.shape_cast %broadcast_in_dim3A_46 : vector<16xf32> to vector<16xf32>
    tpu.vector_store %arg7[%swap3A_322], %swap3A_325 {strides = array<i32>} : memref<4096xf32, #tpu.memory_space<vmem>>, vector<16xf32>,
    %add3A_326 = arith.constant 128 : i32
    %add3A_327 = arith.addi %mul3A_32, %add3A_326 : i32
    %add3A_328 = arith.constant 96 : i32
    %add3A_329 = arith.addi %add3A_327, %add3A_328 : i32
    %add3A_330 = vector.broadcast %add3A_329 : i32 to vector<16xi32>
    %add3A_331 = arith.addi %add3A_330, %iota3A : vector<16xi32>
    %mul3A_332 = arith.constant 8192 : i32
    %mul3A_333 = vector.broadcast %mul3A_332 : i32 to vector<16xi32>
    %mul3A_334 = arith.muli %add3A_331, %mul3A_333 : vector<16xi32>
    %add3A_335 = arith.addi %mul3A_334, %add3A_45 : vector<16xi32>
    %swap3A_336 = arith.constant 1 : i32
    %swap3A_337 = arith.index_cast %swap3A_336 : i32 to index
    %swap3A_338 = arith.constant 96 : index
    %swap3A_339 = tpu.vector_load %arg6[%swap3A_337, %swap3A_338] {strides = array<i32>} : memref<16x128xi32, #tpu.memory_space<vmem>>, vector<1x16xi32>,
    %swap3A_340 = vector.shape_cast %swap3A_339 : vector<1x16xi32> to vector<16xi32>
    %swap3A_341 = vector.shape_cast %add3A_335 : vector<16xi32> to vector<1x16xi32>
    tpu.vector_store %arg6[%swap3A_337, %swap3A_338], %swap3A_341 {strides = array<i32>} : memref<16x128xi32, #tpu.memory_space<vmem>>, vector<1x16xi32>,
    %swap3A_342 = arith.constant 480 : index
    %swap3A_343 = tpu.vector_load %arg7[%swap3A_342] {strides = array<i32>} : memref<4096xf32, #tpu.memory_space<vmem>>, vector<16xf32>,
    %swap3A_344 = vector.shape_cast %swap3A_343 : vector<16xf32> to vector<16xf32>
    %swap3A_345 = vector.shape_cast %broadcast_in_dim3A_46 : vector<16xf32> to vector<16xf32>
    tpu.vector_store %arg7[%swap3A_342], %swap3A_345 {strides = array<i32>} : memref<4096xf32, #tpu.memory_space<vmem>>, vector<16xf32>,
    %add3A_346 = arith.constant 128 : i32
    %add3A_347 = arith.addi %mul3A_32, %add3A_346 : i32
    %add3A_348 = arith.constant 112 : i32
    %add3A_349 = arith.addi %add3A_347, %add3A_348 : i32
    %add3A_350 = vector.broadcast %add3A_349 : i32 to vector<16xi32>
    %add3A_351 = arith.addi %add3A_350, %iota3A : vector<16xi32>
    %mul3A_352 = arith.constant 8192 : i32
    %mul3A_353 = vector.broadcast %mul3A_352 : i32 to vector<16xi32>
    %mul3A_354 = arith.muli %add3A_351, %mul3A_353 : vector<16xi32>
    %add3A_355 = arith.addi %mul3A_354, %add3A_45 : vector<16xi32>
    %swap3A_356 = arith.constant 1 : i32
    %swap3A_357 = arith.index_cast %swap3A_356 : i32 to index
    %swap3A_358 = arith.constant 112 : index
    %swap3A_359 = tpu.vector_load %arg6[%swap3A_357, %swap3A_358] {strides = array<i32>} : memref<16x128xi32, #tpu.memory_space<vmem>>, vector<1x16xi32>,
    %swap3A_360 = vector.shape_cast %swap3A_359 : vector<1x16xi32> to vector<16xi32>
    %swap3A_361 = vector.shape_cast %add3A_355 : vector<16xi32> to vector<1x16xi32>
    tpu.vector_store %arg6[%swap3A_357, %swap3A_358], %swap3A_361 {strides = array<i32>} : memref<16x128xi32, #tpu.memory_space<vmem>>, vector<1x16xi32>,
    %swap3A_362 = arith.constant 496 : index
    %swap3A_363 = tpu.vector_load %arg7[%swap3A_362] {strides = array<i32>} : memref<4096xf32, #tpu.memory_space<vmem>>, vector<16xf32>,
    %swap3A_364 = vector.shape_cast %swap3A_363 : vector<16xf32> to vector<16xf32>
    %swap3A_365 = vector.shape_cast %broadcast_in_dim3A_46 : vector<16xf32> to vector<16xf32>
    tpu.vector_store %arg7[%swap3A_362], %swap3A_365 {strides = array<i32>} : memref<4096xf32, #tpu.memory_space<vmem>>, vector<16xf32>,
    %add3A_366 = arith.constant 256 : i32
    %add3A_367 = arith.addi %mul3A_32, %add3A_366 : i32
    %add3A_368 = arith.constant 0 : i32
    %add3A_369 = arith.addi %add3A_367, %add3A_368 : i32
    %add3A_370 = vector.broadcast %add3A_369 : i32 to vector<16xi32>
    %add3A_371 = arith.addi %add3A_370, %iota3A : vector<16xi32>
    %mul3A_372 = arith.constant 8192 : i32
    %mul3A_373 = vector.broadcast %mul3A_372 : i32 to vector<16xi32>
    %mul3A_374 = arith.muli %add3A_371, %mul3A_373 : vector<16xi32>
    %add3A_375 = arith.addi %mul3A_374, %add3A_45 : vector<16xi32>
    %swap3A_376 = arith.constant 2 : i32
    %swap3A_377 = arith.index_cast %swap3A_376 : i32 to index
    %swap3A_378 = arith.constant 0 : index
    %swap3A_379 = tpu.vector_load %arg6[%swap3A_377, %swap3A_378] {strides = array<i32>} : memref<16x128xi32, #tpu.memory_space<vmem>>, vector<1x16xi32>,
    %swap3A_380 = vector.shape_cast %swap3A_379 : vector<1x16xi32> to vector<16xi32>
    %swap3A_381 = vector.shape_cast %add3A_375 : vector<16xi32> to vector<1x16xi32>
    tpu.vector_store %arg6[%swap3A_377, %swap3A_378], %swap3A_381 {strides = array<i32>} : memref<16x128xi32, #tpu.memory_space<vmem>>, vector<1x16xi32>,
    %swap3A_382 = arith.constant 640 : index
    %swap3A_383 = tpu.vector_load %arg7[%swap3A_382] {strides = array<i32>} : memref<4096xf32, #tpu.memory_space<vmem>>, vector<16xf32>,
    %swap3A_384 = vector.shape_cast %swap3A_383 : vector<16xf32> to vector<16xf32>
    %swap3A_385 = vector.shape_cast %broadcast_in_dim3A_46 : vector<16xf32> to vector<16xf32>
    tpu.vector_store %arg7[%swap3A_382], %swap3A_385 {strides = array<i32>} : memref<4096xf32, #tpu.memory_space<vmem>>, vector<16xf32>,
    %add3A_386 = arith.constant 256 : i32
    %add3A_387 = arith.addi %mul3A_32, %add3A_386 : i32
    %add3A_388 = arith.constant 16 : i32
    %add3A_389 = arith.addi %add3A_387, %add3A_388 : i32
    %add3A_390 = vector.broadcast %add3A_389 : i32 to vector<16xi32>
    %add3A_391 = arith.addi %add3A_390, %iota3A : vector<16xi32>
    %mul3A_392 = arith.constant 8192 : i32
    %mul3A_393 = vector.broadcast %mul3A_392 : i32 to vector<16xi32>
    %mul3A_394 = arith.muli %add3A_391, %mul3A_393 : vector<16xi32>
    %add3A_395 = arith.addi %mul3A_394, %add3A_45 : vector<16xi32>
    %swap3A_396 = arith.constant 2 : i32
    %swap3A_397 = arith.index_cast %swap3A_396 : i32 to index
    %swap3A_398 = arith.constant 16 : index
    %swap3A_399 = tpu.vector_load %arg6[%swap3A_397, %swap3A_398] {strides = array<i32>} : memref<16x128xi32, #tpu.memory_space<vmem>>, vector<1x16xi32>,
    %swap3A_400 = vector.shape_cast %swap3A_399 : vector<1x16xi32> to vector<16xi32>
    %swap3A_401 = vector.shape_cast %add3A_395 : vector<16xi32> to vector<1x16xi32>
    tpu.vector_store %arg6[%swap3A_397, %swap3A_398], %swap3A_401 {strides = array<i32>} : memref<16x128xi32, #tpu.memory_space<vmem>>, vector<1x16xi32>,
    %swap3A_402 = arith.constant 656 : index
    %swap3A_403 = tpu.vector_load %arg7[%swap3A_402] {strides = array<i32>} : memref<4096xf32, #tpu.memory_space<vmem>>, vector<16xf32>,
    %swap3A_404 = vector.shape_cast %swap3A_403 : vector<16xf32> to vector<16xf32>
    %swap3A_405 = vector.shape_cast %broadcast_in_dim3A_46 : vector<16xf32> to vector<16xf32>
    tpu.vector_store %arg7[%swap3A_402], %swap3A_405 {strides = array<i32>} : memref<4096xf32, #tpu.memory_space<vmem>>, vector<16xf32>,
    %add3A_406 = arith.constant 256 : i32
    %add3A_407 = arith.addi %mul3A_32, %add3A_406 : i32
    %add3A_408 = arith.constant 32 : i32
    %add3A_409 = arith.addi %add3A_407, %add3A_408 : i32
    %add3A_410 = vector.broadcast %add3A_409 : i32 to vector<16xi32>
    %add3A_411 = arith.addi %add3A_410, %iota3A : vector<16xi32>
    %mul3A_412 = arith.constant 8192 : i32
    %mul3A_413 = vector.broadcast %mul3A_412 : i32 to vector<16xi32>
    %mul3A_414 = arith.muli %add3A_411, %mul3A_413 : vector<16xi32>
    %add3A_415 = arith.addi %mul3A_414, %add3A_45 : vector<16xi32>
    %swap3A_416 = arith.constant 2 : i32
    %swap3A_417 = arith.index_cast %swap3A_416 : i32 to index
    %swap3A_418 = arith.constant 32 : index
    %swap3A_419 = tpu.vector_load %arg6[%swap3A_417, %swap3A_418] {strides = array<i32>} : memref<16x128xi32, #tpu.memory_space<vmem>>, vector<1x16xi32>,
    %swap3A_420 = vector.shape_cast %swap3A_419 : vector<1x16xi32> to vector<16xi32>
    %swap3A_421 = vector.shape_cast %add3A_415 : vector<16xi32> to vector<1x16xi32>
    tpu.vector_store %arg6[%swap3A_417, %swap3A_418], %swap3A_421 {strides = array<i32>} : memref<16x128xi32, #tpu.memory_space<vmem>>, vector<1x16xi32>,
    %swap3A_422 = arith.constant 672 : index
    %swap3A_423 = tpu.vector_load %arg7[%swap3A_422] {strides = array<i32>} : memref<4096xf32, #tpu.memory_space<vmem>>, vector<16xf32>,
    %swap3A_424 = vector.shape_cast %swap3A_423 : vector<16xf32> to vector<16xf32>
    %swap3A_425 = vector.shape_cast %broadcast_in_dim3A_46 : vector<16xf32> to vector<16xf32>
    tpu.vector_store %arg7[%swap3A_422], %swap3A_425 {strides = array<i32>} : memref<4096xf32, #tpu.memory_space<vmem>>, vector<16xf32>,
    %add3A_426 = arith.constant 256 : i32
    %add3A_427 = arith.addi %mul3A_32, %add3A_426 : i32
    %add3A_428 = arith.constant 48 : i32
    %add3A_429 = arith.addi %add3A_427, %add3A_428 : i32
    %add3A_430 = vector.broadcast %add3A_429 : i32 to vector<16xi32>
    %add3A_431 = arith.addi %add3A_430, %iota3A : vector<16xi32>
    %mul3A_432 = arith.constant 8192 : i32
    %mul3A_433 = vector.broadcast %mul3A_432 : i32 to vector<16xi32>
    %mul3A_434 = arith.muli %add3A_431, %mul3A_433 : vector<16xi32>
    %add3A_435 = arith.addi %mul3A_434, %add3A_45 : vector<16xi32>
    %swap3A_436 = arith.constant 2 : i32
    %swap3A_437 = arith.index_cast %swap3A_436 : i32 to index
    %swap3A_438 = arith.constant 48 : index
    %swap3A_439 = tpu.vector_load %arg6[%swap3A_437, %swap3A_438] {strides = array<i32>} : memref<16x128xi32, #tpu.memory_space<vmem>>, vector<1x16xi32>,
    %swap3A_440 = vector.shape_cast %swap3A_439 : vector<1x16xi32> to vector<16xi32>
    %swap3A_441 = vector.shape_cast %add3A_435 : vector<16xi32> to vector<1x16xi32>
    tpu.vector_store %arg6[%swap3A_437, %swap3A_438], %swap3A_441 {strides = array<i32>} : memref<16x128xi32, #tpu.memory_space<vmem>>, vector<1x16xi32>,
    %swap3A_442 = arith.constant 688 : index
    %swap3A_443 = tpu.vector_load %arg7[%swap3A_442] {strides = array<i32>} : memref<4096xf32, #tpu.memory_space<vmem>>, vector<16xf32>,
    %swap3A_444 = vector.shape_cast %swap3A_443 : vector<16xf32> to vector<16xf32>
    %swap3A_445 = vector.shape_cast %broadcast_in_dim3A_46 : vector<16xf32> to vector<16xf32>
    tpu.vector_store %arg7[%swap3A_442], %swap3A_445 {strides = array<i32>} : memref<4096xf32, #tpu.memory_space<vmem>>, vector<16xf32>,
    %add3A_446 = arith.constant 256 : i32
    %add3A_447 = arith.addi %mul3A_32, %add3A_446 : i32
    %add3A_448 = arith.constant 64 : i32
    %add3A_449 = arith.addi %add3A_447, %add3A_448 : i32
    %add3A_450 = vector.broadcast %add3A_449 : i32 to vector<16xi32>
    %add3A_451 = arith.addi %add3A_450, %iota3A : vector<16xi32>
    %mul3A_452 = arith.constant 8192 : i32
    %mul3A_453 = vector.broadcast %mul3A_452 : i32 to vector<16xi32>
    %mul3A_454 = arith.muli %add3A_451, %mul3A_453 : vector<16xi32>
    %add3A_455 = arith.addi %mul3A_454, %add3A_45 : vector<16xi32>
    %swap3A_456 = arith.constant 2 : i32
    %swap3A_457 = arith.index_cast %swap3A_456 : i32 to index
    %swap3A_458 = arith.constant 64 : index
    %swap3A_459 = tpu.vector_load %arg6[%swap3A_457, %swap3A_458] {strides = array<i32>} : memref<16x128xi32, #tpu.memory_space<vmem>>, vector<1x16xi32>,
    %swap3A_460 = vector.shape_cast %swap3A_459 : vector<1x16xi32> to vector<16xi32>
    %swap3A_461 = vector.shape_cast %add3A_455 : vector<16xi32> to vector<1x16xi32>
    tpu.vector_store %arg6[%swap3A_457, %swap3A_458], %swap3A_461 {strides = array<i32>} : memref<16x128xi32, #tpu.memory_space<vmem>>, vector<1x16xi32>,
    %swap3A_462 = arith.constant 704 : index
    %swap3A_463 = tpu.vector_load %arg7[%swap3A_462] {strides = array<i32>} : memref<4096xf32, #tpu.memory_space<vmem>>, vector<16xf32>,
    %swap3A_464 = vector.shape_cast %swap3A_463 : vector<16xf32> to vector<16xf32>
    %swap3A_465 = vector.shape_cast %broadcast_in_dim3A_46 : vector<16xf32> to vector<16xf32>
    tpu.vector_store %arg7[%swap3A_462], %swap3A_465 {strides = array<i32>} : memref<4096xf32, #tpu.memory_space<vmem>>, vector<16xf32>,
    %add3A_466 = arith.constant 256 : i32
    %add3A_467 = arith.addi %mul3A_32, %add3A_466 : i32
    %add3A_468 = arith.constant 80 : i32
    %add3A_469 = arith.addi %add3A_467, %add3A_468 : i32
    %add3A_470 = vector.broadcast %add3A_469 : i32 to vector<16xi32>
    %add3A_471 = arith.addi %add3A_470, %iota3A : vector<16xi32>
    %mul3A_472 = arith.constant 8192 : i32
    %mul3A_473 = vector.broadcast %mul3A_472 : i32 to vector<16xi32>
    %mul3A_474 = arith.muli %add3A_471, %mul3A_473 : vector<16xi32>
    %add3A_475 = arith.addi %mul3A_474, %add3A_45 : vector<16xi32>
    %swap3A_476 = arith.constant 2 : i32
    %swap3A_477 = arith.index_cast %swap3A_476 : i32 to index
    %swap3A_478 = arith.constant 80 : index
    %swap3A_479 = tpu.vector_load %arg6[%swap3A_477, %swap3A_478] {strides = array<i32>} : memref<16x128xi32, #tpu.memory_space<vmem>>, vector<1x16xi32>,
    %swap3A_480 = vector.shape_cast %swap3A_479 : vector<1x16xi32> to vector<16xi32>
    %swap3A_481 = vector.shape_cast %add3A_475 : vector<16xi32> to vector<1x16xi32>
    tpu.vector_store %arg6[%swap3A_477, %swap3A_478], %swap3A_481 {strides = array<i32>} : memref<16x128xi32, #tpu.memory_space<vmem>>, vector<1x16xi32>,
    %swap3A_482 = arith.constant 720 : index
    %swap3A_483 = tpu.vector_load %arg7[%swap3A_482] {strides = array<i32>} : memref<4096xf32, #tpu.memory_space<vmem>>, vector<16xf32>,
    %swap3A_484 = vector.shape_cast %swap3A_483 : vector<16xf32> to vector<16xf32>
    %swap3A_485 = vector.shape_cast %broadcast_in_dim3A_46 : vector<16xf32> to vector<16xf32>
    tpu.vector_store %arg7[%swap3A_482], %swap3A_485 {strides = array<i32>} : memref<4096xf32, #tpu.memory_space<vmem>>, vector<16xf32>,
    %add3A_486 = arith.constant 256 : i32
    %add3A_487 = arith.addi %mul3A_32, %add3A_486 : i32
    %add3A_488 = arith.constant 96 : i32
    %add3A_489 = arith.addi %add3A_487, %add3A_488 : i32
    %add3A_490 = vector.broadcast %add3A_489 : i32 to vector<16xi32>
    %add3A_491 = arith.addi %add3A_490, %iota3A : vector<16xi32>
    %mul3A_492 = arith.constant 8192 : i32
    %mul3A_493 = vector.broadcast %mul3A_492 : i32 to vector<16xi32>
    %mul3A_494 = arith.muli %add3A_491, %mul3A_493 : vector<16xi32>
    %add3A_495 = arith.addi %mul3A_494, %add3A_45 : vector<16xi32>
    %swap3A_496 = arith.constant 2 : i32
    %swap3A_497 = arith.index_cast %swap3A_496 : i32 to index
    %swap3A_498 = arith.constant 96 : index
    %swap3A_499 = tpu.vector_load %arg6[%swap3A_497, %swap3A_498] {strides = array<i32>} : memref<16x128xi32, #tpu.memory_space<vmem>>, vector<1x16xi32>,
    %swap3A_500 = vector.shape_cast %swap3A_499 : vector<1x16xi32> to vector<16xi32>
    %swap3A_501 = vector.shape_cast %add3A_495 : vector<16xi32> to vector<1x16xi32>
    tpu.vector_store %arg6[%swap3A_497, %swap3A_498], %swap3A_501 {strides = array<i32>} : memref<16x128xi32, #tpu.memory_space<vmem>>, vector<1x16xi32>,
    %swap3A_502 = arith.constant 736 : index
    %swap3A_503 = tpu.vector_load %arg7[%swap3A_502] {strides = array<i32>} : memref<4096xf32, #tpu.memory_space<vmem>>, vector<16xf32>,
    %swap3A_504 = vector.shape_cast %swap3A_503 : vector<16xf32> to vector<16xf32>
    %swap3A_505 = vector.shape_cast %broadcast_in_dim3A_46 : vector<16xf32> to vector<16xf32>
    tpu.vector_store %arg7[%swap3A_502], %swap3A_505 {strides = array<i32>} : memref<4096xf32, #tpu.memory_space<vmem>>, vector<16xf32>,
    %add3A_506 = arith.constant 256 : i32
    %add3A_507 = arith.addi %mul3A_32, %add3A_506 : i32
    %add3A_508 = arith.constant 112 : i32
    %add3A_509 = arith.addi %add3A_507, %add3A_508 : i32
    %add3A_510 = vector.broadcast %add3A_509 : i32 to vector<16xi32>
    %add3A_511 = arith.addi %add3A_510, %iota3A : vector<16xi32>
    %mul3A_512 = arith.constant 8192 : i32
    %mul3A_513 = vector.broadcast %mul3A_512 : i32 to vector<16xi32>
    %mul3A_514 = arith.muli %add3A_511, %mul3A_513 : vector<16xi32>
    %add3A_515 = arith.addi %mul3A_514, %add3A_45 : vector<16xi32>
    %swap3A_516 = arith.constant 2 : i32
    %swap3A_517 = arith.index_cast %swap3A_516 : i32 to index
    %swap3A_518 = arith.constant 112 : index
    %swap3A_519 = tpu.vector_load %arg6[%swap3A_517, %swap3A_518] {strides = array<i32>} : memref<16x128xi32, #tpu.memory_space<vmem>>, vector<1x16xi32>,
    %swap3A_520 = vector.shape_cast %swap3A_519 : vector<1x16xi32> to vector<16xi32>
    %swap3A_521 = vector.shape_cast %add3A_515 : vector<16xi32> to vector<1x16xi32>
    tpu.vector_store %arg6[%swap3A_517, %swap3A_518], %swap3A_521 {strides = array<i32>} : memref<16x128xi32, #tpu.memory_space<vmem>>, vector<1x16xi32>,
    %swap3A_522 = arith.constant 752 : index
    %swap3A_523 = tpu.vector_load %arg7[%swap3A_522] {strides = array<i32>} : memref<4096xf32, #tpu.memory_space<vmem>>, vector<16xf32>,
    %swap3A_524 = vector.shape_cast %swap3A_523 : vector<16xf32> to vector<16xf32>
    %swap3A_525 = vector.shape_cast %broadcast_in_dim3A_46 : vector<16xf32> to vector<16xf32>
    tpu.vector_store %arg7[%swap3A_522], %swap3A_525 {strides = array<i32>} : memref<4096xf32, #tpu.memory_space<vmem>>, vector<16xf32>,
    %add3A_526 = arith.constant 384 : i32
    %add3A_527 = arith.addi %mul3A_32, %add3A_526 : i32
    %add3A_528 = arith.constant 0 : i32
    %add3A_529 = arith.addi %add3A_527, %add3A_528 : i32
    %add3A_530 = vector.broadcast %add3A_529 : i32 to vector<16xi32>
    %add3A_531 = arith.addi %add3A_530, %iota3A : vector<16xi32>
    %mul3A_532 = arith.constant 8192 : i32
    %mul3A_533 = vector.broadcast %mul3A_532 : i32 to vector<16xi32>
    %mul3A_534 = arith.muli %add3A_531, %mul3A_533 : vector<16xi32>
    %add3A_535 = arith.addi %mul3A_534, %add3A_45 : vector<16xi32>
    %swap3A_536 = arith.constant 3 : i32
    %swap3A_537 = arith.index_cast %swap3A_536 : i32 to index
    %swap3A_538 = arith.constant 0 : index
    %swap3A_539 = tpu.vector_load %arg6[%swap3A_537, %swap3A_538] {strides = array<i32>} : memref<16x128xi32, #tpu.memory_space<vmem>>, vector<1x16xi32>,
    %swap3A_540 = vector.shape_cast %swap3A_539 : vector<1x16xi32> to vector<16xi32>
    %swap3A_541 = vector.shape_cast %add3A_535 : vector<16xi32> to vector<1x16xi32>
    tpu.vector_store %arg6[%swap3A_537, %swap3A_538], %swap3A_541 {strides = array<i32>} : memref<16x128xi32, #tpu.memory_space<vmem>>, vector<1x16xi32>,
    %swap3A_542 = arith.constant 896 : index
    %swap3A_543 = tpu.vector_load %arg7[%swap3A_542] {strides = array<i32>} : memref<4096xf32, #tpu.memory_space<vmem>>, vector<16xf32>,
    %swap3A_544 = vector.shape_cast %swap3A_543 : vector<16xf32> to vector<16xf32>
    %swap3A_545 = vector.shape_cast %broadcast_in_dim3A_46 : vector<16xf32> to vector<16xf32>
    tpu.vector_store %arg7[%swap3A_542], %swap3A_545 {strides = array<i32>} : memref<4096xf32, #tpu.memory_space<vmem>>, vector<16xf32>,
    %add3A_546 = arith.constant 384 : i32
    %add3A_547 = arith.addi %mul3A_32, %add3A_546 : i32
    %add3A_548 = arith.constant 16 : i32
    %add3A_549 = arith.addi %add3A_547, %add3A_548 : i32
    %add3A_550 = vector.broadcast %add3A_549 : i32 to vector<16xi32>
    %add3A_551 = arith.addi %add3A_550, %iota3A : vector<16xi32>
    %mul3A_552 = arith.constant 8192 : i32
    %mul3A_553 = vector.broadcast %mul3A_552 : i32 to vector<16xi32>
    %mul3A_554 = arith.muli %add3A_551, %mul3A_553 : vector<16xi32>
    %add3A_555 = arith.addi %mul3A_554, %add3A_45 : vector<16xi32>
    %swap3A_556 = arith.constant 3 : i32
    %swap3A_557 = arith.index_cast %swap3A_556 : i32 to index
    %swap3A_558 = arith.constant 16 : index
    %swap3A_559 = tpu.vector_load %arg6[%swap3A_557, %swap3A_558] {strides = array<i32>} : memref<16x128xi32, #tpu.memory_space<vmem>>, vector<1x16xi32>,
    %swap3A_560 = vector.shape_cast %swap3A_559 : vector<1x16xi32> to vector<16xi32>
    %swap3A_561 = vector.shape_cast %add3A_555 : vector<16xi32> to vector<1x16xi32>
    tpu.vector_store %arg6[%swap3A_557, %swap3A_558], %swap3A_561 {strides = array<i32>} : memref<16x128xi32, #tpu.memory_space<vmem>>, vector<1x16xi32>,
    %swap3A_562 = arith.constant 912 : index
    %swap3A_563 = tpu.vector_load %arg7[%swap3A_562] {strides = array<i32>} : memref<4096xf32, #tpu.memory_space<vmem>>, vector<16xf32>,
    %swap3A_564 = vector.shape_cast %swap3A_563 : vector<16xf32> to vector<16xf32>
    %swap3A_565 = vector.shape_cast %broadcast_in_dim3A_46 : vector<16xf32> to vector<16xf32>
    tpu.vector_store %arg7[%swap3A_562], %swap3A_565 {strides = array<i32>} : memref<4096xf32, #tpu.memory_space<vmem>>, vector<16xf32>,
    %add3A_566 = arith.constant 384 : i32
    %add3A_567 = arith.addi %mul3A_32, %add3A_566 : i32
    %add3A_568 = arith.constant 32 : i32
    %add3A_569 = arith.addi %add3A_567, %add3A_568 : i32
    %add3A_570 = vector.broadcast %add3A_569 : i32 to vector<16xi32>
    %add3A_571 = arith.addi %add3A_570, %iota3A : vector<16xi32>
    %mul3A_572 = arith.constant 8192 : i32
    %mul3A_573 = vector.broadcast %mul3A_572 : i32 to vector<16xi32>
    %mul3A_574 = arith.muli %add3A_571, %mul3A_573 : vector<16xi32>
    %add3A_575 = arith.addi %mul3A_574, %add3A_45 : vector<16xi32>
    %swap3A_576 = arith.constant 3 : i32
    %swap3A_577 = arith.index_cast %swap3A_576 : i32 to index
    %swap3A_578 = arith.constant 32 : index
    %swap3A_579 = tpu.vector_load %arg6[%swap3A_577, %swap3A_578] {strides = array<i32>} : memref<16x128xi32, #tpu.memory_space<vmem>>, vector<1x16xi32>,
    %swap3A_580 = vector.shape_cast %swap3A_579 : vector<1x16xi32> to vector<16xi32>
    %swap3A_581 = vector.shape_cast %add3A_575 : vector<16xi32> to vector<1x16xi32>
    tpu.vector_store %arg6[%swap3A_577, %swap3A_578], %swap3A_581 {strides = array<i32>} : memref<16x128xi32, #tpu.memory_space<vmem>>, vector<1x16xi32>,
    %swap3A_582 = arith.constant 928 : index
    %swap3A_583 = tpu.vector_load %arg7[%swap3A_582] {strides = array<i32>} : memref<4096xf32, #tpu.memory_space<vmem>>, vector<16xf32>,
    %swap3A_584 = vector.shape_cast %swap3A_583 : vector<16xf32> to vector<16xf32>
    %swap3A_585 = vector.shape_cast %broadcast_in_dim3A_46 : vector<16xf32> to vector<16xf32>
    tpu.vector_store %arg7[%swap3A_582], %swap3A_585 {strides = array<i32>} : memref<4096xf32, #tpu.memory_space<vmem>>, vector<16xf32>,
    %add3A_586 = arith.constant 384 : i32
    %add3A_587 = arith.addi %mul3A_32, %add3A_586 : i32
    %add3A_588 = arith.constant 48 : i32
    %add3A_589 = arith.addi %add3A_587, %add3A_588 : i32
    %add3A_590 = vector.broadcast %add3A_589 : i32 to vector<16xi32>
    %add3A_591 = arith.addi %add3A_590, %iota3A : vector<16xi32>
    %mul3A_592 = arith.constant 8192 : i32
    %mul3A_593 = vector.broadcast %mul3A_592 : i32 to vector<16xi32>
    %mul3A_594 = arith.muli %add3A_591, %mul3A_593 : vector<16xi32>
    %add3A_595 = arith.addi %mul3A_594, %add3A_45 : vector<16xi32>
    %swap3A_596 = arith.constant 3 : i32
    %swap3A_597 = arith.index_cast %swap3A_596 : i32 to index
    %swap3A_598 = arith.constant 48 : index
    %swap3A_599 = tpu.vector_load %arg6[%swap3A_597, %swap3A_598] {strides = array<i32>} : memref<16x128xi32, #tpu.memory_space<vmem>>, vector<1x16xi32>,
    %swap3A_600 = vector.shape_cast %swap3A_599 : vector<1x16xi32> to vector<16xi32>
    %swap3A_601 = vector.shape_cast %add3A_595 : vector<16xi32> to vector<1x16xi32>
    tpu.vector_store %arg6[%swap3A_597, %swap3A_598], %swap3A_601 {strides = array<i32>} : memref<16x128xi32, #tpu.memory_space<vmem>>, vector<1x16xi32>,
    %swap3A_602 = arith.constant 944 : index
    %swap3A_603 = tpu.vector_load %arg7[%swap3A_602] {strides = array<i32>} : memref<4096xf32, #tpu.memory_space<vmem>>, vector<16xf32>,
    %swap3A_604 = vector.shape_cast %swap3A_603 : vector<16xf32> to vector<16xf32>
    %swap3A_605 = vector.shape_cast %broadcast_in_dim3A_46 : vector<16xf32> to vector<16xf32>
    tpu.vector_store %arg7[%swap3A_602], %swap3A_605 {strides = array<i32>} : memref<4096xf32, #tpu.memory_space<vmem>>, vector<16xf32>,
    %add3A_606 = arith.constant 384 : i32
    %add3A_607 = arith.addi %mul3A_32, %add3A_606 : i32
    %add3A_608 = arith.constant 64 : i32
    %add3A_609 = arith.addi %add3A_607, %add3A_608 : i32
    %add3A_610 = vector.broadcast %add3A_609 : i32 to vector<16xi32>
    %add3A_611 = arith.addi %add3A_610, %iota3A : vector<16xi32>
    %mul3A_612 = arith.constant 8192 : i32
    %mul3A_613 = vector.broadcast %mul3A_612 : i32 to vector<16xi32>
    %mul3A_614 = arith.muli %add3A_611, %mul3A_613 : vector<16xi32>
    %add3A_615 = arith.addi %mul3A_614, %add3A_45 : vector<16xi32>
    %swap3A_616 = arith.constant 3 : i32
    %swap3A_617 = arith.index_cast %swap3A_616 : i32 to index
    %swap3A_618 = arith.constant 64 : index
    %swap3A_619 = tpu.vector_load %arg6[%swap3A_617, %swap3A_618] {strides = array<i32>} : memref<16x128xi32, #tpu.memory_space<vmem>>, vector<1x16xi32>,
    %swap3A_620 = vector.shape_cast %swap3A_619 : vector<1x16xi32> to vector<16xi32>
    %swap3A_621 = vector.shape_cast %add3A_615 : vector<16xi32> to vector<1x16xi32>
    tpu.vector_store %arg6[%swap3A_617, %swap3A_618], %swap3A_621 {strides = array<i32>} : memref<16x128xi32, #tpu.memory_space<vmem>>, vector<1x16xi32>,
    %swap3A_622 = arith.constant 960 : index
    %swap3A_623 = tpu.vector_load %arg7[%swap3A_622] {strides = array<i32>} : memref<4096xf32, #tpu.memory_space<vmem>>, vector<16xf32>,
    %swap3A_624 = vector.shape_cast %swap3A_623 : vector<16xf32> to vector<16xf32>
    %swap3A_625 = vector.shape_cast %broadcast_in_dim3A_46 : vector<16xf32> to vector<16xf32>
    tpu.vector_store %arg7[%swap3A_622], %swap3A_625 {strides = array<i32>} : memref<4096xf32, #tpu.memory_space<vmem>>, vector<16xf32>,
    %add3A_626 = arith.constant 384 : i32
    %add3A_627 = arith.addi %mul3A_32, %add3A_626 : i32
    %add3A_628 = arith.constant 80 : i32
    %add3A_629 = arith.addi %add3A_627, %add3A_628 : i32
    %add3A_630 = vector.broadcast %add3A_629 : i32 to vector<16xi32>
    %add3A_631 = arith.addi %add3A_630, %iota3A : vector<16xi32>
    %mul3A_632 = arith.constant 8192 : i32
    %mul3A_633 = vector.broadcast %mul3A_632 : i32 to vector<16xi32>
    %mul3A_634 = arith.muli %add3A_631, %mul3A_633 : vector<16xi32>
    %add3A_635 = arith.addi %mul3A_634, %add3A_45 : vector<16xi32>
    %swap3A_636 = arith.constant 3 : i32
    %swap3A_637 = arith.index_cast %swap3A_636 : i32 to index
    %swap3A_638 = arith.constant 80 : index
    %swap3A_639 = tpu.vector_load %arg6[%swap3A_637, %swap3A_638] {strides = array<i32>} : memref<16x128xi32, #tpu.memory_space<vmem>>, vector<1x16xi32>,
    %swap3A_640 = vector.shape_cast %swap3A_639 : vector<1x16xi32> to vector<16xi32>
    %swap3A_641 = vector.shape_cast %add3A_635 : vector<16xi32> to vector<1x16xi32>
    tpu.vector_store %arg6[%swap3A_637, %swap3A_638], %swap3A_641 {strides = array<i32>} : memref<16x128xi32, #tpu.memory_space<vmem>>, vector<1x16xi32>,
    %swap3A_642 = arith.constant 976 : index
    %swap3A_643 = tpu.vector_load %arg7[%swap3A_642] {strides = array<i32>} : memref<4096xf32, #tpu.memory_space<vmem>>, vector<16xf32>,
    %swap3A_644 = vector.shape_cast %swap3A_643 : vector<16xf32> to vector<16xf32>
    %swap3A_645 = vector.shape_cast %broadcast_in_dim3A_46 : vector<16xf32> to vector<16xf32>
    tpu.vector_store %arg7[%swap3A_642], %swap3A_645 {strides = array<i32>} : memref<4096xf32, #tpu.memory_space<vmem>>, vector<16xf32>,
    %add3A_646 = arith.constant 384 : i32
    %add3A_647 = arith.addi %mul3A_32, %add3A_646 : i32
    %add3A_648 = arith.constant 96 : i32
    %add3A_649 = arith.addi %add3A_647, %add3A_648 : i32
    %add3A_650 = vector.broadcast %add3A_649 : i32 to vector<16xi32>
    %add3A_651 = arith.addi %add3A_650, %iota3A : vector<16xi32>
    %mul3A_652 = arith.constant 8192 : i32
    %mul3A_653 = vector.broadcast %mul3A_652 : i32 to vector<16xi32>
    %mul3A_654 = arith.muli %add3A_651, %mul3A_653 : vector<16xi32>
    %add3A_655 = arith.addi %mul3A_654, %add3A_45 : vector<16xi32>
    %swap3A_656 = arith.constant 3 : i32
    %swap3A_657 = arith.index_cast %swap3A_656 : i32 to index
    %swap3A_658 = arith.constant 96 : index
    %swap3A_659 = tpu.vector_load %arg6[%swap3A_657, %swap3A_658] {strides = array<i32>} : memref<16x128xi32, #tpu.memory_space<vmem>>, vector<1x16xi32>,
    %swap3A_660 = vector.shape_cast %swap3A_659 : vector<1x16xi32> to vector<16xi32>
    %swap3A_661 = vector.shape_cast %add3A_655 : vector<16xi32> to vector<1x16xi32>
    tpu.vector_store %arg6[%swap3A_657, %swap3A_658], %swap3A_661 {strides = array<i32>} : memref<16x128xi32, #tpu.memory_space<vmem>>, vector<1x16xi32>,
    %swap3A_662 = arith.constant 992 : index
    %swap3A_663 = tpu.vector_load %arg7[%swap3A_662] {strides = array<i32>} : memref<4096xf32, #tpu.memory_space<vmem>>, vector<16xf32>,
    %swap3A_664 = vector.shape_cast %swap3A_663 : vector<16xf32> to vector<16xf32>
    %swap3A_665 = vector.shape_cast %broadcast_in_dim3A_46 : vector<16xf32> to vector<16xf32>
    tpu.vector_store %arg7[%swap3A_662], %swap3A_665 {strides = array<i32>} : memref<4096xf32, #tpu.memory_space<vmem>>, vector<16xf32>,
    %add3A_666 = arith.constant 384 : i32
    %add3A_667 = arith.addi %mul3A_32, %add3A_666 : i32
    %add3A_668 = arith.constant 112 : i32
    %add3A_669 = arith.addi %add3A_667, %add3A_668 : i32
    %add3A_670 = vector.broadcast %add3A_669 : i32 to vector<16xi32>
    %add3A_671 = arith.addi %add3A_670, %iota3A : vector<16xi32>
    %mul3A_672 = arith.constant 8192 : i32
    %mul3A_673 = vector.broadcast %mul3A_672 : i32 to vector<16xi32>
    %mul3A_674 = arith.muli %add3A_671, %mul3A_673 : vector<16xi32>
    %add3A_675 = arith.addi %mul3A_674, %add3A_45 : vector<16xi32>
    %swap3A_676 = arith.constant 3 : i32
    %swap3A_677 = arith.index_cast %swap3A_676 : i32 to index
    %swap3A_678 = arith.constant 112 : index
    %swap3A_679 = tpu.vector_load %arg6[%swap3A_677, %swap3A_678] {strides = array<i32>} : memref<16x128xi32, #tpu.memory_space<vmem>>, vector<1x16xi32>,
    %swap3A_680 = vector.shape_cast %swap3A_679 : vector<1x16xi32> to vector<16xi32>
    %swap3A_681 = vector.shape_cast %add3A_675 : vector<16xi32> to vector<1x16xi32>
    tpu.vector_store %arg6[%swap3A_677, %swap3A_678], %swap3A_681 {strides = array<i32>} : memref<16x128xi32, #tpu.memory_space<vmem>>, vector<1x16xi32>,
    %swap3A_682 = arith.constant 1008 : index
    %swap3A_683 = tpu.vector_load %arg7[%swap3A_682] {strides = array<i32>} : memref<4096xf32, #tpu.memory_space<vmem>>, vector<16xf32>,
    %swap3A_684 = vector.shape_cast %swap3A_683 : vector<16xf32> to vector<16xf32>
    %swap3A_685 = vector.shape_cast %broadcast_in_dim3A_46 : vector<16xf32> to vector<16xf32>
    tpu.vector_store %arg7[%swap3A_682], %swap3A_685 {strides = array<i32>} : memref<4096xf32, #tpu.memory_space<vmem>>, vector<16xf32>,
    %add3A_686 = arith.constant 512 : i32
    %add3A_687 = arith.addi %mul3A_32, %add3A_686 : i32
    %add3A_688 = arith.constant 0 : i32
    %add3A_689 = arith.addi %add3A_687, %add3A_688 : i32
    %add3A_690 = vector.broadcast %add3A_689 : i32 to vector<16xi32>
    %add3A_691 = arith.addi %add3A_690, %iota3A : vector<16xi32>
    %mul3A_692 = arith.constant 8192 : i32
    %mul3A_693 = vector.broadcast %mul3A_692 : i32 to vector<16xi32>
    %mul3A_694 = arith.muli %add3A_691, %mul3A_693 : vector<16xi32>
    %add3A_695 = arith.addi %mul3A_694, %add3A_45 : vector<16xi32>
    %swap3A_696 = arith.constant 4 : i32
    %swap3A_697 = arith.index_cast %swap3A_696 : i32 to index
    %swap3A_698 = arith.constant 0 : index
    %swap3A_699 = tpu.vector_load %arg6[%swap3A_697, %swap3A_698] {strides = array<i32>} : memref<16x128xi32, #tpu.memory_space<vmem>>, vector<1x16xi32>,
    %swap3A_700 = vector.shape_cast %swap3A_699 : vector<1x16xi32> to vector<16xi32>
    %swap3A_701 = vector.shape_cast %add3A_695 : vector<16xi32> to vector<1x16xi32>
    tpu.vector_store %arg6[%swap3A_697, %swap3A_698], %swap3A_701 {strides = array<i32>} : memref<16x128xi32, #tpu.memory_space<vmem>>, vector<1x16xi32>,
    %swap3A_702 = arith.constant 1152 : index
    %swap3A_703 = tpu.vector_load %arg7[%swap3A_702] {strides = array<i32>} : memref<4096xf32, #tpu.memory_space<vmem>>, vector<16xf32>,
    %swap3A_704 = vector.shape_cast %swap3A_703 : vector<16xf32> to vector<16xf32>
    %swap3A_705 = vector.shape_cast %broadcast_in_dim3A_46 : vector<16xf32> to vector<16xf32>
    tpu.vector_store %arg7[%swap3A_702], %swap3A_705 {strides = array<i32>} : memref<4096xf32, #tpu.memory_space<vmem>>, vector<16xf32>,
    %add3A_706 = arith.constant 512 : i32
    %add3A_707 = arith.addi %mul3A_32, %add3A_706 : i32
    %add3A_708 = arith.constant 16 : i32
    %add3A_709 = arith.addi %add3A_707, %add3A_708 : i32
    %add3A_710 = vector.broadcast %add3A_709 : i32 to vector<16xi32>
    %add3A_711 = arith.addi %add3A_710, %iota3A : vector<16xi32>
    %mul3A_712 = arith.constant 8192 : i32
    %mul3A_713 = vector.broadcast %mul3A_712 : i32 to vector<16xi32>
    %mul3A_714 = arith.muli %add3A_711, %mul3A_713 : vector<16xi32>
    %add3A_715 = arith.addi %mul3A_714, %add3A_45 : vector<16xi32>
    %swap3A_716 = arith.constant 4 : i32
    %swap3A_717 = arith.index_cast %swap3A_716 : i32 to index
    %swap3A_718 = arith.constant 16 : index
    %swap3A_719 = tpu.vector_load %arg6[%swap3A_717, %swap3A_718] {strides = array<i32>} : memref<16x128xi32, #tpu.memory_space<vmem>>, vector<1x16xi32>,
    %swap3A_720 = vector.shape_cast %swap3A_719 : vector<1x16xi32> to vector<16xi32>
    %swap3A_721 = vector.shape_cast %add3A_715 : vector<16xi32> to vector<1x16xi32>
    tpu.vector_store %arg6[%swap3A_717, %swap3A_718], %swap3A_721 {strides = array<i32>} : memref<16x128xi32, #tpu.memory_space<vmem>>, vector<1x16xi32>,
    %swap3A_722 = arith.constant 1168 : index
    %swap3A_723 = tpu.vector_load %arg7[%swap3A_722] {strides = array<i32>} : memref<4096xf32, #tpu.memory_space<vmem>>, vector<16xf32>,
    %swap3A_724 = vector.shape_cast %swap3A_723 : vector<16xf32> to vector<16xf32>
    %swap3A_725 = vector.shape_cast %broadcast_in_dim3A_46 : vector<16xf32> to vector<16xf32>
    tpu.vector_store %arg7[%swap3A_722], %swap3A_725 {strides = array<i32>} : memref<4096xf32, #tpu.memory_space<vmem>>, vector<16xf32>,
    %add3A_726 = arith.constant 512 : i32
    %add3A_727 = arith.addi %mul3A_32, %add3A_726 : i32
    %add3A_728 = arith.constant 32 : i32
    %add3A_729 = arith.addi %add3A_727, %add3A_728 : i32
    %add3A_730 = vector.broadcast %add3A_729 : i32 to vector<16xi32>
    %add3A_731 = arith.addi %add3A_730, %iota3A : vector<16xi32>
    %mul3A_732 = arith.constant 8192 : i32
    %mul3A_733 = vector.broadcast %mul3A_732 : i32 to vector<16xi32>
    %mul3A_734 = arith.muli %add3A_731, %mul3A_733 : vector<16xi32>
    %add3A_735 = arith.addi %mul3A_734, %add3A_45 : vector<16xi32>
    %swap3A_736 = arith.constant 4 : i32
    %swap3A_737 = arith.index_cast %swap3A_736 : i32 to index
    %swap3A_738 = arith.constant 32 : index
    %swap3A_739 = tpu.vector_load %arg6[%swap3A_737, %swap3A_738] {strides = array<i32>} : memref<16x128xi32, #tpu.memory_space<vmem>>, vector<1x16xi32>,
    %swap3A_740 = vector.shape_cast %swap3A_739 : vector<1x16xi32> to vector<16xi32>
    %swap3A_741 = vector.shape_cast %add3A_735 : vector<16xi32> to vector<1x16xi32>
    tpu.vector_store %arg6[%swap3A_737, %swap3A_738], %swap3A_741 {strides = array<i32>} : memref<16x128xi32, #tpu.memory_space<vmem>>, vector<1x16xi32>,
    %swap3A_742 = arith.constant 1184 : index
    %swap3A_743 = tpu.vector_load %arg7[%swap3A_742] {strides = array<i32>} : memref<4096xf32, #tpu.memory_space<vmem>>, vector<16xf32>,
    %swap3A_744 = vector.shape_cast %swap3A_743 : vector<16xf32> to vector<16xf32>
    %swap3A_745 = vector.shape_cast %broadcast_in_dim3A_46 : vector<16xf32> to vector<16xf32>
    tpu.vector_store %arg7[%swap3A_742], %swap3A_745 {strides = array<i32>} : memref<4096xf32, #tpu.memory_space<vmem>>, vector<16xf32>,
    %add3A_746 = arith.constant 512 : i32
    %add3A_747 = arith.addi %mul3A_32, %add3A_746 : i32
    %add3A_748 = arith.constant 48 : i32
    %add3A_749 = arith.addi %add3A_747, %add3A_748 : i32
    %add3A_750 = vector.broadcast %add3A_749 : i32 to vector<16xi32>
    %add3A_751 = arith.addi %add3A_750, %iota3A : vector<16xi32>
    %mul3A_752 = arith.constant 8192 : i32
    %mul3A_753 = vector.broadcast %mul3A_752 : i32 to vector<16xi32>
    %mul3A_754 = arith.muli %add3A_751, %mul3A_753 : vector<16xi32>
    %add3A_755 = arith.addi %mul3A_754, %add3A_45 : vector<16xi32>
    %swap3A_756 = arith.constant 4 : i32
    %swap3A_757 = arith.index_cast %swap3A_756 : i32 to index
    %swap3A_758 = arith.constant 48 : index
    %swap3A_759 = tpu.vector_load %arg6[%swap3A_757, %swap3A_758] {strides = array<i32>} : memref<16x128xi32, #tpu.memory_space<vmem>>, vector<1x16xi32>,
    %swap3A_760 = vector.shape_cast %swap3A_759 : vector<1x16xi32> to vector<16xi32>
    %swap3A_761 = vector.shape_cast %add3A_755 : vector<16xi32> to vector<1x16xi32>
    tpu.vector_store %arg6[%swap3A_757, %swap3A_758], %swap3A_761 {strides = array<i32>} : memref<16x128xi32, #tpu.memory_space<vmem>>, vector<1x16xi32>,
    %swap3A_762 = arith.constant 1200 : index
    %swap3A_763 = tpu.vector_load %arg7[%swap3A_762] {strides = array<i32>} : memref<4096xf32, #tpu.memory_space<vmem>>, vector<16xf32>,
    %swap3A_764 = vector.shape_cast %swap3A_763 : vector<16xf32> to vector<16xf32>
    %swap3A_765 = vector.shape_cast %broadcast_in_dim3A_46 : vector<16xf32> to vector<16xf32>
    tpu.vector_store %arg7[%swap3A_762], %swap3A_765 {strides = array<i32>} : memref<4096xf32, #tpu.memory_space<vmem>>, vector<16xf32>,
    %add3A_766 = arith.constant 512 : i32
    %add3A_767 = arith.addi %mul3A_32, %add3A_766 : i32
    %add3A_768 = arith.constant 64 : i32
    %add3A_769 = arith.addi %add3A_767, %add3A_768 : i32
    %add3A_770 = vector.broadcast %add3A_769 : i32 to vector<16xi32>
    %add3A_771 = arith.addi %add3A_770, %iota3A : vector<16xi32>
    %mul3A_772 = arith.constant 8192 : i32
    %mul3A_773 = vector.broadcast %mul3A_772 : i32 to vector<16xi32>
    %mul3A_774 = arith.muli %add3A_771, %mul3A_773 : vector<16xi32>
    %add3A_775 = arith.addi %mul3A_774, %add3A_45 : vector<16xi32>
    %swap3A_776 = arith.constant 4 : i32
    %swap3A_777 = arith.index_cast %swap3A_776 : i32 to index
    %swap3A_778 = arith.constant 64 : index
    %swap3A_779 = tpu.vector_load %arg6[%swap3A_777, %swap3A_778] {strides = array<i32>} : memref<16x128xi32, #tpu.memory_space<vmem>>, vector<1x16xi32>,
    %swap3A_780 = vector.shape_cast %swap3A_779 : vector<1x16xi32> to vector<16xi32>
    %swap3A_781 = vector.shape_cast %add3A_775 : vector<16xi32> to vector<1x16xi32>
    tpu.vector_store %arg6[%swap3A_777, %swap3A_778], %swap3A_781 {strides = array<i32>} : memref<16x128xi32, #tpu.memory_space<vmem>>, vector<1x16xi32>,
    %swap3A_782 = arith.constant 1216 : index
    %swap3A_783 = tpu.vector_load %arg7[%swap3A_782] {strides = array<i32>} : memref<4096xf32, #tpu.memory_space<vmem>>, vector<16xf32>,
    %swap3A_784 = vector.shape_cast %swap3A_783 : vector<16xf32> to vector<16xf32>
    %swap3A_785 = vector.shape_cast %broadcast_in_dim3A_46 : vector<16xf32> to vector<16xf32>
    tpu.vector_store %arg7[%swap3A_782], %swap3A_785 {strides = array<i32>} : memref<4096xf32, #tpu.memory_space<vmem>>, vector<16xf32>,
    %add3A_786 = arith.constant 512 : i32
    %add3A_787 = arith.addi %mul3A_32, %add3A_786 : i32
    %add3A_788 = arith.constant 80 : i32
    %add3A_789 = arith.addi %add3A_787, %add3A_788 : i32
    %add3A_790 = vector.broadcast %add3A_789 : i32 to vector<16xi32>
    %add3A_791 = arith.addi %add3A_790, %iota3A : vector<16xi32>
    %mul3A_792 = arith.constant 8192 : i32
    %mul3A_793 = vector.broadcast %mul3A_792 : i32 to vector<16xi32>
    %mul3A_794 = arith.muli %add3A_791, %mul3A_793 : vector<16xi32>
    %add3A_795 = arith.addi %mul3A_794, %add3A_45 : vector<16xi32>
    %swap3A_796 = arith.constant 4 : i32
    %swap3A_797 = arith.index_cast %swap3A_796 : i32 to index
    %swap3A_798 = arith.constant 80 : index
    %swap3A_799 = tpu.vector_load %arg6[%swap3A_797, %swap3A_798] {strides = array<i32>} : memref<16x128xi32, #tpu.memory_space<vmem>>, vector<1x16xi32>,
    %swap3A_800 = vector.shape_cast %swap3A_799 : vector<1x16xi32> to vector<16xi32>
    %swap3A_801 = vector.shape_cast %add3A_795 : vector<16xi32> to vector<1x16xi32>
    tpu.vector_store %arg6[%swap3A_797, %swap3A_798], %swap3A_801 {strides = array<i32>} : memref<16x128xi32, #tpu.memory_space<vmem>>, vector<1x16xi32>,
    %swap3A_802 = arith.constant 1232 : index
    %swap3A_803 = tpu.vector_load %arg7[%swap3A_802] {strides = array<i32>} : memref<4096xf32, #tpu.memory_space<vmem>>, vector<16xf32>,
    %swap3A_804 = vector.shape_cast %swap3A_803 : vector<16xf32> to vector<16xf32>
    %swap3A_805 = vector.shape_cast %broadcast_in_dim3A_46 : vector<16xf32> to vector<16xf32>
    tpu.vector_store %arg7[%swap3A_802], %swap3A_805 {strides = array<i32>} : memref<4096xf32, #tpu.memory_space<vmem>>, vector<16xf32>,
    %add3A_806 = arith.constant 512 : i32
    %add3A_807 = arith.addi %mul3A_32, %add3A_806 : i32
    %add3A_808 = arith.constant 96 : i32
    %add3A_809 = arith.addi %add3A_807, %add3A_808 : i32
    %add3A_810 = vector.broadcast %add3A_809 : i32 to vector<16xi32>
    %add3A_811 = arith.addi %add3A_810, %iota3A : vector<16xi32>
    %mul3A_812 = arith.constant 8192 : i32
    %mul3A_813 = vector.broadcast %mul3A_812 : i32 to vector<16xi32>
    %mul3A_814 = arith.muli %add3A_811, %mul3A_813 : vector<16xi32>
    %add3A_815 = arith.addi %mul3A_814, %add3A_45 : vector<16xi32>
    %swap3A_816 = arith.constant 4 : i32
    %swap3A_817 = arith.index_cast %swap3A_816 : i32 to index
    %swap3A_818 = arith.constant 96 : index
    %swap3A_819 = tpu.vector_load %arg6[%swap3A_817, %swap3A_818] {strides = array<i32>} : memref<16x128xi32, #tpu.memory_space<vmem>>, vector<1x16xi32>,
    %swap3A_820 = vector.shape_cast %swap3A_819 : vector<1x16xi32> to vector<16xi32>
    %swap3A_821 = vector.shape_cast %add3A_815 : vector<16xi32> to vector<1x16xi32>
    tpu.vector_store %arg6[%swap3A_817, %swap3A_818], %swap3A_821 {strides = array<i32>} : memref<16x128xi32, #tpu.memory_space<vmem>>, vector<1x16xi32>,
    %swap3A_822 = arith.constant 1248 : index
    %swap3A_823 = tpu.vector_load %arg7[%swap3A_822] {strides = array<i32>} : memref<4096xf32, #tpu.memory_space<vmem>>, vector<16xf32>,
    %swap3A_824 = vector.shape_cast %swap3A_823 : vector<16xf32> to vector<16xf32>
    %swap3A_825 = vector.shape_cast %broadcast_in_dim3A_46 : vector<16xf32> to vector<16xf32>
    tpu.vector_store %arg7[%swap3A_822], %swap3A_825 {strides = array<i32>} : memref<4096xf32, #tpu.memory_space<vmem>>, vector<16xf32>,
    %add3A_826 = arith.constant 512 : i32
    %add3A_827 = arith.addi %mul3A_32, %add3A_826 : i32
    %add3A_828 = arith.constant 112 : i32
    %add3A_829 = arith.addi %add3A_827, %add3A_828 : i32
    %add3A_830 = vector.broadcast %add3A_829 : i32 to vector<16xi32>
    %add3A_831 = arith.addi %add3A_830, %iota3A : vector<16xi32>
    %mul3A_832 = arith.constant 8192 : i32
    %mul3A_833 = vector.broadcast %mul3A_832 : i32 to vector<16xi32>
    %mul3A_834 = arith.muli %add3A_831, %mul3A_833 : vector<16xi32>
    %add3A_835 = arith.addi %mul3A_834, %add3A_45 : vector<16xi32>
    %swap3A_836 = arith.constant 4 : i32
    %swap3A_837 = arith.index_cast %swap3A_836 : i32 to index
    %swap3A_838 = arith.constant 112 : index
    %swap3A_839 = tpu.vector_load %arg6[%swap3A_837, %swap3A_838] {strides = array<i32>} : memref<16x128xi32, #tpu.memory_space<vmem>>, vector<1x16xi32>,
    %swap3A_840 = vector.shape_cast %swap3A_839 : vector<1x16xi32> to vector<16xi32>
    %swap3A_841 = vector.shape_cast %add3A_835 : vector<16xi32> to vector<1x16xi32>
    tpu.vector_store %arg6[%swap3A_837, %swap3A_838], %swap3A_841 {strides = array<i32>} : memref<16x128xi32, #tpu.memory_space<vmem>>, vector<1x16xi32>,
    %swap3A_842 = arith.constant 1264 : index
    %swap3A_843 = tpu.vector_load %arg7[%swap3A_842] {strides = array<i32>} : memref<4096xf32, #tpu.memory_space<vmem>>, vector<16xf32>,
    %swap3A_844 = vector.shape_cast %swap3A_843 : vector<16xf32> to vector<16xf32>
    %swap3A_845 = vector.shape_cast %broadcast_in_dim3A_46 : vector<16xf32> to vector<16xf32>
    tpu.vector_store %arg7[%swap3A_842], %swap3A_845 {strides = array<i32>} : memref<4096xf32, #tpu.memory_space<vmem>>, vector<16xf32>,
    %add3A_846 = arith.constant 640 : i32
    %add3A_847 = arith.addi %mul3A_32, %add3A_846 : i32
    %add3A_848 = arith.constant 0 : i32
    %add3A_849 = arith.addi %add3A_847, %add3A_848 : i32
    %add3A_850 = vector.broadcast %add3A_849 : i32 to vector<16xi32>
    %add3A_851 = arith.addi %add3A_850, %iota3A : vector<16xi32>
    %mul3A_852 = arith.constant 8192 : i32
    %mul3A_853 = vector.broadcast %mul3A_852 : i32 to vector<16xi32>
    %mul3A_854 = arith.muli %add3A_851, %mul3A_853 : vector<16xi32>
    %add3A_855 = arith.addi %mul3A_854, %add3A_45 : vector<16xi32>
    %swap3A_856 = arith.constant 5 : i32
    %swap3A_857 = arith.index_cast %swap3A_856 : i32 to index
    %swap3A_858 = arith.constant 0 : index
    %swap3A_859 = tpu.vector_load %arg6[%swap3A_857, %swap3A_858] {strides = array<i32>} : memref<16x128xi32, #tpu.memory_space<vmem>>, vector<1x16xi32>,
    %swap3A_860 = vector.shape_cast %swap3A_859 : vector<1x16xi32> to vector<16xi32>
    %swap3A_861 = vector.shape_cast %add3A_855 : vector<16xi32> to vector<1x16xi32>
    tpu.vector_store %arg6[%swap3A_857, %swap3A_858], %swap3A_861 {strides = array<i32>} : memref<16x128xi32, #tpu.memory_space<vmem>>, vector<1x16xi32>,
    %swap3A_862 = arith.constant 1408 : index
    %swap3A_863 = tpu.vector_load %arg7[%swap3A_862] {strides = array<i32>} : memref<4096xf32, #tpu.memory_space<vmem>>, vector<16xf32>,
    %swap3A_864 = vector.shape_cast %swap3A_863 : vector<16xf32> to vector<16xf32>
    %swap3A_865 = vector.shape_cast %broadcast_in_dim3A_46 : vector<16xf32> to vector<16xf32>
    tpu.vector_store %arg7[%swap3A_862], %swap3A_865 {strides = array<i32>} : memref<4096xf32, #tpu.memory_space<vmem>>, vector<16xf32>,
    %add3A_866 = arith.constant 640 : i32
    %add3A_867 = arith.addi %mul3A_32, %add3A_866 : i32
    %add3A_868 = arith.constant 16 : i32
    %add3A_869 = arith.addi %add3A_867, %add3A_868 : i32
    %add3A_870 = vector.broadcast %add3A_869 : i32 to vector<16xi32>
    %add3A_871 = arith.addi %add3A_870, %iota3A : vector<16xi32>
    %mul3A_872 = arith.constant 8192 : i32
    %mul3A_873 = vector.broadcast %mul3A_872 : i32 to vector<16xi32>
    %mul3A_874 = arith.muli %add3A_871, %mul3A_873 : vector<16xi32>
    %add3A_875 = arith.addi %mul3A_874, %add3A_45 : vector<16xi32>
    %swap3A_876 = arith.constant 5 : i32
    %swap3A_877 = arith.index_cast %swap3A_876 : i32 to index
    %swap3A_878 = arith.constant 16 : index
    %swap3A_879 = tpu.vector_load %arg6[%swap3A_877, %swap3A_878] {strides = array<i32>} : memref<16x128xi32, #tpu.memory_space<vmem>>, vector<1x16xi32>,
    %swap3A_880 = vector.shape_cast %swap3A_879 : vector<1x16xi32> to vector<16xi32>
    %swap3A_881 = vector.shape_cast %add3A_875 : vector<16xi32> to vector<1x16xi32>
    tpu.vector_store %arg6[%swap3A_877, %swap3A_878], %swap3A_881 {strides = array<i32>} : memref<16x128xi32, #tpu.memory_space<vmem>>, vector<1x16xi32>,
    %swap3A_882 = arith.constant 1424 : index
    %swap3A_883 = tpu.vector_load %arg7[%swap3A_882] {strides = array<i32>} : memref<4096xf32, #tpu.memory_space<vmem>>, vector<16xf32>,
    %swap3A_884 = vector.shape_cast %swap3A_883 : vector<16xf32> to vector<16xf32>
    %swap3A_885 = vector.shape_cast %broadcast_in_dim3A_46 : vector<16xf32> to vector<16xf32>
    tpu.vector_store %arg7[%swap3A_882], %swap3A_885 {strides = array<i32>} : memref<4096xf32, #tpu.memory_space<vmem>>, vector<16xf32>,
    %add3A_886 = arith.constant 640 : i32
    %add3A_887 = arith.addi %mul3A_32, %add3A_886 : i32
    %add3A_888 = arith.constant 32 : i32
    %add3A_889 = arith.addi %add3A_887, %add3A_888 : i32
    %add3A_890 = vector.broadcast %add3A_889 : i32 to vector<16xi32>
    %add3A_891 = arith.addi %add3A_890, %iota3A : vector<16xi32>
    %mul3A_892 = arith.constant 8192 : i32
    %mul3A_893 = vector.broadcast %mul3A_892 : i32 to vector<16xi32>
    %mul3A_894 = arith.muli %add3A_891, %mul3A_893 : vector<16xi32>
    %add3A_895 = arith.addi %mul3A_894, %add3A_45 : vector<16xi32>
    %swap3A_896 = arith.constant 5 : i32
    %swap3A_897 = arith.index_cast %swap3A_896 : i32 to index
    %swap3A_898 = arith.constant 32 : index
    %swap3A_899 = tpu.vector_load %arg6[%swap3A_897, %swap3A_898] {strides = array<i32>} : memref<16x128xi32, #tpu.memory_space<vmem>>, vector<1x16xi32>,
    %swap3A_900 = vector.shape_cast %swap3A_899 : vector<1x16xi32> to vector<16xi32>
    %swap3A_901 = vector.shape_cast %add3A_895 : vector<16xi32> to vector<1x16xi32>
    tpu.vector_store %arg6[%swap3A_897, %swap3A_898], %swap3A_901 {strides = array<i32>} : memref<16x128xi32, #tpu.memory_space<vmem>>, vector<1x16xi32>,
    %swap3A_902 = arith.constant 1440 : index
    %swap3A_903 = tpu.vector_load %arg7[%swap3A_902] {strides = array<i32>} : memref<4096xf32, #tpu.memory_space<vmem>>, vector<16xf32>,
    %swap3A_904 = vector.shape_cast %swap3A_903 : vector<16xf32> to vector<16xf32>
    %swap3A_905 = vector.shape_cast %broadcast_in_dim3A_46 : vector<16xf32> to vector<16xf32>
    tpu.vector_store %arg7[%swap3A_902], %swap3A_905 {strides = array<i32>} : memref<4096xf32, #tpu.memory_space<vmem>>, vector<16xf32>,
    %add3A_906 = arith.constant 640 : i32
    %add3A_907 = arith.addi %mul3A_32, %add3A_906 : i32
    %add3A_908 = arith.constant 48 : i32
    %add3A_909 = arith.addi %add3A_907, %add3A_908 : i32
    %add3A_910 = vector.broadcast %add3A_909 : i32 to vector<16xi32>
    %add3A_911 = arith.addi %add3A_910, %iota3A : vector<16xi32>
    %mul3A_912 = arith.constant 8192 : i32
    %mul3A_913 = vector.broadcast %mul3A_912 : i32 to vector<16xi32>
    %mul3A_914 = arith.muli %add3A_911, %mul3A_913 : vector<16xi32>
    %add3A_915 = arith.addi %mul3A_914, %add3A_45 : vector<16xi32>
    %swap3A_916 = arith.constant 5 : i32
    %swap3A_917 = arith.index_cast %swap3A_916 : i32 to index
    %swap3A_918 = arith.constant 48 : index
    %swap3A_919 = tpu.vector_load %arg6[%swap3A_917, %swap3A_918] {strides = array<i32>} : memref<16x128xi32, #tpu.memory_space<vmem>>, vector<1x16xi32>,
    %swap3A_920 = vector.shape_cast %swap3A_919 : vector<1x16xi32> to vector<16xi32>
    %swap3A_921 = vector.shape_cast %add3A_915 : vector<16xi32> to vector<1x16xi32>
    tpu.vector_store %arg6[%swap3A_917, %swap3A_918], %swap3A_921 {strides = array<i32>} : memref<16x128xi32, #tpu.memory_space<vmem>>, vector<1x16xi32>,
    %swap3A_922 = arith.constant 1456 : index
    %swap3A_923 = tpu.vector_load %arg7[%swap3A_922] {strides = array<i32>} : memref<4096xf32, #tpu.memory_space<vmem>>, vector<16xf32>,
    %swap3A_924 = vector.shape_cast %swap3A_923 : vector<16xf32> to vector<16xf32>
    %swap3A_925 = vector.shape_cast %broadcast_in_dim3A_46 : vector<16xf32> to vector<16xf32>
    tpu.vector_store %arg7[%swap3A_922], %swap3A_925 {strides = array<i32>} : memref<4096xf32, #tpu.memory_space<vmem>>, vector<16xf32>,
    %add3A_926 = arith.constant 640 : i32
    %add3A_927 = arith.addi %mul3A_32, %add3A_926 : i32
    %add3A_928 = arith.constant 64 : i32
    %add3A_929 = arith.addi %add3A_927, %add3A_928 : i32
    %add3A_930 = vector.broadcast %add3A_929 : i32 to vector<16xi32>
    %add3A_931 = arith.addi %add3A_930, %iota3A : vector<16xi32>
    %mul3A_932 = arith.constant 8192 : i32
    %mul3A_933 = vector.broadcast %mul3A_932 : i32 to vector<16xi32>
    %mul3A_934 = arith.muli %add3A_931, %mul3A_933 : vector<16xi32>
    %add3A_935 = arith.addi %mul3A_934, %add3A_45 : vector<16xi32>
    %swap3A_936 = arith.constant 5 : i32
    %swap3A_937 = arith.index_cast %swap3A_936 : i32 to index
    %swap3A_938 = arith.constant 64 : index
    %swap3A_939 = tpu.vector_load %arg6[%swap3A_937, %swap3A_938] {strides = array<i32>} : memref<16x128xi32, #tpu.memory_space<vmem>>, vector<1x16xi32>,
    %swap3A_940 = vector.shape_cast %swap3A_939 : vector<1x16xi32> to vector<16xi32>
    %swap3A_941 = vector.shape_cast %add3A_935 : vector<16xi32> to vector<1x16xi32>
    tpu.vector_store %arg6[%swap3A_937, %swap3A_938], %swap3A_941 {strides = array<i32>} : memref<16x128xi32, #tpu.memory_space<vmem>>, vector<1x16xi32>,
    %swap3A_942 = arith.constant 1472 : index
    %swap3A_943 = tpu.vector_load %arg7[%swap3A_942] {strides = array<i32>} : memref<4096xf32, #tpu.memory_space<vmem>>, vector<16xf32>,
    %swap3A_944 = vector.shape_cast %swap3A_943 : vector<16xf32> to vector<16xf32>
    %swap3A_945 = vector.shape_cast %broadcast_in_dim3A_46 : vector<16xf32> to vector<16xf32>
    tpu.vector_store %arg7[%swap3A_942], %swap3A_945 {strides = array<i32>} : memref<4096xf32, #tpu.memory_space<vmem>>, vector<16xf32>,
    %add3A_946 = arith.constant 640 : i32
    %add3A_947 = arith.addi %mul3A_32, %add3A_946 : i32
    %add3A_948 = arith.constant 80 : i32
    %add3A_949 = arith.addi %add3A_947, %add3A_948 : i32
    %add3A_950 = vector.broadcast %add3A_949 : i32 to vector<16xi32>
    %add3A_951 = arith.addi %add3A_950, %iota3A : vector<16xi32>
    %mul3A_952 = arith.constant 8192 : i32
    %mul3A_953 = vector.broadcast %mul3A_952 : i32 to vector<16xi32>
    %mul3A_954 = arith.muli %add3A_951, %mul3A_953 : vector<16xi32>
    %add3A_955 = arith.addi %mul3A_954, %add3A_45 : vector<16xi32>
    %swap3A_956 = arith.constant 5 : i32
    %swap3A_957 = arith.index_cast %swap3A_956 : i32 to index
    %swap3A_958 = arith.constant 80 : index
    %swap3A_959 = tpu.vector_load %arg6[%swap3A_957, %swap3A_958] {strides = array<i32>} : memref<16x128xi32, #tpu.memory_space<vmem>>, vector<1x16xi32>,
    %swap3A_960 = vector.shape_cast %swap3A_959 : vector<1x16xi32> to vector<16xi32>
    %swap3A_961 = vector.shape_cast %add3A_955 : vector<16xi32> to vector<1x16xi32>
    tpu.vector_store %arg6[%swap3A_957, %swap3A_958], %swap3A_961 {strides = array<i32>} : memref<16x128xi32, #tpu.memory_space<vmem>>, vector<1x16xi32>,
    %swap3A_962 = arith.constant 1488 : index
    %swap3A_963 = tpu.vector_load %arg7[%swap3A_962] {strides = array<i32>} : memref<4096xf32, #tpu.memory_space<vmem>>, vector<16xf32>,
    %swap3A_964 = vector.shape_cast %swap3A_963 : vector<16xf32> to vector<16xf32>
    %swap3A_965 = vector.shape_cast %broadcast_in_dim3A_46 : vector<16xf32> to vector<16xf32>
    tpu.vector_store %arg7[%swap3A_962], %swap3A_965 {strides = array<i32>} : memref<4096xf32, #tpu.memory_space<vmem>>, vector<16xf32>,
    %add3A_966 = arith.constant 640 : i32
    %add3A_967 = arith.addi %mul3A_32, %add3A_966 : i32
    %add3A_968 = arith.constant 96 : i32
    %add3A_969 = arith.addi %add3A_967, %add3A_968 : i32
    %add3A_970 = vector.broadcast %add3A_969 : i32 to vector<16xi32>
    %add3A_971 = arith.addi %add3A_970, %iota3A : vector<16xi32>
    %mul3A_972 = arith.constant 8192 : i32
    %mul3A_973 = vector.broadcast %mul3A_972 : i32 to vector<16xi32>
    %mul3A_974 = arith.muli %add3A_971, %mul3A_973 : vector<16xi32>
    %add3A_975 = arith.addi %mul3A_974, %add3A_45 : vector<16xi32>
    %swap3A_976 = arith.constant 5 : i32
    %swap3A_977 = arith.index_cast %swap3A_976 : i32 to index
    %swap3A_978 = arith.constant 96 : index
    %swap3A_979 = tpu.vector_load %arg6[%swap3A_977, %swap3A_978] {strides = array<i32>} : memref<16x128xi32, #tpu.memory_space<vmem>>, vector<1x16xi32>,
    %swap3A_980 = vector.shape_cast %swap3A_979 : vector<1x16xi32> to vector<16xi32>
    %swap3A_981 = vector.shape_cast %add3A_975 : vector<16xi32> to vector<1x16xi32>
    tpu.vector_store %arg6[%swap3A_977, %swap3A_978], %swap3A_981 {strides = array<i32>} : memref<16x128xi32, #tpu.memory_space<vmem>>, vector<1x16xi32>,
    %swap3A_982 = arith.constant 1504 : index
    %swap3A_983 = tpu.vector_load %arg7[%swap3A_982] {strides = array<i32>} : memref<4096xf32, #tpu.memory_space<vmem>>, vector<16xf32>,
    %swap3A_984 = vector.shape_cast %swap3A_983 : vector<16xf32> to vector<16xf32>
    %swap3A_985 = vector.shape_cast %broadcast_in_dim3A_46 : vector<16xf32> to vector<16xf32>
    tpu.vector_store %arg7[%swap3A_982], %swap3A_985 {strides = array<i32>} : memref<4096xf32, #tpu.memory_space<vmem>>, vector<16xf32>,
    %add3A_986 = arith.constant 640 : i32
    %add3A_987 = arith.addi %mul3A_32, %add3A_986 : i32
    %add3A_988 = arith.constant 112 : i32
    %add3A_989 = arith.addi %add3A_987, %add3A_988 : i32
    %add3A_990 = vector.broadcast %add3A_989 : i32 to vector<16xi32>
    %add3A_991 = arith.addi %add3A_990, %iota3A : vector<16xi32>
    %mul3A_992 = arith.constant 8192 : i32
    %mul3A_993 = vector.broadcast %mul3A_992 : i32 to vector<16xi32>
    %mul3A_994 = arith.muli %add3A_991, %mul3A_993 : vector<16xi32>
    %add3A_995 = arith.addi %mul3A_994, %add3A_45 : vector<16xi32>
    %swap3A_996 = arith.constant 5 : i32
    %swap3A_997 = arith.index_cast %swap3A_996 : i32 to index
    %swap3A_998 = arith.constant 112 : index
    %swap3A_999 = tpu.vector_load %arg6[%swap3A_997, %swap3A_998] {strides = array<i32>} : memref<16x128xi32, #tpu.memory_space<vmem>>, vector<1x16xi32>,
    %swap3A_1000 = vector.shape_cast %swap3A_999 : vector<1x16xi32> to vector<16xi32>
    %swap3A_1001 = vector.shape_cast %add3A_995 : vector<16xi32> to vector<1x16xi32>
    tpu.vector_store %arg6[%swap3A_997, %swap3A_998], %swap3A_1001 {strides = array<i32>} : memref<16x128xi32, #tpu.memory_space<vmem>>, vector<1x16xi32>,
    %swap3A_1002 = arith.constant 1520 : index
    %swap3A_1003 = tpu.vector_load %arg7[%swap3A_1002] {strides = array<i32>} : memref<4096xf32, #tpu.memory_space<vmem>>, vector<16xf32>,
    %swap3A_1004 = vector.shape_cast %swap3A_1003 : vector<16xf32> to vector<16xf32>
    %swap3A_1005 = vector.shape_cast %broadcast_in_dim3A_46 : vector<16xf32> to vector<16xf32>
    tpu.vector_store %arg7[%swap3A_1002], %swap3A_1005 {strides = array<i32>} : memref<4096xf32, #tpu.memory_space<vmem>>, vector<16xf32>,
    %add3A_1006 = arith.constant 768 : i32
    %add3A_1007 = arith.addi %mul3A_32, %add3A_1006 : i32
    %add3A_1008 = arith.constant 0 : i32
    %add3A_1009 = arith.addi %add3A_1007, %add3A_1008 : i32
    %add3A_1010 = vector.broadcast %add3A_1009 : i32 to vector<16xi32>
    %add3A_1011 = arith.addi %add3A_1010, %iota3A : vector<16xi32>
    %mul3A_1012 = arith.constant 8192 : i32
    %mul3A_1013 = vector.broadcast %mul3A_1012 : i32 to vector<16xi32>
    %mul3A_1014 = arith.muli %add3A_1011, %mul3A_1013 : vector<16xi32>
    %add3A_1015 = arith.addi %mul3A_1014, %add3A_45 : vector<16xi32>
    %swap3A_1016 = arith.constant 6 : i32
    %swap3A_1017 = arith.index_cast %swap3A_1016 : i32 to index
    %swap3A_1018 = arith.constant 0 : index
    %swap3A_1019 = tpu.vector_load %arg6[%swap3A_1017, %swap3A_1018] {strides = array<i32>} : memref<16x128xi32, #tpu.memory_space<vmem>>, vector<1x16xi32>,
    %swap3A_1020 = vector.shape_cast %swap3A_1019 : vector<1x16xi32> to vector<16xi32>
    %swap3A_1021 = vector.shape_cast %add3A_1015 : vector<16xi32> to vector<1x16xi32>
    tpu.vector_store %arg6[%swap3A_1017, %swap3A_1018], %swap3A_1021 {strides = array<i32>} : memref<16x128xi32, #tpu.memory_space<vmem>>, vector<1x16xi32>,
    %swap3A_1022 = arith.constant 1664 : index
    %swap3A_1023 = tpu.vector_load %arg7[%swap3A_1022] {strides = array<i32>} : memref<4096xf32, #tpu.memory_space<vmem>>, vector<16xf32>,
    %swap3A_1024 = vector.shape_cast %swap3A_1023 : vector<16xf32> to vector<16xf32>
    %swap3A_1025 = vector.shape_cast %broadcast_in_dim3A_46 : vector<16xf32> to vector<16xf32>
    tpu.vector_store %arg7[%swap3A_1022], %swap3A_1025 {strides = array<i32>} : memref<4096xf32, #tpu.memory_space<vmem>>, vector<16xf32>,
    %add3A_1026 = arith.constant 768 : i32
    %add3A_1027 = arith.addi %mul3A_32, %add3A_1026 : i32
    %add3A_1028 = arith.constant 16 : i32
    %add3A_1029 = arith.addi %add3A_1027, %add3A_1028 : i32
    %add3A_1030 = vector.broadcast %add3A_1029 : i32 to vector<16xi32>
    %add3A_1031 = arith.addi %add3A_1030, %iota3A : vector<16xi32>
    %mul3A_1032 = arith.constant 8192 : i32
    %mul3A_1033 = vector.broadcast %mul3A_1032 : i32 to vector<16xi32>
    %mul3A_1034 = arith.muli %add3A_1031, %mul3A_1033 : vector<16xi32>
    %add3A_1035 = arith.addi %mul3A_1034, %add3A_45 : vector<16xi32>
    %swap3A_1036 = arith.constant 6 : i32
    %swap3A_1037 = arith.index_cast %swap3A_1036 : i32 to index
    %swap3A_1038 = arith.constant 16 : index
    %swap3A_1039 = tpu.vector_load %arg6[%swap3A_1037, %swap3A_1038] {strides = array<i32>} : memref<16x128xi32, #tpu.memory_space<vmem>>, vector<1x16xi32>,
    %swap3A_1040 = vector.shape_cast %swap3A_1039 : vector<1x16xi32> to vector<16xi32>
    %swap3A_1041 = vector.shape_cast %add3A_1035 : vector<16xi32> to vector<1x16xi32>
    tpu.vector_store %arg6[%swap3A_1037, %swap3A_1038], %swap3A_1041 {strides = array<i32>} : memref<16x128xi32, #tpu.memory_space<vmem>>, vector<1x16xi32>,
    %swap3A_1042 = arith.constant 1680 : index
    %swap3A_1043 = tpu.vector_load %arg7[%swap3A_1042] {strides = array<i32>} : memref<4096xf32, #tpu.memory_space<vmem>>, vector<16xf32>,
    %swap3A_1044 = vector.shape_cast %swap3A_1043 : vector<16xf32> to vector<16xf32>
    %swap3A_1045 = vector.shape_cast %broadcast_in_dim3A_46 : vector<16xf32> to vector<16xf32>
    tpu.vector_store %arg7[%swap3A_1042], %swap3A_1045 {strides = array<i32>} : memref<4096xf32, #tpu.memory_space<vmem>>, vector<16xf32>,
    %add3A_1046 = arith.constant 768 : i32
    %add3A_1047 = arith.addi %mul3A_32, %add3A_1046 : i32
    %add3A_1048 = arith.constant 32 : i32
    %add3A_1049 = arith.addi %add3A_1047, %add3A_1048 : i32
    %add3A_1050 = vector.broadcast %add3A_1049 : i32 to vector<16xi32>
    %add3A_1051 = arith.addi %add3A_1050, %iota3A : vector<16xi32>
    %mul3A_1052 = arith.constant 8192 : i32
    %mul3A_1053 = vector.broadcast %mul3A_1052 : i32 to vector<16xi32>
    %mul3A_1054 = arith.muli %add3A_1051, %mul3A_1053 : vector<16xi32>
    %add3A_1055 = arith.addi %mul3A_1054, %add3A_45 : vector<16xi32>
    %swap3A_1056 = arith.constant 6 : i32
    %swap3A_1057 = arith.index_cast %swap3A_1056 : i32 to index
    %swap3A_1058 = arith.constant 32 : index
    %swap3A_1059 = tpu.vector_load %arg6[%swap3A_1057, %swap3A_1058] {strides = array<i32>} : memref<16x128xi32, #tpu.memory_space<vmem>>, vector<1x16xi32>,
    %swap3A_1060 = vector.shape_cast %swap3A_1059 : vector<1x16xi32> to vector<16xi32>
    %swap3A_1061 = vector.shape_cast %add3A_1055 : vector<16xi32> to vector<1x16xi32>
    tpu.vector_store %arg6[%swap3A_1057, %swap3A_1058], %swap3A_1061 {strides = array<i32>} : memref<16x128xi32, #tpu.memory_space<vmem>>, vector<1x16xi32>,
    %swap3A_1062 = arith.constant 1696 : index
    %swap3A_1063 = tpu.vector_load %arg7[%swap3A_1062] {strides = array<i32>} : memref<4096xf32, #tpu.memory_space<vmem>>, vector<16xf32>,
    %swap3A_1064 = vector.shape_cast %swap3A_1063 : vector<16xf32> to vector<16xf32>
    %swap3A_1065 = vector.shape_cast %broadcast_in_dim3A_46 : vector<16xf32> to vector<16xf32>
    tpu.vector_store %arg7[%swap3A_1062], %swap3A_1065 {strides = array<i32>} : memref<4096xf32, #tpu.memory_space<vmem>>, vector<16xf32>,
    %add3A_1066 = arith.constant 768 : i32
    %add3A_1067 = arith.addi %mul3A_32, %add3A_1066 : i32
    %add3A_1068 = arith.constant 48 : i32
    %add3A_1069 = arith.addi %add3A_1067, %add3A_1068 : i32
    %add3A_1070 = vector.broadcast %add3A_1069 : i32 to vector<16xi32>
    %add3A_1071 = arith.addi %add3A_1070, %iota3A : vector<16xi32>
    %mul3A_1072 = arith.constant 8192 : i32
    %mul3A_1073 = vector.broadcast %mul3A_1072 : i32 to vector<16xi32>
    %mul3A_1074 = arith.muli %add3A_1071, %mul3A_1073 : vector<16xi32>
    %add3A_1075 = arith.addi %mul3A_1074, %add3A_45 : vector<16xi32>
    %swap3A_1076 = arith.constant 6 : i32
    %swap3A_1077 = arith.index_cast %swap3A_1076 : i32 to index
    %swap3A_1078 = arith.constant 48 : index
    %swap3A_1079 = tpu.vector_load %arg6[%swap3A_1077, %swap3A_1078] {strides = array<i32>} : memref<16x128xi32, #tpu.memory_space<vmem>>, vector<1x16xi32>,
    %swap3A_1080 = vector.shape_cast %swap3A_1079 : vector<1x16xi32> to vector<16xi32>
    %swap3A_1081 = vector.shape_cast %add3A_1075 : vector<16xi32> to vector<1x16xi32>
    tpu.vector_store %arg6[%swap3A_1077, %swap3A_1078], %swap3A_1081 {strides = array<i32>} : memref<16x128xi32, #tpu.memory_space<vmem>>, vector<1x16xi32>,
    %swap3A_1082 = arith.constant 1712 : index
    %swap3A_1083 = tpu.vector_load %arg7[%swap3A_1082] {strides = array<i32>} : memref<4096xf32, #tpu.memory_space<vmem>>, vector<16xf32>,
    %swap3A_1084 = vector.shape_cast %swap3A_1083 : vector<16xf32> to vector<16xf32>
    %swap3A_1085 = vector.shape_cast %broadcast_in_dim3A_46 : vector<16xf32> to vector<16xf32>
    tpu.vector_store %arg7[%swap3A_1082], %swap3A_1085 {strides = array<i32>} : memref<4096xf32, #tpu.memory_space<vmem>>, vector<16xf32>,
    %add3A_1086 = arith.constant 768 : i32
    %add3A_1087 = arith.addi %mul3A_32, %add3A_1086 : i32
    %add3A_1088 = arith.constant 64 : i32
    %add3A_1089 = arith.addi %add3A_1087, %add3A_1088 : i32
    %add3A_1090 = vector.broadcast %add3A_1089 : i32 to vector<16xi32>
    %add3A_1091 = arith.addi %add3A_1090, %iota3A : vector<16xi32>
    %mul3A_1092 = arith.constant 8192 : i32
    %mul3A_1093 = vector.broadcast %mul3A_1092 : i32 to vector<16xi32>
    %mul3A_1094 = arith.muli %add3A_1091, %mul3A_1093 : vector<16xi32>
    %add3A_1095 = arith.addi %mul3A_1094, %add3A_45 : vector<16xi32>
    %swap3A_1096 = arith.constant 6 : i32
    %swap3A_1097 = arith.index_cast %swap3A_1096 : i32 to index
    %swap3A_1098 = arith.constant 64 : index
    %swap3A_1099 = tpu.vector_load %arg6[%swap3A_1097, %swap3A_1098] {strides = array<i32>} : memref<16x128xi32, #tpu.memory_space<vmem>>, vector<1x16xi32>,
    %swap3A_1100 = vector.shape_cast %swap3A_1099 : vector<1x16xi32> to vector<16xi32>
    %swap3A_1101 = vector.shape_cast %add3A_1095 : vector<16xi32> to vector<1x16xi32>
    tpu.vector_store %arg6[%swap3A_1097, %swap3A_1098], %swap3A_1101 {strides = array<i32>} : memref<16x128xi32, #tpu.memory_space<vmem>>, vector<1x16xi32>,
    %swap3A_1102 = arith.constant 1728 : index
    %swap3A_1103 = tpu.vector_load %arg7[%swap3A_1102] {strides = array<i32>} : memref<4096xf32, #tpu.memory_space<vmem>>, vector<16xf32>,
    %swap3A_1104 = vector.shape_cast %swap3A_1103 : vector<16xf32> to vector<16xf32>
    %swap3A_1105 = vector.shape_cast %broadcast_in_dim3A_46 : vector<16xf32> to vector<16xf32>
    tpu.vector_store %arg7[%swap3A_1102], %swap3A_1105 {strides = array<i32>} : memref<4096xf32, #tpu.memory_space<vmem>>, vector<16xf32>,
    %add3A_1106 = arith.constant 768 : i32
    %add3A_1107 = arith.addi %mul3A_32, %add3A_1106 : i32
    %add3A_1108 = arith.constant 80 : i32
    %add3A_1109 = arith.addi %add3A_1107, %add3A_1108 : i32
    %add3A_1110 = vector.broadcast %add3A_1109 : i32 to vector<16xi32>
    %add3A_1111 = arith.addi %add3A_1110, %iota3A : vector<16xi32>
    %mul3A_1112 = arith.constant 8192 : i32
    %mul3A_1113 = vector.broadcast %mul3A_1112 : i32 to vector<16xi32>
    %mul3A_1114 = arith.muli %add3A_1111, %mul3A_1113 : vector<16xi32>
    %add3A_1115 = arith.addi %mul3A_1114, %add3A_45 : vector<16xi32>
    %swap3A_1116 = arith.constant 6 : i32
    %swap3A_1117 = arith.index_cast %swap3A_1116 : i32 to index
    %swap3A_1118 = arith.constant 80 : index
    %swap3A_1119 = tpu.vector_load %arg6[%swap3A_1117, %swap3A_1118] {strides = array<i32>} : memref<16x128xi32, #tpu.memory_space<vmem>>, vector<1x16xi32>,
    %swap3A_1120 = vector.shape_cast %swap3A_1119 : vector<1x16xi32> to vector<16xi32>
    %swap3A_1121 = vector.shape_cast %add3A_1115 : vector<16xi32> to vector<1x16xi32>
    tpu.vector_store %arg6[%swap3A_1117, %swap3A_1118], %swap3A_1121 {strides = array<i32>} : memref<16x128xi32, #tpu.memory_space<vmem>>, vector<1x16xi32>,
    %swap3A_1122 = arith.constant 1744 : index
    %swap3A_1123 = tpu.vector_load %arg7[%swap3A_1122] {strides = array<i32>} : memref<4096xf32, #tpu.memory_space<vmem>>, vector<16xf32>,
    %swap3A_1124 = vector.shape_cast %swap3A_1123 : vector<16xf32> to vector<16xf32>
    %swap3A_1125 = vector.shape_cast %broadcast_in_dim3A_46 : vector<16xf32> to vector<16xf32>
    tpu.vector_store %arg7[%swap3A_1122], %swap3A_1125 {strides = array<i32>} : memref<4096xf32, #tpu.memory_space<vmem>>, vector<16xf32>,
    %add3A_1126 = arith.constant 768 : i32
    %add3A_1127 = arith.addi %mul3A_32, %add3A_1126 : i32
    %add3A_1128 = arith.constant 96 : i32
    %add3A_1129 = arith.addi %add3A_1127, %add3A_1128 : i32
    %add3A_1130 = vector.broadcast %add3A_1129 : i32 to vector<16xi32>
    %add3A_1131 = arith.addi %add3A_1130, %iota3A : vector<16xi32>
    %mul3A_1132 = arith.constant 8192 : i32
    %mul3A_1133 = vector.broadcast %mul3A_1132 : i32 to vector<16xi32>
    %mul3A_1134 = arith.muli %add3A_1131, %mul3A_1133 : vector<16xi32>
    %add3A_1135 = arith.addi %mul3A_1134, %add3A_45 : vector<16xi32>
    %swap3A_1136 = arith.constant 6 : i32
    %swap3A_1137 = arith.index_cast %swap3A_1136 : i32 to index
    %swap3A_1138 = arith.constant 96 : index
    %swap3A_1139 = tpu.vector_load %arg6[%swap3A_1137, %swap3A_1138] {strides = array<i32>} : memref<16x128xi32, #tpu.memory_space<vmem>>, vector<1x16xi32>,
    %swap3A_1140 = vector.shape_cast %swap3A_1139 : vector<1x16xi32> to vector<16xi32>
    %swap3A_1141 = vector.shape_cast %add3A_1135 : vector<16xi32> to vector<1x16xi32>
    tpu.vector_store %arg6[%swap3A_1137, %swap3A_1138], %swap3A_1141 {strides = array<i32>} : memref<16x128xi32, #tpu.memory_space<vmem>>, vector<1x16xi32>,
    %swap3A_1142 = arith.constant 1760 : index
    %swap3A_1143 = tpu.vector_load %arg7[%swap3A_1142] {strides = array<i32>} : memref<4096xf32, #tpu.memory_space<vmem>>, vector<16xf32>,
    %swap3A_1144 = vector.shape_cast %swap3A_1143 : vector<16xf32> to vector<16xf32>
    %swap3A_1145 = vector.shape_cast %broadcast_in_dim3A_46 : vector<16xf32> to vector<16xf32>
    tpu.vector_store %arg7[%swap3A_1142], %swap3A_1145 {strides = array<i32>} : memref<4096xf32, #tpu.memory_space<vmem>>, vector<16xf32>,
    %add3A_1146 = arith.constant 768 : i32
    %add3A_1147 = arith.addi %mul3A_32, %add3A_1146 : i32
    %add3A_1148 = arith.constant 112 : i32
    %add3A_1149 = arith.addi %add3A_1147, %add3A_1148 : i32
    %add3A_1150 = vector.broadcast %add3A_1149 : i32 to vector<16xi32>
    %add3A_1151 = arith.addi %add3A_1150, %iota3A : vector<16xi32>
    %mul3A_1152 = arith.constant 8192 : i32
    %mul3A_1153 = vector.broadcast %mul3A_1152 : i32 to vector<16xi32>
    %mul3A_1154 = arith.muli %add3A_1151, %mul3A_1153 : vector<16xi32>
    %add3A_1155 = arith.addi %mul3A_1154, %add3A_45 : vector<16xi32>
    %swap3A_1156 = arith.constant 6 : i32
    %swap3A_1157 = arith.index_cast %swap3A_1156 : i32 to index
    %swap3A_1158 = arith.constant 112 : index
    %swap3A_1159 = tpu.vector_load %arg6[%swap3A_1157, %swap3A_1158] {strides = array<i32>} : memref<16x128xi32, #tpu.memory_space<vmem>>, vector<1x16xi32>,
    %swap3A_1160 = vector.shape_cast %swap3A_1159 : vector<1x16xi32> to vector<16xi32>
    %swap3A_1161 = vector.shape_cast %add3A_1155 : vector<16xi32> to vector<1x16xi32>
    tpu.vector_store %arg6[%swap3A_1157, %swap3A_1158], %swap3A_1161 {strides = array<i32>} : memref<16x128xi32, #tpu.memory_space<vmem>>, vector<1x16xi32>,
    %swap3A_1162 = arith.constant 1776 : index
    %swap3A_1163 = tpu.vector_load %arg7[%swap3A_1162] {strides = array<i32>} : memref<4096xf32, #tpu.memory_space<vmem>>, vector<16xf32>,
    %swap3A_1164 = vector.shape_cast %swap3A_1163 : vector<16xf32> to vector<16xf32>
    %swap3A_1165 = vector.shape_cast %broadcast_in_dim3A_46 : vector<16xf32> to vector<16xf32>
    tpu.vector_store %arg7[%swap3A_1162], %swap3A_1165 {strides = array<i32>} : memref<4096xf32, #tpu.memory_space<vmem>>, vector<16xf32>,
    %add3A_1166 = arith.constant 896 : i32
    %add3A_1167 = arith.addi %mul3A_32, %add3A_1166 : i32
    %add3A_1168 = arith.constant 0 : i32
    %add3A_1169 = arith.addi %add3A_1167, %add3A_1168 : i32
    %add3A_1170 = vector.broadcast %add3A_1169 : i32 to vector<16xi32>
    %add3A_1171 = arith.addi %add3A_1170, %iota3A : vector<16xi32>
    %mul3A_1172 = arith.constant 8192 : i32
    %mul3A_1173 = vector.broadcast %mul3A_1172 : i32 to vector<16xi32>
    %mul3A_1174 = arith.muli %add3A_1171, %mul3A_1173 : vector<16xi32>
    %add3A_1175 = arith.addi %mul3A_1174, %add3A_45 : vector<16xi32>
    %swap3A_1176 = arith.constant 7 : i32
    %swap3A_1177 = arith.index_cast %swap3A_1176 : i32 to index
    %swap3A_1178 = arith.constant 0 : index
    %swap3A_1179 = tpu.vector_load %arg6[%swap3A_1177, %swap3A_1178] {strides = array<i32>} : memref<16x128xi32, #tpu.memory_space<vmem>>, vector<1x16xi32>,
    %swap3A_1180 = vector.shape_cast %swap3A_1179 : vector<1x16xi32> to vector<16xi32>
    %swap3A_1181 = vector.shape_cast %add3A_1175 : vector<16xi32> to vector<1x16xi32>
    tpu.vector_store %arg6[%swap3A_1177, %swap3A_1178], %swap3A_1181 {strides = array<i32>} : memref<16x128xi32, #tpu.memory_space<vmem>>, vector<1x16xi32>,
    %swap3A_1182 = arith.constant 1920 : index
    %swap3A_1183 = tpu.vector_load %arg7[%swap3A_1182] {strides = array<i32>} : memref<4096xf32, #tpu.memory_space<vmem>>, vector<16xf32>,
    %swap3A_1184 = vector.shape_cast %swap3A_1183 : vector<16xf32> to vector<16xf32>
    %swap3A_1185 = vector.shape_cast %broadcast_in_dim3A_46 : vector<16xf32> to vector<16xf32>
    tpu.vector_store %arg7[%swap3A_1182], %swap3A_1185 {strides = array<i32>} : memref<4096xf32, #tpu.memory_space<vmem>>, vector<16xf32>,
    %add3A_1186 = arith.constant 896 : i32
    %add3A_1187 = arith.addi %mul3A_32, %add3A_1186 : i32
    %add3A_1188 = arith.constant 16 : i32
    %add3A_1189 = arith.addi %add3A_1187, %add3A_1188 : i32
    %add3A_1190 = vector.broadcast %add3A_1189 : i32 to vector<16xi32>
    %add3A_1191 = arith.addi %add3A_1190, %iota3A : vector<16xi32>
    %mul3A_1192 = arith.constant 8192 : i32
    %mul3A_1193 = vector.broadcast %mul3A_1192 : i32 to vector<16xi32>
    %mul3A_1194 = arith.muli %add3A_1191, %mul3A_1193 : vector<16xi32>
    %add3A_1195 = arith.addi %mul3A_1194, %add3A_45 : vector<16xi32>
    %swap3A_1196 = arith.constant 7 : i32
    %swap3A_1197 = arith.index_cast %swap3A_1196 : i32 to index
    %swap3A_1198 = arith.constant 16 : index
    %swap3A_1199 = tpu.vector_load %arg6[%swap3A_1197, %swap3A_1198] {strides = array<i32>} : memref<16x128xi32, #tpu.memory_space<vmem>>, vector<1x16xi32>,
    %swap3A_1200 = vector.shape_cast %swap3A_1199 : vector<1x16xi32> to vector<16xi32>
    %swap3A_1201 = vector.shape_cast %add3A_1195 : vector<16xi32> to vector<1x16xi32>
    tpu.vector_store %arg6[%swap3A_1197, %swap3A_1198], %swap3A_1201 {strides = array<i32>} : memref<16x128xi32, #tpu.memory_space<vmem>>, vector<1x16xi32>,
    %swap3A_1202 = arith.constant 1936 : index
    %swap3A_1203 = tpu.vector_load %arg7[%swap3A_1202] {strides = array<i32>} : memref<4096xf32, #tpu.memory_space<vmem>>, vector<16xf32>,
    %swap3A_1204 = vector.shape_cast %swap3A_1203 : vector<16xf32> to vector<16xf32>
    %swap3A_1205 = vector.shape_cast %broadcast_in_dim3A_46 : vector<16xf32> to vector<16xf32>
    tpu.vector_store %arg7[%swap3A_1202], %swap3A_1205 {strides = array<i32>} : memref<4096xf32, #tpu.memory_space<vmem>>, vector<16xf32>,
    %add3A_1206 = arith.constant 896 : i32
    %add3A_1207 = arith.addi %mul3A_32, %add3A_1206 : i32
    %add3A_1208 = arith.constant 32 : i32
    %add3A_1209 = arith.addi %add3A_1207, %add3A_1208 : i32
    %add3A_1210 = vector.broadcast %add3A_1209 : i32 to vector<16xi32>
    %add3A_1211 = arith.addi %add3A_1210, %iota3A : vector<16xi32>
    %mul3A_1212 = arith.constant 8192 : i32
    %mul3A_1213 = vector.broadcast %mul3A_1212 : i32 to vector<16xi32>
    %mul3A_1214 = arith.muli %add3A_1211, %mul3A_1213 : vector<16xi32>
    %add3A_1215 = arith.addi %mul3A_1214, %add3A_45 : vector<16xi32>
    %swap3A_1216 = arith.constant 7 : i32
    %swap3A_1217 = arith.index_cast %swap3A_1216 : i32 to index
    %swap3A_1218 = arith.constant 32 : index
    %swap3A_1219 = tpu.vector_load %arg6[%swap3A_1217, %swap3A_1218] {strides = array<i32>} : memref<16x128xi32, #tpu.memory_space<vmem>>, vector<1x16xi32>,
    %swap3A_1220 = vector.shape_cast %swap3A_1219 : vector<1x16xi32> to vector<16xi32>
    %swap3A_1221 = vector.shape_cast %add3A_1215 : vector<16xi32> to vector<1x16xi32>
    tpu.vector_store %arg6[%swap3A_1217, %swap3A_1218], %swap3A_1221 {strides = array<i32>} : memref<16x128xi32, #tpu.memory_space<vmem>>, vector<1x16xi32>,
    %swap3A_1222 = arith.constant 1952 : index
    %swap3A_1223 = tpu.vector_load %arg7[%swap3A_1222] {strides = array<i32>} : memref<4096xf32, #tpu.memory_space<vmem>>, vector<16xf32>,
    %swap3A_1224 = vector.shape_cast %swap3A_1223 : vector<16xf32> to vector<16xf32>
    %swap3A_1225 = vector.shape_cast %broadcast_in_dim3A_46 : vector<16xf32> to vector<16xf32>
    tpu.vector_store %arg7[%swap3A_1222], %swap3A_1225 {strides = array<i32>} : memref<4096xf32, #tpu.memory_space<vmem>>, vector<16xf32>,
    %add3A_1226 = arith.constant 896 : i32
    %add3A_1227 = arith.addi %mul3A_32, %add3A_1226 : i32
    %add3A_1228 = arith.constant 48 : i32
    %add3A_1229 = arith.addi %add3A_1227, %add3A_1228 : i32
    %add3A_1230 = vector.broadcast %add3A_1229 : i32 to vector<16xi32>
    %add3A_1231 = arith.addi %add3A_1230, %iota3A : vector<16xi32>
    %mul3A_1232 = arith.constant 8192 : i32
    %mul3A_1233 = vector.broadcast %mul3A_1232 : i32 to vector<16xi32>
    %mul3A_1234 = arith.muli %add3A_1231, %mul3A_1233 : vector<16xi32>
    %add3A_1235 = arith.addi %mul3A_1234, %add3A_45 : vector<16xi32>
    %swap3A_1236 = arith.constant 7 : i32
    %swap3A_1237 = arith.index_cast %swap3A_1236 : i32 to index
    %swap3A_1238 = arith.constant 48 : index
    %swap3A_1239 = tpu.vector_load %arg6[%swap3A_1237, %swap3A_1238] {strides = array<i32>} : memref<16x128xi32, #tpu.memory_space<vmem>>, vector<1x16xi32>,
    %swap3A_1240 = vector.shape_cast %swap3A_1239 : vector<1x16xi32> to vector<16xi32>
    %swap3A_1241 = vector.shape_cast %add3A_1235 : vector<16xi32> to vector<1x16xi32>
    tpu.vector_store %arg6[%swap3A_1237, %swap3A_1238], %swap3A_1241 {strides = array<i32>} : memref<16x128xi32, #tpu.memory_space<vmem>>, vector<1x16xi32>,
    %swap3A_1242 = arith.constant 1968 : index
    %swap3A_1243 = tpu.vector_load %arg7[%swap3A_1242] {strides = array<i32>} : memref<4096xf32, #tpu.memory_space<vmem>>, vector<16xf32>,
    %swap3A_1244 = vector.shape_cast %swap3A_1243 : vector<16xf32> to vector<16xf32>
    %swap3A_1245 = vector.shape_cast %broadcast_in_dim3A_46 : vector<16xf32> to vector<16xf32>
    tpu.vector_store %arg7[%swap3A_1242], %swap3A_1245 {strides = array<i32>} : memref<4096xf32, #tpu.memory_space<vmem>>, vector<16xf32>,
    %add3A_1246 = arith.constant 896 : i32
    %add3A_1247 = arith.addi %mul3A_32, %add3A_1246 : i32
    %add3A_1248 = arith.constant 64 : i32
    %add3A_1249 = arith.addi %add3A_1247, %add3A_1248 : i32
    %add3A_1250 = vector.broadcast %add3A_1249 : i32 to vector<16xi32>
    %add3A_1251 = arith.addi %add3A_1250, %iota3A : vector<16xi32>
    %mul3A_1252 = arith.constant 8192 : i32
    %mul3A_1253 = vector.broadcast %mul3A_1252 : i32 to vector<16xi32>
    %mul3A_1254 = arith.muli %add3A_1251, %mul3A_1253 : vector<16xi32>
    %add3A_1255 = arith.addi %mul3A_1254, %add3A_45 : vector<16xi32>
    %swap3A_1256 = arith.constant 7 : i32
    %swap3A_1257 = arith.index_cast %swap3A_1256 : i32 to index
    %swap3A_1258 = arith.constant 64 : index
    %swap3A_1259 = tpu.vector_load %arg6[%swap3A_1257, %swap3A_1258] {strides = array<i32>} : memref<16x128xi32, #tpu.memory_space<vmem>>, vector<1x16xi32>,
    %swap3A_1260 = vector.shape_cast %swap3A_1259 : vector<1x16xi32> to vector<16xi32>
    %swap3A_1261 = vector.shape_cast %add3A_1255 : vector<16xi32> to vector<1x16xi32>
    tpu.vector_store %arg6[%swap3A_1257, %swap3A_1258], %swap3A_1261 {strides = array<i32>} : memref<16x128xi32, #tpu.memory_space<vmem>>, vector<1x16xi32>,
    %swap3A_1262 = arith.constant 1984 : index
    %swap3A_1263 = tpu.vector_load %arg7[%swap3A_1262] {strides = array<i32>} : memref<4096xf32, #tpu.memory_space<vmem>>, vector<16xf32>,
    %swap3A_1264 = vector.shape_cast %swap3A_1263 : vector<16xf32> to vector<16xf32>
    %swap3A_1265 = vector.shape_cast %broadcast_in_dim3A_46 : vector<16xf32> to vector<16xf32>
    tpu.vector_store %arg7[%swap3A_1262], %swap3A_1265 {strides = array<i32>} : memref<4096xf32, #tpu.memory_space<vmem>>, vector<16xf32>,
    %add3A_1266 = arith.constant 896 : i32
    %add3A_1267 = arith.addi %mul3A_32, %add3A_1266 : i32
    %add3A_1268 = arith.constant 80 : i32
    %add3A_1269 = arith.addi %add3A_1267, %add3A_1268 : i32
    %add3A_1270 = vector.broadcast %add3A_1269 : i32 to vector<16xi32>
    %add3A_1271 = arith.addi %add3A_1270, %iota3A : vector<16xi32>
    %mul3A_1272 = arith.constant 8192 : i32
    %mul3A_1273 = vector.broadcast %mul3A_1272 : i32 to vector<16xi32>
    %mul3A_1274 = arith.muli %add3A_1271, %mul3A_1273 : vector<16xi32>
    %add3A_1275 = arith.addi %mul3A_1274, %add3A_45 : vector<16xi32>
    %swap3A_1276 = arith.constant 7 : i32
    %swap3A_1277 = arith.index_cast %swap3A_1276 : i32 to index
    %swap3A_1278 = arith.constant 80 : index
    %swap3A_1279 = tpu.vector_load %arg6[%swap3A_1277, %swap3A_1278] {strides = array<i32>} : memref<16x128xi32, #tpu.memory_space<vmem>>, vector<1x16xi32>,
    %swap3A_1280 = vector.shape_cast %swap3A_1279 : vector<1x16xi32> to vector<16xi32>
    %swap3A_1281 = vector.shape_cast %add3A_1275 : vector<16xi32> to vector<1x16xi32>
    tpu.vector_store %arg6[%swap3A_1277, %swap3A_1278], %swap3A_1281 {strides = array<i32>} : memref<16x128xi32, #tpu.memory_space<vmem>>, vector<1x16xi32>,
    %swap3A_1282 = arith.constant 2000 : index
    %swap3A_1283 = tpu.vector_load %arg7[%swap3A_1282] {strides = array<i32>} : memref<4096xf32, #tpu.memory_space<vmem>>, vector<16xf32>,
    %swap3A_1284 = vector.shape_cast %swap3A_1283 : vector<16xf32> to vector<16xf32>
    %swap3A_1285 = vector.shape_cast %broadcast_in_dim3A_46 : vector<16xf32> to vector<16xf32>
    tpu.vector_store %arg7[%swap3A_1282], %swap3A_1285 {strides = array<i32>} : memref<4096xf32, #tpu.memory_space<vmem>>, vector<16xf32>,
    %add3A_1286 = arith.constant 896 : i32
    %add3A_1287 = arith.addi %mul3A_32, %add3A_1286 : i32
    %add3A_1288 = arith.constant 96 : i32
    %add3A_1289 = arith.addi %add3A_1287, %add3A_1288 : i32
    %add3A_1290 = vector.broadcast %add3A_1289 : i32 to vector<16xi32>
    %add3A_1291 = arith.addi %add3A_1290, %iota3A : vector<16xi32>
    %mul3A_1292 = arith.constant 8192 : i32
    %mul3A_1293 = vector.broadcast %mul3A_1292 : i32 to vector<16xi32>
    %mul3A_1294 = arith.muli %add3A_1291, %mul3A_1293 : vector<16xi32>
    %add3A_1295 = arith.addi %mul3A_1294, %add3A_45 : vector<16xi32>
    %swap3A_1296 = arith.constant 7 : i32
    %swap3A_1297 = arith.index_cast %swap3A_1296 : i32 to index
    %swap3A_1298 = arith.constant 96 : index
    %swap3A_1299 = tpu.vector_load %arg6[%swap3A_1297, %swap3A_1298] {strides = array<i32>} : memref<16x128xi32, #tpu.memory_space<vmem>>, vector<1x16xi32>,
    %swap3A_1300 = vector.shape_cast %swap3A_1299 : vector<1x16xi32> to vector<16xi32>
    %swap3A_1301 = vector.shape_cast %add3A_1295 : vector<16xi32> to vector<1x16xi32>
    tpu.vector_store %arg6[%swap3A_1297, %swap3A_1298], %swap3A_1301 {strides = array<i32>} : memref<16x128xi32, #tpu.memory_space<vmem>>, vector<1x16xi32>,
    %swap3A_1302 = arith.constant 2016 : index
    %swap3A_1303 = tpu.vector_load %arg7[%swap3A_1302] {strides = array<i32>} : memref<4096xf32, #tpu.memory_space<vmem>>, vector<16xf32>,
    %swap3A_1304 = vector.shape_cast %swap3A_1303 : vector<16xf32> to vector<16xf32>
    %swap3A_1305 = vector.shape_cast %broadcast_in_dim3A_46 : vector<16xf32> to vector<16xf32>
    tpu.vector_store %arg7[%swap3A_1302], %swap3A_1305 {strides = array<i32>} : memref<4096xf32, #tpu.memory_space<vmem>>, vector<16xf32>,
    %add3A_1306 = arith.constant 896 : i32
    %add3A_1307 = arith.addi %mul3A_32, %add3A_1306 : i32
    %add3A_1308 = arith.constant 112 : i32
    %add3A_1309 = arith.addi %add3A_1307, %add3A_1308 : i32
    %add3A_1310 = vector.broadcast %add3A_1309 : i32 to vector<16xi32>
    %add3A_1311 = arith.addi %add3A_1310, %iota3A : vector<16xi32>
    %mul3A_1312 = arith.constant 8192 : i32
    %mul3A_1313 = vector.broadcast %mul3A_1312 : i32 to vector<16xi32>
    %mul3A_1314 = arith.muli %add3A_1311, %mul3A_1313 : vector<16xi32>
    %add3A_1315 = arith.addi %mul3A_1314, %add3A_45 : vector<16xi32>
    %swap3A_1316 = arith.constant 7 : i32
    %swap3A_1317 = arith.index_cast %swap3A_1316 : i32 to index
    %swap3A_1318 = arith.constant 112 : index
    %swap3A_1319 = tpu.vector_load %arg6[%swap3A_1317, %swap3A_1318] {strides = array<i32>} : memref<16x128xi32, #tpu.memory_space<vmem>>, vector<1x16xi32>,
    %swap3A_1320 = vector.shape_cast %swap3A_1319 : vector<1x16xi32> to vector<16xi32>
    %swap3A_1321 = vector.shape_cast %add3A_1315 : vector<16xi32> to vector<1x16xi32>
    tpu.vector_store %arg6[%swap3A_1317, %swap3A_1318], %swap3A_1321 {strides = array<i32>} : memref<16x128xi32, #tpu.memory_space<vmem>>, vector<1x16xi32>,
    %swap3A_1322 = arith.constant 2032 : index
    %swap3A_1323 = tpu.vector_load %arg7[%swap3A_1322] {strides = array<i32>} : memref<4096xf32, #tpu.memory_space<vmem>>, vector<16xf32>,
    %swap3A_1324 = vector.shape_cast %swap3A_1323 : vector<16xf32> to vector<16xf32>
    %swap3A_1325 = vector.shape_cast %broadcast_in_dim3A_46 : vector<16xf32> to vector<16xf32>
    tpu.vector_store %arg7[%swap3A_1322], %swap3A_1325 {strides = array<i32>} : memref<4096xf32, #tpu.memory_space<vmem>>, vector<16xf32>,
    %add3A_1326 = arith.constant 1024 : i32
    %add3A_1327 = arith.addi %mul3A_32, %add3A_1326 : i32
    %add3A_1328 = arith.constant 0 : i32
    %add3A_1329 = arith.addi %add3A_1327, %add3A_1328 : i32
    %add3A_1330 = vector.broadcast %add3A_1329 : i32 to vector<16xi32>
    %add3A_1331 = arith.addi %add3A_1330, %iota3A : vector<16xi32>
    %mul3A_1332 = arith.constant 8192 : i32
    %mul3A_1333 = vector.broadcast %mul3A_1332 : i32 to vector<16xi32>
    %mul3A_1334 = arith.muli %add3A_1331, %mul3A_1333 : vector<16xi32>
    %add3A_1335 = arith.addi %mul3A_1334, %add3A_45 : vector<16xi32>
    %swap3A_1336 = arith.constant 8 : i32
    %swap3A_1337 = arith.index_cast %swap3A_1336 : i32 to index
    %swap3A_1338 = arith.constant 0 : index
    %swap3A_1339 = tpu.vector_load %arg6[%swap3A_1337, %swap3A_1338] {strides = array<i32>} : memref<16x128xi32, #tpu.memory_space<vmem>>, vector<1x16xi32>,
    %swap3A_1340 = vector.shape_cast %swap3A_1339 : vector<1x16xi32> to vector<16xi32>
    %swap3A_1341 = vector.shape_cast %add3A_1335 : vector<16xi32> to vector<1x16xi32>
    tpu.vector_store %arg6[%swap3A_1337, %swap3A_1338], %swap3A_1341 {strides = array<i32>} : memref<16x128xi32, #tpu.memory_space<vmem>>, vector<1x16xi32>,
    %swap3A_1342 = arith.constant 2176 : index
    %swap3A_1343 = tpu.vector_load %arg7[%swap3A_1342] {strides = array<i32>} : memref<4096xf32, #tpu.memory_space<vmem>>, vector<16xf32>,
    %swap3A_1344 = vector.shape_cast %swap3A_1343 : vector<16xf32> to vector<16xf32>
    %swap3A_1345 = vector.shape_cast %broadcast_in_dim3A_46 : vector<16xf32> to vector<16xf32>
    tpu.vector_store %arg7[%swap3A_1342], %swap3A_1345 {strides = array<i32>} : memref<4096xf32, #tpu.memory_space<vmem>>, vector<16xf32>,
    %add3A_1346 = arith.constant 1024 : i32
    %add3A_1347 = arith.addi %mul3A_32, %add3A_1346 : i32
    %add3A_1348 = arith.constant 16 : i32
    %add3A_1349 = arith.addi %add3A_1347, %add3A_1348 : i32
    %add3A_1350 = vector.broadcast %add3A_1349 : i32 to vector<16xi32>
    %add3A_1351 = arith.addi %add3A_1350, %iota3A : vector<16xi32>
    %mul3A_1352 = arith.constant 8192 : i32
    %mul3A_1353 = vector.broadcast %mul3A_1352 : i32 to vector<16xi32>
    %mul3A_1354 = arith.muli %add3A_1351, %mul3A_1353 : vector<16xi32>
    %add3A_1355 = arith.addi %mul3A_1354, %add3A_45 : vector<16xi32>
    %swap3A_1356 = arith.constant 8 : i32
    %swap3A_1357 = arith.index_cast %swap3A_1356 : i32 to index
    %swap3A_1358 = arith.constant 16 : index
    %swap3A_1359 = tpu.vector_load %arg6[%swap3A_1357, %swap3A_1358] {strides = array<i32>} : memref<16x128xi32, #tpu.memory_space<vmem>>, vector<1x16xi32>,
    %swap3A_1360 = vector.shape_cast %swap3A_1359 : vector<1x16xi32> to vector<16xi32>
    %swap3A_1361 = vector.shape_cast %add3A_1355 : vector<16xi32> to vector<1x16xi32>
    tpu.vector_store %arg6[%swap3A_1357, %swap3A_1358], %swap3A_1361 {strides = array<i32>} : memref<16x128xi32, #tpu.memory_space<vmem>>, vector<1x16xi32>,
    %swap3A_1362 = arith.constant 2192 : index
    %swap3A_1363 = tpu.vector_load %arg7[%swap3A_1362] {strides = array<i32>} : memref<4096xf32, #tpu.memory_space<vmem>>, vector<16xf32>,
    %swap3A_1364 = vector.shape_cast %swap3A_1363 : vector<16xf32> to vector<16xf32>
    %swap3A_1365 = vector.shape_cast %broadcast_in_dim3A_46 : vector<16xf32> to vector<16xf32>
    tpu.vector_store %arg7[%swap3A_1362], %swap3A_1365 {strides = array<i32>} : memref<4096xf32, #tpu.memory_space<vmem>>, vector<16xf32>,
    %add3A_1366 = arith.constant 1024 : i32
    %add3A_1367 = arith.addi %mul3A_32, %add3A_1366 : i32
    %add3A_1368 = arith.constant 32 : i32
    %add3A_1369 = arith.addi %add3A_1367, %add3A_1368 : i32
    %add3A_1370 = vector.broadcast %add3A_1369 : i32 to vector<16xi32>
    %add3A_1371 = arith.addi %add3A_1370, %iota3A : vector<16xi32>
    %mul3A_1372 = arith.constant 8192 : i32
    %mul3A_1373 = vector.broadcast %mul3A_1372 : i32 to vector<16xi32>
    %mul3A_1374 = arith.muli %add3A_1371, %mul3A_1373 : vector<16xi32>
    %add3A_1375 = arith.addi %mul3A_1374, %add3A_45 : vector<16xi32>
    %swap3A_1376 = arith.constant 8 : i32
    %swap3A_1377 = arith.index_cast %swap3A_1376 : i32 to index
    %swap3A_1378 = arith.constant 32 : index
    %swap3A_1379 = tpu.vector_load %arg6[%swap3A_1377, %swap3A_1378] {strides = array<i32>} : memref<16x128xi32, #tpu.memory_space<vmem>>, vector<1x16xi32>,
    %swap3A_1380 = vector.shape_cast %swap3A_1379 : vector<1x16xi32> to vector<16xi32>
    %swap3A_1381 = vector.shape_cast %add3A_1375 : vector<16xi32> to vector<1x16xi32>
    tpu.vector_store %arg6[%swap3A_1377, %swap3A_1378], %swap3A_1381 {strides = array<i32>} : memref<16x128xi32, #tpu.memory_space<vmem>>, vector<1x16xi32>,
    %swap3A_1382 = arith.constant 2208 : index
    %swap3A_1383 = tpu.vector_load %arg7[%swap3A_1382] {strides = array<i32>} : memref<4096xf32, #tpu.memory_space<vmem>>, vector<16xf32>,
    %swap3A_1384 = vector.shape_cast %swap3A_1383 : vector<16xf32> to vector<16xf32>
    %swap3A_1385 = vector.shape_cast %broadcast_in_dim3A_46 : vector<16xf32> to vector<16xf32>
    tpu.vector_store %arg7[%swap3A_1382], %swap3A_1385 {strides = array<i32>} : memref<4096xf32, #tpu.memory_space<vmem>>, vector<16xf32>,
    %add3A_1386 = arith.constant 1024 : i32
    %add3A_1387 = arith.addi %mul3A_32, %add3A_1386 : i32
    %add3A_1388 = arith.constant 48 : i32
    %add3A_1389 = arith.addi %add3A_1387, %add3A_1388 : i32
    %add3A_1390 = vector.broadcast %add3A_1389 : i32 to vector<16xi32>
    %add3A_1391 = arith.addi %add3A_1390, %iota3A : vector<16xi32>
    %mul3A_1392 = arith.constant 8192 : i32
    %mul3A_1393 = vector.broadcast %mul3A_1392 : i32 to vector<16xi32>
    %mul3A_1394 = arith.muli %add3A_1391, %mul3A_1393 : vector<16xi32>
    %add3A_1395 = arith.addi %mul3A_1394, %add3A_45 : vector<16xi32>
    %swap3A_1396 = arith.constant 8 : i32
    %swap3A_1397 = arith.index_cast %swap3A_1396 : i32 to index
    %swap3A_1398 = arith.constant 48 : index
    %swap3A_1399 = tpu.vector_load %arg6[%swap3A_1397, %swap3A_1398] {strides = array<i32>} : memref<16x128xi32, #tpu.memory_space<vmem>>, vector<1x16xi32>,
    %swap3A_1400 = vector.shape_cast %swap3A_1399 : vector<1x16xi32> to vector<16xi32>
    %swap3A_1401 = vector.shape_cast %add3A_1395 : vector<16xi32> to vector<1x16xi32>
    tpu.vector_store %arg6[%swap3A_1397, %swap3A_1398], %swap3A_1401 {strides = array<i32>} : memref<16x128xi32, #tpu.memory_space<vmem>>, vector<1x16xi32>,
    %swap3A_1402 = arith.constant 2224 : index
    %swap3A_1403 = tpu.vector_load %arg7[%swap3A_1402] {strides = array<i32>} : memref<4096xf32, #tpu.memory_space<vmem>>, vector<16xf32>,
    %swap3A_1404 = vector.shape_cast %swap3A_1403 : vector<16xf32> to vector<16xf32>
    %swap3A_1405 = vector.shape_cast %broadcast_in_dim3A_46 : vector<16xf32> to vector<16xf32>
    tpu.vector_store %arg7[%swap3A_1402], %swap3A_1405 {strides = array<i32>} : memref<4096xf32, #tpu.memory_space<vmem>>, vector<16xf32>,
    %add3A_1406 = arith.constant 1024 : i32
    %add3A_1407 = arith.addi %mul3A_32, %add3A_1406 : i32
    %add3A_1408 = arith.constant 64 : i32
    %add3A_1409 = arith.addi %add3A_1407, %add3A_1408 : i32
    %add3A_1410 = vector.broadcast %add3A_1409 : i32 to vector<16xi32>
    %add3A_1411 = arith.addi %add3A_1410, %iota3A : vector<16xi32>
    %mul3A_1412 = arith.constant 8192 : i32
    %mul3A_1413 = vector.broadcast %mul3A_1412 : i32 to vector<16xi32>
    %mul3A_1414 = arith.muli %add3A_1411, %mul3A_1413 : vector<16xi32>
    %add3A_1415 = arith.addi %mul3A_1414, %add3A_45 : vector<16xi32>
    %swap3A_1416 = arith.constant 8 : i32
    %swap3A_1417 = arith.index_cast %swap3A_1416 : i32 to index
    %swap3A_1418 = arith.constant 64 : index
    %swap3A_1419 = tpu.vector_load %arg6[%swap3A_1417, %swap3A_1418] {strides = array<i32>} : memref<16x128xi32, #tpu.memory_space<vmem>>, vector<1x16xi32>,
    %swap3A_1420 = vector.shape_cast %swap3A_1419 : vector<1x16xi32> to vector<16xi32>
    %swap3A_1421 = vector.shape_cast %add3A_1415 : vector<16xi32> to vector<1x16xi32>
    tpu.vector_store %arg6[%swap3A_1417, %swap3A_1418], %swap3A_1421 {strides = array<i32>} : memref<16x128xi32, #tpu.memory_space<vmem>>, vector<1x16xi32>,
    %swap3A_1422 = arith.constant 2240 : index
    %swap3A_1423 = tpu.vector_load %arg7[%swap3A_1422] {strides = array<i32>} : memref<4096xf32, #tpu.memory_space<vmem>>, vector<16xf32>,
    %swap3A_1424 = vector.shape_cast %swap3A_1423 : vector<16xf32> to vector<16xf32>
    %swap3A_1425 = vector.shape_cast %broadcast_in_dim3A_46 : vector<16xf32> to vector<16xf32>
    tpu.vector_store %arg7[%swap3A_1422], %swap3A_1425 {strides = array<i32>} : memref<4096xf32, #tpu.memory_space<vmem>>, vector<16xf32>,
    %add3A_1426 = arith.constant 1024 : i32
    %add3A_1427 = arith.addi %mul3A_32, %add3A_1426 : i32
    %add3A_1428 = arith.constant 80 : i32
    %add3A_1429 = arith.addi %add3A_1427, %add3A_1428 : i32
    %add3A_1430 = vector.broadcast %add3A_1429 : i32 to vector<16xi32>
    %add3A_1431 = arith.addi %add3A_1430, %iota3A : vector<16xi32>
    %mul3A_1432 = arith.constant 8192 : i32
    %mul3A_1433 = vector.broadcast %mul3A_1432 : i32 to vector<16xi32>
    %mul3A_1434 = arith.muli %add3A_1431, %mul3A_1433 : vector<16xi32>
    %add3A_1435 = arith.addi %mul3A_1434, %add3A_45 : vector<16xi32>
    %swap3A_1436 = arith.constant 8 : i32
    %swap3A_1437 = arith.index_cast %swap3A_1436 : i32 to index
    %swap3A_1438 = arith.constant 80 : index
    %swap3A_1439 = tpu.vector_load %arg6[%swap3A_1437, %swap3A_1438] {strides = array<i32>} : memref<16x128xi32, #tpu.memory_space<vmem>>, vector<1x16xi32>,
    %swap3A_1440 = vector.shape_cast %swap3A_1439 : vector<1x16xi32> to vector<16xi32>
    %swap3A_1441 = vector.shape_cast %add3A_1435 : vector<16xi32> to vector<1x16xi32>
    tpu.vector_store %arg6[%swap3A_1437, %swap3A_1438], %swap3A_1441 {strides = array<i32>} : memref<16x128xi32, #tpu.memory_space<vmem>>, vector<1x16xi32>,
    %swap3A_1442 = arith.constant 2256 : index
    %swap3A_1443 = tpu.vector_load %arg7[%swap3A_1442] {strides = array<i32>} : memref<4096xf32, #tpu.memory_space<vmem>>, vector<16xf32>,
    %swap3A_1444 = vector.shape_cast %swap3A_1443 : vector<16xf32> to vector<16xf32>
    %swap3A_1445 = vector.shape_cast %broadcast_in_dim3A_46 : vector<16xf32> to vector<16xf32>
    tpu.vector_store %arg7[%swap3A_1442], %swap3A_1445 {strides = array<i32>} : memref<4096xf32, #tpu.memory_space<vmem>>, vector<16xf32>,
    %add3A_1446 = arith.constant 1024 : i32
    %add3A_1447 = arith.addi %mul3A_32, %add3A_1446 : i32
    %add3A_1448 = arith.constant 96 : i32
    %add3A_1449 = arith.addi %add3A_1447, %add3A_1448 : i32
    %add3A_1450 = vector.broadcast %add3A_1449 : i32 to vector<16xi32>
    %add3A_1451 = arith.addi %add3A_1450, %iota3A : vector<16xi32>
    %mul3A_1452 = arith.constant 8192 : i32
    %mul3A_1453 = vector.broadcast %mul3A_1452 : i32 to vector<16xi32>
    %mul3A_1454 = arith.muli %add3A_1451, %mul3A_1453 : vector<16xi32>
    %add3A_1455 = arith.addi %mul3A_1454, %add3A_45 : vector<16xi32>
    %swap3A_1456 = arith.constant 8 : i32
    %swap3A_1457 = arith.index_cast %swap3A_1456 : i32 to index
    %swap3A_1458 = arith.constant 96 : index
    %swap3A_1459 = tpu.vector_load %arg6[%swap3A_1457, %swap3A_1458] {strides = array<i32>} : memref<16x128xi32, #tpu.memory_space<vmem>>, vector<1x16xi32>,
    %swap3A_1460 = vector.shape_cast %swap3A_1459 : vector<1x16xi32> to vector<16xi32>
    %swap3A_1461 = vector.shape_cast %add3A_1455 : vector<16xi32> to vector<1x16xi32>
    tpu.vector_store %arg6[%swap3A_1457, %swap3A_1458], %swap3A_1461 {strides = array<i32>} : memref<16x128xi32, #tpu.memory_space<vmem>>, vector<1x16xi32>,
    %swap3A_1462 = arith.constant 2272 : index
    %swap3A_1463 = tpu.vector_load %arg7[%swap3A_1462] {strides = array<i32>} : memref<4096xf32, #tpu.memory_space<vmem>>, vector<16xf32>,
    %swap3A_1464 = vector.shape_cast %swap3A_1463 : vector<16xf32> to vector<16xf32>
    %swap3A_1465 = vector.shape_cast %broadcast_in_dim3A_46 : vector<16xf32> to vector<16xf32>
    tpu.vector_store %arg7[%swap3A_1462], %swap3A_1465 {strides = array<i32>} : memref<4096xf32, #tpu.memory_space<vmem>>, vector<16xf32>,
    %add3A_1466 = arith.constant 1024 : i32
    %add3A_1467 = arith.addi %mul3A_32, %add3A_1466 : i32
    %add3A_1468 = arith.constant 112 : i32
    %add3A_1469 = arith.addi %add3A_1467, %add3A_1468 : i32
    %add3A_1470 = vector.broadcast %add3A_1469 : i32 to vector<16xi32>
    %add3A_1471 = arith.addi %add3A_1470, %iota3A : vector<16xi32>
    %mul3A_1472 = arith.constant 8192 : i32
    %mul3A_1473 = vector.broadcast %mul3A_1472 : i32 to vector<16xi32>
    %mul3A_1474 = arith.muli %add3A_1471, %mul3A_1473 : vector<16xi32>
    %add3A_1475 = arith.addi %mul3A_1474, %add3A_45 : vector<16xi32>
    %swap3A_1476 = arith.constant 8 : i32
    %swap3A_1477 = arith.index_cast %swap3A_1476 : i32 to index
    %swap3A_1478 = arith.constant 112 : index
    %swap3A_1479 = tpu.vector_load %arg6[%swap3A_1477, %swap3A_1478] {strides = array<i32>} : memref<16x128xi32, #tpu.memory_space<vmem>>, vector<1x16xi32>,
    %swap3A_1480 = vector.shape_cast %swap3A_1479 : vector<1x16xi32> to vector<16xi32>
    %swap3A_1481 = vector.shape_cast %add3A_1475 : vector<16xi32> to vector<1x16xi32>
    tpu.vector_store %arg6[%swap3A_1477, %swap3A_1478], %swap3A_1481 {strides = array<i32>} : memref<16x128xi32, #tpu.memory_space<vmem>>, vector<1x16xi32>,
    %swap3A_1482 = arith.constant 2288 : index
    %swap3A_1483 = tpu.vector_load %arg7[%swap3A_1482] {strides = array<i32>} : memref<4096xf32, #tpu.memory_space<vmem>>, vector<16xf32>,
    %swap3A_1484 = vector.shape_cast %swap3A_1483 : vector<16xf32> to vector<16xf32>
    %swap3A_1485 = vector.shape_cast %broadcast_in_dim3A_46 : vector<16xf32> to vector<16xf32>
    tpu.vector_store %arg7[%swap3A_1482], %swap3A_1485 {strides = array<i32>} : memref<4096xf32, #tpu.memory_space<vmem>>, vector<16xf32>,
    %add3A_1486 = arith.constant 1152 : i32
    %add3A_1487 = arith.addi %mul3A_32, %add3A_1486 : i32
    %add3A_1488 = arith.constant 0 : i32
    %add3A_1489 = arith.addi %add3A_1487, %add3A_1488 : i32
    %add3A_1490 = vector.broadcast %add3A_1489 : i32 to vector<16xi32>
    %add3A_1491 = arith.addi %add3A_1490, %iota3A : vector<16xi32>
    %mul3A_1492 = arith.constant 8192 : i32
    %mul3A_1493 = vector.broadcast %mul3A_1492 : i32 to vector<16xi32>
    %mul3A_1494 = arith.muli %add3A_1491, %mul3A_1493 : vector<16xi32>
    %add3A_1495 = arith.addi %mul3A_1494, %add3A_45 : vector<16xi32>
    %swap3A_1496 = arith.constant 9 : i32
    %swap3A_1497 = arith.index_cast %swap3A_1496 : i32 to index
    %swap3A_1498 = arith.constant 0 : index
    %swap3A_1499 = tpu.vector_load %arg6[%swap3A_1497, %swap3A_1498] {strides = array<i32>} : memref<16x128xi32, #tpu.memory_space<vmem>>, vector<1x16xi32>,
    %swap3A_1500 = vector.shape_cast %swap3A_1499 : vector<1x16xi32> to vector<16xi32>
    %swap3A_1501 = vector.shape_cast %add3A_1495 : vector<16xi32> to vector<1x16xi32>
    tpu.vector_store %arg6[%swap3A_1497, %swap3A_1498], %swap3A_1501 {strides = array<i32>} : memref<16x128xi32, #tpu.memory_space<vmem>>, vector<1x16xi32>,
    %swap3A_1502 = arith.constant 2432 : index
    %swap3A_1503 = tpu.vector_load %arg7[%swap3A_1502] {strides = array<i32>} : memref<4096xf32, #tpu.memory_space<vmem>>, vector<16xf32>,
    %swap3A_1504 = vector.shape_cast %swap3A_1503 : vector<16xf32> to vector<16xf32>
    %swap3A_1505 = vector.shape_cast %broadcast_in_dim3A_46 : vector<16xf32> to vector<16xf32>
    tpu.vector_store %arg7[%swap3A_1502], %swap3A_1505 {strides = array<i32>} : memref<4096xf32, #tpu.memory_space<vmem>>, vector<16xf32>,
    %add3A_1506 = arith.constant 1152 : i32
    %add3A_1507 = arith.addi %mul3A_32, %add3A_1506 : i32
    %add3A_1508 = arith.constant 16 : i32
    %add3A_1509 = arith.addi %add3A_1507, %add3A_1508 : i32
    %add3A_1510 = vector.broadcast %add3A_1509 : i32 to vector<16xi32>
    %add3A_1511 = arith.addi %add3A_1510, %iota3A : vector<16xi32>
    %mul3A_1512 = arith.constant 8192 : i32
    %mul3A_1513 = vector.broadcast %mul3A_1512 : i32 to vector<16xi32>
    %mul3A_1514 = arith.muli %add3A_1511, %mul3A_1513 : vector<16xi32>
    %add3A_1515 = arith.addi %mul3A_1514, %add3A_45 : vector<16xi32>
    %swap3A_1516 = arith.constant 9 : i32
    %swap3A_1517 = arith.index_cast %swap3A_1516 : i32 to index
    %swap3A_1518 = arith.constant 16 : index
    %swap3A_1519 = tpu.vector_load %arg6[%swap3A_1517, %swap3A_1518] {strides = array<i32>} : memref<16x128xi32, #tpu.memory_space<vmem>>, vector<1x16xi32>,
    %swap3A_1520 = vector.shape_cast %swap3A_1519 : vector<1x16xi32> to vector<16xi32>
    %swap3A_1521 = vector.shape_cast %add3A_1515 : vector<16xi32> to vector<1x16xi32>
    tpu.vector_store %arg6[%swap3A_1517, %swap3A_1518], %swap3A_1521 {strides = array<i32>} : memref<16x128xi32, #tpu.memory_space<vmem>>, vector<1x16xi32>,
    %swap3A_1522 = arith.constant 2448 : index
    %swap3A_1523 = tpu.vector_load %arg7[%swap3A_1522] {strides = array<i32>} : memref<4096xf32, #tpu.memory_space<vmem>>, vector<16xf32>,
    %swap3A_1524 = vector.shape_cast %swap3A_1523 : vector<16xf32> to vector<16xf32>
    %swap3A_1525 = vector.shape_cast %broadcast_in_dim3A_46 : vector<16xf32> to vector<16xf32>
    tpu.vector_store %arg7[%swap3A_1522], %swap3A_1525 {strides = array<i32>} : memref<4096xf32, #tpu.memory_space<vmem>>, vector<16xf32>,
    %add3A_1526 = arith.constant 1152 : i32
    %add3A_1527 = arith.addi %mul3A_32, %add3A_1526 : i32
    %add3A_1528 = arith.constant 32 : i32
    %add3A_1529 = arith.addi %add3A_1527, %add3A_1528 : i32
    %add3A_1530 = vector.broadcast %add3A_1529 : i32 to vector<16xi32>
    %add3A_1531 = arith.addi %add3A_1530, %iota3A : vector<16xi32>
    %mul3A_1532 = arith.constant 8192 : i32
    %mul3A_1533 = vector.broadcast %mul3A_1532 : i32 to vector<16xi32>
    %mul3A_1534 = arith.muli %add3A_1531, %mul3A_1533 : vector<16xi32>
    %add3A_1535 = arith.addi %mul3A_1534, %add3A_45 : vector<16xi32>
    %swap3A_1536 = arith.constant 9 : i32
    %swap3A_1537 = arith.index_cast %swap3A_1536 : i32 to index
    %swap3A_1538 = arith.constant 32 : index
    %swap3A_1539 = tpu.vector_load %arg6[%swap3A_1537, %swap3A_1538] {strides = array<i32>} : memref<16x128xi32, #tpu.memory_space<vmem>>, vector<1x16xi32>,
    %swap3A_1540 = vector.shape_cast %swap3A_1539 : vector<1x16xi32> to vector<16xi32>
    %swap3A_1541 = vector.shape_cast %add3A_1535 : vector<16xi32> to vector<1x16xi32>
    tpu.vector_store %arg6[%swap3A_1537, %swap3A_1538], %swap3A_1541 {strides = array<i32>} : memref<16x128xi32, #tpu.memory_space<vmem>>, vector<1x16xi32>,
    %swap3A_1542 = arith.constant 2464 : index
    %swap3A_1543 = tpu.vector_load %arg7[%swap3A_1542] {strides = array<i32>} : memref<4096xf32, #tpu.memory_space<vmem>>, vector<16xf32>,
    %swap3A_1544 = vector.shape_cast %swap3A_1543 : vector<16xf32> to vector<16xf32>
    %swap3A_1545 = vector.shape_cast %broadcast_in_dim3A_46 : vector<16xf32> to vector<16xf32>
    tpu.vector_store %arg7[%swap3A_1542], %swap3A_1545 {strides = array<i32>} : memref<4096xf32, #tpu.memory_space<vmem>>, vector<16xf32>,
    %add3A_1546 = arith.constant 1152 : i32
    %add3A_1547 = arith.addi %mul3A_32, %add3A_1546 : i32
    %add3A_1548 = arith.constant 48 : i32
    %add3A_1549 = arith.addi %add3A_1547, %add3A_1548 : i32
    %add3A_1550 = vector.broadcast %add3A_1549 : i32 to vector<16xi32>
    %add3A_1551 = arith.addi %add3A_1550, %iota3A : vector<16xi32>
    %mul3A_1552 = arith.constant 8192 : i32
    %mul3A_1553 = vector.broadcast %mul3A_1552 : i32 to vector<16xi32>
    %mul3A_1554 = arith.muli %add3A_1551, %mul3A_1553 : vector<16xi32>
    %add3A_1555 = arith.addi %mul3A_1554, %add3A_45 : vector<16xi32>
    %swap3A_1556 = arith.constant 9 : i32
    %swap3A_1557 = arith.index_cast %swap3A_1556 : i32 to index
    %swap3A_1558 = arith.constant 48 : index
    %swap3A_1559 = tpu.vector_load %arg6[%swap3A_1557, %swap3A_1558] {strides = array<i32>} : memref<16x128xi32, #tpu.memory_space<vmem>>, vector<1x16xi32>,
    %swap3A_1560 = vector.shape_cast %swap3A_1559 : vector<1x16xi32> to vector<16xi32>
    %swap3A_1561 = vector.shape_cast %add3A_1555 : vector<16xi32> to vector<1x16xi32>
    tpu.vector_store %arg6[%swap3A_1557, %swap3A_1558], %swap3A_1561 {strides = array<i32>} : memref<16x128xi32, #tpu.memory_space<vmem>>, vector<1x16xi32>,
    %swap3A_1562 = arith.constant 2480 : index
    %swap3A_1563 = tpu.vector_load %arg7[%swap3A_1562] {strides = array<i32>} : memref<4096xf32, #tpu.memory_space<vmem>>, vector<16xf32>,
    %swap3A_1564 = vector.shape_cast %swap3A_1563 : vector<16xf32> to vector<16xf32>
    %swap3A_1565 = vector.shape_cast %broadcast_in_dim3A_46 : vector<16xf32> to vector<16xf32>
    tpu.vector_store %arg7[%swap3A_1562], %swap3A_1565 {strides = array<i32>} : memref<4096xf32, #tpu.memory_space<vmem>>, vector<16xf32>,
    %add3A_1566 = arith.constant 1152 : i32
    %add3A_1567 = arith.addi %mul3A_32, %add3A_1566 : i32
    %add3A_1568 = arith.constant 64 : i32
    %add3A_1569 = arith.addi %add3A_1567, %add3A_1568 : i32
    %add3A_1570 = vector.broadcast %add3A_1569 : i32 to vector<16xi32>
    %add3A_1571 = arith.addi %add3A_1570, %iota3A : vector<16xi32>
    %mul3A_1572 = arith.constant 8192 : i32
    %mul3A_1573 = vector.broadcast %mul3A_1572 : i32 to vector<16xi32>
    %mul3A_1574 = arith.muli %add3A_1571, %mul3A_1573 : vector<16xi32>
    %add3A_1575 = arith.addi %mul3A_1574, %add3A_45 : vector<16xi32>
    %swap3A_1576 = arith.constant 9 : i32
    %swap3A_1577 = arith.index_cast %swap3A_1576 : i32 to index
    %swap3A_1578 = arith.constant 64 : index
    %swap3A_1579 = tpu.vector_load %arg6[%swap3A_1577, %swap3A_1578] {strides = array<i32>} : memref<16x128xi32, #tpu.memory_space<vmem>>, vector<1x16xi32>,
    %swap3A_1580 = vector.shape_cast %swap3A_1579 : vector<1x16xi32> to vector<16xi32>
    %swap3A_1581 = vector.shape_cast %add3A_1575 : vector<16xi32> to vector<1x16xi32>
    tpu.vector_store %arg6[%swap3A_1577, %swap3A_1578], %swap3A_1581 {strides = array<i32>} : memref<16x128xi32, #tpu.memory_space<vmem>>, vector<1x16xi32>,
    %swap3A_1582 = arith.constant 2496 : index
    %swap3A_1583 = tpu.vector_load %arg7[%swap3A_1582] {strides = array<i32>} : memref<4096xf32, #tpu.memory_space<vmem>>, vector<16xf32>,
    %swap3A_1584 = vector.shape_cast %swap3A_1583 : vector<16xf32> to vector<16xf32>
    %swap3A_1585 = vector.shape_cast %broadcast_in_dim3A_46 : vector<16xf32> to vector<16xf32>
    tpu.vector_store %arg7[%swap3A_1582], %swap3A_1585 {strides = array<i32>} : memref<4096xf32, #tpu.memory_space<vmem>>, vector<16xf32>,
    %add3A_1586 = arith.constant 1152 : i32
    %add3A_1587 = arith.addi %mul3A_32, %add3A_1586 : i32
    %add3A_1588 = arith.constant 80 : i32
    %add3A_1589 = arith.addi %add3A_1587, %add3A_1588 : i32
    %add3A_1590 = vector.broadcast %add3A_1589 : i32 to vector<16xi32>
    %add3A_1591 = arith.addi %add3A_1590, %iota3A : vector<16xi32>
    %mul3A_1592 = arith.constant 8192 : i32
    %mul3A_1593 = vector.broadcast %mul3A_1592 : i32 to vector<16xi32>
    %mul3A_1594 = arith.muli %add3A_1591, %mul3A_1593 : vector<16xi32>
    %add3A_1595 = arith.addi %mul3A_1594, %add3A_45 : vector<16xi32>
    %swap3A_1596 = arith.constant 9 : i32
    %swap3A_1597 = arith.index_cast %swap3A_1596 : i32 to index
    %swap3A_1598 = arith.constant 80 : index
    %swap3A_1599 = tpu.vector_load %arg6[%swap3A_1597, %swap3A_1598] {strides = array<i32>} : memref<16x128xi32, #tpu.memory_space<vmem>>, vector<1x16xi32>,
    %swap3A_1600 = vector.shape_cast %swap3A_1599 : vector<1x16xi32> to vector<16xi32>
    %swap3A_1601 = vector.shape_cast %add3A_1595 : vector<16xi32> to vector<1x16xi32>
    tpu.vector_store %arg6[%swap3A_1597, %swap3A_1598], %swap3A_1601 {strides = array<i32>} : memref<16x128xi32, #tpu.memory_space<vmem>>, vector<1x16xi32>,
    %swap3A_1602 = arith.constant 2512 : index
    %swap3A_1603 = tpu.vector_load %arg7[%swap3A_1602] {strides = array<i32>} : memref<4096xf32, #tpu.memory_space<vmem>>, vector<16xf32>,
    %swap3A_1604 = vector.shape_cast %swap3A_1603 : vector<16xf32> to vector<16xf32>
    %swap3A_1605 = vector.shape_cast %broadcast_in_dim3A_46 : vector<16xf32> to vector<16xf32>
    tpu.vector_store %arg7[%swap3A_1602], %swap3A_1605 {strides = array<i32>} : memref<4096xf32, #tpu.memory_space<vmem>>, vector<16xf32>,
    %add3A_1606 = arith.constant 1152 : i32
    %add3A_1607 = arith.addi %mul3A_32, %add3A_1606 : i32
    %add3A_1608 = arith.constant 96 : i32
    %add3A_1609 = arith.addi %add3A_1607, %add3A_1608 : i32
    %add3A_1610 = vector.broadcast %add3A_1609 : i32 to vector<16xi32>
    %add3A_1611 = arith.addi %add3A_1610, %iota3A : vector<16xi32>
    %mul3A_1612 = arith.constant 8192 : i32
    %mul3A_1613 = vector.broadcast %mul3A_1612 : i32 to vector<16xi32>
    %mul3A_1614 = arith.muli %add3A_1611, %mul3A_1613 : vector<16xi32>
    %add3A_1615 = arith.addi %mul3A_1614, %add3A_45 : vector<16xi32>
    %swap3A_1616 = arith.constant 9 : i32
    %swap3A_1617 = arith.index_cast %swap3A_1616 : i32 to index
    %swap3A_1618 = arith.constant 96 : index
    %swap3A_1619 = tpu.vector_load %arg6[%swap3A_1617, %swap3A_1618] {strides = array<i32>} : memref<16x128xi32, #tpu.memory_space<vmem>>, vector<1x16xi32>,
    %swap3A_1620 = vector.shape_cast %swap3A_1619 : vector<1x16xi32> to vector<16xi32>
    %swap3A_1621 = vector.shape_cast %add3A_1615 : vector<16xi32> to vector<1x16xi32>
    tpu.vector_store %arg6[%swap3A_1617, %swap3A_1618], %swap3A_1621 {strides = array<i32>} : memref<16x128xi32, #tpu.memory_space<vmem>>, vector<1x16xi32>,
    %swap3A_1622 = arith.constant 2528 : index
    %swap3A_1623 = tpu.vector_load %arg7[%swap3A_1622] {strides = array<i32>} : memref<4096xf32, #tpu.memory_space<vmem>>, vector<16xf32>,
    %swap3A_1624 = vector.shape_cast %swap3A_1623 : vector<16xf32> to vector<16xf32>
    %swap3A_1625 = vector.shape_cast %broadcast_in_dim3A_46 : vector<16xf32> to vector<16xf32>
    tpu.vector_store %arg7[%swap3A_1622], %swap3A_1625 {strides = array<i32>} : memref<4096xf32, #tpu.memory_space<vmem>>, vector<16xf32>,
    %add3A_1626 = arith.constant 1152 : i32
    %add3A_1627 = arith.addi %mul3A_32, %add3A_1626 : i32
    %add3A_1628 = arith.constant 112 : i32
    %add3A_1629 = arith.addi %add3A_1627, %add3A_1628 : i32
    %add3A_1630 = vector.broadcast %add3A_1629 : i32 to vector<16xi32>
    %add3A_1631 = arith.addi %add3A_1630, %iota3A : vector<16xi32>
    %mul3A_1632 = arith.constant 8192 : i32
    %mul3A_1633 = vector.broadcast %mul3A_1632 : i32 to vector<16xi32>
    %mul3A_1634 = arith.muli %add3A_1631, %mul3A_1633 : vector<16xi32>
    %add3A_1635 = arith.addi %mul3A_1634, %add3A_45 : vector<16xi32>
    %swap3A_1636 = arith.constant 9 : i32
    %swap3A_1637 = arith.index_cast %swap3A_1636 : i32 to index
    %swap3A_1638 = arith.constant 112 : index
    %swap3A_1639 = tpu.vector_load %arg6[%swap3A_1637, %swap3A_1638] {strides = array<i32>} : memref<16x128xi32, #tpu.memory_space<vmem>>, vector<1x16xi32>,
    %swap3A_1640 = vector.shape_cast %swap3A_1639 : vector<1x16xi32> to vector<16xi32>
    %swap3A_1641 = vector.shape_cast %add3A_1635 : vector<16xi32> to vector<1x16xi32>
    tpu.vector_store %arg6[%swap3A_1637, %swap3A_1638], %swap3A_1641 {strides = array<i32>} : memref<16x128xi32, #tpu.memory_space<vmem>>, vector<1x16xi32>,
    %swap3A_1642 = arith.constant 2544 : index
    %swap3A_1643 = tpu.vector_load %arg7[%swap3A_1642] {strides = array<i32>} : memref<4096xf32, #tpu.memory_space<vmem>>, vector<16xf32>,
    %swap3A_1644 = vector.shape_cast %swap3A_1643 : vector<16xf32> to vector<16xf32>
    %swap3A_1645 = vector.shape_cast %broadcast_in_dim3A_46 : vector<16xf32> to vector<16xf32>
    tpu.vector_store %arg7[%swap3A_1642], %swap3A_1645 {strides = array<i32>} : memref<4096xf32, #tpu.memory_space<vmem>>, vector<16xf32>,
    %add3A_1646 = arith.constant 1280 : i32
    %add3A_1647 = arith.addi %mul3A_32, %add3A_1646 : i32
    %add3A_1648 = arith.constant 0 : i32
    %add3A_1649 = arith.addi %add3A_1647, %add3A_1648 : i32
    %add3A_1650 = vector.broadcast %add3A_1649 : i32 to vector<16xi32>
    %add3A_1651 = arith.addi %add3A_1650, %iota3A : vector<16xi32>
    %mul3A_1652 = arith.constant 8192 : i32
    %mul3A_1653 = vector.broadcast %mul3A_1652 : i32 to vector<16xi32>
    %mul3A_1654 = arith.muli %add3A_1651, %mul3A_1653 : vector<16xi32>
    %add3A_1655 = arith.addi %mul3A_1654, %add3A_45 : vector<16xi32>
    %swap3A_1656 = arith.constant 10 : i32
    %swap3A_1657 = arith.index_cast %swap3A_1656 : i32 to index
    %swap3A_1658 = arith.constant 0 : index
    %swap3A_1659 = tpu.vector_load %arg6[%swap3A_1657, %swap3A_1658] {strides = array<i32>} : memref<16x128xi32, #tpu.memory_space<vmem>>, vector<1x16xi32>,
    %swap3A_1660 = vector.shape_cast %swap3A_1659 : vector<1x16xi32> to vector<16xi32>
    %swap3A_1661 = vector.shape_cast %add3A_1655 : vector<16xi32> to vector<1x16xi32>
    tpu.vector_store %arg6[%swap3A_1657, %swap3A_1658], %swap3A_1661 {strides = array<i32>} : memref<16x128xi32, #tpu.memory_space<vmem>>, vector<1x16xi32>,
    %swap3A_1662 = arith.constant 2688 : index
    %swap3A_1663 = tpu.vector_load %arg7[%swap3A_1662] {strides = array<i32>} : memref<4096xf32, #tpu.memory_space<vmem>>, vector<16xf32>,
    %swap3A_1664 = vector.shape_cast %swap3A_1663 : vector<16xf32> to vector<16xf32>
    %swap3A_1665 = vector.shape_cast %broadcast_in_dim3A_46 : vector<16xf32> to vector<16xf32>
    tpu.vector_store %arg7[%swap3A_1662], %swap3A_1665 {strides = array<i32>} : memref<4096xf32, #tpu.memory_space<vmem>>, vector<16xf32>,
    %add3A_1666 = arith.constant 1280 : i32
    %add3A_1667 = arith.addi %mul3A_32, %add3A_1666 : i32
    %add3A_1668 = arith.constant 16 : i32
    %add3A_1669 = arith.addi %add3A_1667, %add3A_1668 : i32
    %add3A_1670 = vector.broadcast %add3A_1669 : i32 to vector<16xi32>
    %add3A_1671 = arith.addi %add3A_1670, %iota3A : vector<16xi32>
    %mul3A_1672 = arith.constant 8192 : i32
    %mul3A_1673 = vector.broadcast %mul3A_1672 : i32 to vector<16xi32>
    %mul3A_1674 = arith.muli %add3A_1671, %mul3A_1673 : vector<16xi32>
    %add3A_1675 = arith.addi %mul3A_1674, %add3A_45 : vector<16xi32>
    %swap3A_1676 = arith.constant 10 : i32
    %swap3A_1677 = arith.index_cast %swap3A_1676 : i32 to index
    %swap3A_1678 = arith.constant 16 : index
    %swap3A_1679 = tpu.vector_load %arg6[%swap3A_1677, %swap3A_1678] {strides = array<i32>} : memref<16x128xi32, #tpu.memory_space<vmem>>, vector<1x16xi32>,
    %swap3A_1680 = vector.shape_cast %swap3A_1679 : vector<1x16xi32> to vector<16xi32>
    %swap3A_1681 = vector.shape_cast %add3A_1675 : vector<16xi32> to vector<1x16xi32>
    tpu.vector_store %arg6[%swap3A_1677, %swap3A_1678], %swap3A_1681 {strides = array<i32>} : memref<16x128xi32, #tpu.memory_space<vmem>>, vector<1x16xi32>,
    %swap3A_1682 = arith.constant 2704 : index
    %swap3A_1683 = tpu.vector_load %arg7[%swap3A_1682] {strides = array<i32>} : memref<4096xf32, #tpu.memory_space<vmem>>, vector<16xf32>,
    %swap3A_1684 = vector.shape_cast %swap3A_1683 : vector<16xf32> to vector<16xf32>
    %swap3A_1685 = vector.shape_cast %broadcast_in_dim3A_46 : vector<16xf32> to vector<16xf32>
    tpu.vector_store %arg7[%swap3A_1682], %swap3A_1685 {strides = array<i32>} : memref<4096xf32, #tpu.memory_space<vmem>>, vector<16xf32>,
    %add3A_1686 = arith.constant 1280 : i32
    %add3A_1687 = arith.addi %mul3A_32, %add3A_1686 : i32
    %add3A_1688 = arith.constant 32 : i32
    %add3A_1689 = arith.addi %add3A_1687, %add3A_1688 : i32
    %add3A_1690 = vector.broadcast %add3A_1689 : i32 to vector<16xi32>
    %add3A_1691 = arith.addi %add3A_1690, %iota3A : vector<16xi32>
    %mul3A_1692 = arith.constant 8192 : i32
    %mul3A_1693 = vector.broadcast %mul3A_1692 : i32 to vector<16xi32>
    %mul3A_1694 = arith.muli %add3A_1691, %mul3A_1693 : vector<16xi32>
    %add3A_1695 = arith.addi %mul3A_1694, %add3A_45 : vector<16xi32>
    %swap3A_1696 = arith.constant 10 : i32
    %swap3A_1697 = arith.index_cast %swap3A_1696 : i32 to index
    %swap3A_1698 = arith.constant 32 : index
    %swap3A_1699 = tpu.vector_load %arg6[%swap3A_1697, %swap3A_1698] {strides = array<i32>} : memref<16x128xi32, #tpu.memory_space<vmem>>, vector<1x16xi32>,
    %swap3A_1700 = vector.shape_cast %swap3A_1699 : vector<1x16xi32> to vector<16xi32>
    %swap3A_1701 = vector.shape_cast %add3A_1695 : vector<16xi32> to vector<1x16xi32>
    tpu.vector_store %arg6[%swap3A_1697, %swap3A_1698], %swap3A_1701 {strides = array<i32>} : memref<16x128xi32, #tpu.memory_space<vmem>>, vector<1x16xi32>,
    %swap3A_1702 = arith.constant 2720 : index
    %swap3A_1703 = tpu.vector_load %arg7[%swap3A_1702] {strides = array<i32>} : memref<4096xf32, #tpu.memory_space<vmem>>, vector<16xf32>,
    %swap3A_1704 = vector.shape_cast %swap3A_1703 : vector<16xf32> to vector<16xf32>
    %swap3A_1705 = vector.shape_cast %broadcast_in_dim3A_46 : vector<16xf32> to vector<16xf32>
    tpu.vector_store %arg7[%swap3A_1702], %swap3A_1705 {strides = array<i32>} : memref<4096xf32, #tpu.memory_space<vmem>>, vector<16xf32>,
    %add3A_1706 = arith.constant 1280 : i32
    %add3A_1707 = arith.addi %mul3A_32, %add3A_1706 : i32
    %add3A_1708 = arith.constant 48 : i32
    %add3A_1709 = arith.addi %add3A_1707, %add3A_1708 : i32
    %add3A_1710 = vector.broadcast %add3A_1709 : i32 to vector<16xi32>
    %add3A_1711 = arith.addi %add3A_1710, %iota3A : vector<16xi32>
    %mul3A_1712 = arith.constant 8192 : i32
    %mul3A_1713 = vector.broadcast %mul3A_1712 : i32 to vector<16xi32>
    %mul3A_1714 = arith.muli %add3A_1711, %mul3A_1713 : vector<16xi32>
    %add3A_1715 = arith.addi %mul3A_1714, %add3A_45 : vector<16xi32>
    %swap3A_1716 = arith.constant 10 : i32
    %swap3A_1717 = arith.index_cast %swap3A_1716 : i32 to index
    %swap3A_1718 = arith.constant 48 : index
    %swap3A_1719 = tpu.vector_load %arg6[%swap3A_1717, %swap3A_1718] {strides = array<i32>} : memref<16x128xi32, #tpu.memory_space<vmem>>, vector<1x16xi32>,
    %swap3A_1720 = vector.shape_cast %swap3A_1719 : vector<1x16xi32> to vector<16xi32>
    %swap3A_1721 = vector.shape_cast %add3A_1715 : vector<16xi32> to vector<1x16xi32>
    tpu.vector_store %arg6[%swap3A_1717, %swap3A_1718], %swap3A_1721 {strides = array<i32>} : memref<16x128xi32, #tpu.memory_space<vmem>>, vector<1x16xi32>,
    %swap3A_1722 = arith.constant 2736 : index
    %swap3A_1723 = tpu.vector_load %arg7[%swap3A_1722] {strides = array<i32>} : memref<4096xf32, #tpu.memory_space<vmem>>, vector<16xf32>,
    %swap3A_1724 = vector.shape_cast %swap3A_1723 : vector<16xf32> to vector<16xf32>
    %swap3A_1725 = vector.shape_cast %broadcast_in_dim3A_46 : vector<16xf32> to vector<16xf32>
    tpu.vector_store %arg7[%swap3A_1722], %swap3A_1725 {strides = array<i32>} : memref<4096xf32, #tpu.memory_space<vmem>>, vector<16xf32>,
    %add3A_1726 = arith.constant 1280 : i32
    %add3A_1727 = arith.addi %mul3A_32, %add3A_1726 : i32
    %add3A_1728 = arith.constant 64 : i32
    %add3A_1729 = arith.addi %add3A_1727, %add3A_1728 : i32
    %add3A_1730 = vector.broadcast %add3A_1729 : i32 to vector<16xi32>
    %add3A_1731 = arith.addi %add3A_1730, %iota3A : vector<16xi32>
    %mul3A_1732 = arith.constant 8192 : i32
    %mul3A_1733 = vector.broadcast %mul3A_1732 : i32 to vector<16xi32>
    %mul3A_1734 = arith.muli %add3A_1731, %mul3A_1733 : vector<16xi32>
    %add3A_1735 = arith.addi %mul3A_1734, %add3A_45 : vector<16xi32>
    %swap3A_1736 = arith.constant 10 : i32
    %swap3A_1737 = arith.index_cast %swap3A_1736 : i32 to index
    %swap3A_1738 = arith.constant 64 : index
    %swap3A_1739 = tpu.vector_load %arg6[%swap3A_1737, %swap3A_1738] {strides = array<i32>} : memref<16x128xi32, #tpu.memory_space<vmem>>, vector<1x16xi32>,
    %swap3A_1740 = vector.shape_cast %swap3A_1739 : vector<1x16xi32> to vector<16xi32>
    %swap3A_1741 = vector.shape_cast %add3A_1735 : vector<16xi32> to vector<1x16xi32>
    tpu.vector_store %arg6[%swap3A_1737, %swap3A_1738], %swap3A_1741 {strides = array<i32>} : memref<16x128xi32, #tpu.memory_space<vmem>>, vector<1x16xi32>,
    %swap3A_1742 = arith.constant 2752 : index
    %swap3A_1743 = tpu.vector_load %arg7[%swap3A_1742] {strides = array<i32>} : memref<4096xf32, #tpu.memory_space<vmem>>, vector<16xf32>,
    %swap3A_1744 = vector.shape_cast %swap3A_1743 : vector<16xf32> to vector<16xf32>
    %swap3A_1745 = vector.shape_cast %broadcast_in_dim3A_46 : vector<16xf32> to vector<16xf32>
    tpu.vector_store %arg7[%swap3A_1742], %swap3A_1745 {strides = array<i32>} : memref<4096xf32, #tpu.memory_space<vmem>>, vector<16xf32>,
    %add3A_1746 = arith.constant 1280 : i32
    %add3A_1747 = arith.addi %mul3A_32, %add3A_1746 : i32
    %add3A_1748 = arith.constant 80 : i32
    %add3A_1749 = arith.addi %add3A_1747, %add3A_1748 : i32
    %add3A_1750 = vector.broadcast %add3A_1749 : i32 to vector<16xi32>
    %add3A_1751 = arith.addi %add3A_1750, %iota3A : vector<16xi32>
    %mul3A_1752 = arith.constant 8192 : i32
    %mul3A_1753 = vector.broadcast %mul3A_1752 : i32 to vector<16xi32>
    %mul3A_1754 = arith.muli %add3A_1751, %mul3A_1753 : vector<16xi32>
    %add3A_1755 = arith.addi %mul3A_1754, %add3A_45 : vector<16xi32>
    %swap3A_1756 = arith.constant 10 : i32
    %swap3A_1757 = arith.index_cast %swap3A_1756 : i32 to index
    %swap3A_1758 = arith.constant 80 : index
    %swap3A_1759 = tpu.vector_load %arg6[%swap3A_1757, %swap3A_1758] {strides = array<i32>} : memref<16x128xi32, #tpu.memory_space<vmem>>, vector<1x16xi32>,
    %swap3A_1760 = vector.shape_cast %swap3A_1759 : vector<1x16xi32> to vector<16xi32>
    %swap3A_1761 = vector.shape_cast %add3A_1755 : vector<16xi32> to vector<1x16xi32>
    tpu.vector_store %arg6[%swap3A_1757, %swap3A_1758], %swap3A_1761 {strides = array<i32>} : memref<16x128xi32, #tpu.memory_space<vmem>>, vector<1x16xi32>,
    %swap3A_1762 = arith.constant 2768 : index
    %swap3A_1763 = tpu.vector_load %arg7[%swap3A_1762] {strides = array<i32>} : memref<4096xf32, #tpu.memory_space<vmem>>, vector<16xf32>,
    %swap3A_1764 = vector.shape_cast %swap3A_1763 : vector<16xf32> to vector<16xf32>
    %swap3A_1765 = vector.shape_cast %broadcast_in_dim3A_46 : vector<16xf32> to vector<16xf32>
    tpu.vector_store %arg7[%swap3A_1762], %swap3A_1765 {strides = array<i32>} : memref<4096xf32, #tpu.memory_space<vmem>>, vector<16xf32>,
    %add3A_1766 = arith.constant 1280 : i32
    %add3A_1767 = arith.addi %mul3A_32, %add3A_1766 : i32
    %add3A_1768 = arith.constant 96 : i32
    %add3A_1769 = arith.addi %add3A_1767, %add3A_1768 : i32
    %add3A_1770 = vector.broadcast %add3A_1769 : i32 to vector<16xi32>
    %add3A_1771 = arith.addi %add3A_1770, %iota3A : vector<16xi32>
    %mul3A_1772 = arith.constant 8192 : i32
    %mul3A_1773 = vector.broadcast %mul3A_1772 : i32 to vector<16xi32>
    %mul3A_1774 = arith.muli %add3A_1771, %mul3A_1773 : vector<16xi32>
    %add3A_1775 = arith.addi %mul3A_1774, %add3A_45 : vector<16xi32>
    %swap3A_1776 = arith.constant 10 : i32
    %swap3A_1777 = arith.index_cast %swap3A_1776 : i32 to index
    %swap3A_1778 = arith.constant 96 : index
    %swap3A_1779 = tpu.vector_load %arg6[%swap3A_1777, %swap3A_1778] {strides = array<i32>} : memref<16x128xi32, #tpu.memory_space<vmem>>, vector<1x16xi32>,
    %swap3A_1780 = vector.shape_cast %swap3A_1779 : vector<1x16xi32> to vector<16xi32>
    %swap3A_1781 = vector.shape_cast %add3A_1775 : vector<16xi32> to vector<1x16xi32>
    tpu.vector_store %arg6[%swap3A_1777, %swap3A_1778], %swap3A_1781 {strides = array<i32>} : memref<16x128xi32, #tpu.memory_space<vmem>>, vector<1x16xi32>,
    %swap3A_1782 = arith.constant 2784 : index
    %swap3A_1783 = tpu.vector_load %arg7[%swap3A_1782] {strides = array<i32>} : memref<4096xf32, #tpu.memory_space<vmem>>, vector<16xf32>,
    %swap3A_1784 = vector.shape_cast %swap3A_1783 : vector<16xf32> to vector<16xf32>
    %swap3A_1785 = vector.shape_cast %broadcast_in_dim3A_46 : vector<16xf32> to vector<16xf32>
    tpu.vector_store %arg7[%swap3A_1782], %swap3A_1785 {strides = array<i32>} : memref<4096xf32, #tpu.memory_space<vmem>>, vector<16xf32>,
    %add3A_1786 = arith.constant 1280 : i32
    %add3A_1787 = arith.addi %mul3A_32, %add3A_1786 : i32
    %add3A_1788 = arith.constant 112 : i32
    %add3A_1789 = arith.addi %add3A_1787, %add3A_1788 : i32
    %add3A_1790 = vector.broadcast %add3A_1789 : i32 to vector<16xi32>
    %add3A_1791 = arith.addi %add3A_1790, %iota3A : vector<16xi32>
    %mul3A_1792 = arith.constant 8192 : i32
    %mul3A_1793 = vector.broadcast %mul3A_1792 : i32 to vector<16xi32>
    %mul3A_1794 = arith.muli %add3A_1791, %mul3A_1793 : vector<16xi32>
    %add3A_1795 = arith.addi %mul3A_1794, %add3A_45 : vector<16xi32>
    %swap3A_1796 = arith.constant 10 : i32
    %swap3A_1797 = arith.index_cast %swap3A_1796 : i32 to index
    %swap3A_1798 = arith.constant 112 : index
    %swap3A_1799 = tpu.vector_load %arg6[%swap3A_1797, %swap3A_1798] {strides = array<i32>} : memref<16x128xi32, #tpu.memory_space<vmem>>, vector<1x16xi32>,
    %swap3A_1800 = vector.shape_cast %swap3A_1799 : vector<1x16xi32> to vector<16xi32>
    %swap3A_1801 = vector.shape_cast %add3A_1795 : vector<16xi32> to vector<1x16xi32>
    tpu.vector_store %arg6[%swap3A_1797, %swap3A_1798], %swap3A_1801 {strides = array<i32>} : memref<16x128xi32, #tpu.memory_space<vmem>>, vector<1x16xi32>,
    %swap3A_1802 = arith.constant 2800 : index
    %swap3A_1803 = tpu.vector_load %arg7[%swap3A_1802] {strides = array<i32>} : memref<4096xf32, #tpu.memory_space<vmem>>, vector<16xf32>,
    %swap3A_1804 = vector.shape_cast %swap3A_1803 : vector<16xf32> to vector<16xf32>
    %swap3A_1805 = vector.shape_cast %broadcast_in_dim3A_46 : vector<16xf32> to vector<16xf32>
    tpu.vector_store %arg7[%swap3A_1802], %swap3A_1805 {strides = array<i32>} : memref<4096xf32, #tpu.memory_space<vmem>>, vector<16xf32>,
    %add3A_1806 = arith.constant 1408 : i32
    %add3A_1807 = arith.addi %mul3A_32, %add3A_1806 : i32
    %add3A_1808 = arith.constant 0 : i32
    %add3A_1809 = arith.addi %add3A_1807, %add3A_1808 : i32
    %add3A_1810 = vector.broadcast %add3A_1809 : i32 to vector<16xi32>
    %add3A_1811 = arith.addi %add3A_1810, %iota3A : vector<16xi32>
    %mul3A_1812 = arith.constant 8192 : i32
    %mul3A_1813 = vector.broadcast %mul3A_1812 : i32 to vector<16xi32>
    %mul3A_1814 = arith.muli %add3A_1811, %mul3A_1813 : vector<16xi32>
    %add3A_1815 = arith.addi %mul3A_1814, %add3A_45 : vector<16xi32>
    %swap3A_1816 = arith.constant 11 : i32
    %swap3A_1817 = arith.index_cast %swap3A_1816 : i32 to index
    %swap3A_1818 = arith.constant 0 : index
    %swap3A_1819 = tpu.vector_load %arg6[%swap3A_1817, %swap3A_1818] {strides = array<i32>} : memref<16x128xi32, #tpu.memory_space<vmem>>, vector<1x16xi32>,
    %swap3A_1820 = vector.shape_cast %swap3A_1819 : vector<1x16xi32> to vector<16xi32>
    %swap3A_1821 = vector.shape_cast %add3A_1815 : vector<16xi32> to vector<1x16xi32>
    tpu.vector_store %arg6[%swap3A_1817, %swap3A_1818], %swap3A_1821 {strides = array<i32>} : memref<16x128xi32, #tpu.memory_space<vmem>>, vector<1x16xi32>,
    %swap3A_1822 = arith.constant 2944 : index
    %swap3A_1823 = tpu.vector_load %arg7[%swap3A_1822] {strides = array<i32>} : memref<4096xf32, #tpu.memory_space<vmem>>, vector<16xf32>,
    %swap3A_1824 = vector.shape_cast %swap3A_1823 : vector<16xf32> to vector<16xf32>
    %swap3A_1825 = vector.shape_cast %broadcast_in_dim3A_46 : vector<16xf32> to vector<16xf32>
    tpu.vector_store %arg7[%swap3A_1822], %swap3A_1825 {strides = array<i32>} : memref<4096xf32, #tpu.memory_space<vmem>>, vector<16xf32>,
    %add3A_1826 = arith.constant 1408 : i32
    %add3A_1827 = arith.addi %mul3A_32, %add3A_1826 : i32
    %add3A_1828 = arith.constant 16 : i32
    %add3A_1829 = arith.addi %add3A_1827, %add3A_1828 : i32
    %add3A_1830 = vector.broadcast %add3A_1829 : i32 to vector<16xi32>
    %add3A_1831 = arith.addi %add3A_1830, %iota3A : vector<16xi32>
    %mul3A_1832 = arith.constant 8192 : i32
    %mul3A_1833 = vector.broadcast %mul3A_1832 : i32 to vector<16xi32>
    %mul3A_1834 = arith.muli %add3A_1831, %mul3A_1833 : vector<16xi32>
    %add3A_1835 = arith.addi %mul3A_1834, %add3A_45 : vector<16xi32>
    %swap3A_1836 = arith.constant 11 : i32
    %swap3A_1837 = arith.index_cast %swap3A_1836 : i32 to index
    %swap3A_1838 = arith.constant 16 : index
    %swap3A_1839 = tpu.vector_load %arg6[%swap3A_1837, %swap3A_1838] {strides = array<i32>} : memref<16x128xi32, #tpu.memory_space<vmem>>, vector<1x16xi32>,
    %swap3A_1840 = vector.shape_cast %swap3A_1839 : vector<1x16xi32> to vector<16xi32>
    %swap3A_1841 = vector.shape_cast %add3A_1835 : vector<16xi32> to vector<1x16xi32>
    tpu.vector_store %arg6[%swap3A_1837, %swap3A_1838], %swap3A_1841 {strides = array<i32>} : memref<16x128xi32, #tpu.memory_space<vmem>>, vector<1x16xi32>,
    %swap3A_1842 = arith.constant 2960 : index
    %swap3A_1843 = tpu.vector_load %arg7[%swap3A_1842] {strides = array<i32>} : memref<4096xf32, #tpu.memory_space<vmem>>, vector<16xf32>,
    %swap3A_1844 = vector.shape_cast %swap3A_1843 : vector<16xf32> to vector<16xf32>
    %swap3A_1845 = vector.shape_cast %broadcast_in_dim3A_46 : vector<16xf32> to vector<16xf32>
    tpu.vector_store %arg7[%swap3A_1842], %swap3A_1845 {strides = array<i32>} : memref<4096xf32, #tpu.memory_space<vmem>>, vector<16xf32>,
    %add3A_1846 = arith.constant 1408 : i32
    %add3A_1847 = arith.addi %mul3A_32, %add3A_1846 : i32
    %add3A_1848 = arith.constant 32 : i32
    %add3A_1849 = arith.addi %add3A_1847, %add3A_1848 : i32
    %add3A_1850 = vector.broadcast %add3A_1849 : i32 to vector<16xi32>
    %add3A_1851 = arith.addi %add3A_1850, %iota3A : vector<16xi32>
    %mul3A_1852 = arith.constant 8192 : i32
    %mul3A_1853 = vector.broadcast %mul3A_1852 : i32 to vector<16xi32>
    %mul3A_1854 = arith.muli %add3A_1851, %mul3A_1853 : vector<16xi32>
    %add3A_1855 = arith.addi %mul3A_1854, %add3A_45 : vector<16xi32>
    %swap3A_1856 = arith.constant 11 : i32
    %swap3A_1857 = arith.index_cast %swap3A_1856 : i32 to index
    %swap3A_1858 = arith.constant 32 : index
    %swap3A_1859 = tpu.vector_load %arg6[%swap3A_1857, %swap3A_1858] {strides = array<i32>} : memref<16x128xi32, #tpu.memory_space<vmem>>, vector<1x16xi32>,
    %swap3A_1860 = vector.shape_cast %swap3A_1859 : vector<1x16xi32> to vector<16xi32>
    %swap3A_1861 = vector.shape_cast %add3A_1855 : vector<16xi32> to vector<1x16xi32>
    tpu.vector_store %arg6[%swap3A_1857, %swap3A_1858], %swap3A_1861 {strides = array<i32>} : memref<16x128xi32, #tpu.memory_space<vmem>>, vector<1x16xi32>,
    %swap3A_1862 = arith.constant 2976 : index
    %swap3A_1863 = tpu.vector_load %arg7[%swap3A_1862] {strides = array<i32>} : memref<4096xf32, #tpu.memory_space<vmem>>, vector<16xf32>,
    %swap3A_1864 = vector.shape_cast %swap3A_1863 : vector<16xf32> to vector<16xf32>
    %swap3A_1865 = vector.shape_cast %broadcast_in_dim3A_46 : vector<16xf32> to vector<16xf32>
    tpu.vector_store %arg7[%swap3A_1862], %swap3A_1865 {strides = array<i32>} : memref<4096xf32, #tpu.memory_space<vmem>>, vector<16xf32>,
    %add3A_1866 = arith.constant 1408 : i32
    %add3A_1867 = arith.addi %mul3A_32, %add3A_1866 : i32
    %add3A_1868 = arith.constant 48 : i32
    %add3A_1869 = arith.addi %add3A_1867, %add3A_1868 : i32
    %add3A_1870 = vector.broadcast %add3A_1869 : i32 to vector<16xi32>
    %add3A_1871 = arith.addi %add3A_1870, %iota3A : vector<16xi32>
    %mul3A_1872 = arith.constant 8192 : i32
    %mul3A_1873 = vector.broadcast %mul3A_1872 : i32 to vector<16xi32>
    %mul3A_1874 = arith.muli %add3A_1871, %mul3A_1873 : vector<16xi32>
    %add3A_1875 = arith.addi %mul3A_1874, %add3A_45 : vector<16xi32>
    %swap3A_1876 = arith.constant 11 : i32
    %swap3A_1877 = arith.index_cast %swap3A_1876 : i32 to index
    %swap3A_1878 = arith.constant 48 : index
    %swap3A_1879 = tpu.vector_load %arg6[%swap3A_1877, %swap3A_1878] {strides = array<i32>} : memref<16x128xi32, #tpu.memory_space<vmem>>, vector<1x16xi32>,
    %swap3A_1880 = vector.shape_cast %swap3A_1879 : vector<1x16xi32> to vector<16xi32>
    %swap3A_1881 = vector.shape_cast %add3A_1875 : vector<16xi32> to vector<1x16xi32>
    tpu.vector_store %arg6[%swap3A_1877, %swap3A_1878], %swap3A_1881 {strides = array<i32>} : memref<16x128xi32, #tpu.memory_space<vmem>>, vector<1x16xi32>,
    %swap3A_1882 = arith.constant 2992 : index
    %swap3A_1883 = tpu.vector_load %arg7[%swap3A_1882] {strides = array<i32>} : memref<4096xf32, #tpu.memory_space<vmem>>, vector<16xf32>,
    %swap3A_1884 = vector.shape_cast %swap3A_1883 : vector<16xf32> to vector<16xf32>
    %swap3A_1885 = vector.shape_cast %broadcast_in_dim3A_46 : vector<16xf32> to vector<16xf32>
    tpu.vector_store %arg7[%swap3A_1882], %swap3A_1885 {strides = array<i32>} : memref<4096xf32, #tpu.memory_space<vmem>>, vector<16xf32>,
    %add3A_1886 = arith.constant 1408 : i32
    %add3A_1887 = arith.addi %mul3A_32, %add3A_1886 : i32
    %add3A_1888 = arith.constant 64 : i32
    %add3A_1889 = arith.addi %add3A_1887, %add3A_1888 : i32
    %add3A_1890 = vector.broadcast %add3A_1889 : i32 to vector<16xi32>
    %add3A_1891 = arith.addi %add3A_1890, %iota3A : vector<16xi32>
    %mul3A_1892 = arith.constant 8192 : i32
    %mul3A_1893 = vector.broadcast %mul3A_1892 : i32 to vector<16xi32>
    %mul3A_1894 = arith.muli %add3A_1891, %mul3A_1893 : vector<16xi32>
    %add3A_1895 = arith.addi %mul3A_1894, %add3A_45 : vector<16xi32>
    %swap3A_1896 = arith.constant 11 : i32
    %swap3A_1897 = arith.index_cast %swap3A_1896 : i32 to index
    %swap3A_1898 = arith.constant 64 : index
    %swap3A_1899 = tpu.vector_load %arg6[%swap3A_1897, %swap3A_1898] {strides = array<i32>} : memref<16x128xi32, #tpu.memory_space<vmem>>, vector<1x16xi32>,
    %swap3A_1900 = vector.shape_cast %swap3A_1899 : vector<1x16xi32> to vector<16xi32>
    %swap3A_1901 = vector.shape_cast %add3A_1895 : vector<16xi32> to vector<1x16xi32>
    tpu.vector_store %arg6[%swap3A_1897, %swap3A_1898], %swap3A_1901 {strides = array<i32>} : memref<16x128xi32, #tpu.memory_space<vmem>>, vector<1x16xi32>,
    %swap3A_1902 = arith.constant 3008 : index
    %swap3A_1903 = tpu.vector_load %arg7[%swap3A_1902] {strides = array<i32>} : memref<4096xf32, #tpu.memory_space<vmem>>, vector<16xf32>,
    %swap3A_1904 = vector.shape_cast %swap3A_1903 : vector<16xf32> to vector<16xf32>
    %swap3A_1905 = vector.shape_cast %broadcast_in_dim3A_46 : vector<16xf32> to vector<16xf32>
    tpu.vector_store %arg7[%swap3A_1902], %swap3A_1905 {strides = array<i32>} : memref<4096xf32, #tpu.memory_space<vmem>>, vector<16xf32>,
    %add3A_1906 = arith.constant 1408 : i32
    %add3A_1907 = arith.addi %mul3A_32, %add3A_1906 : i32
    %add3A_1908 = arith.constant 80 : i32
    %add3A_1909 = arith.addi %add3A_1907, %add3A_1908 : i32
    %add3A_1910 = vector.broadcast %add3A_1909 : i32 to vector<16xi32>
    %add3A_1911 = arith.addi %add3A_1910, %iota3A : vector<16xi32>
    %mul3A_1912 = arith.constant 8192 : i32
    %mul3A_1913 = vector.broadcast %mul3A_1912 : i32 to vector<16xi32>
    %mul3A_1914 = arith.muli %add3A_1911, %mul3A_1913 : vector<16xi32>
    %add3A_1915 = arith.addi %mul3A_1914, %add3A_45 : vector<16xi32>
    %swap3A_1916 = arith.constant 11 : i32
    %swap3A_1917 = arith.index_cast %swap3A_1916 : i32 to index
    %swap3A_1918 = arith.constant 80 : index
    %swap3A_1919 = tpu.vector_load %arg6[%swap3A_1917, %swap3A_1918] {strides = array<i32>} : memref<16x128xi32, #tpu.memory_space<vmem>>, vector<1x16xi32>,
    %swap3A_1920 = vector.shape_cast %swap3A_1919 : vector<1x16xi32> to vector<16xi32>
    %swap3A_1921 = vector.shape_cast %add3A_1915 : vector<16xi32> to vector<1x16xi32>
    tpu.vector_store %arg6[%swap3A_1917, %swap3A_1918], %swap3A_1921 {strides = array<i32>} : memref<16x128xi32, #tpu.memory_space<vmem>>, vector<1x16xi32>,
    %swap3A_1922 = arith.constant 3024 : index
    %swap3A_1923 = tpu.vector_load %arg7[%swap3A_1922] {strides = array<i32>} : memref<4096xf32, #tpu.memory_space<vmem>>, vector<16xf32>,
    %swap3A_1924 = vector.shape_cast %swap3A_1923 : vector<16xf32> to vector<16xf32>
    %swap3A_1925 = vector.shape_cast %broadcast_in_dim3A_46 : vector<16xf32> to vector<16xf32>
    tpu.vector_store %arg7[%swap3A_1922], %swap3A_1925 {strides = array<i32>} : memref<4096xf32, #tpu.memory_space<vmem>>, vector<16xf32>,
    %add3A_1926 = arith.constant 1408 : i32
    %add3A_1927 = arith.addi %mul3A_32, %add3A_1926 : i32
    %add3A_1928 = arith.constant 96 : i32
    %add3A_1929 = arith.addi %add3A_1927, %add3A_1928 : i32
    %add3A_1930 = vector.broadcast %add3A_1929 : i32 to vector<16xi32>
    %add3A_1931 = arith.addi %add3A_1930, %iota3A : vector<16xi32>
    %mul3A_1932 = arith.constant 8192 : i32
    %mul3A_1933 = vector.broadcast %mul3A_1932 : i32 to vector<16xi32>
    %mul3A_1934 = arith.muli %add3A_1931, %mul3A_1933 : vector<16xi32>
    %add3A_1935 = arith.addi %mul3A_1934, %add3A_45 : vector<16xi32>
    %swap3A_1936 = arith.constant 11 : i32
    %swap3A_1937 = arith.index_cast %swap3A_1936 : i32 to index
    %swap3A_1938 = arith.constant 96 : index
    %swap3A_1939 = tpu.vector_load %arg6[%swap3A_1937, %swap3A_1938] {strides = array<i32>} : memref<16x128xi32, #tpu.memory_space<vmem>>, vector<1x16xi32>,
    %swap3A_1940 = vector.shape_cast %swap3A_1939 : vector<1x16xi32> to vector<16xi32>
    %swap3A_1941 = vector.shape_cast %add3A_1935 : vector<16xi32> to vector<1x16xi32>
    tpu.vector_store %arg6[%swap3A_1937, %swap3A_1938], %swap3A_1941 {strides = array<i32>} : memref<16x128xi32, #tpu.memory_space<vmem>>, vector<1x16xi32>,
    %swap3A_1942 = arith.constant 3040 : index
    %swap3A_1943 = tpu.vector_load %arg7[%swap3A_1942] {strides = array<i32>} : memref<4096xf32, #tpu.memory_space<vmem>>, vector<16xf32>,
    %swap3A_1944 = vector.shape_cast %swap3A_1943 : vector<16xf32> to vector<16xf32>
    %swap3A_1945 = vector.shape_cast %broadcast_in_dim3A_46 : vector<16xf32> to vector<16xf32>
    tpu.vector_store %arg7[%swap3A_1942], %swap3A_1945 {strides = array<i32>} : memref<4096xf32, #tpu.memory_space<vmem>>, vector<16xf32>,
    %add3A_1946 = arith.constant 1408 : i32
    %add3A_1947 = arith.addi %mul3A_32, %add3A_1946 : i32
    %add3A_1948 = arith.constant 112 : i32
    %add3A_1949 = arith.addi %add3A_1947, %add3A_1948 : i32
    %add3A_1950 = vector.broadcast %add3A_1949 : i32 to vector<16xi32>
    %add3A_1951 = arith.addi %add3A_1950, %iota3A : vector<16xi32>
    %mul3A_1952 = arith.constant 8192 : i32
    %mul3A_1953 = vector.broadcast %mul3A_1952 : i32 to vector<16xi32>
    %mul3A_1954 = arith.muli %add3A_1951, %mul3A_1953 : vector<16xi32>
    %add3A_1955 = arith.addi %mul3A_1954, %add3A_45 : vector<16xi32>
    %swap3A_1956 = arith.constant 11 : i32
    %swap3A_1957 = arith.index_cast %swap3A_1956 : i32 to index
    %swap3A_1958 = arith.constant 112 : index
    %swap3A_1959 = tpu.vector_load %arg6[%swap3A_1957, %swap3A_1958] {strides = array<i32>} : memref<16x128xi32, #tpu.memory_space<vmem>>, vector<1x16xi32>,
    %swap3A_1960 = vector.shape_cast %swap3A_1959 : vector<1x16xi32> to vector<16xi32>
    %swap3A_1961 = vector.shape_cast %add3A_1955 : vector<16xi32> to vector<1x16xi32>
    tpu.vector_store %arg6[%swap3A_1957, %swap3A_1958], %swap3A_1961 {strides = array<i32>} : memref<16x128xi32, #tpu.memory_space<vmem>>, vector<1x16xi32>,
    %swap3A_1962 = arith.constant 3056 : index
    %swap3A_1963 = tpu.vector_load %arg7[%swap3A_1962] {strides = array<i32>} : memref<4096xf32, #tpu.memory_space<vmem>>, vector<16xf32>,
    %swap3A_1964 = vector.shape_cast %swap3A_1963 : vector<16xf32> to vector<16xf32>
    %swap3A_1965 = vector.shape_cast %broadcast_in_dim3A_46 : vector<16xf32> to vector<16xf32>
    tpu.vector_store %arg7[%swap3A_1962], %swap3A_1965 {strides = array<i32>} : memref<4096xf32, #tpu.memory_space<vmem>>, vector<16xf32>,
    %add3A_1966 = arith.constant 1536 : i32
    %add3A_1967 = arith.addi %mul3A_32, %add3A_1966 : i32
    %add3A_1968 = arith.constant 0 : i32
    %add3A_1969 = arith.addi %add3A_1967, %add3A_1968 : i32
    %add3A_1970 = vector.broadcast %add3A_1969 : i32 to vector<16xi32>
    %add3A_1971 = arith.addi %add3A_1970, %iota3A : vector<16xi32>
    %mul3A_1972 = arith.constant 8192 : i32
    %mul3A_1973 = vector.broadcast %mul3A_1972 : i32 to vector<16xi32>
    %mul3A_1974 = arith.muli %add3A_1971, %mul3A_1973 : vector<16xi32>
    %add3A_1975 = arith.addi %mul3A_1974, %add3A_45 : vector<16xi32>
    %swap3A_1976 = arith.constant 12 : i32
    %swap3A_1977 = arith.index_cast %swap3A_1976 : i32 to index
    %swap3A_1978 = arith.constant 0 : index
    %swap3A_1979 = tpu.vector_load %arg6[%swap3A_1977, %swap3A_1978] {strides = array<i32>} : memref<16x128xi32, #tpu.memory_space<vmem>>, vector<1x16xi32>,
    %swap3A_1980 = vector.shape_cast %swap3A_1979 : vector<1x16xi32> to vector<16xi32>
    %swap3A_1981 = vector.shape_cast %add3A_1975 : vector<16xi32> to vector<1x16xi32>
    tpu.vector_store %arg6[%swap3A_1977, %swap3A_1978], %swap3A_1981 {strides = array<i32>} : memref<16x128xi32, #tpu.memory_space<vmem>>, vector<1x16xi32>,
    %swap3A_1982 = arith.constant 3200 : index
    %swap3A_1983 = tpu.vector_load %arg7[%swap3A_1982] {strides = array<i32>} : memref<4096xf32, #tpu.memory_space<vmem>>, vector<16xf32>,
    %swap3A_1984 = vector.shape_cast %swap3A_1983 : vector<16xf32> to vector<16xf32>
    %swap3A_1985 = vector.shape_cast %broadcast_in_dim3A_46 : vector<16xf32> to vector<16xf32>
    tpu.vector_store %arg7[%swap3A_1982], %swap3A_1985 {strides = array<i32>} : memref<4096xf32, #tpu.memory_space<vmem>>, vector<16xf32>,
    %add3A_1986 = arith.constant 1536 : i32
    %add3A_1987 = arith.addi %mul3A_32, %add3A_1986 : i32
    %add3A_1988 = arith.constant 16 : i32
    %add3A_1989 = arith.addi %add3A_1987, %add3A_1988 : i32
    %add3A_1990 = vector.broadcast %add3A_1989 : i32 to vector<16xi32>
    %add3A_1991 = arith.addi %add3A_1990, %iota3A : vector<16xi32>
    %mul3A_1992 = arith.constant 8192 : i32
    %mul3A_1993 = vector.broadcast %mul3A_1992 : i32 to vector<16xi32>
    %mul3A_1994 = arith.muli %add3A_1991, %mul3A_1993 : vector<16xi32>
    %add3A_1995 = arith.addi %mul3A_1994, %add3A_45 : vector<16xi32>
    %swap3A_1996 = arith.constant 12 : i32
    %swap3A_1997 = arith.index_cast %swap3A_1996 : i32 to index
    %swap3A_1998 = arith.constant 16 : index
    %swap3A_1999 = tpu.vector_load %arg6[%swap3A_1997, %swap3A_1998] {strides = array<i32>} : memref<16x128xi32, #tpu.memory_space<vmem>>, vector<1x16xi32>,
    %swap3A_2000 = vector.shape_cast %swap3A_1999 : vector<1x16xi32> to vector<16xi32>
    %swap3A_2001 = vector.shape_cast %add3A_1995 : vector<16xi32> to vector<1x16xi32>
    tpu.vector_store %arg6[%swap3A_1997, %swap3A_1998], %swap3A_2001 {strides = array<i32>} : memref<16x128xi32, #tpu.memory_space<vmem>>, vector<1x16xi32>,
    %swap3A_2002 = arith.constant 3216 : index
    %swap3A_2003 = tpu.vector_load %arg7[%swap3A_2002] {strides = array<i32>} : memref<4096xf32, #tpu.memory_space<vmem>>, vector<16xf32>,
    %swap3A_2004 = vector.shape_cast %swap3A_2003 : vector<16xf32> to vector<16xf32>
    %swap3A_2005 = vector.shape_cast %broadcast_in_dim3A_46 : vector<16xf32> to vector<16xf32>
    tpu.vector_store %arg7[%swap3A_2002], %swap3A_2005 {strides = array<i32>} : memref<4096xf32, #tpu.memory_space<vmem>>, vector<16xf32>,
    %add3A_2006 = arith.constant 1536 : i32
    %add3A_2007 = arith.addi %mul3A_32, %add3A_2006 : i32
    %add3A_2008 = arith.constant 32 : i32
    %add3A_2009 = arith.addi %add3A_2007, %add3A_2008 : i32
    %add3A_2010 = vector.broadcast %add3A_2009 : i32 to vector<16xi32>
    %add3A_2011 = arith.addi %add3A_2010, %iota3A : vector<16xi32>
    %mul3A_2012 = arith.constant 8192 : i32
    %mul3A_2013 = vector.broadcast %mul3A_2012 : i32 to vector<16xi32>
    %mul3A_2014 = arith.muli %add3A_2011, %mul3A_2013 : vector<16xi32>
    %add3A_2015 = arith.addi %mul3A_2014, %add3A_45 : vector<16xi32>
    %swap3A_2016 = arith.constant 12 : i32
    %swap3A_2017 = arith.index_cast %swap3A_2016 : i32 to index
    %swap3A_2018 = arith.constant 32 : index
    %swap3A_2019 = tpu.vector_load %arg6[%swap3A_2017, %swap3A_2018] {strides = array<i32>} : memref<16x128xi32, #tpu.memory_space<vmem>>, vector<1x16xi32>,
    %swap3A_2020 = vector.shape_cast %swap3A_2019 : vector<1x16xi32> to vector<16xi32>
    %swap3A_2021 = vector.shape_cast %add3A_2015 : vector<16xi32> to vector<1x16xi32>
    tpu.vector_store %arg6[%swap3A_2017, %swap3A_2018], %swap3A_2021 {strides = array<i32>} : memref<16x128xi32, #tpu.memory_space<vmem>>, vector<1x16xi32>,
    %swap3A_2022 = arith.constant 3232 : index
    %swap3A_2023 = tpu.vector_load %arg7[%swap3A_2022] {strides = array<i32>} : memref<4096xf32, #tpu.memory_space<vmem>>, vector<16xf32>,
    %swap3A_2024 = vector.shape_cast %swap3A_2023 : vector<16xf32> to vector<16xf32>
    %swap3A_2025 = vector.shape_cast %broadcast_in_dim3A_46 : vector<16xf32> to vector<16xf32>
    tpu.vector_store %arg7[%swap3A_2022], %swap3A_2025 {strides = array<i32>} : memref<4096xf32, #tpu.memory_space<vmem>>, vector<16xf32>,
    %add3A_2026 = arith.constant 1536 : i32
    %add3A_2027 = arith.addi %mul3A_32, %add3A_2026 : i32
    %add3A_2028 = arith.constant 48 : i32
    %add3A_2029 = arith.addi %add3A_2027, %add3A_2028 : i32
    %add3A_2030 = vector.broadcast %add3A_2029 : i32 to vector<16xi32>
    %add3A_2031 = arith.addi %add3A_2030, %iota3A : vector<16xi32>
    %mul3A_2032 = arith.constant 8192 : i32
    %mul3A_2033 = vector.broadcast %mul3A_2032 : i32 to vector<16xi32>
    %mul3A_2034 = arith.muli %add3A_2031, %mul3A_2033 : vector<16xi32>
    %add3A_2035 = arith.addi %mul3A_2034, %add3A_45 : vector<16xi32>
    %swap3A_2036 = arith.constant 12 : i32
    %swap3A_2037 = arith.index_cast %swap3A_2036 : i32 to index
    %swap3A_2038 = arith.constant 48 : index
    %swap3A_2039 = tpu.vector_load %arg6[%swap3A_2037, %swap3A_2038] {strides = array<i32>} : memref<16x128xi32, #tpu.memory_space<vmem>>, vector<1x16xi32>,
    %swap3A_2040 = vector.shape_cast %swap3A_2039 : vector<1x16xi32> to vector<16xi32>
    %swap3A_2041 = vector.shape_cast %add3A_2035 : vector<16xi32> to vector<1x16xi32>
    tpu.vector_store %arg6[%swap3A_2037, %swap3A_2038], %swap3A_2041 {strides = array<i32>} : memref<16x128xi32, #tpu.memory_space<vmem>>, vector<1x16xi32>,
    %swap3A_2042 = arith.constant 3248 : index
    %swap3A_2043 = tpu.vector_load %arg7[%swap3A_2042] {strides = array<i32>} : memref<4096xf32, #tpu.memory_space<vmem>>, vector<16xf32>,
    %swap3A_2044 = vector.shape_cast %swap3A_2043 : vector<16xf32> to vector<16xf32>
    %swap3A_2045 = vector.shape_cast %broadcast_in_dim3A_46 : vector<16xf32> to vector<16xf32>
    tpu.vector_store %arg7[%swap3A_2042], %swap3A_2045 {strides = array<i32>} : memref<4096xf32, #tpu.memory_space<vmem>>, vector<16xf32>,
    %add3A_2046 = arith.constant 1536 : i32
    %add3A_2047 = arith.addi %mul3A_32, %add3A_2046 : i32
    %add3A_2048 = arith.constant 64 : i32
    %add3A_2049 = arith.addi %add3A_2047, %add3A_2048 : i32
    %add3A_2050 = vector.broadcast %add3A_2049 : i32 to vector<16xi32>
    %add3A_2051 = arith.addi %add3A_2050, %iota3A : vector<16xi32>
    %mul3A_2052 = arith.constant 8192 : i32
    %mul3A_2053 = vector.broadcast %mul3A_2052 : i32 to vector<16xi32>
    %mul3A_2054 = arith.muli %add3A_2051, %mul3A_2053 : vector<16xi32>
    %add3A_2055 = arith.addi %mul3A_2054, %add3A_45 : vector<16xi32>
    %swap3A_2056 = arith.constant 12 : i32
    %swap3A_2057 = arith.index_cast %swap3A_2056 : i32 to index
    %swap3A_2058 = arith.constant 64 : index
    %swap3A_2059 = tpu.vector_load %arg6[%swap3A_2057, %swap3A_2058] {strides = array<i32>} : memref<16x128xi32, #tpu.memory_space<vmem>>, vector<1x16xi32>,
    %swap3A_2060 = vector.shape_cast %swap3A_2059 : vector<1x16xi32> to vector<16xi32>
    %swap3A_2061 = vector.shape_cast %add3A_2055 : vector<16xi32> to vector<1x16xi32>
    tpu.vector_store %arg6[%swap3A_2057, %swap3A_2058], %swap3A_2061 {strides = array<i32>} : memref<16x128xi32, #tpu.memory_space<vmem>>, vector<1x16xi32>,
    %swap3A_2062 = arith.constant 3264 : index
    %swap3A_2063 = tpu.vector_load %arg7[%swap3A_2062] {strides = array<i32>} : memref<4096xf32, #tpu.memory_space<vmem>>, vector<16xf32>,
    %swap3A_2064 = vector.shape_cast %swap3A_2063 : vector<16xf32> to vector<16xf32>
    %swap3A_2065 = vector.shape_cast %broadcast_in_dim3A_46 : vector<16xf32> to vector<16xf32>
    tpu.vector_store %arg7[%swap3A_2062], %swap3A_2065 {strides = array<i32>} : memref<4096xf32, #tpu.memory_space<vmem>>, vector<16xf32>,
    %add3A_2066 = arith.constant 1536 : i32
    %add3A_2067 = arith.addi %mul3A_32, %add3A_2066 : i32
    %add3A_2068 = arith.constant 80 : i32
    %add3A_2069 = arith.addi %add3A_2067, %add3A_2068 : i32
    %add3A_2070 = vector.broadcast %add3A_2069 : i32 to vector<16xi32>
    %add3A_2071 = arith.addi %add3A_2070, %iota3A : vector<16xi32>
    %mul3A_2072 = arith.constant 8192 : i32
    %mul3A_2073 = vector.broadcast %mul3A_2072 : i32 to vector<16xi32>
    %mul3A_2074 = arith.muli %add3A_2071, %mul3A_2073 : vector<16xi32>
    %add3A_2075 = arith.addi %mul3A_2074, %add3A_45 : vector<16xi32>
    %swap3A_2076 = arith.constant 12 : i32
    %swap3A_2077 = arith.index_cast %swap3A_2076 : i32 to index
    %swap3A_2078 = arith.constant 80 : index
    %swap3A_2079 = tpu.vector_load %arg6[%swap3A_2077, %swap3A_2078] {strides = array<i32>} : memref<16x128xi32, #tpu.memory_space<vmem>>, vector<1x16xi32>,
    %swap3A_2080 = vector.shape_cast %swap3A_2079 : vector<1x16xi32> to vector<16xi32>
    %swap3A_2081 = vector.shape_cast %add3A_2075 : vector<16xi32> to vector<1x16xi32>
    tpu.vector_store %arg6[%swap3A_2077, %swap3A_2078], %swap3A_2081 {strides = array<i32>} : memref<16x128xi32, #tpu.memory_space<vmem>>, vector<1x16xi32>,
    %swap3A_2082 = arith.constant 3280 : index
    %swap3A_2083 = tpu.vector_load %arg7[%swap3A_2082] {strides = array<i32>} : memref<4096xf32, #tpu.memory_space<vmem>>, vector<16xf32>,
    %swap3A_2084 = vector.shape_cast %swap3A_2083 : vector<16xf32> to vector<16xf32>
    %swap3A_2085 = vector.shape_cast %broadcast_in_dim3A_46 : vector<16xf32> to vector<16xf32>
    tpu.vector_store %arg7[%swap3A_2082], %swap3A_2085 {strides = array<i32>} : memref<4096xf32, #tpu.memory_space<vmem>>, vector<16xf32>,
    %add3A_2086 = arith.constant 1536 : i32
    %add3A_2087 = arith.addi %mul3A_32, %add3A_2086 : i32
    %add3A_2088 = arith.constant 96 : i32
    %add3A_2089 = arith.addi %add3A_2087, %add3A_2088 : i32
    %add3A_2090 = vector.broadcast %add3A_2089 : i32 to vector<16xi32>
    %add3A_2091 = arith.addi %add3A_2090, %iota3A : vector<16xi32>
    %mul3A_2092 = arith.constant 8192 : i32
    %mul3A_2093 = vector.broadcast %mul3A_2092 : i32 to vector<16xi32>
    %mul3A_2094 = arith.muli %add3A_2091, %mul3A_2093 : vector<16xi32>
    %add3A_2095 = arith.addi %mul3A_2094, %add3A_45 : vector<16xi32>
    %swap3A_2096 = arith.constant 12 : i32
    %swap3A_2097 = arith.index_cast %swap3A_2096 : i32 to index
    %swap3A_2098 = arith.constant 96 : index
    %swap3A_2099 = tpu.vector_load %arg6[%swap3A_2097, %swap3A_2098] {strides = array<i32>} : memref<16x128xi32, #tpu.memory_space<vmem>>, vector<1x16xi32>,
    %swap3A_2100 = vector.shape_cast %swap3A_2099 : vector<1x16xi32> to vector<16xi32>
    %swap3A_2101 = vector.shape_cast %add3A_2095 : vector<16xi32> to vector<1x16xi32>
    tpu.vector_store %arg6[%swap3A_2097, %swap3A_2098], %swap3A_2101 {strides = array<i32>} : memref<16x128xi32, #tpu.memory_space<vmem>>, vector<1x16xi32>,
    %swap3A_2102 = arith.constant 3296 : index
    %swap3A_2103 = tpu.vector_load %arg7[%swap3A_2102] {strides = array<i32>} : memref<4096xf32, #tpu.memory_space<vmem>>, vector<16xf32>,
    %swap3A_2104 = vector.shape_cast %swap3A_2103 : vector<16xf32> to vector<16xf32>
    %swap3A_2105 = vector.shape_cast %broadcast_in_dim3A_46 : vector<16xf32> to vector<16xf32>
    tpu.vector_store %arg7[%swap3A_2102], %swap3A_2105 {strides = array<i32>} : memref<4096xf32, #tpu.memory_space<vmem>>, vector<16xf32>,
    %add3A_2106 = arith.constant 1536 : i32
    %add3A_2107 = arith.addi %mul3A_32, %add3A_2106 : i32
    %add3A_2108 = arith.constant 112 : i32
    %add3A_2109 = arith.addi %add3A_2107, %add3A_2108 : i32
    %add3A_2110 = vector.broadcast %add3A_2109 : i32 to vector<16xi32>
    %add3A_2111 = arith.addi %add3A_2110, %iota3A : vector<16xi32>
    %mul3A_2112 = arith.constant 8192 : i32
    %mul3A_2113 = vector.broadcast %mul3A_2112 : i32 to vector<16xi32>
    %mul3A_2114 = arith.muli %add3A_2111, %mul3A_2113 : vector<16xi32>
    %add3A_2115 = arith.addi %mul3A_2114, %add3A_45 : vector<16xi32>
    %swap3A_2116 = arith.constant 12 : i32
    %swap3A_2117 = arith.index_cast %swap3A_2116 : i32 to index
    %swap3A_2118 = arith.constant 112 : index
    %swap3A_2119 = tpu.vector_load %arg6[%swap3A_2117, %swap3A_2118] {strides = array<i32>} : memref<16x128xi32, #tpu.memory_space<vmem>>, vector<1x16xi32>,
    %swap3A_2120 = vector.shape_cast %swap3A_2119 : vector<1x16xi32> to vector<16xi32>
    %swap3A_2121 = vector.shape_cast %add3A_2115 : vector<16xi32> to vector<1x16xi32>
    tpu.vector_store %arg6[%swap3A_2117, %swap3A_2118], %swap3A_2121 {strides = array<i32>} : memref<16x128xi32, #tpu.memory_space<vmem>>, vector<1x16xi32>,
    %swap3A_2122 = arith.constant 3312 : index
    %swap3A_2123 = tpu.vector_load %arg7[%swap3A_2122] {strides = array<i32>} : memref<4096xf32, #tpu.memory_space<vmem>>, vector<16xf32>,
    %swap3A_2124 = vector.shape_cast %swap3A_2123 : vector<16xf32> to vector<16xf32>
    %swap3A_2125 = vector.shape_cast %broadcast_in_dim3A_46 : vector<16xf32> to vector<16xf32>
    tpu.vector_store %arg7[%swap3A_2122], %swap3A_2125 {strides = array<i32>} : memref<4096xf32, #tpu.memory_space<vmem>>, vector<16xf32>,
    %add3A_2126 = arith.constant 1664 : i32
    %add3A_2127 = arith.addi %mul3A_32, %add3A_2126 : i32
    %add3A_2128 = arith.constant 0 : i32
    %add3A_2129 = arith.addi %add3A_2127, %add3A_2128 : i32
    %add3A_2130 = vector.broadcast %add3A_2129 : i32 to vector<16xi32>
    %add3A_2131 = arith.addi %add3A_2130, %iota3A : vector<16xi32>
    %mul3A_2132 = arith.constant 8192 : i32
    %mul3A_2133 = vector.broadcast %mul3A_2132 : i32 to vector<16xi32>
    %mul3A_2134 = arith.muli %add3A_2131, %mul3A_2133 : vector<16xi32>
    %add3A_2135 = arith.addi %mul3A_2134, %add3A_45 : vector<16xi32>
    %swap3A_2136 = arith.constant 13 : i32
    %swap3A_2137 = arith.index_cast %swap3A_2136 : i32 to index
    %swap3A_2138 = arith.constant 0 : index
    %swap3A_2139 = tpu.vector_load %arg6[%swap3A_2137, %swap3A_2138] {strides = array<i32>} : memref<16x128xi32, #tpu.memory_space<vmem>>, vector<1x16xi32>,
    %swap3A_2140 = vector.shape_cast %swap3A_2139 : vector<1x16xi32> to vector<16xi32>
    %swap3A_2141 = vector.shape_cast %add3A_2135 : vector<16xi32> to vector<1x16xi32>
    tpu.vector_store %arg6[%swap3A_2137, %swap3A_2138], %swap3A_2141 {strides = array<i32>} : memref<16x128xi32, #tpu.memory_space<vmem>>, vector<1x16xi32>,
    %swap3A_2142 = arith.constant 3456 : index
    %swap3A_2143 = tpu.vector_load %arg7[%swap3A_2142] {strides = array<i32>} : memref<4096xf32, #tpu.memory_space<vmem>>, vector<16xf32>,
    %swap3A_2144 = vector.shape_cast %swap3A_2143 : vector<16xf32> to vector<16xf32>
    %swap3A_2145 = vector.shape_cast %broadcast_in_dim3A_46 : vector<16xf32> to vector<16xf32>
    tpu.vector_store %arg7[%swap3A_2142], %swap3A_2145 {strides = array<i32>} : memref<4096xf32, #tpu.memory_space<vmem>>, vector<16xf32>,
    %add3A_2146 = arith.constant 1664 : i32
    %add3A_2147 = arith.addi %mul3A_32, %add3A_2146 : i32
    %add3A_2148 = arith.constant 16 : i32
    %add3A_2149 = arith.addi %add3A_2147, %add3A_2148 : i32
    %add3A_2150 = vector.broadcast %add3A_2149 : i32 to vector<16xi32>
    %add3A_2151 = arith.addi %add3A_2150, %iota3A : vector<16xi32>
    %mul3A_2152 = arith.constant 8192 : i32
    %mul3A_2153 = vector.broadcast %mul3A_2152 : i32 to vector<16xi32>
    %mul3A_2154 = arith.muli %add3A_2151, %mul3A_2153 : vector<16xi32>
    %add3A_2155 = arith.addi %mul3A_2154, %add3A_45 : vector<16xi32>
    %swap3A_2156 = arith.constant 13 : i32
    %swap3A_2157 = arith.index_cast %swap3A_2156 : i32 to index
    %swap3A_2158 = arith.constant 16 : index
    %swap3A_2159 = tpu.vector_load %arg6[%swap3A_2157, %swap3A_2158] {strides = array<i32>} : memref<16x128xi32, #tpu.memory_space<vmem>>, vector<1x16xi32>,
    %swap3A_2160 = vector.shape_cast %swap3A_2159 : vector<1x16xi32> to vector<16xi32>
    %swap3A_2161 = vector.shape_cast %add3A_2155 : vector<16xi32> to vector<1x16xi32>
    tpu.vector_store %arg6[%swap3A_2157, %swap3A_2158], %swap3A_2161 {strides = array<i32>} : memref<16x128xi32, #tpu.memory_space<vmem>>, vector<1x16xi32>,
    %swap3A_2162 = arith.constant 3472 : index
    %swap3A_2163 = tpu.vector_load %arg7[%swap3A_2162] {strides = array<i32>} : memref<4096xf32, #tpu.memory_space<vmem>>, vector<16xf32>,
    %swap3A_2164 = vector.shape_cast %swap3A_2163 : vector<16xf32> to vector<16xf32>
    %swap3A_2165 = vector.shape_cast %broadcast_in_dim3A_46 : vector<16xf32> to vector<16xf32>
    tpu.vector_store %arg7[%swap3A_2162], %swap3A_2165 {strides = array<i32>} : memref<4096xf32, #tpu.memory_space<vmem>>, vector<16xf32>,
    %add3A_2166 = arith.constant 1664 : i32
    %add3A_2167 = arith.addi %mul3A_32, %add3A_2166 : i32
    %add3A_2168 = arith.constant 32 : i32
    %add3A_2169 = arith.addi %add3A_2167, %add3A_2168 : i32
    %add3A_2170 = vector.broadcast %add3A_2169 : i32 to vector<16xi32>
    %add3A_2171 = arith.addi %add3A_2170, %iota3A : vector<16xi32>
    %mul3A_2172 = arith.constant 8192 : i32
    %mul3A_2173 = vector.broadcast %mul3A_2172 : i32 to vector<16xi32>
    %mul3A_2174 = arith.muli %add3A_2171, %mul3A_2173 : vector<16xi32>
    %add3A_2175 = arith.addi %mul3A_2174, %add3A_45 : vector<16xi32>
    %swap3A_2176 = arith.constant 13 : i32
    %swap3A_2177 = arith.index_cast %swap3A_2176 : i32 to index
    %swap3A_2178 = arith.constant 32 : index
    %swap3A_2179 = tpu.vector_load %arg6[%swap3A_2177, %swap3A_2178] {strides = array<i32>} : memref<16x128xi32, #tpu.memory_space<vmem>>, vector<1x16xi32>,
    %swap3A_2180 = vector.shape_cast %swap3A_2179 : vector<1x16xi32> to vector<16xi32>
    %swap3A_2181 = vector.shape_cast %add3A_2175 : vector<16xi32> to vector<1x16xi32>
    tpu.vector_store %arg6[%swap3A_2177, %swap3A_2178], %swap3A_2181 {strides = array<i32>} : memref<16x128xi32, #tpu.memory_space<vmem>>, vector<1x16xi32>,
    %swap3A_2182 = arith.constant 3488 : index
    %swap3A_2183 = tpu.vector_load %arg7[%swap3A_2182] {strides = array<i32>} : memref<4096xf32, #tpu.memory_space<vmem>>, vector<16xf32>,
    %swap3A_2184 = vector.shape_cast %swap3A_2183 : vector<16xf32> to vector<16xf32>
    %swap3A_2185 = vector.shape_cast %broadcast_in_dim3A_46 : vector<16xf32> to vector<16xf32>
    tpu.vector_store %arg7[%swap3A_2182], %swap3A_2185 {strides = array<i32>} : memref<4096xf32, #tpu.memory_space<vmem>>, vector<16xf32>,
    %add3A_2186 = arith.constant 1664 : i32
    %add3A_2187 = arith.addi %mul3A_32, %add3A_2186 : i32
    %add3A_2188 = arith.constant 48 : i32
    %add3A_2189 = arith.addi %add3A_2187, %add3A_2188 : i32
    %add3A_2190 = vector.broadcast %add3A_2189 : i32 to vector<16xi32>
    %add3A_2191 = arith.addi %add3A_2190, %iota3A : vector<16xi32>
    %mul3A_2192 = arith.constant 8192 : i32
    %mul3A_2193 = vector.broadcast %mul3A_2192 : i32 to vector<16xi32>
    %mul3A_2194 = arith.muli %add3A_2191, %mul3A_2193 : vector<16xi32>
    %add3A_2195 = arith.addi %mul3A_2194, %add3A_45 : vector<16xi32>
    %swap3A_2196 = arith.constant 13 : i32
    %swap3A_2197 = arith.index_cast %swap3A_2196 : i32 to index
    %swap3A_2198 = arith.constant 48 : index
    %swap3A_2199 = tpu.vector_load %arg6[%swap3A_2197, %swap3A_2198] {strides = array<i32>} : memref<16x128xi32, #tpu.memory_space<vmem>>, vector<1x16xi32>,
    %swap3A_2200 = vector.shape_cast %swap3A_2199 : vector<1x16xi32> to vector<16xi32>
    %swap3A_2201 = vector.shape_cast %add3A_2195 : vector<16xi32> to vector<1x16xi32>
    tpu.vector_store %arg6[%swap3A_2197, %swap3A_2198], %swap3A_2201 {strides = array<i32>} : memref<16x128xi32, #tpu.memory_space<vmem>>, vector<1x16xi32>,
    %swap3A_2202 = arith.constant 3504 : index
    %swap3A_2203 = tpu.vector_load %arg7[%swap3A_2202] {strides = array<i32>} : memref<4096xf32, #tpu.memory_space<vmem>>, vector<16xf32>,
    %swap3A_2204 = vector.shape_cast %swap3A_2203 : vector<16xf32> to vector<16xf32>
    %swap3A_2205 = vector.shape_cast %broadcast_in_dim3A_46 : vector<16xf32> to vector<16xf32>
    tpu.vector_store %arg7[%swap3A_2202], %swap3A_2205 {strides = array<i32>} : memref<4096xf32, #tpu.memory_space<vmem>>, vector<16xf32>,
    %add3A_2206 = arith.constant 1664 : i32
    %add3A_2207 = arith.addi %mul3A_32, %add3A_2206 : i32
    %add3A_2208 = arith.constant 64 : i32
    %add3A_2209 = arith.addi %add3A_2207, %add3A_2208 : i32
    %add3A_2210 = vector.broadcast %add3A_2209 : i32 to vector<16xi32>
    %add3A_2211 = arith.addi %add3A_2210, %iota3A : vector<16xi32>
    %mul3A_2212 = arith.constant 8192 : i32
    %mul3A_2213 = vector.broadcast %mul3A_2212 : i32 to vector<16xi32>
    %mul3A_2214 = arith.muli %add3A_2211, %mul3A_2213 : vector<16xi32>
    %add3A_2215 = arith.addi %mul3A_2214, %add3A_45 : vector<16xi32>
    %swap3A_2216 = arith.constant 13 : i32
    %swap3A_2217 = arith.index_cast %swap3A_2216 : i32 to index
    %swap3A_2218 = arith.constant 64 : index
    %swap3A_2219 = tpu.vector_load %arg6[%swap3A_2217, %swap3A_2218] {strides = array<i32>} : memref<16x128xi32, #tpu.memory_space<vmem>>, vector<1x16xi32>,
    %swap3A_2220 = vector.shape_cast %swap3A_2219 : vector<1x16xi32> to vector<16xi32>
    %swap3A_2221 = vector.shape_cast %add3A_2215 : vector<16xi32> to vector<1x16xi32>
    tpu.vector_store %arg6[%swap3A_2217, %swap3A_2218], %swap3A_2221 {strides = array<i32>} : memref<16x128xi32, #tpu.memory_space<vmem>>, vector<1x16xi32>,
    %swap3A_2222 = arith.constant 3520 : index
    %swap3A_2223 = tpu.vector_load %arg7[%swap3A_2222] {strides = array<i32>} : memref<4096xf32, #tpu.memory_space<vmem>>, vector<16xf32>,
    %swap3A_2224 = vector.shape_cast %swap3A_2223 : vector<16xf32> to vector<16xf32>
    %swap3A_2225 = vector.shape_cast %broadcast_in_dim3A_46 : vector<16xf32> to vector<16xf32>
    tpu.vector_store %arg7[%swap3A_2222], %swap3A_2225 {strides = array<i32>} : memref<4096xf32, #tpu.memory_space<vmem>>, vector<16xf32>,
    %add3A_2226 = arith.constant 1664 : i32
    %add3A_2227 = arith.addi %mul3A_32, %add3A_2226 : i32
    %add3A_2228 = arith.constant 80 : i32
    %add3A_2229 = arith.addi %add3A_2227, %add3A_2228 : i32
    %add3A_2230 = vector.broadcast %add3A_2229 : i32 to vector<16xi32>
    %add3A_2231 = arith.addi %add3A_2230, %iota3A : vector<16xi32>
    %mul3A_2232 = arith.constant 8192 : i32
    %mul3A_2233 = vector.broadcast %mul3A_2232 : i32 to vector<16xi32>
    %mul3A_2234 = arith.muli %add3A_2231, %mul3A_2233 : vector<16xi32>
    %add3A_2235 = arith.addi %mul3A_2234, %add3A_45 : vector<16xi32>
    %swap3A_2236 = arith.constant 13 : i32
    %swap3A_2237 = arith.index_cast %swap3A_2236 : i32 to index
    %swap3A_2238 = arith.constant 80 : index
    %swap3A_2239 = tpu.vector_load %arg6[%swap3A_2237, %swap3A_2238] {strides = array<i32>} : memref<16x128xi32, #tpu.memory_space<vmem>>, vector<1x16xi32>,
    %swap3A_2240 = vector.shape_cast %swap3A_2239 : vector<1x16xi32> to vector<16xi32>
    %swap3A_2241 = vector.shape_cast %add3A_2235 : vector<16xi32> to vector<1x16xi32>
    tpu.vector_store %arg6[%swap3A_2237, %swap3A_2238], %swap3A_2241 {strides = array<i32>} : memref<16x128xi32, #tpu.memory_space<vmem>>, vector<1x16xi32>,
    %swap3A_2242 = arith.constant 3536 : index
    %swap3A_2243 = tpu.vector_load %arg7[%swap3A_2242] {strides = array<i32>} : memref<4096xf32, #tpu.memory_space<vmem>>, vector<16xf32>,
    %swap3A_2244 = vector.shape_cast %swap3A_2243 : vector<16xf32> to vector<16xf32>
    %swap3A_2245 = vector.shape_cast %broadcast_in_dim3A_46 : vector<16xf32> to vector<16xf32>
    tpu.vector_store %arg7[%swap3A_2242], %swap3A_2245 {strides = array<i32>} : memref<4096xf32, #tpu.memory_space<vmem>>, vector<16xf32>,
    %add3A_2246 = arith.constant 1664 : i32
    %add3A_2247 = arith.addi %mul3A_32, %add3A_2246 : i32
    %add3A_2248 = arith.constant 96 : i32
    %add3A_2249 = arith.addi %add3A_2247, %add3A_2248 : i32
    %add3A_2250 = vector.broadcast %add3A_2249 : i32 to vector<16xi32>
    %add3A_2251 = arith.addi %add3A_2250, %iota3A : vector<16xi32>
    %mul3A_2252 = arith.constant 8192 : i32
    %mul3A_2253 = vector.broadcast %mul3A_2252 : i32 to vector<16xi32>
    %mul3A_2254 = arith.muli %add3A_2251, %mul3A_2253 : vector<16xi32>
    %add3A_2255 = arith.addi %mul3A_2254, %add3A_45 : vector<16xi32>
    %swap3A_2256 = arith.constant 13 : i32
    %swap3A_2257 = arith.index_cast %swap3A_2256 : i32 to index
    %swap3A_2258 = arith.constant 96 : index
    %swap3A_2259 = tpu.vector_load %arg6[%swap3A_2257, %swap3A_2258] {strides = array<i32>} : memref<16x128xi32, #tpu.memory_space<vmem>>, vector<1x16xi32>,
    %swap3A_2260 = vector.shape_cast %swap3A_2259 : vector<1x16xi32> to vector<16xi32>
    %swap3A_2261 = vector.shape_cast %add3A_2255 : vector<16xi32> to vector<1x16xi32>
    tpu.vector_store %arg6[%swap3A_2257, %swap3A_2258], %swap3A_2261 {strides = array<i32>} : memref<16x128xi32, #tpu.memory_space<vmem>>, vector<1x16xi32>,
    %swap3A_2262 = arith.constant 3552 : index
    %swap3A_2263 = tpu.vector_load %arg7[%swap3A_2262] {strides = array<i32>} : memref<4096xf32, #tpu.memory_space<vmem>>, vector<16xf32>,
    %swap3A_2264 = vector.shape_cast %swap3A_2263 : vector<16xf32> to vector<16xf32>
    %swap3A_2265 = vector.shape_cast %broadcast_in_dim3A_46 : vector<16xf32> to vector<16xf32>
    tpu.vector_store %arg7[%swap3A_2262], %swap3A_2265 {strides = array<i32>} : memref<4096xf32, #tpu.memory_space<vmem>>, vector<16xf32>,
    %add3A_2266 = arith.constant 1664 : i32
    %add3A_2267 = arith.addi %mul3A_32, %add3A_2266 : i32
    %add3A_2268 = arith.constant 112 : i32
    %add3A_2269 = arith.addi %add3A_2267, %add3A_2268 : i32
    %add3A_2270 = vector.broadcast %add3A_2269 : i32 to vector<16xi32>
    %add3A_2271 = arith.addi %add3A_2270, %iota3A : vector<16xi32>
    %mul3A_2272 = arith.constant 8192 : i32
    %mul3A_2273 = vector.broadcast %mul3A_2272 : i32 to vector<16xi32>
    %mul3A_2274 = arith.muli %add3A_2271, %mul3A_2273 : vector<16xi32>
    %add3A_2275 = arith.addi %mul3A_2274, %add3A_45 : vector<16xi32>
    %swap3A_2276 = arith.constant 13 : i32
    %swap3A_2277 = arith.index_cast %swap3A_2276 : i32 to index
    %swap3A_2278 = arith.constant 112 : index
    %swap3A_2279 = tpu.vector_load %arg6[%swap3A_2277, %swap3A_2278] {strides = array<i32>} : memref<16x128xi32, #tpu.memory_space<vmem>>, vector<1x16xi32>,
    %swap3A_2280 = vector.shape_cast %swap3A_2279 : vector<1x16xi32> to vector<16xi32>
    %swap3A_2281 = vector.shape_cast %add3A_2275 : vector<16xi32> to vector<1x16xi32>
    tpu.vector_store %arg6[%swap3A_2277, %swap3A_2278], %swap3A_2281 {strides = array<i32>} : memref<16x128xi32, #tpu.memory_space<vmem>>, vector<1x16xi32>,
    %swap3A_2282 = arith.constant 3568 : index
    %swap3A_2283 = tpu.vector_load %arg7[%swap3A_2282] {strides = array<i32>} : memref<4096xf32, #tpu.memory_space<vmem>>, vector<16xf32>,
    %swap3A_2284 = vector.shape_cast %swap3A_2283 : vector<16xf32> to vector<16xf32>
    %swap3A_2285 = vector.shape_cast %broadcast_in_dim3A_46 : vector<16xf32> to vector<16xf32>
    tpu.vector_store %arg7[%swap3A_2282], %swap3A_2285 {strides = array<i32>} : memref<4096xf32, #tpu.memory_space<vmem>>, vector<16xf32>,
    %add3A_2286 = arith.constant 1792 : i32
    %add3A_2287 = arith.addi %mul3A_32, %add3A_2286 : i32
    %add3A_2288 = arith.constant 0 : i32
    %add3A_2289 = arith.addi %add3A_2287, %add3A_2288 : i32
    %add3A_2290 = vector.broadcast %add3A_2289 : i32 to vector<16xi32>
    %add3A_2291 = arith.addi %add3A_2290, %iota3A : vector<16xi32>
    %mul3A_2292 = arith.constant 8192 : i32
    %mul3A_2293 = vector.broadcast %mul3A_2292 : i32 to vector<16xi32>
    %mul3A_2294 = arith.muli %add3A_2291, %mul3A_2293 : vector<16xi32>
    %add3A_2295 = arith.addi %mul3A_2294, %add3A_45 : vector<16xi32>
    %swap3A_2296 = arith.constant 14 : i32
    %swap3A_2297 = arith.index_cast %swap3A_2296 : i32 to index
    %swap3A_2298 = arith.constant 0 : index
    %swap3A_2299 = tpu.vector_load %arg6[%swap3A_2297, %swap3A_2298] {strides = array<i32>} : memref<16x128xi32, #tpu.memory_space<vmem>>, vector<1x16xi32>,
    %swap3A_2300 = vector.shape_cast %swap3A_2299 : vector<1x16xi32> to vector<16xi32>
    %swap3A_2301 = vector.shape_cast %add3A_2295 : vector<16xi32> to vector<1x16xi32>
    tpu.vector_store %arg6[%swap3A_2297, %swap3A_2298], %swap3A_2301 {strides = array<i32>} : memref<16x128xi32, #tpu.memory_space<vmem>>, vector<1x16xi32>,
    %swap3A_2302 = arith.constant 3712 : index
    %swap3A_2303 = tpu.vector_load %arg7[%swap3A_2302] {strides = array<i32>} : memref<4096xf32, #tpu.memory_space<vmem>>, vector<16xf32>,
    %swap3A_2304 = vector.shape_cast %swap3A_2303 : vector<16xf32> to vector<16xf32>
    %swap3A_2305 = vector.shape_cast %broadcast_in_dim3A_46 : vector<16xf32> to vector<16xf32>
    tpu.vector_store %arg7[%swap3A_2302], %swap3A_2305 {strides = array<i32>} : memref<4096xf32, #tpu.memory_space<vmem>>, vector<16xf32>,
    %add3A_2306 = arith.constant 1792 : i32
    %add3A_2307 = arith.addi %mul3A_32, %add3A_2306 : i32
    %add3A_2308 = arith.constant 16 : i32
    %add3A_2309 = arith.addi %add3A_2307, %add3A_2308 : i32
    %add3A_2310 = vector.broadcast %add3A_2309 : i32 to vector<16xi32>
    %add3A_2311 = arith.addi %add3A_2310, %iota3A : vector<16xi32>
    %mul3A_2312 = arith.constant 8192 : i32
    %mul3A_2313 = vector.broadcast %mul3A_2312 : i32 to vector<16xi32>
    %mul3A_2314 = arith.muli %add3A_2311, %mul3A_2313 : vector<16xi32>
    %add3A_2315 = arith.addi %mul3A_2314, %add3A_45 : vector<16xi32>
    %swap3A_2316 = arith.constant 14 : i32
    %swap3A_2317 = arith.index_cast %swap3A_2316 : i32 to index
    %swap3A_2318 = arith.constant 16 : index
    %swap3A_2319 = tpu.vector_load %arg6[%swap3A_2317, %swap3A_2318] {strides = array<i32>} : memref<16x128xi32, #tpu.memory_space<vmem>>, vector<1x16xi32>,
    %swap3A_2320 = vector.shape_cast %swap3A_2319 : vector<1x16xi32> to vector<16xi32>
    %swap3A_2321 = vector.shape_cast %add3A_2315 : vector<16xi32> to vector<1x16xi32>
    tpu.vector_store %arg6[%swap3A_2317, %swap3A_2318], %swap3A_2321 {strides = array<i32>} : memref<16x128xi32, #tpu.memory_space<vmem>>, vector<1x16xi32>,
    %swap3A_2322 = arith.constant 3728 : index
    %swap3A_2323 = tpu.vector_load %arg7[%swap3A_2322] {strides = array<i32>} : memref<4096xf32, #tpu.memory_space<vmem>>, vector<16xf32>,
    %swap3A_2324 = vector.shape_cast %swap3A_2323 : vector<16xf32> to vector<16xf32>
    %swap3A_2325 = vector.shape_cast %broadcast_in_dim3A_46 : vector<16xf32> to vector<16xf32>
    tpu.vector_store %arg7[%swap3A_2322], %swap3A_2325 {strides = array<i32>} : memref<4096xf32, #tpu.memory_space<vmem>>, vector<16xf32>,
    %add3A_2326 = arith.constant 1792 : i32
    %add3A_2327 = arith.addi %mul3A_32, %add3A_2326 : i32
    %add3A_2328 = arith.constant 32 : i32
    %add3A_2329 = arith.addi %add3A_2327, %add3A_2328 : i32
    %add3A_2330 = vector.broadcast %add3A_2329 : i32 to vector<16xi32>
    %add3A_2331 = arith.addi %add3A_2330, %iota3A : vector<16xi32>
    %mul3A_2332 = arith.constant 8192 : i32
    %mul3A_2333 = vector.broadcast %mul3A_2332 : i32 to vector<16xi32>
    %mul3A_2334 = arith.muli %add3A_2331, %mul3A_2333 : vector<16xi32>
    %add3A_2335 = arith.addi %mul3A_2334, %add3A_45 : vector<16xi32>
    %swap3A_2336 = arith.constant 14 : i32
    %swap3A_2337 = arith.index_cast %swap3A_2336 : i32 to index
    %swap3A_2338 = arith.constant 32 : index
    %swap3A_2339 = tpu.vector_load %arg6[%swap3A_2337, %swap3A_2338] {strides = array<i32>} : memref<16x128xi32, #tpu.memory_space<vmem>>, vector<1x16xi32>,
    %swap3A_2340 = vector.shape_cast %swap3A_2339 : vector<1x16xi32> to vector<16xi32>
    %swap3A_2341 = vector.shape_cast %add3A_2335 : vector<16xi32> to vector<1x16xi32>
    tpu.vector_store %arg6[%swap3A_2337, %swap3A_2338], %swap3A_2341 {strides = array<i32>} : memref<16x128xi32, #tpu.memory_space<vmem>>, vector<1x16xi32>,
    %swap3A_2342 = arith.constant 3744 : index
    %swap3A_2343 = tpu.vector_load %arg7[%swap3A_2342] {strides = array<i32>} : memref<4096xf32, #tpu.memory_space<vmem>>, vector<16xf32>,
    %swap3A_2344 = vector.shape_cast %swap3A_2343 : vector<16xf32> to vector<16xf32>
    %swap3A_2345 = vector.shape_cast %broadcast_in_dim3A_46 : vector<16xf32> to vector<16xf32>
    tpu.vector_store %arg7[%swap3A_2342], %swap3A_2345 {strides = array<i32>} : memref<4096xf32, #tpu.memory_space<vmem>>, vector<16xf32>,
    %add3A_2346 = arith.constant 1792 : i32
    %add3A_2347 = arith.addi %mul3A_32, %add3A_2346 : i32
    %add3A_2348 = arith.constant 48 : i32
    %add3A_2349 = arith.addi %add3A_2347, %add3A_2348 : i32
    %add3A_2350 = vector.broadcast %add3A_2349 : i32 to vector<16xi32>
    %add3A_2351 = arith.addi %add3A_2350, %iota3A : vector<16xi32>
    %mul3A_2352 = arith.constant 8192 : i32
    %mul3A_2353 = vector.broadcast %mul3A_2352 : i32 to vector<16xi32>
    %mul3A_2354 = arith.muli %add3A_2351, %mul3A_2353 : vector<16xi32>
    %add3A_2355 = arith.addi %mul3A_2354, %add3A_45 : vector<16xi32>
    %swap3A_2356 = arith.constant 14 : i32
    %swap3A_2357 = arith.index_cast %swap3A_2356 : i32 to index
    %swap3A_2358 = arith.constant 48 : index
    %swap3A_2359 = tpu.vector_load %arg6[%swap3A_2357, %swap3A_2358] {strides = array<i32>} : memref<16x128xi32, #tpu.memory_space<vmem>>, vector<1x16xi32>,
    %swap3A_2360 = vector.shape_cast %swap3A_2359 : vector<1x16xi32> to vector<16xi32>
    %swap3A_2361 = vector.shape_cast %add3A_2355 : vector<16xi32> to vector<1x16xi32>
    tpu.vector_store %arg6[%swap3A_2357, %swap3A_2358], %swap3A_2361 {strides = array<i32>} : memref<16x128xi32, #tpu.memory_space<vmem>>, vector<1x16xi32>,
    %swap3A_2362 = arith.constant 3760 : index
    %swap3A_2363 = tpu.vector_load %arg7[%swap3A_2362] {strides = array<i32>} : memref<4096xf32, #tpu.memory_space<vmem>>, vector<16xf32>,
    %swap3A_2364 = vector.shape_cast %swap3A_2363 : vector<16xf32> to vector<16xf32>
    %swap3A_2365 = vector.shape_cast %broadcast_in_dim3A_46 : vector<16xf32> to vector<16xf32>
    tpu.vector_store %arg7[%swap3A_2362], %swap3A_2365 {strides = array<i32>} : memref<4096xf32, #tpu.memory_space<vmem>>, vector<16xf32>,
    %add3A_2366 = arith.constant 1792 : i32
    %add3A_2367 = arith.addi %mul3A_32, %add3A_2366 : i32
    %add3A_2368 = arith.constant 64 : i32
    %add3A_2369 = arith.addi %add3A_2367, %add3A_2368 : i32
    %add3A_2370 = vector.broadcast %add3A_2369 : i32 to vector<16xi32>
    %add3A_2371 = arith.addi %add3A_2370, %iota3A : vector<16xi32>
    %mul3A_2372 = arith.constant 8192 : i32
    %mul3A_2373 = vector.broadcast %mul3A_2372 : i32 to vector<16xi32>
    %mul3A_2374 = arith.muli %add3A_2371, %mul3A_2373 : vector<16xi32>
    %add3A_2375 = arith.addi %mul3A_2374, %add3A_45 : vector<16xi32>
    %swap3A_2376 = arith.constant 14 : i32
    %swap3A_2377 = arith.index_cast %swap3A_2376 : i32 to index
    %swap3A_2378 = arith.constant 64 : index
    %swap3A_2379 = tpu.vector_load %arg6[%swap3A_2377, %swap3A_2378] {strides = array<i32>} : memref<16x128xi32, #tpu.memory_space<vmem>>, vector<1x16xi32>,
    %swap3A_2380 = vector.shape_cast %swap3A_2379 : vector<1x16xi32> to vector<16xi32>
    %swap3A_2381 = vector.shape_cast %add3A_2375 : vector<16xi32> to vector<1x16xi32>
    tpu.vector_store %arg6[%swap3A_2377, %swap3A_2378], %swap3A_2381 {strides = array<i32>} : memref<16x128xi32, #tpu.memory_space<vmem>>, vector<1x16xi32>,
    %swap3A_2382 = arith.constant 3776 : index
    %swap3A_2383 = tpu.vector_load %arg7[%swap3A_2382] {strides = array<i32>} : memref<4096xf32, #tpu.memory_space<vmem>>, vector<16xf32>,
    %swap3A_2384 = vector.shape_cast %swap3A_2383 : vector<16xf32> to vector<16xf32>
    %swap3A_2385 = vector.shape_cast %broadcast_in_dim3A_46 : vector<16xf32> to vector<16xf32>
    tpu.vector_store %arg7[%swap3A_2382], %swap3A_2385 {strides = array<i32>} : memref<4096xf32, #tpu.memory_space<vmem>>, vector<16xf32>,
    %add3A_2386 = arith.constant 1792 : i32
    %add3A_2387 = arith.addi %mul3A_32, %add3A_2386 : i32
    %add3A_2388 = arith.constant 80 : i32
    %add3A_2389 = arith.addi %add3A_2387, %add3A_2388 : i32
    %add3A_2390 = vector.broadcast %add3A_2389 : i32 to vector<16xi32>
    %add3A_2391 = arith.addi %add3A_2390, %iota3A : vector<16xi32>
    %mul3A_2392 = arith.constant 8192 : i32
    %mul3A_2393 = vector.broadcast %mul3A_2392 : i32 to vector<16xi32>
    %mul3A_2394 = arith.muli %add3A_2391, %mul3A_2393 : vector<16xi32>
    %add3A_2395 = arith.addi %mul3A_2394, %add3A_45 : vector<16xi32>
    %swap3A_2396 = arith.constant 14 : i32
    %swap3A_2397 = arith.index_cast %swap3A_2396 : i32 to index
    %swap3A_2398 = arith.constant 80 : index
    %swap3A_2399 = tpu.vector_load %arg6[%swap3A_2397, %swap3A_2398] {strides = array<i32>} : memref<16x128xi32, #tpu.memory_space<vmem>>, vector<1x16xi32>,
    %swap3A_2400 = vector.shape_cast %swap3A_2399 : vector<1x16xi32> to vector<16xi32>
    %swap3A_2401 = vector.shape_cast %add3A_2395 : vector<16xi32> to vector<1x16xi32>
    tpu.vector_store %arg6[%swap3A_2397, %swap3A_2398], %swap3A_2401 {strides = array<i32>} : memref<16x128xi32, #tpu.memory_space<vmem>>, vector<1x16xi32>,
    %swap3A_2402 = arith.constant 3792 : index
    %swap3A_2403 = tpu.vector_load %arg7[%swap3A_2402] {strides = array<i32>} : memref<4096xf32, #tpu.memory_space<vmem>>, vector<16xf32>,
    %swap3A_2404 = vector.shape_cast %swap3A_2403 : vector<16xf32> to vector<16xf32>
    %swap3A_2405 = vector.shape_cast %broadcast_in_dim3A_46 : vector<16xf32> to vector<16xf32>
    tpu.vector_store %arg7[%swap3A_2402], %swap3A_2405 {strides = array<i32>} : memref<4096xf32, #tpu.memory_space<vmem>>, vector<16xf32>,
    %add3A_2406 = arith.constant 1792 : i32
    %add3A_2407 = arith.addi %mul3A_32, %add3A_2406 : i32
    %add3A_2408 = arith.constant 96 : i32
    %add3A_2409 = arith.addi %add3A_2407, %add3A_2408 : i32
    %add3A_2410 = vector.broadcast %add3A_2409 : i32 to vector<16xi32>
    %add3A_2411 = arith.addi %add3A_2410, %iota3A : vector<16xi32>
    %mul3A_2412 = arith.constant 8192 : i32
    %mul3A_2413 = vector.broadcast %mul3A_2412 : i32 to vector<16xi32>
    %mul3A_2414 = arith.muli %add3A_2411, %mul3A_2413 : vector<16xi32>
    %add3A_2415 = arith.addi %mul3A_2414, %add3A_45 : vector<16xi32>
    %swap3A_2416 = arith.constant 14 : i32
    %swap3A_2417 = arith.index_cast %swap3A_2416 : i32 to index
    %swap3A_2418 = arith.constant 96 : index
    %swap3A_2419 = tpu.vector_load %arg6[%swap3A_2417, %swap3A_2418] {strides = array<i32>} : memref<16x128xi32, #tpu.memory_space<vmem>>, vector<1x16xi32>,
    %swap3A_2420 = vector.shape_cast %swap3A_2419 : vector<1x16xi32> to vector<16xi32>
    %swap3A_2421 = vector.shape_cast %add3A_2415 : vector<16xi32> to vector<1x16xi32>
    tpu.vector_store %arg6[%swap3A_2417, %swap3A_2418], %swap3A_2421 {strides = array<i32>} : memref<16x128xi32, #tpu.memory_space<vmem>>, vector<1x16xi32>,
    %swap3A_2422 = arith.constant 3808 : index
    %swap3A_2423 = tpu.vector_load %arg7[%swap3A_2422] {strides = array<i32>} : memref<4096xf32, #tpu.memory_space<vmem>>, vector<16xf32>,
    %swap3A_2424 = vector.shape_cast %swap3A_2423 : vector<16xf32> to vector<16xf32>
    %swap3A_2425 = vector.shape_cast %broadcast_in_dim3A_46 : vector<16xf32> to vector<16xf32>
    tpu.vector_store %arg7[%swap3A_2422], %swap3A_2425 {strides = array<i32>} : memref<4096xf32, #tpu.memory_space<vmem>>, vector<16xf32>,
    %add3A_2426 = arith.constant 1792 : i32
    %add3A_2427 = arith.addi %mul3A_32, %add3A_2426 : i32
    %add3A_2428 = arith.constant 112 : i32
    %add3A_2429 = arith.addi %add3A_2427, %add3A_2428 : i32
    %add3A_2430 = vector.broadcast %add3A_2429 : i32 to vector<16xi32>
    %add3A_2431 = arith.addi %add3A_2430, %iota3A : vector<16xi32>
    %mul3A_2432 = arith.constant 8192 : i32
    %mul3A_2433 = vector.broadcast %mul3A_2432 : i32 to vector<16xi32>
    %mul3A_2434 = arith.muli %add3A_2431, %mul3A_2433 : vector<16xi32>
    %add3A_2435 = arith.addi %mul3A_2434, %add3A_45 : vector<16xi32>
    %swap3A_2436 = arith.constant 14 : i32
    %swap3A_2437 = arith.index_cast %swap3A_2436 : i32 to index
    %swap3A_2438 = arith.constant 112 : index
    %swap3A_2439 = tpu.vector_load %arg6[%swap3A_2437, %swap3A_2438] {strides = array<i32>} : memref<16x128xi32, #tpu.memory_space<vmem>>, vector<1x16xi32>,
    %swap3A_2440 = vector.shape_cast %swap3A_2439 : vector<1x16xi32> to vector<16xi32>
    %swap3A_2441 = vector.shape_cast %add3A_2435 : vector<16xi32> to vector<1x16xi32>
    tpu.vector_store %arg6[%swap3A_2437, %swap3A_2438], %swap3A_2441 {strides = array<i32>} : memref<16x128xi32, #tpu.memory_space<vmem>>, vector<1x16xi32>,
    %swap3A_2442 = arith.constant 3824 : index
    %swap3A_2443 = tpu.vector_load %arg7[%swap3A_2442] {strides = array<i32>} : memref<4096xf32, #tpu.memory_space<vmem>>, vector<16xf32>,
    %swap3A_2444 = vector.shape_cast %swap3A_2443 : vector<16xf32> to vector<16xf32>
    %swap3A_2445 = vector.shape_cast %broadcast_in_dim3A_46 : vector<16xf32> to vector<16xf32>
    tpu.vector_store %arg7[%swap3A_2442], %swap3A_2445 {strides = array<i32>} : memref<4096xf32, #tpu.memory_space<vmem>>, vector<16xf32>,
    %add3A_2446 = arith.constant 1920 : i32
    %add3A_2447 = arith.addi %mul3A_32, %add3A_2446 : i32
    %add3A_2448 = arith.constant 0 : i32
    %add3A_2449 = arith.addi %add3A_2447, %add3A_2448 : i32
    %add3A_2450 = vector.broadcast %add3A_2449 : i32 to vector<16xi32>
    %add3A_2451 = arith.addi %add3A_2450, %iota3A : vector<16xi32>
    %mul3A_2452 = arith.constant 8192 : i32
    %mul3A_2453 = vector.broadcast %mul3A_2452 : i32 to vector<16xi32>
    %mul3A_2454 = arith.muli %add3A_2451, %mul3A_2453 : vector<16xi32>
    %add3A_2455 = arith.addi %mul3A_2454, %add3A_45 : vector<16xi32>
    %swap3A_2456 = arith.constant 15 : i32
    %swap3A_2457 = arith.index_cast %swap3A_2456 : i32 to index
    %swap3A_2458 = arith.constant 0 : index
    %swap3A_2459 = tpu.vector_load %arg6[%swap3A_2457, %swap3A_2458] {strides = array<i32>} : memref<16x128xi32, #tpu.memory_space<vmem>>, vector<1x16xi32>,
    %swap3A_2460 = vector.shape_cast %swap3A_2459 : vector<1x16xi32> to vector<16xi32>
    %swap3A_2461 = vector.shape_cast %add3A_2455 : vector<16xi32> to vector<1x16xi32>
    tpu.vector_store %arg6[%swap3A_2457, %swap3A_2458], %swap3A_2461 {strides = array<i32>} : memref<16x128xi32, #tpu.memory_space<vmem>>, vector<1x16xi32>,
    %swap3A_2462 = arith.constant 3968 : index
    %swap3A_2463 = tpu.vector_load %arg7[%swap3A_2462] {strides = array<i32>} : memref<4096xf32, #tpu.memory_space<vmem>>, vector<16xf32>,
    %swap3A_2464 = vector.shape_cast %swap3A_2463 : vector<16xf32> to vector<16xf32>
    %swap3A_2465 = vector.shape_cast %broadcast_in_dim3A_46 : vector<16xf32> to vector<16xf32>
    tpu.vector_store %arg7[%swap3A_2462], %swap3A_2465 {strides = array<i32>} : memref<4096xf32, #tpu.memory_space<vmem>>, vector<16xf32>,
    %add3A_2466 = arith.constant 1920 : i32
    %add3A_2467 = arith.addi %mul3A_32, %add3A_2466 : i32
    %add3A_2468 = arith.constant 16 : i32
    %add3A_2469 = arith.addi %add3A_2467, %add3A_2468 : i32
    %add3A_2470 = vector.broadcast %add3A_2469 : i32 to vector<16xi32>
    %add3A_2471 = arith.addi %add3A_2470, %iota3A : vector<16xi32>
    %mul3A_2472 = arith.constant 8192 : i32
    %mul3A_2473 = vector.broadcast %mul3A_2472 : i32 to vector<16xi32>
    %mul3A_2474 = arith.muli %add3A_2471, %mul3A_2473 : vector<16xi32>
    %add3A_2475 = arith.addi %mul3A_2474, %add3A_45 : vector<16xi32>
    %swap3A_2476 = arith.constant 15 : i32
    %swap3A_2477 = arith.index_cast %swap3A_2476 : i32 to index
    %swap3A_2478 = arith.constant 16 : index
    %swap3A_2479 = tpu.vector_load %arg6[%swap3A_2477, %swap3A_2478] {strides = array<i32>} : memref<16x128xi32, #tpu.memory_space<vmem>>, vector<1x16xi32>,
    %swap3A_2480 = vector.shape_cast %swap3A_2479 : vector<1x16xi32> to vector<16xi32>
    %swap3A_2481 = vector.shape_cast %add3A_2475 : vector<16xi32> to vector<1x16xi32>
    tpu.vector_store %arg6[%swap3A_2477, %swap3A_2478], %swap3A_2481 {strides = array<i32>} : memref<16x128xi32, #tpu.memory_space<vmem>>, vector<1x16xi32>,
    %swap3A_2482 = arith.constant 3984 : index
    %swap3A_2483 = tpu.vector_load %arg7[%swap3A_2482] {strides = array<i32>} : memref<4096xf32, #tpu.memory_space<vmem>>, vector<16xf32>,
    %swap3A_2484 = vector.shape_cast %swap3A_2483 : vector<16xf32> to vector<16xf32>
    %swap3A_2485 = vector.shape_cast %broadcast_in_dim3A_46 : vector<16xf32> to vector<16xf32>
    tpu.vector_store %arg7[%swap3A_2482], %swap3A_2485 {strides = array<i32>} : memref<4096xf32, #tpu.memory_space<vmem>>, vector<16xf32>,
    %add3A_2486 = arith.constant 1920 : i32
    %add3A_2487 = arith.addi %mul3A_32, %add3A_2486 : i32
    %add3A_2488 = arith.constant 32 : i32
    %add3A_2489 = arith.addi %add3A_2487, %add3A_2488 : i32
    %add3A_2490 = vector.broadcast %add3A_2489 : i32 to vector<16xi32>
    %add3A_2491 = arith.addi %add3A_2490, %iota3A : vector<16xi32>
    %mul3A_2492 = arith.constant 8192 : i32
    %mul3A_2493 = vector.broadcast %mul3A_2492 : i32 to vector<16xi32>
    %mul3A_2494 = arith.muli %add3A_2491, %mul3A_2493 : vector<16xi32>
    %add3A_2495 = arith.addi %mul3A_2494, %add3A_45 : vector<16xi32>
    %swap3A_2496 = arith.constant 15 : i32
    %swap3A_2497 = arith.index_cast %swap3A_2496 : i32 to index
    %swap3A_2498 = arith.constant 32 : index
    %swap3A_2499 = tpu.vector_load %arg6[%swap3A_2497, %swap3A_2498] {strides = array<i32>} : memref<16x128xi32, #tpu.memory_space<vmem>>, vector<1x16xi32>,
    %swap3A_2500 = vector.shape_cast %swap3A_2499 : vector<1x16xi32> to vector<16xi32>
    %swap3A_2501 = vector.shape_cast %add3A_2495 : vector<16xi32> to vector<1x16xi32>
    tpu.vector_store %arg6[%swap3A_2497, %swap3A_2498], %swap3A_2501 {strides = array<i32>} : memref<16x128xi32, #tpu.memory_space<vmem>>, vector<1x16xi32>,
    %swap3A_2502 = arith.constant 4000 : index
    %swap3A_2503 = tpu.vector_load %arg7[%swap3A_2502] {strides = array<i32>} : memref<4096xf32, #tpu.memory_space<vmem>>, vector<16xf32>,
    %swap3A_2504 = vector.shape_cast %swap3A_2503 : vector<16xf32> to vector<16xf32>
    %swap3A_2505 = vector.shape_cast %broadcast_in_dim3A_46 : vector<16xf32> to vector<16xf32>
    tpu.vector_store %arg7[%swap3A_2502], %swap3A_2505 {strides = array<i32>} : memref<4096xf32, #tpu.memory_space<vmem>>, vector<16xf32>,
    %add3A_2506 = arith.constant 1920 : i32
    %add3A_2507 = arith.addi %mul3A_32, %add3A_2506 : i32
    %add3A_2508 = arith.constant 48 : i32
    %add3A_2509 = arith.addi %add3A_2507, %add3A_2508 : i32
    %add3A_2510 = vector.broadcast %add3A_2509 : i32 to vector<16xi32>
    %add3A_2511 = arith.addi %add3A_2510, %iota3A : vector<16xi32>
    %mul3A_2512 = arith.constant 8192 : i32
    %mul3A_2513 = vector.broadcast %mul3A_2512 : i32 to vector<16xi32>
    %mul3A_2514 = arith.muli %add3A_2511, %mul3A_2513 : vector<16xi32>
    %add3A_2515 = arith.addi %mul3A_2514, %add3A_45 : vector<16xi32>
    %swap3A_2516 = arith.constant 15 : i32
    %swap3A_2517 = arith.index_cast %swap3A_2516 : i32 to index
    %swap3A_2518 = arith.constant 48 : index
    %swap3A_2519 = tpu.vector_load %arg6[%swap3A_2517, %swap3A_2518] {strides = array<i32>} : memref<16x128xi32, #tpu.memory_space<vmem>>, vector<1x16xi32>,
    %swap3A_2520 = vector.shape_cast %swap3A_2519 : vector<1x16xi32> to vector<16xi32>
    %swap3A_2521 = vector.shape_cast %add3A_2515 : vector<16xi32> to vector<1x16xi32>
    tpu.vector_store %arg6[%swap3A_2517, %swap3A_2518], %swap3A_2521 {strides = array<i32>} : memref<16x128xi32, #tpu.memory_space<vmem>>, vector<1x16xi32>,
    %swap3A_2522 = arith.constant 4016 : index
    %swap3A_2523 = tpu.vector_load %arg7[%swap3A_2522] {strides = array<i32>} : memref<4096xf32, #tpu.memory_space<vmem>>, vector<16xf32>,
    %swap3A_2524 = vector.shape_cast %swap3A_2523 : vector<16xf32> to vector<16xf32>
    %swap3A_2525 = vector.shape_cast %broadcast_in_dim3A_46 : vector<16xf32> to vector<16xf32>
    tpu.vector_store %arg7[%swap3A_2522], %swap3A_2525 {strides = array<i32>} : memref<4096xf32, #tpu.memory_space<vmem>>, vector<16xf32>,
    %add3A_2526 = arith.constant 1920 : i32
    %add3A_2527 = arith.addi %mul3A_32, %add3A_2526 : i32
    %add3A_2528 = arith.constant 64 : i32
    %add3A_2529 = arith.addi %add3A_2527, %add3A_2528 : i32
    %add3A_2530 = vector.broadcast %add3A_2529 : i32 to vector<16xi32>
    %add3A_2531 = arith.addi %add3A_2530, %iota3A : vector<16xi32>
    %mul3A_2532 = arith.constant 8192 : i32
    %mul3A_2533 = vector.broadcast %mul3A_2532 : i32 to vector<16xi32>
    %mul3A_2534 = arith.muli %add3A_2531, %mul3A_2533 : vector<16xi32>
    %add3A_2535 = arith.addi %mul3A_2534, %add3A_45 : vector<16xi32>
    %swap3A_2536 = arith.constant 15 : i32
    %swap3A_2537 = arith.index_cast %swap3A_2536 : i32 to index
    %swap3A_2538 = arith.constant 64 : index
    %swap3A_2539 = tpu.vector_load %arg6[%swap3A_2537, %swap3A_2538] {strides = array<i32>} : memref<16x128xi32, #tpu.memory_space<vmem>>, vector<1x16xi32>,
    %swap3A_2540 = vector.shape_cast %swap3A_2539 : vector<1x16xi32> to vector<16xi32>
    %swap3A_2541 = vector.shape_cast %add3A_2535 : vector<16xi32> to vector<1x16xi32>
    tpu.vector_store %arg6[%swap3A_2537, %swap3A_2538], %swap3A_2541 {strides = array<i32>} : memref<16x128xi32, #tpu.memory_space<vmem>>, vector<1x16xi32>,
    %swap3A_2542 = arith.constant 4032 : index
    %swap3A_2543 = tpu.vector_load %arg7[%swap3A_2542] {strides = array<i32>} : memref<4096xf32, #tpu.memory_space<vmem>>, vector<16xf32>,
    %swap3A_2544 = vector.shape_cast %swap3A_2543 : vector<16xf32> to vector<16xf32>
    %swap3A_2545 = vector.shape_cast %broadcast_in_dim3A_46 : vector<16xf32> to vector<16xf32>
    tpu.vector_store %arg7[%swap3A_2542], %swap3A_2545 {strides = array<i32>} : memref<4096xf32, #tpu.memory_space<vmem>>, vector<16xf32>,
    %add3A_2546 = arith.constant 1920 : i32
    %add3A_2547 = arith.addi %mul3A_32, %add3A_2546 : i32
    %add3A_2548 = arith.constant 80 : i32
    %add3A_2549 = arith.addi %add3A_2547, %add3A_2548 : i32
    %add3A_2550 = vector.broadcast %add3A_2549 : i32 to vector<16xi32>
    %add3A_2551 = arith.addi %add3A_2550, %iota3A : vector<16xi32>
    %mul3A_2552 = arith.constant 8192 : i32
    %mul3A_2553 = vector.broadcast %mul3A_2552 : i32 to vector<16xi32>
    %mul3A_2554 = arith.muli %add3A_2551, %mul3A_2553 : vector<16xi32>
    %add3A_2555 = arith.addi %mul3A_2554, %add3A_45 : vector<16xi32>
    %swap3A_2556 = arith.constant 15 : i32
    %swap3A_2557 = arith.index_cast %swap3A_2556 : i32 to index
    %swap3A_2558 = arith.constant 80 : index
    %swap3A_2559 = tpu.vector_load %arg6[%swap3A_2557, %swap3A_2558] {strides = array<i32>} : memref<16x128xi32, #tpu.memory_space<vmem>>, vector<1x16xi32>,
    %swap3A_2560 = vector.shape_cast %swap3A_2559 : vector<1x16xi32> to vector<16xi32>
    %swap3A_2561 = vector.shape_cast %add3A_2555 : vector<16xi32> to vector<1x16xi32>
    tpu.vector_store %arg6[%swap3A_2557, %swap3A_2558], %swap3A_2561 {strides = array<i32>} : memref<16x128xi32, #tpu.memory_space<vmem>>, vector<1x16xi32>,
    %swap3A_2562 = arith.constant 4048 : index
    %swap3A_2563 = tpu.vector_load %arg7[%swap3A_2562] {strides = array<i32>} : memref<4096xf32, #tpu.memory_space<vmem>>, vector<16xf32>,
    %swap3A_2564 = vector.shape_cast %swap3A_2563 : vector<16xf32> to vector<16xf32>
    %swap3A_2565 = vector.shape_cast %broadcast_in_dim3A_46 : vector<16xf32> to vector<16xf32>
    tpu.vector_store %arg7[%swap3A_2562], %swap3A_2565 {strides = array<i32>} : memref<4096xf32, #tpu.memory_space<vmem>>, vector<16xf32>,
    %add3A_2566 = arith.constant 1920 : i32
    %add3A_2567 = arith.addi %mul3A_32, %add3A_2566 : i32
    %add3A_2568 = arith.constant 96 : i32
    %add3A_2569 = arith.addi %add3A_2567, %add3A_2568 : i32
    %add3A_2570 = vector.broadcast %add3A_2569 : i32 to vector<16xi32>
    %add3A_2571 = arith.addi %add3A_2570, %iota3A : vector<16xi32>
    %mul3A_2572 = arith.constant 8192 : i32
    %mul3A_2573 = vector.broadcast %mul3A_2572 : i32 to vector<16xi32>
    %mul3A_2574 = arith.muli %add3A_2571, %mul3A_2573 : vector<16xi32>
    %add3A_2575 = arith.addi %mul3A_2574, %add3A_45 : vector<16xi32>
    %swap3A_2576 = arith.constant 15 : i32
    %swap3A_2577 = arith.index_cast %swap3A_2576 : i32 to index
    %swap3A_2578 = arith.constant 96 : index
    %swap3A_2579 = tpu.vector_load %arg6[%swap3A_2577, %swap3A_2578] {strides = array<i32>} : memref<16x128xi32, #tpu.memory_space<vmem>>, vector<1x16xi32>,
    %swap3A_2580 = vector.shape_cast %swap3A_2579 : vector<1x16xi32> to vector<16xi32>
    %swap3A_2581 = vector.shape_cast %add3A_2575 : vector<16xi32> to vector<1x16xi32>
    tpu.vector_store %arg6[%swap3A_2577, %swap3A_2578], %swap3A_2581 {strides = array<i32>} : memref<16x128xi32, #tpu.memory_space<vmem>>, vector<1x16xi32>,
    %swap3A_2582 = arith.constant 4064 : index
    %swap3A_2583 = tpu.vector_load %arg7[%swap3A_2582] {strides = array<i32>} : memref<4096xf32, #tpu.memory_space<vmem>>, vector<16xf32>,
    %swap3A_2584 = vector.shape_cast %swap3A_2583 : vector<16xf32> to vector<16xf32>
    %swap3A_2585 = vector.shape_cast %broadcast_in_dim3A_46 : vector<16xf32> to vector<16xf32>
    tpu.vector_store %arg7[%swap3A_2582], %swap3A_2585 {strides = array<i32>} : memref<4096xf32, #tpu.memory_space<vmem>>, vector<16xf32>,
    %add3A_2586 = arith.constant 1920 : i32
    %add3A_2587 = arith.addi %mul3A_32, %add3A_2586 : i32
    %add3A_2588 = arith.constant 112 : i32
    %add3A_2589 = arith.addi %add3A_2587, %add3A_2588 : i32
    %add3A_2590 = vector.broadcast %add3A_2589 : i32 to vector<16xi32>
    %add3A_2591 = arith.addi %add3A_2590, %iota3A : vector<16xi32>
    %mul3A_2592 = arith.constant 8192 : i32
    %mul3A_2593 = vector.broadcast %mul3A_2592 : i32 to vector<16xi32>
    %mul3A_2594 = arith.muli %add3A_2591, %mul3A_2593 : vector<16xi32>
    %add3A_2595 = arith.addi %mul3A_2594, %add3A_45 : vector<16xi32>
    %swap3A_2596 = arith.constant 15 : i32
    %swap3A_2597 = arith.index_cast %swap3A_2596 : i32 to index
    %swap3A_2598 = arith.constant 112 : index
    %swap3A_2599 = tpu.vector_load %arg6[%swap3A_2597, %swap3A_2598] {strides = array<i32>} : memref<16x128xi32, #tpu.memory_space<vmem>>, vector<1x16xi32>,
    %swap3A_2600 = vector.shape_cast %swap3A_2599 : vector<1x16xi32> to vector<16xi32>
    %swap3A_2601 = vector.shape_cast %add3A_2595 : vector<16xi32> to vector<1x16xi32>
    tpu.vector_store %arg6[%swap3A_2597, %swap3A_2598], %swap3A_2601 {strides = array<i32>} : memref<16x128xi32, #tpu.memory_space<vmem>>, vector<1x16xi32>,
    %swap3A_2602 = arith.constant 4080 : index
    %swap3A_2603 = tpu.vector_load %arg7[%swap3A_2602] {strides = array<i32>} : memref<4096xf32, #tpu.memory_space<vmem>>, vector<16xf32>,
    %swap3A_2604 = vector.shape_cast %swap3A_2603 : vector<16xf32> to vector<16xf32>
    %swap3A_2605 = vector.shape_cast %broadcast_in_dim3A_46 : vector<16xf32> to vector<16xf32>
    tpu.vector_store %arg7[%swap3A_2602], %swap3A_2605 {strides = array<i32>} : memref<4096xf32, #tpu.memory_space<vmem>>, vector<16xf32>,
    %dma_start3A = arith.constant 0 : i32
    %dma_start3A_2606 = arith.constant 0 : i32
    %dma_start3A_2607 = tpu.memref_slice %arg7[%dma_start3A_2606] : memref<4096xf32, #tpu.memory_space<vmem>> -> memref<128xf32, #tpu.memory_space<vmem>>
    %dma_start3A_2608 = arith.constant 0 : i32
    %dma_start3A_2609 = tpu.memref_slice %arg6[%dma_start3A, %dma_start3A_2608] : memref<16x128xi32, #tpu.memory_space<vmem>> -> memref<1x128xi32, #tpu.memory_space<vmem>>
    %dma_start3A_2610 = tpu.memref_squeeze %dma_start3A_2609 : memref<1x128xi32, #tpu.memory_space<vmem>> -> memref<128xi32, #tpu.memory_space<vmem>>
    %dma_start3A_2611 = arith.constant 0 : i32
    %dma_start3A_2612 = tpu.memref_slice %arg2[%dma_start3A_2611] : memref<33554432xf32, #tpu.memory_space<hbm>> -> memref<33554432xf32, #tpu.memory_space<hbm>>
    tpu.enqueue_indirect_dma source(%dma_start3A_2612 : memref<33554432xf32, #tpu.memory_space<hbm>>) target(%dma_start3A_2607 : memref<128xf32, #tpu.memory_space<vmem>>) offsets(%dma_start3A_2610 : memref<128xi32, #tpu.memory_space<vmem>>) semaphore(%arg8 : memref<!tpu.dma_semaphore, #tpu.memory_space<semaphore_mem>>)
    %dma_start3A_2613 = arith.constant 1 : i32
    %dma_start3A_2614 = arith.constant 256 : i32
    %dma_start3A_2615 = tpu.memref_slice %arg7[%dma_start3A_2614] : memref<4096xf32, #tpu.memory_space<vmem>> -> memref<128xf32, #tpu.memory_space<vmem>>
    %dma_start3A_2616 = arith.constant 0 : i32
    %dma_start3A_2617 = tpu.memref_slice %arg6[%dma_start3A_2613, %dma_start3A_2616] : memref<16x128xi32, #tpu.memory_space<vmem>> -> memref<1x128xi32, #tpu.memory_space<vmem>>
    %dma_start3A_2618 = tpu.memref_squeeze %dma_start3A_2617 : memref<1x128xi32, #tpu.memory_space<vmem>> -> memref<128xi32, #tpu.memory_space<vmem>>
    %dma_start3A_2619 = arith.constant 0 : i32
    %dma_start3A_2620 = tpu.memref_slice %arg2[%dma_start3A_2619] : memref<33554432xf32, #tpu.memory_space<hbm>> -> memref<33554432xf32, #tpu.memory_space<hbm>>
    tpu.enqueue_indirect_dma source(%dma_start3A_2620 : memref<33554432xf32, #tpu.memory_space<hbm>>) target(%dma_start3A_2615 : memref<128xf32, #tpu.memory_space<vmem>>) offsets(%dma_start3A_2618 : memref<128xi32, #tpu.memory_space<vmem>>) semaphore(%arg8 : memref<!tpu.dma_semaphore, #tpu.memory_space<semaphore_mem>>)
    %dma_start3A_2621 = arith.constant 2 : i32
    %dma_start3A_2622 = arith.constant 512 : i32
    %dma_start3A_2623 = tpu.memref_slice %arg7[%dma_start3A_2622] : memref<4096xf32, #tpu.memory_space<vmem>> -> memref<128xf32, #tpu.memory_space<vmem>>
    %dma_start3A_2624 = arith.constant 0 : i32
    %dma_start3A_2625 = tpu.memref_slice %arg6[%dma_start3A_2621, %dma_start3A_2624] : memref<16x128xi32, #tpu.memory_space<vmem>> -> memref<1x128xi32, #tpu.memory_space<vmem>>
    %dma_start3A_2626 = tpu.memref_squeeze %dma_start3A_2625 : memref<1x128xi32, #tpu.memory_space<vmem>> -> memref<128xi32, #tpu.memory_space<vmem>>
    %dma_start3A_2627 = arith.constant 0 : i32
    %dma_start3A_2628 = tpu.memref_slice %arg2[%dma_start3A_2627] : memref<33554432xf32, #tpu.memory_space<hbm>> -> memref<33554432xf32, #tpu.memory_space<hbm>>
    tpu.enqueue_indirect_dma source(%dma_start3A_2628 : memref<33554432xf32, #tpu.memory_space<hbm>>) target(%dma_start3A_2623 : memref<128xf32, #tpu.memory_space<vmem>>) offsets(%dma_start3A_2626 : memref<128xi32, #tpu.memory_space<vmem>>) semaphore(%arg8 : memref<!tpu.dma_semaphore, #tpu.memory_space<semaphore_mem>>)
    %dma_start3A_2629 = arith.constant 3 : i32
    %dma_start3A_2630 = arith.constant 768 : i32
    %dma_start3A_2631 = tpu.memref_slice %arg7[%dma_start3A_2630] : memref<4096xf32, #tpu.memory_space<vmem>> -> memref<128xf32, #tpu.memory_space<vmem>>
    %dma_start3A_2632 = arith.constant 0 : i32
    %dma_start3A_2633 = tpu.memref_slice %arg6[%dma_start3A_2629, %dma_start3A_2632] : memref<16x128xi32, #tpu.memory_space<vmem>> -> memref<1x128xi32, #tpu.memory_space<vmem>>
    %dma_start3A_2634 = tpu.memref_squeeze %dma_start3A_2633 : memref<1x128xi32, #tpu.memory_space<vmem>> -> memref<128xi32, #tpu.memory_space<vmem>>
    %dma_start3A_2635 = arith.constant 0 : i32
    %dma_start3A_2636 = tpu.memref_slice %arg2[%dma_start3A_2635] : memref<33554432xf32, #tpu.memory_space<hbm>> -> memref<33554432xf32, #tpu.memory_space<hbm>>
    tpu.enqueue_indirect_dma source(%dma_start3A_2636 : memref<33554432xf32, #tpu.memory_space<hbm>>) target(%dma_start3A_2631 : memref<128xf32, #tpu.memory_space<vmem>>) offsets(%dma_start3A_2634 : memref<128xi32, #tpu.memory_space<vmem>>) semaphore(%arg8 : memref<!tpu.dma_semaphore, #tpu.memory_space<semaphore_mem>>)
    %dma_start3A_2637 = arith.constant 4 : i32
    %dma_start3A_2638 = arith.constant 1024 : i32
    %dma_start3A_2639 = tpu.memref_slice %arg7[%dma_start3A_2638] : memref<4096xf32, #tpu.memory_space<vmem>> -> memref<128xf32, #tpu.memory_space<vmem>>
    %dma_start3A_2640 = arith.constant 0 : i32
    %dma_start3A_2641 = tpu.memref_slice %arg6[%dma_start3A_2637, %dma_start3A_2640] : memref<16x128xi32, #tpu.memory_space<vmem>> -> memref<1x128xi32, #tpu.memory_space<vmem>>
    %dma_start3A_2642 = tpu.memref_squeeze %dma_start3A_2641 : memref<1x128xi32, #tpu.memory_space<vmem>> -> memref<128xi32, #tpu.memory_space<vmem>>
    %dma_start3A_2643 = arith.constant 0 : i32
    %dma_start3A_2644 = tpu.memref_slice %arg2[%dma_start3A_2643] : memref<33554432xf32, #tpu.memory_space<hbm>> -> memref<33554432xf32, #tpu.memory_space<hbm>>
    tpu.enqueue_indirect_dma source(%dma_start3A_2644 : memref<33554432xf32, #tpu.memory_space<hbm>>) target(%dma_start3A_2639 : memref<128xf32, #tpu.memory_space<vmem>>) offsets(%dma_start3A_2642 : memref<128xi32, #tpu.memory_space<vmem>>) semaphore(%arg8 : memref<!tpu.dma_semaphore, #tpu.memory_space<semaphore_mem>>)
    %dma_start3A_2645 = arith.constant 5 : i32
    %dma_start3A_2646 = arith.constant 1280 : i32
    %dma_start3A_2647 = tpu.memref_slice %arg7[%dma_start3A_2646] : memref<4096xf32, #tpu.memory_space<vmem>> -> memref<128xf32, #tpu.memory_space<vmem>>
    %dma_start3A_2648 = arith.constant 0 : i32
    %dma_start3A_2649 = tpu.memref_slice %arg6[%dma_start3A_2645, %dma_start3A_2648] : memref<16x128xi32, #tpu.memory_space<vmem>> -> memref<1x128xi32, #tpu.memory_space<vmem>>
    %dma_start3A_2650 = tpu.memref_squeeze %dma_start3A_2649 : memref<1x128xi32, #tpu.memory_space<vmem>> -> memref<128xi32, #tpu.memory_space<vmem>>
    %dma_start3A_2651 = arith.constant 0 : i32
    %dma_start3A_2652 = tpu.memref_slice %arg2[%dma_start3A_2651] : memref<33554432xf32, #tpu.memory_space<hbm>> -> memref<33554432xf32, #tpu.memory_space<hbm>>
    tpu.enqueue_indirect_dma source(%dma_start3A_2652 : memref<33554432xf32, #tpu.memory_space<hbm>>) target(%dma_start3A_2647 : memref<128xf32, #tpu.memory_space<vmem>>) offsets(%dma_start3A_2650 : memref<128xi32, #tpu.memory_space<vmem>>) semaphore(%arg8 : memref<!tpu.dma_semaphore, #tpu.memory_space<semaphore_mem>>)
    %dma_start3A_2653 = arith.constant 6 : i32
    %dma_start3A_2654 = arith.constant 1536 : i32
    %dma_start3A_2655 = tpu.memref_slice %arg7[%dma_start3A_2654] : memref<4096xf32, #tpu.memory_space<vmem>> -> memref<128xf32, #tpu.memory_space<vmem>>
    %dma_start3A_2656 = arith.constant 0 : i32
    %dma_start3A_2657 = tpu.memref_slice %arg6[%dma_start3A_2653, %dma_start3A_2656] : memref<16x128xi32, #tpu.memory_space<vmem>> -> memref<1x128xi32, #tpu.memory_space<vmem>>
    %dma_start3A_2658 = tpu.memref_squeeze %dma_start3A_2657 : memref<1x128xi32, #tpu.memory_space<vmem>> -> memref<128xi32, #tpu.memory_space<vmem>>
    %dma_start3A_2659 = arith.constant 0 : i32
    %dma_start3A_2660 = tpu.memref_slice %arg2[%dma_start3A_2659] : memref<33554432xf32, #tpu.memory_space<hbm>> -> memref<33554432xf32, #tpu.memory_space<hbm>>
    tpu.enqueue_indirect_dma source(%dma_start3A_2660 : memref<33554432xf32, #tpu.memory_space<hbm>>) target(%dma_start3A_2655 : memref<128xf32, #tpu.memory_space<vmem>>) offsets(%dma_start3A_2658 : memref<128xi32, #tpu.memory_space<vmem>>) semaphore(%arg8 : memref<!tpu.dma_semaphore, #tpu.memory_space<semaphore_mem>>)
    %dma_start3A_2661 = arith.constant 7 : i32
    %dma_start3A_2662 = arith.constant 1792 : i32
    %dma_start3A_2663 = tpu.memref_slice %arg7[%dma_start3A_2662] : memref<4096xf32, #tpu.memory_space<vmem>> -> memref<128xf32, #tpu.memory_space<vmem>>
    %dma_start3A_2664 = arith.constant 0 : i32
    %dma_start3A_2665 = tpu.memref_slice %arg6[%dma_start3A_2661, %dma_start3A_2664] : memref<16x128xi32, #tpu.memory_space<vmem>> -> memref<1x128xi32, #tpu.memory_space<vmem>>
    %dma_start3A_2666 = tpu.memref_squeeze %dma_start3A_2665 : memref<1x128xi32, #tpu.memory_space<vmem>> -> memref<128xi32, #tpu.memory_space<vmem>>
    %dma_start3A_2667 = arith.constant 0 : i32
    %dma_start3A_2668 = tpu.memref_slice %arg2[%dma_start3A_2667] : memref<33554432xf32, #tpu.memory_space<hbm>> -> memref<33554432xf32, #tpu.memory_space<hbm>>
    tpu.enqueue_indirect_dma source(%dma_start3A_2668 : memref<33554432xf32, #tpu.memory_space<hbm>>) target(%dma_start3A_2663 : memref<128xf32, #tpu.memory_space<vmem>>) offsets(%dma_start3A_2666 : memref<128xi32, #tpu.memory_space<vmem>>) semaphore(%arg8 : memref<!tpu.dma_semaphore, #tpu.memory_space<semaphore_mem>>)
    %dma_start3A_2669 = arith.constant 8 : i32
    %dma_start3A_2670 = arith.constant 2048 : i32
    %dma_start3A_2671 = tpu.memref_slice %arg7[%dma_start3A_2670] : memref<4096xf32, #tpu.memory_space<vmem>> -> memref<128xf32, #tpu.memory_space<vmem>>
    %dma_start3A_2672 = arith.constant 0 : i32
    %dma_start3A_2673 = tpu.memref_slice %arg6[%dma_start3A_2669, %dma_start3A_2672] : memref<16x128xi32, #tpu.memory_space<vmem>> -> memref<1x128xi32, #tpu.memory_space<vmem>>
    %dma_start3A_2674 = tpu.memref_squeeze %dma_start3A_2673 : memref<1x128xi32, #tpu.memory_space<vmem>> -> memref<128xi32, #tpu.memory_space<vmem>>
    %dma_start3A_2675 = arith.constant 0 : i32
    %dma_start3A_2676 = tpu.memref_slice %arg2[%dma_start3A_2675] : memref<33554432xf32, #tpu.memory_space<hbm>> -> memref<33554432xf32, #tpu.memory_space<hbm>>
    tpu.enqueue_indirect_dma source(%dma_start3A_2676 : memref<33554432xf32, #tpu.memory_space<hbm>>) target(%dma_start3A_2671 : memref<128xf32, #tpu.memory_space<vmem>>) offsets(%dma_start3A_2674 : memref<128xi32, #tpu.memory_space<vmem>>) semaphore(%arg8 : memref<!tpu.dma_semaphore, #tpu.memory_space<semaphore_mem>>)
    %dma_start3A_2677 = arith.constant 9 : i32
    %dma_start3A_2678 = arith.constant 2304 : i32
    %dma_start3A_2679 = tpu.memref_slice %arg7[%dma_start3A_2678] : memref<4096xf32, #tpu.memory_space<vmem>> -> memref<128xf32, #tpu.memory_space<vmem>>
    %dma_start3A_2680 = arith.constant 0 : i32
    %dma_start3A_2681 = tpu.memref_slice %arg6[%dma_start3A_2677, %dma_start3A_2680] : memref<16x128xi32, #tpu.memory_space<vmem>> -> memref<1x128xi32, #tpu.memory_space<vmem>>
    %dma_start3A_2682 = tpu.memref_squeeze %dma_start3A_2681 : memref<1x128xi32, #tpu.memory_space<vmem>> -> memref<128xi32, #tpu.memory_space<vmem>>
    %dma_start3A_2683 = arith.constant 0 : i32
    %dma_start3A_2684 = tpu.memref_slice %arg2[%dma_start3A_2683] : memref<33554432xf32, #tpu.memory_space<hbm>> -> memref<33554432xf32, #tpu.memory_space<hbm>>
    tpu.enqueue_indirect_dma source(%dma_start3A_2684 : memref<33554432xf32, #tpu.memory_space<hbm>>) target(%dma_start3A_2679 : memref<128xf32, #tpu.memory_space<vmem>>) offsets(%dma_start3A_2682 : memref<128xi32, #tpu.memory_space<vmem>>) semaphore(%arg8 : memref<!tpu.dma_semaphore, #tpu.memory_space<semaphore_mem>>)
    %dma_start3A_2685 = arith.constant 10 : i32
    %dma_start3A_2686 = arith.constant 2560 : i32
    %dma_start3A_2687 = tpu.memref_slice %arg7[%dma_start3A_2686] : memref<4096xf32, #tpu.memory_space<vmem>> -> memref<128xf32, #tpu.memory_space<vmem>>
    %dma_start3A_2688 = arith.constant 0 : i32
    %dma_start3A_2689 = tpu.memref_slice %arg6[%dma_start3A_2685, %dma_start3A_2688] : memref<16x128xi32, #tpu.memory_space<vmem>> -> memref<1x128xi32, #tpu.memory_space<vmem>>
    %dma_start3A_2690 = tpu.memref_squeeze %dma_start3A_2689 : memref<1x128xi32, #tpu.memory_space<vmem>> -> memref<128xi32, #tpu.memory_space<vmem>>
    %dma_start3A_2691 = arith.constant 0 : i32
    %dma_start3A_2692 = tpu.memref_slice %arg2[%dma_start3A_2691] : memref<33554432xf32, #tpu.memory_space<hbm>> -> memref<33554432xf32, #tpu.memory_space<hbm>>
    tpu.enqueue_indirect_dma source(%dma_start3A_2692 : memref<33554432xf32, #tpu.memory_space<hbm>>) target(%dma_start3A_2687 : memref<128xf32, #tpu.memory_space<vmem>>) offsets(%dma_start3A_2690 : memref<128xi32, #tpu.memory_space<vmem>>) semaphore(%arg8 : memref<!tpu.dma_semaphore, #tpu.memory_space<semaphore_mem>>)
    %dma_start3A_2693 = arith.constant 11 : i32
    %dma_start3A_2694 = arith.constant 2816 : i32
    %dma_start3A_2695 = tpu.memref_slice %arg7[%dma_start3A_2694] : memref<4096xf32, #tpu.memory_space<vmem>> -> memref<128xf32, #tpu.memory_space<vmem>>
    %dma_start3A_2696 = arith.constant 0 : i32
    %dma_start3A_2697 = tpu.memref_slice %arg6[%dma_start3A_2693, %dma_start3A_2696] : memref<16x128xi32, #tpu.memory_space<vmem>> -> memref<1x128xi32, #tpu.memory_space<vmem>>
    %dma_start3A_2698 = tpu.memref_squeeze %dma_start3A_2697 : memref<1x128xi32, #tpu.memory_space<vmem>> -> memref<128xi32, #tpu.memory_space<vmem>>
    %dma_start3A_2699 = arith.constant 0 : i32
    %dma_start3A_2700 = tpu.memref_slice %arg2[%dma_start3A_2699] : memref<33554432xf32, #tpu.memory_space<hbm>> -> memref<33554432xf32, #tpu.memory_space<hbm>>
    tpu.enqueue_indirect_dma source(%dma_start3A_2700 : memref<33554432xf32, #tpu.memory_space<hbm>>) target(%dma_start3A_2695 : memref<128xf32, #tpu.memory_space<vmem>>) offsets(%dma_start3A_2698 : memref<128xi32, #tpu.memory_space<vmem>>) semaphore(%arg8 : memref<!tpu.dma_semaphore, #tpu.memory_space<semaphore_mem>>)
    %dma_start3A_2701 = arith.constant 12 : i32
    %dma_start3A_2702 = arith.constant 3072 : i32
    %dma_start3A_2703 = tpu.memref_slice %arg7[%dma_start3A_2702] : memref<4096xf32, #tpu.memory_space<vmem>> -> memref<128xf32, #tpu.memory_space<vmem>>
    %dma_start3A_2704 = arith.constant 0 : i32
    %dma_start3A_2705 = tpu.memref_slice %arg6[%dma_start3A_2701, %dma_start3A_2704] : memref<16x128xi32, #tpu.memory_space<vmem>> -> memref<1x128xi32, #tpu.memory_space<vmem>>
    %dma_start3A_2706 = tpu.memref_squeeze %dma_start3A_2705 : memref<1x128xi32, #tpu.memory_space<vmem>> -> memref<128xi32, #tpu.memory_space<vmem>>
    %dma_start3A_2707 = arith.constant 0 : i32
    %dma_start3A_2708 = tpu.memref_slice %arg2[%dma_start3A_2707] : memref<33554432xf32, #tpu.memory_space<hbm>> -> memref<33554432xf32, #tpu.memory_space<hbm>>
    tpu.enqueue_indirect_dma source(%dma_start3A_2708 : memref<33554432xf32, #tpu.memory_space<hbm>>) target(%dma_start3A_2703 : memref<128xf32, #tpu.memory_space<vmem>>) offsets(%dma_start3A_2706 : memref<128xi32, #tpu.memory_space<vmem>>) semaphore(%arg8 : memref<!tpu.dma_semaphore, #tpu.memory_space<semaphore_mem>>)
    %dma_start3A_2709 = arith.constant 13 : i32
    %dma_start3A_2710 = arith.constant 3328 : i32
    %dma_start3A_2711 = tpu.memref_slice %arg7[%dma_start3A_2710] : memref<4096xf32, #tpu.memory_space<vmem>> -> memref<128xf32, #tpu.memory_space<vmem>>
    %dma_start3A_2712 = arith.constant 0 : i32
    %dma_start3A_2713 = tpu.memref_slice %arg6[%dma_start3A_2709, %dma_start3A_2712] : memref<16x128xi32, #tpu.memory_space<vmem>> -> memref<1x128xi32, #tpu.memory_space<vmem>>
    %dma_start3A_2714 = tpu.memref_squeeze %dma_start3A_2713 : memref<1x128xi32, #tpu.memory_space<vmem>> -> memref<128xi32, #tpu.memory_space<vmem>>
    %dma_start3A_2715 = arith.constant 0 : i32
    %dma_start3A_2716 = tpu.memref_slice %arg2[%dma_start3A_2715] : memref<33554432xf32, #tpu.memory_space<hbm>> -> memref<33554432xf32, #tpu.memory_space<hbm>>
    tpu.enqueue_indirect_dma source(%dma_start3A_2716 : memref<33554432xf32, #tpu.memory_space<hbm>>) target(%dma_start3A_2711 : memref<128xf32, #tpu.memory_space<vmem>>) offsets(%dma_start3A_2714 : memref<128xi32, #tpu.memory_space<vmem>>) semaphore(%arg8 : memref<!tpu.dma_semaphore, #tpu.memory_space<semaphore_mem>>)
    %dma_start3A_2717 = arith.constant 14 : i32
    %dma_start3A_2718 = arith.constant 3584 : i32
    %dma_start3A_2719 = tpu.memref_slice %arg7[%dma_start3A_2718] : memref<4096xf32, #tpu.memory_space<vmem>> -> memref<128xf32, #tpu.memory_space<vmem>>
    %dma_start3A_2720 = arith.constant 0 : i32
    %dma_start3A_2721 = tpu.memref_slice %arg6[%dma_start3A_2717, %dma_start3A_2720] : memref<16x128xi32, #tpu.memory_space<vmem>> -> memref<1x128xi32, #tpu.memory_space<vmem>>
    %dma_start3A_2722 = tpu.memref_squeeze %dma_start3A_2721 : memref<1x128xi32, #tpu.memory_space<vmem>> -> memref<128xi32, #tpu.memory_space<vmem>>
    %dma_start3A_2723 = arith.constant 0 : i32
    %dma_start3A_2724 = tpu.memref_slice %arg2[%dma_start3A_2723] : memref<33554432xf32, #tpu.memory_space<hbm>> -> memref<33554432xf32, #tpu.memory_space<hbm>>
    tpu.enqueue_indirect_dma source(%dma_start3A_2724 : memref<33554432xf32, #tpu.memory_space<hbm>>) target(%dma_start3A_2719 : memref<128xf32, #tpu.memory_space<vmem>>) offsets(%dma_start3A_2722 : memref<128xi32, #tpu.memory_space<vmem>>) semaphore(%arg8 : memref<!tpu.dma_semaphore, #tpu.memory_space<semaphore_mem>>)
    %dma_start3A_2725 = arith.constant 15 : i32
    %dma_start3A_2726 = arith.constant 3840 : i32
    %dma_start3A_2727 = tpu.memref_slice %arg7[%dma_start3A_2726] : memref<4096xf32, #tpu.memory_space<vmem>> -> memref<128xf32, #tpu.memory_space<vmem>>
    %dma_start3A_2728 = arith.constant 0 : i32
    %dma_start3A_2729 = tpu.memref_slice %arg6[%dma_start3A_2725, %dma_start3A_2728] : memref<16x128xi32, #tpu.memory_space<vmem>> -> memref<1x128xi32, #tpu.memory_space<vmem>>
    %dma_start3A_2730 = tpu.memref_squeeze %dma_start3A_2729 : memref<1x128xi32, #tpu.memory_space<vmem>> -> memref<128xi32, #tpu.memory_space<vmem>>
    %dma_start3A_2731 = arith.constant 0 : i32
    %dma_start3A_2732 = tpu.memref_slice %arg2[%dma_start3A_2731] : memref<33554432xf32, #tpu.memory_space<hbm>> -> memref<33554432xf32, #tpu.memory_space<hbm>>
    tpu.enqueue_indirect_dma source(%dma_start3A_2732 : memref<33554432xf32, #tpu.memory_space<hbm>>) target(%dma_start3A_2727 : memref<128xf32, #tpu.memory_space<vmem>>) offsets(%dma_start3A_2730 : memref<128xi32, #tpu.memory_space<vmem>>) semaphore(%arg8 : memref<!tpu.dma_semaphore, #tpu.memory_space<semaphore_mem>>)
    %dma_wait3A = arith.constant 0 : i32
    %dma_wait3A_2733 = arith.constant 0 : i32
    %dma_wait3A_2734 = tpu.memref_slice %arg7[%dma_wait3A_2733] : memref<4096xf32, #tpu.memory_space<vmem>> -> memref<128xf32, #tpu.memory_space<vmem>>
    %dma_wait3A_2735 = arith.constant 0 : i32
    %dma_wait3A_2736 = tpu.memref_slice %arg6[%dma_wait3A, %dma_wait3A_2735] : memref<16x128xi32, #tpu.memory_space<vmem>> -> memref<1x128xi32, #tpu.memory_space<vmem>>
    %dma_wait3A_2737 = tpu.memref_squeeze %dma_wait3A_2736 : memref<1x128xi32, #tpu.memory_space<vmem>> -> memref<128xi32, #tpu.memory_space<vmem>>
    %dma_wait3A_2738 = arith.constant 0 : i32
    %dma_wait3A_2739 = tpu.memref_slice %arg2[%dma_wait3A_2738] : memref<33554432xf32, #tpu.memory_space<hbm>> -> memref<33554432xf32, #tpu.memory_space<hbm>>
    tpu.wait_indirect_dma semaphore(%arg8 : memref<!tpu.dma_semaphore, #tpu.memory_space<semaphore_mem>>) src(%dma_wait3A_2739 : memref<33554432xf32, #tpu.memory_space<hbm>>) dst(%dma_wait3A_2734 : memref<128xf32, #tpu.memory_space<vmem>>)
    %dma_wait3A_2740 = arith.constant 1 : i32
    %dma_wait3A_2741 = arith.constant 256 : i32
    %dma_wait3A_2742 = tpu.memref_slice %arg7[%dma_wait3A_2741] : memref<4096xf32, #tpu.memory_space<vmem>> -> memref<128xf32, #tpu.memory_space<vmem>>
    %dma_wait3A_2743 = arith.constant 0 : i32
    %dma_wait3A_2744 = tpu.memref_slice %arg6[%dma_wait3A_2740, %dma_wait3A_2743] : memref<16x128xi32, #tpu.memory_space<vmem>> -> memref<1x128xi32, #tpu.memory_space<vmem>>
    %dma_wait3A_2745 = tpu.memref_squeeze %dma_wait3A_2744 : memref<1x128xi32, #tpu.memory_space<vmem>> -> memref<128xi32, #tpu.memory_space<vmem>>
    %dma_wait3A_2746 = arith.constant 0 : i32
    %dma_wait3A_2747 = tpu.memref_slice %arg2[%dma_wait3A_2746] : memref<33554432xf32, #tpu.memory_space<hbm>> -> memref<33554432xf32, #tpu.memory_space<hbm>>
    tpu.wait_indirect_dma semaphore(%arg8 : memref<!tpu.dma_semaphore, #tpu.memory_space<semaphore_mem>>) src(%dma_wait3A_2747 : memref<33554432xf32, #tpu.memory_space<hbm>>) dst(%dma_wait3A_2742 : memref<128xf32, #tpu.memory_space<vmem>>)
    %dma_wait3A_2748 = arith.constant 2 : i32
    %dma_wait3A_2749 = arith.constant 512 : i32
    %dma_wait3A_2750 = tpu.memref_slice %arg7[%dma_wait3A_2749] : memref<4096xf32, #tpu.memory_space<vmem>> -> memref<128xf32, #tpu.memory_space<vmem>>
    %dma_wait3A_2751 = arith.constant 0 : i32
    %dma_wait3A_2752 = tpu.memref_slice %arg6[%dma_wait3A_2748, %dma_wait3A_2751] : memref<16x128xi32, #tpu.memory_space<vmem>> -> memref<1x128xi32, #tpu.memory_space<vmem>>
    %dma_wait3A_2753 = tpu.memref_squeeze %dma_wait3A_2752 : memref<1x128xi32, #tpu.memory_space<vmem>> -> memref<128xi32, #tpu.memory_space<vmem>>
    %dma_wait3A_2754 = arith.constant 0 : i32
    %dma_wait3A_2755 = tpu.memref_slice %arg2[%dma_wait3A_2754] : memref<33554432xf32, #tpu.memory_space<hbm>> -> memref<33554432xf32, #tpu.memory_space<hbm>>
    tpu.wait_indirect_dma semaphore(%arg8 : memref<!tpu.dma_semaphore, #tpu.memory_space<semaphore_mem>>) src(%dma_wait3A_2755 : memref<33554432xf32, #tpu.memory_space<hbm>>) dst(%dma_wait3A_2750 : memref<128xf32, #tpu.memory_space<vmem>>)
    %dma_wait3A_2756 = arith.constant 3 : i32
    %dma_wait3A_2757 = arith.constant 768 : i32
    %dma_wait3A_2758 = tpu.memref_slice %arg7[%dma_wait3A_2757] : memref<4096xf32, #tpu.memory_space<vmem>> -> memref<128xf32, #tpu.memory_space<vmem>>
    %dma_wait3A_2759 = arith.constant 0 : i32
    %dma_wait3A_2760 = tpu.memref_slice %arg6[%dma_wait3A_2756, %dma_wait3A_2759] : memref<16x128xi32, #tpu.memory_space<vmem>> -> memref<1x128xi32, #tpu.memory_space<vmem>>
    %dma_wait3A_2761 = tpu.memref_squeeze %dma_wait3A_2760 : memref<1x128xi32, #tpu.memory_space<vmem>> -> memref<128xi32, #tpu.memory_space<vmem>>
    %dma_wait3A_2762 = arith.constant 0 : i32
    %dma_wait3A_2763 = tpu.memref_slice %arg2[%dma_wait3A_2762] : memref<33554432xf32, #tpu.memory_space<hbm>> -> memref<33554432xf32, #tpu.memory_space<hbm>>
    tpu.wait_indirect_dma semaphore(%arg8 : memref<!tpu.dma_semaphore, #tpu.memory_space<semaphore_mem>>) src(%dma_wait3A_2763 : memref<33554432xf32, #tpu.memory_space<hbm>>) dst(%dma_wait3A_2758 : memref<128xf32, #tpu.memory_space<vmem>>)
    %dma_wait3A_2764 = arith.constant 4 : i32
    %dma_wait3A_2765 = arith.constant 1024 : i32
    %dma_wait3A_2766 = tpu.memref_slice %arg7[%dma_wait3A_2765] : memref<4096xf32, #tpu.memory_space<vmem>> -> memref<128xf32, #tpu.memory_space<vmem>>
    %dma_wait3A_2767 = arith.constant 0 : i32
    %dma_wait3A_2768 = tpu.memref_slice %arg6[%dma_wait3A_2764, %dma_wait3A_2767] : memref<16x128xi32, #tpu.memory_space<vmem>> -> memref<1x128xi32, #tpu.memory_space<vmem>>
    %dma_wait3A_2769 = tpu.memref_squeeze %dma_wait3A_2768 : memref<1x128xi32, #tpu.memory_space<vmem>> -> memref<128xi32, #tpu.memory_space<vmem>>
    %dma_wait3A_2770 = arith.constant 0 : i32
    %dma_wait3A_2771 = tpu.memref_slice %arg2[%dma_wait3A_2770] : memref<33554432xf32, #tpu.memory_space<hbm>> -> memref<33554432xf32, #tpu.memory_space<hbm>>
    tpu.wait_indirect_dma semaphore(%arg8 : memref<!tpu.dma_semaphore, #tpu.memory_space<semaphore_mem>>) src(%dma_wait3A_2771 : memref<33554432xf32, #tpu.memory_space<hbm>>) dst(%dma_wait3A_2766 : memref<128xf32, #tpu.memory_space<vmem>>)
    %dma_wait3A_2772 = arith.constant 5 : i32
    %dma_wait3A_2773 = arith.constant 1280 : i32
    %dma_wait3A_2774 = tpu.memref_slice %arg7[%dma_wait3A_2773] : memref<4096xf32, #tpu.memory_space<vmem>> -> memref<128xf32, #tpu.memory_space<vmem>>
    %dma_wait3A_2775 = arith.constant 0 : i32
    %dma_wait3A_2776 = tpu.memref_slice %arg6[%dma_wait3A_2772, %dma_wait3A_2775] : memref<16x128xi32, #tpu.memory_space<vmem>> -> memref<1x128xi32, #tpu.memory_space<vmem>>
    %dma_wait3A_2777 = tpu.memref_squeeze %dma_wait3A_2776 : memref<1x128xi32, #tpu.memory_space<vmem>> -> memref<128xi32, #tpu.memory_space<vmem>>
    %dma_wait3A_2778 = arith.constant 0 : i32
    %dma_wait3A_2779 = tpu.memref_slice %arg2[%dma_wait3A_2778] : memref<33554432xf32, #tpu.memory_space<hbm>> -> memref<33554432xf32, #tpu.memory_space<hbm>>
    tpu.wait_indirect_dma semaphore(%arg8 : memref<!tpu.dma_semaphore, #tpu.memory_space<semaphore_mem>>) src(%dma_wait3A_2779 : memref<33554432xf32, #tpu.memory_space<hbm>>) dst(%dma_wait3A_2774 : memref<128xf32, #tpu.memory_space<vmem>>)
    %dma_wait3A_2780 = arith.constant 6 : i32
    %dma_wait3A_2781 = arith.constant 1536 : i32
    %dma_wait3A_2782 = tpu.memref_slice %arg7[%dma_wait3A_2781] : memref<4096xf32, #tpu.memory_space<vmem>> -> memref<128xf32, #tpu.memory_space<vmem>>
    %dma_wait3A_2783 = arith.constant 0 : i32
    %dma_wait3A_2784 = tpu.memref_slice %arg6[%dma_wait3A_2780, %dma_wait3A_2783] : memref<16x128xi32, #tpu.memory_space<vmem>> -> memref<1x128xi32, #tpu.memory_space<vmem>>
    %dma_wait3A_2785 = tpu.memref_squeeze %dma_wait3A_2784 : memref<1x128xi32, #tpu.memory_space<vmem>> -> memref<128xi32, #tpu.memory_space<vmem>>
    %dma_wait3A_2786 = arith.constant 0 : i32
    %dma_wait3A_2787 = tpu.memref_slice %arg2[%dma_wait3A_2786] : memref<33554432xf32, #tpu.memory_space<hbm>> -> memref<33554432xf32, #tpu.memory_space<hbm>>
    tpu.wait_indirect_dma semaphore(%arg8 : memref<!tpu.dma_semaphore, #tpu.memory_space<semaphore_mem>>) src(%dma_wait3A_2787 : memref<33554432xf32, #tpu.memory_space<hbm>>) dst(%dma_wait3A_2782 : memref<128xf32, #tpu.memory_space<vmem>>)
    %dma_wait3A_2788 = arith.constant 7 : i32
    %dma_wait3A_2789 = arith.constant 1792 : i32
    %dma_wait3A_2790 = tpu.memref_slice %arg7[%dma_wait3A_2789] : memref<4096xf32, #tpu.memory_space<vmem>> -> memref<128xf32, #tpu.memory_space<vmem>>
    %dma_wait3A_2791 = arith.constant 0 : i32
    %dma_wait3A_2792 = tpu.memref_slice %arg6[%dma_wait3A_2788, %dma_wait3A_2791] : memref<16x128xi32, #tpu.memory_space<vmem>> -> memref<1x128xi32, #tpu.memory_space<vmem>>
    %dma_wait3A_2793 = tpu.memref_squeeze %dma_wait3A_2792 : memref<1x128xi32, #tpu.memory_space<vmem>> -> memref<128xi32, #tpu.memory_space<vmem>>
    %dma_wait3A_2794 = arith.constant 0 : i32
    %dma_wait3A_2795 = tpu.memref_slice %arg2[%dma_wait3A_2794] : memref<33554432xf32, #tpu.memory_space<hbm>> -> memref<33554432xf32, #tpu.memory_space<hbm>>
    tpu.wait_indirect_dma semaphore(%arg8 : memref<!tpu.dma_semaphore, #tpu.memory_space<semaphore_mem>>) src(%dma_wait3A_2795 : memref<33554432xf32, #tpu.memory_space<hbm>>) dst(%dma_wait3A_2790 : memref<128xf32, #tpu.memory_space<vmem>>)
    %dma_wait3A_2796 = arith.constant 8 : i32
    %dma_wait3A_2797 = arith.constant 2048 : i32
    %dma_wait3A_2798 = tpu.memref_slice %arg7[%dma_wait3A_2797] : memref<4096xf32, #tpu.memory_space<vmem>> -> memref<128xf32, #tpu.memory_space<vmem>>
    %dma_wait3A_2799 = arith.constant 0 : i32
    %dma_wait3A_2800 = tpu.memref_slice %arg6[%dma_wait3A_2796, %dma_wait3A_2799] : memref<16x128xi32, #tpu.memory_space<vmem>> -> memref<1x128xi32, #tpu.memory_space<vmem>>
    %dma_wait3A_2801 = tpu.memref_squeeze %dma_wait3A_2800 : memref<1x128xi32, #tpu.memory_space<vmem>> -> memref<128xi32, #tpu.memory_space<vmem>>
    %dma_wait3A_2802 = arith.constant 0 : i32
    %dma_wait3A_2803 = tpu.memref_slice %arg2[%dma_wait3A_2802] : memref<33554432xf32, #tpu.memory_space<hbm>> -> memref<33554432xf32, #tpu.memory_space<hbm>>
    tpu.wait_indirect_dma semaphore(%arg8 : memref<!tpu.dma_semaphore, #tpu.memory_space<semaphore_mem>>) src(%dma_wait3A_2803 : memref<33554432xf32, #tpu.memory_space<hbm>>) dst(%dma_wait3A_2798 : memref<128xf32, #tpu.memory_space<vmem>>)
    %dma_wait3A_2804 = arith.constant 9 : i32
    %dma_wait3A_2805 = arith.constant 2304 : i32
    %dma_wait3A_2806 = tpu.memref_slice %arg7[%dma_wait3A_2805] : memref<4096xf32, #tpu.memory_space<vmem>> -> memref<128xf32, #tpu.memory_space<vmem>>
    %dma_wait3A_2807 = arith.constant 0 : i32
    %dma_wait3A_2808 = tpu.memref_slice %arg6[%dma_wait3A_2804, %dma_wait3A_2807] : memref<16x128xi32, #tpu.memory_space<vmem>> -> memref<1x128xi32, #tpu.memory_space<vmem>>
    %dma_wait3A_2809 = tpu.memref_squeeze %dma_wait3A_2808 : memref<1x128xi32, #tpu.memory_space<vmem>> -> memref<128xi32, #tpu.memory_space<vmem>>
    %dma_wait3A_2810 = arith.constant 0 : i32
    %dma_wait3A_2811 = tpu.memref_slice %arg2[%dma_wait3A_2810] : memref<33554432xf32, #tpu.memory_space<hbm>> -> memref<33554432xf32, #tpu.memory_space<hbm>>
    tpu.wait_indirect_dma semaphore(%arg8 : memref<!tpu.dma_semaphore, #tpu.memory_space<semaphore_mem>>) src(%dma_wait3A_2811 : memref<33554432xf32, #tpu.memory_space<hbm>>) dst(%dma_wait3A_2806 : memref<128xf32, #tpu.memory_space<vmem>>)
    %dma_wait3A_2812 = arith.constant 10 : i32
    %dma_wait3A_2813 = arith.constant 2560 : i32
    %dma_wait3A_2814 = tpu.memref_slice %arg7[%dma_wait3A_2813] : memref<4096xf32, #tpu.memory_space<vmem>> -> memref<128xf32, #tpu.memory_space<vmem>>
    %dma_wait3A_2815 = arith.constant 0 : i32
    %dma_wait3A_2816 = tpu.memref_slice %arg6[%dma_wait3A_2812, %dma_wait3A_2815] : memref<16x128xi32, #tpu.memory_space<vmem>> -> memref<1x128xi32, #tpu.memory_space<vmem>>
    %dma_wait3A_2817 = tpu.memref_squeeze %dma_wait3A_2816 : memref<1x128xi32, #tpu.memory_space<vmem>> -> memref<128xi32, #tpu.memory_space<vmem>>
    %dma_wait3A_2818 = arith.constant 0 : i32
    %dma_wait3A_2819 = tpu.memref_slice %arg2[%dma_wait3A_2818] : memref<33554432xf32, #tpu.memory_space<hbm>> -> memref<33554432xf32, #tpu.memory_space<hbm>>
    tpu.wait_indirect_dma semaphore(%arg8 : memref<!tpu.dma_semaphore, #tpu.memory_space<semaphore_mem>>) src(%dma_wait3A_2819 : memref<33554432xf32, #tpu.memory_space<hbm>>) dst(%dma_wait3A_2814 : memref<128xf32, #tpu.memory_space<vmem>>)
    %dma_wait3A_2820 = arith.constant 11 : i32
    %dma_wait3A_2821 = arith.constant 2816 : i32
    %dma_wait3A_2822 = tpu.memref_slice %arg7[%dma_wait3A_2821] : memref<4096xf32, #tpu.memory_space<vmem>> -> memref<128xf32, #tpu.memory_space<vmem>>
    %dma_wait3A_2823 = arith.constant 0 : i32
    %dma_wait3A_2824 = tpu.memref_slice %arg6[%dma_wait3A_2820, %dma_wait3A_2823] : memref<16x128xi32, #tpu.memory_space<vmem>> -> memref<1x128xi32, #tpu.memory_space<vmem>>
    %dma_wait3A_2825 = tpu.memref_squeeze %dma_wait3A_2824 : memref<1x128xi32, #tpu.memory_space<vmem>> -> memref<128xi32, #tpu.memory_space<vmem>>
    %dma_wait3A_2826 = arith.constant 0 : i32
    %dma_wait3A_2827 = tpu.memref_slice %arg2[%dma_wait3A_2826] : memref<33554432xf32, #tpu.memory_space<hbm>> -> memref<33554432xf32, #tpu.memory_space<hbm>>
    tpu.wait_indirect_dma semaphore(%arg8 : memref<!tpu.dma_semaphore, #tpu.memory_space<semaphore_mem>>) src(%dma_wait3A_2827 : memref<33554432xf32, #tpu.memory_space<hbm>>) dst(%dma_wait3A_2822 : memref<128xf32, #tpu.memory_space<vmem>>)
    %dma_wait3A_2828 = arith.constant 12 : i32
    %dma_wait3A_2829 = arith.constant 3072 : i32
    %dma_wait3A_2830 = tpu.memref_slice %arg7[%dma_wait3A_2829] : memref<4096xf32, #tpu.memory_space<vmem>> -> memref<128xf32, #tpu.memory_space<vmem>>
    %dma_wait3A_2831 = arith.constant 0 : i32
    %dma_wait3A_2832 = tpu.memref_slice %arg6[%dma_wait3A_2828, %dma_wait3A_2831] : memref<16x128xi32, #tpu.memory_space<vmem>> -> memref<1x128xi32, #tpu.memory_space<vmem>>
    %dma_wait3A_2833 = tpu.memref_squeeze %dma_wait3A_2832 : memref<1x128xi32, #tpu.memory_space<vmem>> -> memref<128xi32, #tpu.memory_space<vmem>>
    %dma_wait3A_2834 = arith.constant 0 : i32
    %dma_wait3A_2835 = tpu.memref_slice %arg2[%dma_wait3A_2834] : memref<33554432xf32, #tpu.memory_space<hbm>> -> memref<33554432xf32, #tpu.memory_space<hbm>>
    tpu.wait_indirect_dma semaphore(%arg8 : memref<!tpu.dma_semaphore, #tpu.memory_space<semaphore_mem>>) src(%dma_wait3A_2835 : memref<33554432xf32, #tpu.memory_space<hbm>>) dst(%dma_wait3A_2830 : memref<128xf32, #tpu.memory_space<vmem>>)
    %dma_wait3A_2836 = arith.constant 13 : i32
    %dma_wait3A_2837 = arith.constant 3328 : i32
    %dma_wait3A_2838 = tpu.memref_slice %arg7[%dma_wait3A_2837] : memref<4096xf32, #tpu.memory_space<vmem>> -> memref<128xf32, #tpu.memory_space<vmem>>
    %dma_wait3A_2839 = arith.constant 0 : i32
    %dma_wait3A_2840 = tpu.memref_slice %arg6[%dma_wait3A_2836, %dma_wait3A_2839] : memref<16x128xi32, #tpu.memory_space<vmem>> -> memref<1x128xi32, #tpu.memory_space<vmem>>
    %dma_wait3A_2841 = tpu.memref_squeeze %dma_wait3A_2840 : memref<1x128xi32, #tpu.memory_space<vmem>> -> memref<128xi32, #tpu.memory_space<vmem>>
    %dma_wait3A_2842 = arith.constant 0 : i32
    %dma_wait3A_2843 = tpu.memref_slice %arg2[%dma_wait3A_2842] : memref<33554432xf32, #tpu.memory_space<hbm>> -> memref<33554432xf32, #tpu.memory_space<hbm>>
    tpu.wait_indirect_dma semaphore(%arg8 : memref<!tpu.dma_semaphore, #tpu.memory_space<semaphore_mem>>) src(%dma_wait3A_2843 : memref<33554432xf32, #tpu.memory_space<hbm>>) dst(%dma_wait3A_2838 : memref<128xf32, #tpu.memory_space<vmem>>)
    %dma_wait3A_2844 = arith.constant 14 : i32
    %dma_wait3A_2845 = arith.constant 3584 : i32
    %dma_wait3A_2846 = tpu.memref_slice %arg7[%dma_wait3A_2845] : memref<4096xf32, #tpu.memory_space<vmem>> -> memref<128xf32, #tpu.memory_space<vmem>>
    %dma_wait3A_2847 = arith.constant 0 : i32
    %dma_wait3A_2848 = tpu.memref_slice %arg6[%dma_wait3A_2844, %dma_wait3A_2847] : memref<16x128xi32, #tpu.memory_space<vmem>> -> memref<1x128xi32, #tpu.memory_space<vmem>>
    %dma_wait3A_2849 = tpu.memref_squeeze %dma_wait3A_2848 : memref<1x128xi32, #tpu.memory_space<vmem>> -> memref<128xi32, #tpu.memory_space<vmem>>
    %dma_wait3A_2850 = arith.constant 0 : i32
    %dma_wait3A_2851 = tpu.memref_slice %arg2[%dma_wait3A_2850] : memref<33554432xf32, #tpu.memory_space<hbm>> -> memref<33554432xf32, #tpu.memory_space<hbm>>
    tpu.wait_indirect_dma semaphore(%arg8 : memref<!tpu.dma_semaphore, #tpu.memory_space<semaphore_mem>>) src(%dma_wait3A_2851 : memref<33554432xf32, #tpu.memory_space<hbm>>) dst(%dma_wait3A_2846 : memref<128xf32, #tpu.memory_space<vmem>>)
    %dma_wait3A_2852 = arith.constant 15 : i32
    %dma_wait3A_2853 = arith.constant 3840 : i32
    %dma_wait3A_2854 = tpu.memref_slice %arg7[%dma_wait3A_2853] : memref<4096xf32, #tpu.memory_space<vmem>> -> memref<128xf32, #tpu.memory_space<vmem>>
    %dma_wait3A_2855 = arith.constant 0 : i32
    %dma_wait3A_2856 = tpu.memref_slice %arg6[%dma_wait3A_2852, %dma_wait3A_2855] : memref<16x128xi32, #tpu.memory_space<vmem>> -> memref<1x128xi32, #tpu.memory_space<vmem>>
    %dma_wait3A_2857 = tpu.memref_squeeze %dma_wait3A_2856 : memref<1x128xi32, #tpu.memory_space<vmem>> -> memref<128xi32, #tpu.memory_space<vmem>>
    %dma_wait3A_2858 = arith.constant 0 : i32
    %dma_wait3A_2859 = tpu.memref_slice %arg2[%dma_wait3A_2858] : memref<33554432xf32, #tpu.memory_space<hbm>> -> memref<33554432xf32, #tpu.memory_space<hbm>>
    tpu.wait_indirect_dma semaphore(%arg8 : memref<!tpu.dma_semaphore, #tpu.memory_space<semaphore_mem>>) src(%dma_wait3A_2859 : memref<33554432xf32, #tpu.memory_space<hbm>>) dst(%dma_wait3A_2854 : memref<128xf32, #tpu.memory_space<vmem>>)
    %mul3A_2860 = arith.constant 8192 : i32
    %mul3A_2861 = arith.muli %select_n3A, %mul3A_2860 : i32
    %mul3A_2862 = arith.constant 2 : i32
    %mul3A_2863 = arith.muli %select_n3A_30, %mul3A_2862 : i32
    %mul3A_2864 = arith.constant 2048 : i32
    %mul3A_2865 = arith.muli %mul3A_2863, %mul3A_2864 : i32
    %add3A_2866 = arith.addi %mul3A_2861, %mul3A_2865 : i32
    "tpu.region"() ({
      %run_scoped3A = tpu.sem_alloc : memref<!tpu.dma_semaphore, #tpu.memory_space<semaphore_mem>>
      %dma_start3A_2867 = tpu.memref_slice %arg4[%add3A_2866] : memref<131072xf32, #tpu.memory_space<hbm>> -> memref<4096xf32, #tpu.memory_space<hbm>>
      %dma_start3A_2868 = tpu.memref_slice %arg4[%add3A_2866] : memref<131072xf32, #tpu.memory_space<hbm>> -> memref<4096xf32, #tpu.memory_space<hbm>>
      tpu.enqueue_dma source(%arg7 : memref<4096xf32, #tpu.memory_space<vmem>>) target(%dma_start3A_2868 : memref<4096xf32, #tpu.memory_space<hbm>>) target_semaphore(%run_scoped3A : memref<!tpu.dma_semaphore, #tpu.memory_space<semaphore_mem>>)
      %dma_wait3A_2869 = tpu.memref_slice %arg4[%add3A_2866] : memref<131072xf32, #tpu.memory_space<hbm>> -> memref<4096xf32, #tpu.memory_space<hbm>>
      %dma_wait3A_2870 = tpu.memref_slice %arg4[%add3A_2866] : memref<131072xf32, #tpu.memory_space<hbm>> -> memref<4096xf32, #tpu.memory_space<hbm>>
      tpu.wait_dma2 semaphore(%run_scoped3A : memref<!tpu.dma_semaphore, #tpu.memory_space<semaphore_mem>>) src(%arg7 : memref<4096xf32, #tpu.memory_space<vmem>>) dst(%dma_wait3A_2870 : memref<4096xf32, #tpu.memory_space<hbm>>)
      tpu.yield
    }) : () -> ()
    return
  }
}

module attributes {stable_mosaic.version = 14 : i64} {
  func.func @_project_sample_body(%arg0: i32, %arg1: memref<32x4096xf32, #tpu.memory_space<vmem>>, %arg2: memref<4096x1x1x128xf32, #tpu.memory_space<vmem>>, %arg3: memref<16x128xf32, #tpu.memory_space<vmem>>, %arg4: memref<16x16xi32, #tpu.memory_space<vmem>>, %arg5: memref<16x1xf32, #tpu.memory_space<vmem>>, %arg6: memref<16x1xi32, #tpu.memory_space<vmem>>) attributes {dimension_semantics = [#tpu.dimension_semantics<arbitrary>], iteration_bounds = array<i64: 32>, scalar_prefetch = 0 : i64, scratch_operands = 2 : i64, tpu.core_type = #tpu.core_type<tc>, window_params = [{pipeline_mode = #tpu.pipeline_mode<synchronous>, transform_indices = @transform_0, window_bounds = array<i64: 32, 4096>}, {transform_indices = @transform_1, window_bounds = array<i64: 4096, 1, 1, 128>}, {transform_indices = @transform_2, window_bounds = array<i64: 16, 128>}, {pipeline_mode = #tpu.pipeline_mode<synchronous>, transform_indices = @transform_3, window_bounds = array<i64: 16, 16>}]} {
    %get3A = arith.constant 0 : index
    %get3A_0 = arith.constant 0 : index
    %get3A_1 = vector.load %arg1[%get3A, %get3A_0] : memref<32x4096xf32, #tpu.memory_space<vmem>>, vector<32x4096xf32>
    %get3A_2 = arith.constant 0 : index
    %get3A_3 = arith.constant 0 : index
    %get3A_4 = arith.constant 0 : index
    %get3A_5 = arith.constant 0 : index
    %get3A_6 = vector.load %arg2[%get3A_2, %get3A_3, %get3A_4, %get3A_5] : memref<4096x1x1x128xf32, #tpu.memory_space<vmem>>, vector<4096x1x1x128xf32>
    %get3A_7 = vector.shape_cast %get3A_6 : vector<4096x1x1x128xf32> to vector<4096x128xf32>
    %dot_general3A = arith.constant dense<0.000000e+00> : vector<32x128xf32>
    %dot_general3A_8 = tpu.matmul %get3A_1, %get3A_7, %dot_general3A {dimension_numbers = #tpu.dot_dimension_numbers<[1], [0], [0], [1], [0, 0, 1, 1], [], []>, transpose_lhs_hint = false} : vector<32x4096xf32>, vector<4096x128xf32>, vector<32x128xf32> -> vector<32x128xf32>
    %mul3A = arith.mulf %dot_general3A_8, %dot_general3A_8 : vector<32x128xf32>
    %slice3A = vector.extract_strided_slice %mul3A {offsets = [0, 0], sizes = [16, 128], strides = [1, 1]} : vector<32x128xf32> to vector<16x128xf32>
    %slice3A_9 = vector.extract_strided_slice %mul3A {offsets = [16, 0], sizes = [16, 128], strides = [1, 1]} : vector<32x128xf32> to vector<16x128xf32>
    %add3A = arith.addf %slice3A, %slice3A_9 : vector<16x128xf32>
    %add3A_10 = arith.constant 1.000000e-10 : f32
    %add3A_11 = vector.broadcast %add3A_10 : f32 to vector<16x128xf32>
    %add3A_12 = arith.addf %add3A, %add3A_11 : vector<16x128xf32>
    %log3A = math.log %add3A_12 : vector<16x128xf32>
    %get3A_13 = arith.constant 0 : index
    %get3A_14 = arith.constant 0 : index
    %get3A_15 = vector.load %arg3[%get3A_13, %get3A_14] : memref<16x128xf32, #tpu.memory_space<vmem>>, vector<16x128xf32>
    %add3A_16 = arith.addf %log3A, %get3A_15 : vector<16x128xf32>
    %reduce_max3A = arith.constant dense<0xFF800000> : vector<16xf32>
    %reduce_max3A_17 = vector.multi_reduction <maximumf>, %add3A_16, %reduce_max3A [1] : vector<16x128xf32> to vector<16xf32>
    %broadcast_in_dim3A = vector.shape_cast %reduce_max3A_17 : vector<16xf32> to vector<16x1xf32>
    %iota3A = tpu.iota {dimensions = array<i32: 1>} : vector<16x128xi32>
    %eq3A = vector.broadcast %broadcast_in_dim3A : vector<16x1xf32> to vector<16x128xf32>
    %eq3A_18 = arith.cmpf oeq, %add3A_16, %eq3A : vector<16x128xf32>
    %jit3A = arith.constant 1073741824 : i32
    %broadcast_in_dim3A_19 = vector.broadcast %jit3A : i32 to vector<16x128xi32>
    %select_n3A = arith.select %eq3A_18, %iota3A, %broadcast_in_dim3A_19 : vector<16x128xi1>, vector<16x128xi32>
    %reduce_min3A = arith.constant dense<2147483647> : vector<16xi32>
    %reduce_min3A_20 = vector.multi_reduction <minsi>, %select_n3A, %reduce_min3A [1] : vector<16x128xi32> to vector<16xi32>
    %broadcast_in_dim3A_21 = vector.shape_cast %reduce_min3A_20 : vector<16xi32> to vector<16x1xi32>
    %mul3A_22 = arith.constant 128 : i32
    %mul3A_23 = arith.muli %arg0, %mul3A_22 : i32
    %add3A_24 = vector.broadcast %mul3A_23 : i32 to vector<16x1xi32>
    %add3A_25 = arith.addi %broadcast_in_dim3A_21, %add3A_24 : vector<16x1xi32>
    %eq3A_26 = arith.constant 0 : i32
    %eq3A_27 = arith.cmpi eq, %arg0, %eq3A_26 : i32
    %convert_element_type3A = arith.extui %eq3A_27 : i1 to i32
    %cond3A = arith.constant 0 : i32
    %cond3A_28 = arith.cmpi ne, %convert_element_type3A, %cond3A : i32
    scf.if %cond3A_28 {
      %swap3A = arith.constant 0 : index
      %swap3A_38 = arith.constant 0 : index
      %swap3A_39 = vector.load %arg5[%swap3A, %swap3A_38] : memref<16x1xf32, #tpu.memory_space<vmem>>, vector<16x1xf32>
      tpu.vector_store %arg5[%swap3A, %swap3A_38], %broadcast_in_dim3A {strides = array<i32>} : memref<16x1xf32, #tpu.memory_space<vmem>>, vector<16x1xf32>,
      %swap3A_40 = arith.constant 0 : index
      %swap3A_41 = arith.constant 0 : index
      %swap3A_42 = vector.load %arg6[%swap3A_40, %swap3A_41] : memref<16x1xi32, #tpu.memory_space<vmem>>, vector<16x1xi32>
      tpu.vector_store %arg6[%swap3A_40, %swap3A_41], %add3A_25 {strides = array<i32>} : memref<16x1xi32, #tpu.memory_space<vmem>>, vector<16x1xi32>,
    } else {
    }
    %gt3A = arith.constant 0 : i32
    %gt3A_29 = arith.cmpi sgt, %arg0, %gt3A : i32
    %convert_element_type3A_30 = arith.extui %gt3A_29 : i1 to i32
    %cond3A_31 = arith.constant 0 : i32
    %cond3A_32 = arith.cmpi ne, %convert_element_type3A_30, %cond3A_31 : i32
    scf.if %cond3A_32 {
      %get3A_38 = arith.constant 0 : index
      %get3A_39 = arith.constant 0 : index
      %get3A_40 = vector.load %arg5[%get3A_38, %get3A_39] : memref<16x1xf32, #tpu.memory_space<vmem>>, vector<16x1xf32>
      %gt3A_41 = arith.cmpf ogt, %broadcast_in_dim3A, %get3A_40 : vector<16x1xf32>
      %get3A_42 = arith.constant 0 : index
      %get3A_43 = arith.constant 0 : index
      %get3A_44 = vector.load %arg5[%get3A_42, %get3A_43] : memref<16x1xf32, #tpu.memory_space<vmem>>, vector<16x1xf32>
      %select_n3A_45 = arith.select %gt3A_41, %broadcast_in_dim3A, %get3A_44 : vector<16x1xi1>, vector<16x1xf32>
      %swap3A = arith.constant 0 : index
      %swap3A_46 = arith.constant 0 : index
      %swap3A_47 = vector.load %arg5[%swap3A, %swap3A_46] : memref<16x1xf32, #tpu.memory_space<vmem>>, vector<16x1xf32>
      tpu.vector_store %arg5[%swap3A, %swap3A_46], %select_n3A_45 {strides = array<i32>} : memref<16x1xf32, #tpu.memory_space<vmem>>, vector<16x1xf32>,
      %get3A_48 = arith.constant 0 : index
      %get3A_49 = arith.constant 0 : index
      %get3A_50 = vector.load %arg6[%get3A_48, %get3A_49] : memref<16x1xi32, #tpu.memory_space<vmem>>, vector<16x1xi32>
      %select_n3A_51 = arith.select %gt3A_41, %add3A_25, %get3A_50 : vector<16x1xi1>, vector<16x1xi32>
      %swap3A_52 = arith.constant 0 : index
      %swap3A_53 = arith.constant 0 : index
      %swap3A_54 = vector.load %arg6[%swap3A_52, %swap3A_53] : memref<16x1xi32, #tpu.memory_space<vmem>>, vector<16x1xi32>
      tpu.vector_store %arg6[%swap3A_52, %swap3A_53], %select_n3A_51 {strides = array<i32>} : memref<16x1xi32, #tpu.memory_space<vmem>>, vector<16x1xi32>,
    } else {
    }
    %eq3A_33 = arith.constant 31 : i32
    %eq3A_34 = arith.cmpi eq, %arg0, %eq3A_33 : i32
    %convert_element_type3A_35 = arith.extui %eq3A_34 : i1 to i32
    %cond3A_36 = arith.constant 0 : i32
    %cond3A_37 = arith.cmpi ne, %convert_element_type3A_35, %cond3A_36 : i32
    scf.if %cond3A_37 {
      %get3A_38 = arith.constant 0 : index
      %get3A_39 = arith.constant 0 : index
      %get3A_40 = vector.load %arg6[%get3A_38, %get3A_39] : memref<16x1xi32, #tpu.memory_space<vmem>>, vector<16x1xi32>
      %broadcast_in_dim3A_41 = vector.shape_cast %get3A_40 : vector<16x1xi32> to vector<16x1xi32>
      %broadcast_in_dim3A_42 = vector.broadcast %broadcast_in_dim3A_41 : vector<16x1xi32> to vector<16x16xi32>
      %swap3A = arith.constant 0 : index
      %swap3A_43 = arith.constant 0 : index
      %swap3A_44 = vector.load %arg4[%swap3A, %swap3A_43] : memref<16x16xi32, #tpu.memory_space<vmem>>, vector<16x16xi32>
      tpu.vector_store %arg4[%swap3A, %swap3A_43], %broadcast_in_dim3A_42 {strides = array<i32>} : memref<16x16xi32, #tpu.memory_space<vmem>>, vector<16x16xi32>,
    } else {
    }
    return
  }
  func.func @transform_0(%arg0: i32) -> (i32, i32) {
    %c0_i32 = arith.constant 0 : i32
    %c0_i32_0 = arith.constant 0 : i32
    %c0_i32_1 = arith.constant 0 : i32
    return %c0_i32, %c0_i32_0 : i32, i32
  }
  func.func @transform_1(%arg0: i32) -> (i32, i32, i32, i32) {
    %mul3A = arith.constant 2 : i32
    %mul3A_0 = arith.muli %mul3A, %arg0 : i32
    %c0_i32 = arith.constant 0 : i32
    %c0_i32_1 = arith.constant 0 : i32
    %c0_i32_2 = arith.constant 0 : i32
    %c0_i32_3 = arith.constant 0 : i32
    return %c0_i32, %mul3A_0, %c0_i32_1, %c0_i32_2 : i32, i32, i32, i32
  }
  func.func @transform_2(%arg0: i32) -> (i32, i32) {
    %c0_i32 = arith.constant 0 : i32
    %c0_i32_0 = arith.constant 0 : i32
    return %c0_i32, %arg0 : i32, i32
  }
  func.func @transform_3(%arg0: i32) -> (i32, i32) {
    %c0_i32 = arith.constant 0 : i32
    %c0_i32_0 = arith.constant 0 : i32
    %c0_i32_1 = arith.constant 0 : i32
    return %c0_i32, %c0_i32_0 : i32, i32
  }
}

</mosaic_0001>

<sc_bundles>
// kernel: kernel.4.cloned.1.call-start
scs
__scs_entry_jumppad:
0x0: {  	(pc) =	sbr.rel $0x88, $3  }
0x1: {  	(tag) =	ssettag $0x0;
	lr =	simm.s32 $0x1  }
0x2: {  	[smem:$0x3F9F] =	sst lr;
	_ =	strace $0xD0000000  }
0x3: {  	_ = 	snop  }
0x4: {  	_ = 	snop  }
0x5: {  	_ = 	snop  }
0x6: {  	_ = 	snop  }
0x7: {  	_ = 	snop  }
__scs_overlays_trampoline_lowered:
0x8: {  	[smem:$0x3FAE] =	sst s0  }
0x9: {  	[smem:$0x3FAF] =	sst s1  }
0xa: {  	[smem:$0x3FB0] =	sst s2  }
0xb: {  	[smem:$0x3FB1] =	sst s3  }
0xc: {  	[smem:$0x3FB2] =	sst s4  }
0xd: {  	[smem:$0x3FB3] =	sst s5  }
0xe: {  	[smem:$0x3FB4] =	sst s6  }
0xf: {  	[smem:$0x3FB5] =	sst s7  }
0x10: {  	[smem:$0x3FB6] =	sst s8  }
0x11: {  	[smem:$0x3FB7] =	sst s9;
	s0 =	simm.s32 @!p0 $0x0  }
0x12: {  	s1 =	sld [smem:$0x3F9D];
	s0 =	simm.s32 @p0 $0x1  }
0x13: {  	[smem:$0x3FB8] =	sst s0;
	s0 =	simm.s32 @!p1 $0x0  }
0x14: {  	s2 =	sld [smem:$0x3F9C];
	s0 =	simm.s32 @p1 $0x1  }
0x15: {  	[smem:$0x3FB9] =	sst s0;
	s0 =	simm.s32 @!p2 $0x0  }
0x16: {  	s3 =	sld [smem:$0x3FDB];
	s0 =	simm.s32 @p2 $0x1  }
0x17: {  	s4 =	simm.s32 $0x1BF5;
	[smem:$0x3FBB] =	sst s0  }
0x18: {  	s0 =	sld [smem:$0x3F9E];
	_ =	swait.ge [sflag:s4], $0x0  }
0x19: {  	s7 =	sld [smem:$0x3F9F]  }
0x1a: {  	s8 =	sadd.s32 $0xFFFFE003, lr  }
0x1b: {  	s9 =	sadd.s32 $0xFFFFFEF7, lr;
	s5 =	simm.s32 $0xFFFFFFFF;
	p2 =	slt.u32 s8, $0xFFFFF086  }
0x1c: {  	p1 =	slt.u32 s9, $0xF7A;
	s5 =	simm.s32 @!p2 $0x0  }
0x1d: {  	s5 =	simm.s32 @p1 $0x1;
	p0 =	seq.s32 s7, s2  }
0x1e: {  	s7 =	smul.u32 @!p0 $0xF7A, s2;
	p2 =	seq.s32 @!p0 s5, $0x0  }
0x1f: {  	s9 =	smul.u32 $0xF7A, s1;
	s8 =	simm.s32 @!p0 $0x1BF5;
	p2 =	por !p2, p0  }
0x20: {  	[sflag:s8] =	ssyncset.s32 @!p0 $0xFFFFF086;
	s6 =	sadd.s32 @!p0 s3, s7;
	s7 =	simm.s32 @!p0 $0x108  }
0x21: {  	s3 =	sadd.s32 s3, s9;
	s6 =	sadd.s32 @!p0 $0x88, s6;
	s7 =	simm.s32 @p2 $0x1082  }
0x22: {  	[simem:s7], [sflag:s8] =	dma.local @!p0 [hbm:s6], $0xF7A  }
0x23: {  	s9 =	sor.u32 $0xD0000000, s2;
	s6 =	simm.s32 $0x108;
	_ =	swait.ge @!p0 [sflag:s8], $0x0  }
0x24: {  	s3 =	sadd.s32 $0x88, s3;
	s6 =	simm.s32 @!p1 $0x1082;
	[sflag:s4] =	ssyncset.s32 $0xFFFFF086  }
0x25: {  	[simem:s6], [sflag:s4] =	dma.local [hbm:s3], $0xF7A  }
0x26: {  	[smem:$0x3F9F] =	sst s1;
	(tag) =	ssettag s2;
	_ =	strace s9  }
0x27: {  	s1 =	sld [smem:$0x3FAF]  }
0x28: {  	s2 =	sld [smem:$0x3FB0]  }
0x29: {  	s4 =	sld [smem:$0x3FB2]  }
0x2a: {  	p0 =	seq.s32 s5, $0x0;
	s5 =	sld [smem:$0x3FB3]  }
0x2b: {  	s6 =	sld [smem:$0x3FB4]  }
0x2c: {  	s7 =	sld [smem:$0x3FB5]  }
0x2d: {  	s3 =	simm.s32 $0x108;
	s8 =	sld [smem:$0x3FB6]  }
0x2e: {  	s3 =	simm.s32 @!p0 $0x1082;
	s9 =	sld [smem:$0x3FB7]  }
0x2f: {  	lr =	sadd.s32 s0, s3;
	s0 =	sld [smem:$0x3FAE]  }
0x30: {  	s3 =	sld [smem:$0x3FB1]  }
0x31: {  	[smem:$0x3FBA] =	sst s10  }
0x32: {  	s10 =	sld [smem:$0x3FB8];
	_ =	sdelay $0x3  }
0x33: {  	p0 =	seq.s32 s10, $0x1;
	s10 =	sld [smem:$0x3FBA];
	_ =	sdelay $0x3  }
0x34: {  	[smem:$0x3FBA] =	sst s10  }
0x35: {  	s10 =	sld [smem:$0x3FB9];
	_ =	sdelay $0x3  }
0x36: {  	p1 =	seq.s32 s10, $0x1;
	s10 =	sld [smem:$0x3FBA];
	_ =	sdelay $0x3  }
0x37: {  	[smem:$0x3FBA] =	sst s10  }
0x38: {  	s10 =	sld [smem:$0x3FBB]  }
0x39: {  	_ = 	snop;
	(pc) =	sbr.ind lr, $3  }
0x3a: {  	_ = 	snop  }
0x3b: {  	_ = 	snop  }
0x3c: {  	p2 =	seq.s32 s10, $0x1;
	s10 =	sld [smem:$0x3FBA]  }
0x3d: {  	_ =	shalt  }
0x3e: {  	_ =	shalt  }
0x3f: {  	_ =	shalt  }
0x40: {  	_ =	shalt  }
0x41: {  	_ =	shalt  }
0x42: {  	_ =	shalt  }
0x43: {  	_ =	shalt  }
0x44: {  	_ =	shalt  }
0x45: {  	_ =	shalt  }
0x46: {  	_ =	shalt  }
0x47: {  	_ =	shalt  }
0x48: {  	_ =	shalt  }
0x49: {  	_ =	shalt  }
0x4a: {  	_ =	shalt  }
0x4b: {  	_ =	shalt  }
0x4c: {  	_ =	shalt  }
0x4d: {  	_ =	shalt  }
0x4e: {  	_ =	shalt  }
0x4f: {  	_ =	shalt  }
0x50: {  	_ =	shalt  }
0x51: {  	_ =	shalt  }
0x52: {  	_ =	shalt  }
0x53: {  	_ =	shalt  }
0x54: {  	_ =	shalt  }
0x55: {  	_ =	shalt  }
0x56: {  	_ =	shalt  }
0x57: {  	_ =	shalt  }
0x58: {  	_ =	shalt  }
0x59: {  	_ =	shalt  }
0x5a: {  	_ =	shalt  }
0x5b: {  	_ =	shalt  }
0x5c: {  	_ =	shalt  }
0x5d: {  	_ =	shalt  }
0x5e: {  	_ =	shalt  }
0x5f: {  	_ =	shalt  }
0x60: {  	_ =	shalt  }
0x61: {  	_ =	shalt  }
0x62: {  	_ =	shalt  }
0x63: {  	_ =	shalt  }
0x64: {  	_ =	shalt  }
0x65: {  	_ =	shalt  }
0x66: {  	_ =	shalt  }
0x67: {  	_ =	shalt  }
0x68: {  	_ =	shalt  }
0x69: {  	_ =	shalt  }
0x6a: {  	_ =	shalt  }
0x6b: {  	_ =	shalt  }
0x6c: {  	_ =	shalt  }
0x6d: {  	_ =	shalt  }
0x6e: {  	_ =	shalt  }
0x6f: {  	_ =	shalt  }
0x70: {  	_ =	shalt  }
0x71: {  	_ =	shalt  }
0x72: {  	_ =	shalt  }
0x73: {  	_ =	shalt  }
0x74: {  	_ =	shalt  }
0x75: {  	_ =	shalt  }
0x76: {  	_ =	shalt  }
0x77: {  	_ =	shalt  }
0x78: {  	_ =	shalt  }
0x79: {  	_ =	shalt  }
0x7a: {  	_ =	shalt  }
0x7b: {  	_ =	shalt  }
0x7c: {  	_ =	shalt  }
0x7d: {  	_ =	shalt  }
0x7e: {  	_ =	shalt  }
0x7f: {  	_ =	shalt  }
0x80: {  	_ =	shalt  }
0x81: {  	_ =	shalt  }
0x82: {  	_ =	shalt  }
0x83: {  	_ =	shalt  }
0x84: {  	_ =	shalt  }
0x85: {  	_ =	shalt  }
0x86: {  	_ =	shalt  }
0x87: {  	_ =	shalt  }
.Lfunc_end0:
.L_simem_size_0:
called_computation_lowered:
.L_overlay_start_0:
0x88: {  	s2 =	sld [smem:$0x3FD9]  }
0x89: {  	s3 =	sld [smem:$0x3FFE];
	_ =	sdelay $0x1  }
0x8a: {  	s1 =	srdreg.scid  }
0x8b: {  	s0 =	sand.u32 $0x1, s1  }
0x8c: {  	s14 =	sshll.u32 s0, $0xA;
	s2 =	sadd.s32 s3, s2  }
0x8d: {  	s2 =	sadd.s32 s2, s14  }
0x8e: {  	[smem:$0x3FC6] =	sst s2  }
0x8f: {  	_ = 	snop  }
0x90: {  	s2 =	sld [smem:$0x3FD0];
	_ =	sdelay $0x2  }
0x91: {  	s4 =	simm.s32 $0xA;
	s5 =	simm.s32 $0x10;
	s15 =	sld [smem:$0x3FC8]  }
0x92: {  	[smem:s5], [sflag:s4] =	dma.local [hbm:s2], $0x1  }
0x93: {  	_ =	swait.eq [sflag:s4], $0x1  }
0x94: {  	[sflag:s4] =	ssyncset.done $0x0  }
0x95: {  	[sflag:s4] =	ssyncadd.s32 $0xFFFFFFFF  }
0x96: {  	s16 =	sld [smem:$0x11];
	(tm) =	ssettm $0x1  }
0x97: {  	s17 =	sld [smem:$0x3FFB];
	_ =	sdelay $0x3  }
0x98: {  	_ =	strace s17  }
0x99: {  	s4 =	sld [smem:$0x3FFC];
	_ =	sdelay $0x3  }
0x9a: {  	_ =	strace s4  }
0x9b: {  	s4 =	sld [smem:$0x3FFD];
	_ =	sdelay $0x3  }
0x9c: {  	_ =	strace s4  }
0x9d: {  	_ =	strace $0x8FFFFFFF  }
0x9e: {  	s18 =	sld [smem:$0x3FDB];
	_ =	sdelay $0x1  }
0x9f: {  	s19 =	simm.s32 $_scs_section_size  }
0xa0: {  	s6 =	simm.s32 $_size__tile_overlayer_lowered;
	s7 =	simm.s32 $_tile_overlayer_lowered  }
0xa1: {  	s22 =	simm.s32 $0x1BFF;
	s21 =	sshll.u32 s7, $0x1;
	s4 =	sadd.s32 s19, s18  }
0xa2: {  	s8 =	simm.s32 $0x0;
	s20 =	sshll.u32 s6, $0x1;
	s6 =	sadd.s32 s21, s4  }
0xa3: {  	[timem:s8], [sflag:s22] =	dma.local [hbm:s6], s20  }
0xa4: {  	_ =	swait.ge [sflag:s22], s20  }
0xa5: {  	s5 =	ssub.s32 $0x0, s20;
	[sflag:s22] =	ssyncset.done $0x0  }
0xa6: {  	[sflag:s22] =	ssyncadd.s32 s5;
	_ =	sdelay $0x1  }
0xa7: {  	s23 =	simm.s32 $0x1B8B  }
0xa8: {  	_ =	swait.ge [sflag:s23], $0x1  }
0xa9: {  	[sflag:s23] =	ssyncset.done $0x0  }
0xaa: {  	s25 =	simm.s32 $0x1B8E;
	s24 =	sld [smem:$0x3FFE];
	[sflag:s23] =	ssyncadd.s32 $0xFFFFFFFF  }
0xab: {  	s26 =	simm.s32 $execute0_lowered;
	[smem:$0x3FD2] =	sst s25  }
0xac: {  	s6 =	sshll.u32 s26, $0x1;
	_ =	strace $0x80000046;
	[dreg:$0x1] =	wrdreg $0xFFFFFFFF  }
0xad: {  	s28 =	simm.s32 $_size_execute0_lowered;
	s4 =	sadd.s32 s4, s6;
	[dreg:$0x0] =	wrdreg $0x0  }
0xae: {  	s6 =	sshll.u32 s28, $0x1;
	[dreg:$0x2] =	wrdreg s4  }
0xaf: {  	[dreg:$0x3] =	wrdreg s6  }
0xb0: {  	[dreg:$0x4] =	wrdreg $0xC0  }
0xb1: {  	_ =	task [dreg:s8], $0x5FFFF  }
0xb2: {  	[dreg:$0x1] =	wrdreg $0xFFFFFFFF  }
0xb3: {  	[dreg:$0x0] =	wrdreg $0x60  }
0xb4: {  	[dreg:$0x2] =	wrdreg s15  }
0xb5: {  	[dreg:$0x3] =	wrdreg s24  }
0xb6: {  	[dreg:$0x4] =	wrdreg s16  }
0xb7: {  	[dreg:$0x5] =	wrdreg $0x9  }
0xb8: {  	_ =	task.clear_ibuf [dreg:s8], $0x6FFFF;
	_ =	strace $0x90000046  }
0xb9: {  	s29 =	simm.s32 $0x9;
	_ =	strace $0x80000048  }
0xba: {  	_ =	swait.ge [sflag:s29], $0x1  }
0xbb: {  	[sflag:s29] =	ssyncadd.s32 $0xFFFFFFFF  }
0xbc: {  	_ =	strace $0x90000048  }
0xbd: {  	_ =	sfence  }
0xbe: {  	s30 =	sld [smem:$0x0];
	_ =	sdelay $0x2  }
0xbf: {  	s31 =	sshll.u32 s1, $0xD;
	s1 =	sshrl.u32 s1, $0x2  }
0xc0: {  	s3 =	sand.u32 $0x4000, s31;
	s1 =	sadd.s32 s1, s30  }
0xc1: {  	s0 =	sor.u32 s3, s0;
	s1 =	sshll.u32 s1, $0x11  }
0xc2: {  	s0 =	sor.u32 s1, s0  }
0xc3: {  	s0 =	sadd.s32 $0x8F2B, s0  }
0xc4: {  	[sflag:s0] =	ssyncadd.remote.s32 $0x1  }
0xc5: {  	_ =	sfence.sel $0xFFFF  }
0xc6: {  	[dreg:$0x0] =	wrdreg $0xFFFFFFFF;
	(pc) =	sbr.abs _section_cstart, $3  }
0xc7: {  	[dreg:$0x1] =	wrdreg $0xFFFFFFFF  }
0xc8: {  	_ =	task.clear_ibuf [dreg:s8], $0x2FFFF;
	_ =	strace $0x9FFFFFFF  }
0xc9: {  	(tm) =	ssettm $0x7FFFFFFF  }
tec
execute0_lowered:
.L_overlay_start_1:
0x0: {  	(tag) =	ssettag $0x1  }
0x1: {  	s0 =	srdreg.scid  }
0x2: {  	s2 =	sand.u32 $0x1, s0  }
0x3: {  	s5 =	sshll.u32 s2, $0xB  }
0x4: {  	v0 =	vlaneseq.u32;
	s21 =	sor.u32 $0x10, s5  }
0x5: {  	v46 =	vmul.u32 $0x2000, v0;
	v0 =	vmov s21  }
0x6: {  	v0 =	vshll.u32 v0, $0xD  }
0x7: {  	v1 =	vmov s5;
	s22 =	sor.u32 $0x20, s5;
	v0 =	vor.u32 v46, v0  }
0x8: {  	v1 =	vshll.u32 v1, $0xD;
	[tilespmem:$0x1FBE0] =	vst v0;
	v0 =	vmov s22  }
0x9: {  	s23 =	sor.u32 $0x30, s5;
	v1 =	vor.u32 v46, v1;
	v0 =	vshll.u32 v0, $0xD  }
0xa: {  	s1 =	sor.u32 $0x40, s5;
	[tilespmem:$0x1FBD0] =	vst v1;
	v1 =	vmov s23;
	v0 =	vor.u32 v46, v0  }
0xb: {  	v2 =	vmov s1;
	[tilespmem:$0x1FBF0] =	vst v0;
	v0 =	vshll.u32 v1, $0xD  }
0xc: {  	v1 =	vshll.u32 v2, $0xD;
	v0 =	vor.u32 v46, v0  }
0xd: {  	s24 =	sor.u32 $0x50, s5;
	[tilespmem:$0x1FC00] =	vst v0;
	v0 =	vor.u32 v46, v1  }
0xe: {  	[tilespmem:$0x1FC10] =	vst v0;
	v0 =	vmov s24  }
0xf: {  	s25 =	sor.u32 $0x60, s5;
	v0 =	vshll.u32 v0, $0xD  }
0x10: {  	s26 =	sor.u32 $0x70, s5;
	v1 =	vmov s25;
	v0 =	vor.u32 v46, v0  }
0x11: {  	v2 =	vmov s26;
	[tilespmem:$0x1FC20] =	vst v0;
	v0 =	vshll.u32 v1, $0xD  }
0x12: {  	v1 =	vshll.u32 v2, $0xD;
	v0 =	vor.u32 v46, v0  }
0x13: {  	s1 =	sor.u32 $0x80, s5;
	[tilespmem:$0x1FC30] =	vst v0;
	v0 =	vor.u32 v46, v1  }
0x14: {  	[tilespmem:$0x1FC40] =	vst v0;
	v0 =	vmov s1  }
0x15: {  	s3 =	sor.u32 $0x90, s5;
	v0 =	vshll.u32 v0, $0xD  }
0x16: {  	s4 =	sor.u32 $0xA0, s5;
	v1 =	vmov s3;
	v0 =	vor.u32 v46, v0  }
0x17: {  	v2 =	vmov s4;
	[tilespmem:$0x1FC50] =	vst v0;
	v0 =	vshll.u32 v1, $0xD  }
0x18: {  	v1 =	vshll.u32 v2, $0xD;
	v0 =	vor.u32 v46, v0  }
0x19: {  	s6 =	sor.u32 $0xB0, s5;
	[tilespmem:$0x1FC60] =	vst v0;
	v0 =	vor.u32 v46, v1  }
0x1a: {  	[tilespmem:$0x1FC70] =	vst v0;
	v0 =	vmov s6  }
0x1b: {  	s7 =	sor.u32 $0xC0, s5;
	v0 =	vshll.u32 v0, $0xD  }
0x1c: {  	s8 =	sor.u32 $0xD0, s5;
	v1 =	vmov s7;
	v0 =	vor.u32 v46, v0  }
0x1d: {  	v2 =	vmov s8;
	[tilespmem:$0x1FC80] =	vst v0;
	v0 =	vshll.u32 v1, $0xD  }
0x1e: {  	v1 =	vshll.u32 v2, $0xD;
	v0 =	vor.u32 v46, v0  }
0x1f: {  	s9 =	sor.u32 $0xE0, s5;
	[tilespmem:$0x1FC90] =	vst v0;
	v0 =	vor.u32 v46, v1  }
0x20: {  	[tilespmem:$0x1FCA0] =	vst v0;
	v0 =	vmov s9  }
0x21: {  	s10 =	sor.u32 $0xF0, s5;
	v0 =	vshll.u32 v0, $0xD  }
0x22: {  	s11 =	sor.u32 $0x100, s5;
	v1 =	vmov s10;
	v0 =	vor.u32 v46, v0  }
0x23: {  	v2 =	vmov s11;
	[tilespmem:$0x1FCB0] =	vst v0;
	v0 =	vshll.u32 v1, $0xD  }
0x24: {  	v1 =	vshll.u32 v2, $0xD;
	v0 =	vor.u32 v46, v0  }
0x25: {  	s12 =	sor.u32 $0x110, s5;
	[tilespmem:$0x1FCC0] =	vst v0;
	v0 =	vor.u32 v46, v1  }
0x26: {  	[tilespmem:$0x1FCD0] =	vst v0;
	v0 =	vmov s12  }
0x27: {  	s13 =	sor.u32 $0x120, s5;
	v0 =	vshll.u32 v0, $0xD  }
0x28: {  	s14 =	sor.u32 $0x130, s5;
	v1 =	vmov s13;
	v0 =	vor.u32 v46, v0  }
0x29: {  	v2 =	vmov s14;
	[tilespmem:$0x1FCE0] =	vst v0;
	v0 =	vshll.u32 v1, $0xD  }
0x2a: {  	v1 =	vshll.u32 v2, $0xD;
	v0 =	vor.u32 v46, v0  }
0x2b: {  	s15 =	sor.u32 $0x140, s5;
	[tilespmem:$0x1FCF0] =	vst v0;
	v0 =	vor.u32 v46, v1  }
0x2c: {  	[tilespmem:$0x1FD00] =	vst v0;
	v0 =	vmov s15  }
0x2d: {  	s16 =	sor.u32 $0x150, s5;
	v0 =	vshll.u32 v0, $0xD  }
0x2e: {  	s17 =	sor.u32 $0x160, s5;
	v1 =	vmov s16;
	v0 =	vor.u32 v46, v0  }
0x2f: {  	v2 =	vmov s17;
	[tilespmem:$0x1FD10] =	vst v0;
	v0 =	vshll.u32 v1, $0xD  }
0x30: {  	v1 =	vshll.u32 v2, $0xD;
	v0 =	vor.u32 v46, v0  }
0x31: {  	s18 =	sor.u32 $0x170, s5;
	[tilespmem:$0x1FD20] =	vst v0;
	v0 =	vor.u32 v46, v1  }
0x32: {  	[tilespmem:$0x1FD30] =	vst v0;
	v0 =	vmov s18  }
0x33: {  	s19 =	sor.u32 $0x180, s5;
	v0 =	vshll.u32 v0, $0xD  }
0x34: {  	s20 =	sor.u32 $0x190, s5;
	v1 =	vmov s19;
	v0 =	vor.u32 v46, v0  }
0x35: {  	v2 =	vmov s20;
	[tilespmem:$0x1FD40] =	vst v0;
	v0 =	vshll.u32 v1, $0xD  }
0x36: {  	v1 =	vshll.u32 v2, $0xD;
	v0 =	vor.u32 v46, v0  }
0x37: {  	s21 =	sor.u32 $0x1A0, s5;
	[tilespmem:$0x1FD50] =	vst v0;
	v0 =	vor.u32 v46, v1  }
0x38: {  	[tilespmem:$0x1FD60] =	vst v0;
	v0 =	vmov s21  }
0x39: {  	s22 =	sor.u32 $0x1B0, s5;
	v0 =	vshll.u32 v0, $0xD  }
0x3a: {  	s23 =	sor.u32 $0x1C0, s5;
	v1 =	vmov s22;
	v0 =	vor.u32 v46, v0  }
0x3b: {  	v2 =	vmov s23;
	[tilespmem:$0x1FD70] =	vst v0;
	v0 =	vshll.u32 v1, $0xD  }
0x3c: {  	v1 =	vshll.u32 v2, $0xD;
	v0 =	vor.u32 v46, v0  }
0x3d: {  	s24 =	sor.u32 $0x1D0, s5;
	[tilespmem:$0x1FD80] =	vst v0;
	v0 =	vor.u32 v46, v1  }
0x3e: {  	[tilespmem:$0x1FD90] =	vst v0;
	v0 =	vmov s24  }
0x3f: {  	s25 =	sor.u32 $0x1E0, s5;
	v0 =	vshll.u32 v0, $0xD  }
0x40: {  	s26 =	sor.u32 $0x1F0, s5;
	v1 =	vmov s25;
	v0 =	vor.u32 v46, v0  }
0x41: {  	v2 =	vmov s26;
	[tilespmem:$0x1FDA0] =	vst v0;
	v0 =	vshll.u32 v1, $0xD  }
0x42: {  	v1 =	vshll.u32 v2, $0xD;
	v0 =	vor.u32 v46, v0  }
0x43: {  	s1 =	sor.u32 $0x200, s5;
	[tilespmem:$0x1FDB0] =	vst v0;
	v0 =	vor.u32 v46, v1  }
0x44: {  	[tilespmem:$0x1FDC0] =	vst v0;
	v0 =	vmov s1  }
0x45: {  	s3 =	sor.u32 $0x210, s5;
	v0 =	vshll.u32 v0, $0xD  }
0x46: {  	s4 =	sor.u32 $0x220, s5;
	v1 =	vmov s3;
	v0 =	vor.u32 v46, v0  }
0x47: {  	v2 =	vmov s4;
	[tilespmem:$0x1FDD0] =	vst v0;
	v0 =	vshll.u32 v1, $0xD  }
0x48: {  	v1 =	vshll.u32 v2, $0xD;
	v0 =	vor.u32 v46, v0  }
0x49: {  	s6 =	sor.u32 $0x230, s5;
	[tilespmem:$0x1FDE0] =	vst v0;
	v0 =	vor.u32 v46, v1  }
0x4a: {  	[tilespmem:$0x1FDF0] =	vst v0;
	v0 =	vmov s6  }
0x4b: {  	s7 =	sor.u32 $0x240, s5;
	v0 =	vshll.u32 v0, $0xD  }
0x4c: {  	s8 =	sor.u32 $0x250, s5;
	v1 =	vmov s7;
	v0 =	vor.u32 v46, v0  }
0x4d: {  	v2 =	vmov s8;
	[tilespmem:$0x1FE00] =	vst v0;
	v0 =	vshll.u32 v1, $0xD  }
0x4e: {  	v1 =	vshll.u32 v2, $0xD;
	v0 =	vor.u32 v46, v0  }
0x4f: {  	s9 =	sor.u32 $0x260, s5;
	[tilespmem:$0x1FE10] =	vst v0;
	v0 =	vor.u32 v46, v1  }
0x50: {  	[tilespmem:$0x1FE20] =	vst v0;
	v0 =	vmov s9  }
0x51: {  	s10 =	sor.u32 $0x270, s5;
	v0 =	vshll.u32 v0, $0xD  }
0x52: {  	s11 =	sor.u32 $0x280, s5;
	v1 =	vmov s10;
	v0 =	vor.u32 v46, v0  }
0x53: {  	v2 =	vmov s11;
	[tilespmem:$0x1FE30] =	vst v0;
	v0 =	vshll.u32 v1, $0xD  }
0x54: {  	v1 =	vshll.u32 v2, $0xD;
	v0 =	vor.u32 v46, v0  }
0x55: {  	s12 =	sor.u32 $0x290, s5;
	[tilespmem:$0x1FE40] =	vst v0;
	v0 =	vor.u32 v46, v1  }
0x56: {  	[tilespmem:$0x1FE50] =	vst v0;
	v0 =	vmov s12  }
0x57: {  	s13 =	sor.u32 $0x2A0, s5;
	v0 =	vshll.u32 v0, $0xD  }
0x58: {  	s14 =	sor.u32 $0x2B0, s5;
	v1 =	vmov s13;
	v0 =	vor.u32 v46, v0  }
0x59: {  	v2 =	vmov s14;
	[tilespmem:$0x1FE60] =	vst v0;
	v0 =	vshll.u32 v1, $0xD  }
0x5a: {  	v1 =	vshll.u32 v2, $0xD;
	v0 =	vor.u32 v46, v0  }
0x5b: {  	s15 =	sor.u32 $0x2C0, s5;
	[tilespmem:$0x1FE70] =	vst v0;
	v0 =	vor.u32 v46, v1  }
0x5c: {  	[tilespmem:$0x1FE80] =	vst v0;
	v0 =	vmov s15  }
0x5d: {  	s16 =	sor.u32 $0x2D0, s5;
	v0 =	vshll.u32 v0, $0xD  }
0x5e: {  	s17 =	sor.u32 $0x2E0, s5;
	v1 =	vmov s16;
	v0 =	vor.u32 v46, v0  }
0x5f: {  	v2 =	vmov s17;
	[tilespmem:$0x1FE90] =	vst v0;
	v0 =	vshll.u32 v1, $0xD  }
0x60: {  	v1 =	vshll.u32 v2, $0xD;
	v0 =	vor.u32 v46, v0  }
0x61: {  	s18 =	sor.u32 $0x2F0, s5;
	[tilespmem:$0x1FEA0] =	vst v0;
	v0 =	vor.u32 v46, v1  }
0x62: {  	[tilespmem:$0x1FEB0] =	vst v0;
	v0 =	vmov s18  }
0x63: {  	s19 =	sor.u32 $0x300, s5;
	v0 =	vshll.u32 v0, $0xD  }
0x64: {  	s20 =	sor.u32 $0x310, s5;
	v1 =	vmov s19;
	v0 =	vor.u32 v46, v0  }
0x65: {  	v2 =	vmov s20;
	[tilespmem:$0x1FEC0] =	vst v0;
	v0 =	vshll.u32 v1, $0xD  }
0x66: {  	v1 =	vshll.u32 v2, $0xD;
	v0 =	vor.u32 v46, v0  }
0x67: {  	s21 =	sor.u32 $0x320, s5;
	[tilespmem:$0x1FED0] =	vst v0;
	v0 =	vor.u32 v46, v1  }
0x68: {  	[tilespmem:$0x1FEE0] =	vst v0;
	v0 =	vmov s21  }
0x69: {  	s22 =	sor.u32 $0x330, s5;
	v0 =	vshll.u32 v0, $0xD  }
0x6a: {  	s23 =	sor.u32 $0x340, s5;
	v1 =	vmov s22;
	v0 =	vor.u32 v46, v0  }
0x6b: {  	v2 =	vmov s23;
	[tilespmem:$0x1FEF0] =	vst v0;
	v0 =	vshll.u32 v1, $0xD  }
0x6c: {  	v1 =	vshll.u32 v2, $0xD;
	v0 =	vor.u32 v46, v0  }
0x6d: {  	s24 =	sor.u32 $0x350, s5;
	[tilespmem:$0x1FF00] =	vst v0;
	v0 =	vor.u32 v46, v1  }
0x6e: {  	[tilespmem:$0x1FF10] =	vst v0;
	v0 =	vmov s24  }
0x6f: {  	s25 =	sor.u32 $0x360, s5;
	v0 =	vshll.u32 v0, $0xD  }
0x70: {  	s26 =	sor.u32 $0x370, s5;
	v1 =	vmov s25;
	v0 =	vor.u32 v46, v0  }
0x71: {  	v2 =	vmov s26;
	[tilespmem:$0x1FF20] =	vst v0;
	v0 =	vshll.u32 v1, $0xD  }
0x72: {  	v1 =	vshll.u32 v2, $0xD;
	v0 =	vor.u32 v46, v0  }
0x73: {  	s3 =	sor.u32 $0x380, s5;
	[tilespmem:$0x1FF30] =	vst v0;
	v0 =	vor.u32 v46, v1  }
0x74: {  	[tilespmem:$0x1FF40] =	vst v0;
	v0 =	vmov s3  }
0x75: {  	s4 =	sor.u32 $0x390, s5;
	v0 =	vshll.u32 v0, $0xD  }
0x76: {  	s6 =	sor.u32 $0x3A0, s5;
	v1 =	vmov s4;
	v0 =	vor.u32 v46, v0  }
0x77: {  	v2 =	vmov s6;
	[tilespmem:$0x1FF50] =	vst v0;
	v0 =	vshll.u32 v1, $0xD  }
0x78: {  	v1 =	vshll.u32 v2, $0xD;
	v0 =	vor.u32 v46, v0  }
0x79: {  	s7 =	sor.u32 $0x3B0, s5;
	[tilespmem:$0x1FF60] =	vst v0;
	v0 =	vor.u32 v46, v1  }
0x7a: {  	[tilespmem:$0x1FF70] =	vst v0;
	v0 =	vmov s7  }
0x7b: {  	s8 =	sor.u32 $0x3C0, s5;
	v0 =	vshll.u32 v0, $0xD  }
0x7c: {  	s9 =	sor.u32 $0x3D0, s5;
	v1 =	vmov s8;
	v0 =	vor.u32 v46, v0  }
0x7d: {  	v2 =	vmov s9;
	[tilespmem:$0x1FF80] =	vst v0;
	v0 =	vshll.u32 v1, $0xD  }
0x7e: {  	v1 =	vshll.u32 v2, $0xD;
	v0 =	vor.u32 v46, v0  }
0x7f: {  	s10 =	sor.u32 $0x3E0, s5;
	[tilespmem:$0x1FF90] =	vst v0;
	v0 =	vor.u32 v46, v1  }
0x80: {  	[tilespmem:$0x1FFA0] =	vst v0;
	v0 =	vmov s10  }
0x81: {  	s11 =	sor.u32 $0x3F0, s5;
	v0 =	vshll.u32 v0, $0xD  }
0x82: {  	s12 =	sor.u32 $0x400, s5;
	v1 =	vmov s11;
	v0 =	vor.u32 v46, v0  }
0x83: {  	v2 =	vmov s12;
	[tilespmem:$0x1FFB0] =	vst v0;
	v0 =	vshll.u32 v1, $0xD  }
0x84: {  	v1 =	vshll.u32 v2, $0xD;
	v0 =	vor.u32 v46, v0  }
0x85: {  	s13 =	sor.u32 $0x410, s5;
	[tilespmem:$0x1FFC0] =	vst v0;
	v0 =	vor.u32 v46, v1  }
0x86: {  	[tilespmem:$0x1FFD0] =	vst v0;
	v0 =	vmov s13  }
0x87: {  	s14 =	sor.u32 $0x420, s5;
	v0 =	vshll.u32 v0, $0xD  }
0x88: {  	v1 =	vmov s14;
	v0 =	vor.u32 v46, v0  }
0x89: {  	s17 =	sor.u32 $0x460, s5;
	s3 =	sor.u32 $0x430, s5;
	[tilespmem:$0x1FFE0] =	vst v0;
	v0 =	vshll.u32 v1, $0xD  }
0x8a: {  	v5 =	vmov s17;
	s15 =	sor.u32 $0x440, s5;
	s20 =	sor.u32 $0x490, s5;
	v2 =	vmov s3;
	v0 =	vor.u32 v46, v0  }
0x8b: {  	s16 =	sor.u32 $0x450, s5;
	v8 =	vmov s20;
	v1 =	vshll.u32 v2, $0xD;
	[tilespmem:$0x1FFF0] =	vst v0;
	v0 =	vmov s15  }
0x8c: {  	s23 =	sor.u32 $0x4C0, s5;
	v3 =	vor.u32 v46, v1;
	v1 =	vmov s16;
	v0 =	vshll.u32 v0, $0xD  }
0x8d: {  	s18 =	sor.u32 $0x470, s5;
	v11 =	vmov s23;
	v4 =	vor.u32 v46, v0;
	v0 =	vshll.u32 v1, $0xD  }
0x8e: {  	s19 =	sor.u32 $0x480, s5;
	v1 =	vshll.u32 v5, $0xD;
	v5 =	vor.u32 v46, v0;
	v0 =	vmov s18  }
0x8f: {  	s26 =	sor.u32 $0x4F0, s5;
	v6 =	vor.u32 v46, v1;
	v1 =	vmov s19;
	v0 =	vshll.u32 v0, $0xD  }
0x90: {  	s21 =	sor.u32 $0x4A0, s5;
	v14 =	vmov s26;
	v7 =	vor.u32 v46, v0;
	v0 =	vshll.u32 v1, $0xD  }
0x91: {  	s22 =	sor.u32 $0x4B0, s5;
	v1 =	vshll.u32 v8, $0xD;
	v8 =	vor.u32 v46, v0;
	v0 =	vmov s21  }
0x92: {  	s6 =	sor.u32 $0x520, s5;
	v9 =	vor.u32 v46, v1;
	v1 =	vmov s22;
	v0 =	vshll.u32 v0, $0xD  }
0x93: {  	s24 =	sor.u32 $0x4D0, s5;
	v17 =	vmov s6;
	v10 =	vor.u32 v46, v0;
	v0 =	vshll.u32 v1, $0xD  }
0x94: {  	s25 =	sor.u32 $0x4E0, s5;
	v1 =	vshll.u32 v11, $0xD;
	v11 =	vor.u32 v46, v0;
	v0 =	vmov s24  }
0x95: {  	s6 =	sor.u32 $0x5E0, s5;
	v12 =	vor.u32 v46, v1;
	v1 =	vmov s25;
	v0 =	vshll.u32 v0, $0xD  }
0x96: {  	v29 =	vmov s6;
	s3 =	sor.u32 $0x500, s5;
	v13 =	vor.u32 v46, v0;
	v0 =	vshll.u32 v1, $0xD  }
0x97: {  	s4 =	sor.u32 $0x510, s5;
	v1 =	vshll.u32 v14, $0xD;
	v14 =	vor.u32 v46, v0;
	v0 =	vmov s3  }
0x98: {  	s9 =	sor.u32 $0x550, s5;
	v15 =	vor.u32 v46, v1;
	v1 =	vmov s4;
	v0 =	vshll.u32 v0, $0xD  }
0x99: {  	v20 =	vmov s9;
	s7 =	sor.u32 $0x530, s5;
	v16 =	vor.u32 v46, v0;
	v0 =	vshll.u32 v1, $0xD  }
0x9a: {  	s8 =	sor.u32 $0x540, s5;
	v1 =	vshll.u32 v17, $0xD;
	v17 =	vor.u32 v46, v0;
	v0 =	vmov s7  }
0x9b: {  	s12 =	sor.u32 $0x580, s5;
	v18 =	vor.u32 v46, v1;
	v1 =	vmov s8;
	v0 =	vshll.u32 v0, $0xD  }
0x9c: {  	v23 =	vmov s12;
	s10 =	sor.u32 $0x560, s5;
	v19 =	vor.u32 v46, v0;
	v0 =	vshll.u32 v1, $0xD  }
0x9d: {  	s11 =	sor.u32 $0x570, s5;
	v1 =	vshll.u32 v20, $0xD;
	v20 =	vor.u32 v46, v0;
	v0 =	vmov s10  }
0x9e: {  	s15 =	sor.u32 $0x5B0, s5;
	v21 =	vor.u32 v46, v1;
	v1 =	vmov s11;
	v0 =	vshll.u32 v0, $0xD  }
0x9f: {  	s13 =	sor.u32 $0x590, s5;
	v26 =	vmov s15;
	v22 =	vor.u32 v46, v0;
	v0 =	vshll.u32 v1, $0xD  }
0xa0: {  	s14 =	sor.u32 $0x5A0, s5;
	v1 =	vshll.u32 v23, $0xD;
	v23 =	vor.u32 v46, v0;
	v0 =	vmov s13  }
0xa1: {  	s8 =	sor.u32 $0x610, s5;
	v24 =	vor.u32 v46, v1;
	v1 =	vmov s14;
	v0 =	vshll.u32 v0, $0xD  }
0xa2: {  	s16 =	sor.u32 $0x5C0, s5;
	v32 =	vmov s8;
	v25 =	vor.u32 v46, v0;
	v0 =	vshll.u32 v1, $0xD  }
0xa3: {  	s4 =	sor.u32 $0x5D0, s5;
	v1 =	vshll.u32 v26, $0xD;
	v26 =	vor.u32 v46, v0;
	v0 =	vmov s16  }
0xa4: {  	s10 =	sor.u32 $0x640, s5;
	v27 =	vor.u32 v46, v1;
	v1 =	vmov s4;
	v0 =	vshll.u32 v0, $0xD  }
0xa5: {  	s19 =	sor.u32 $0x5F0, s5;
	v35 =	vmov s10;
	v28 =	vor.u32 v46, v0;
	v0 =	vshll.u32 v1, $0xD  }
0xa6: {  	s20 =	sor.u32 $0x600, s5;
	v1 =	vshll.u32 v29, $0xD;
	v29 =	vor.u32 v46, v0;
	v0 =	vmov s19  }
0xa7: {  	s28 =	simm.s32 $0x1510;
	s17 =	stileid.u32;
	s11 =	sor.u32 $0x670, s5;
	v30 =	vor.u32 v46, v1;
	v1 =	vmov s20;
	v0 =	vshll.u32 v0, $0xD  }
0xa8: {  	s29 =	simm.s32 $0x710;
	s18 =	sor.u32 s2, s17;
	s21 =	sor.u32 $0x620, s5;
	v38 =	vmov s11;
	v31 =	vor.u32 v46, v0;
	v0 =	vshll.u32 v1, $0xD  }
0xa9: {  	p1 =	seq.s32 s2, $0x1;
	s9 =	sor.u32 $0x630, s5;
	p0 =	seq.s32 s18, $0x0;
	v1 =	vshll.u32 v32, $0xD;
	v32 =	vor.u32 v46, v0;
	v0 =	vmov s21  }
0xaa: {  	s30 =	simm.s32 $0x1610;
	p0 =	por !p0, !p1;
	s14 =	sor.u32 $0x6A0, s5;
	v33 =	vor.u32 v46, v1;
	v1 =	vmov s9;
	v0 =	vshll.u32 v0, $0xD  }
0xab: {  	p0 =	por !p0, !p0;
	s22 =	sor.u32 $0x650, s5;
	s8 =	simm.s32 $0x1;
	v41 =	vmov s14;
	v34 =	vor.u32 v46, v0;
	v0 =	vshll.u32 v1, $0xD  }
0xac: {  	s31 =	simm.s32 $0x790;
	s24 =	sor.u32 $0x660, s5;
	s8 =	simm.s32 @!p0 $0x0;
	v1 =	vshll.u32 v35, $0xD;
	v35 =	vor.u32 v46, v0;
	v0 =	vmov s22  }
0xad: {  	s0 =	rddreg [dreg:$0x0];
	s8 =	ssub.s32 s17, s8;
	s14 =	sor.u32 $0x6D0, s5;
	v36 =	vor.u32 v46, v1;
	v1 =	vmov s24;
	v0 =	vshll.u32 v0, $0xD  }
0xae: {  	s26 =	sor.u32 $0x680, s5;
	s12 =	ssub.s32 $0x2, s2;
	s23 =	sshll.u32 s8, $0x1;
	v44 =	vmov s14;
	v37 =	vor.u32 v46, v0;
	v0 =	vshll.u32 v1, $0xD  }
0xaf: {  	s7 =	rddreg [dreg:$0x1];
	s13 =	sor.u32 $0x690, s5;
	s9 =	sand.u32 $0x1FFFFFFE, s23;
	v1 =	vshll.u32 v38, $0xD;
	v38 =	vor.u32 v46, v0;
	v0 =	vmov s26  }
0xb0: {  	s25 =	sshrl.u32 s12, $0x1;
	s16 =	sor.u32 $0x730, s5;
	s7 =	sadd.s32 s9, s7;
	v39 =	vor.u32 v46, v1;
	v1 =	vmov s13;
	v0 =	vshll.u32 v0, $0xD  }
0xb1: {  	v51 =	vmov s16;
	s1 =	sadd.s32 $0x200, s7;
	s7 =	ssub.s32 s12, s25;
	s12 =	sor.u32 $0x6B0, s5;
	v40 =	vor.u32 v46, v0;
	v0 =	vshll.u32 v1, $0xD  }
0xb2: {  	s6 =	rddreg [dreg:$0x2];
	s15 =	sor.u32 $0x710, s5;
	s13 =	sor.u32 $0x6C0, s5;
	v1 =	vshll.u32 v41, $0xD;
	v41 =	vor.u32 v46, v0;
	v0 =	vmov s12  }
0xb3: {  	s2 =	sshll.u32 s2, $0xC;
	s3 =	simm.s32 $0x0;
	s23 =	sor.u32 $0x760, s5;
	v42 =	vor.u32 v46, v1;
	v1 =	vmov s13;
	v0 =	vshll.u32 v0, $0xD  }
0xb4: {  	[smem:$0x7FF] =	sst s3;
	s17 =	sor.u32 $0x6E0, s5;
	s8 =	sshll.u32 s8, $0xD;
	v54 =	vmov s23;
	v43 =	vor.u32 v46, v0;
	v0 =	vshll.u32 v1, $0xD  }
0xb5: {  	s18 =	sor.u32 $0x6F0, s5;
	_ =	strace $0x80000047;
	s2 =	sor.u32 s2, s8;
	v1 =	vshll.u32 v44, $0xD;
	v44 =	vor.u32 v46, v0;
	v0 =	vmov s17  }
0xb6: {  	s8 =	simm.s32 $0x810;
	s2 =	sshrl.u32 s2, $0x3;
	s24 =	sor.u32 $0x700, s5;
	v45 =	vor.u32 v46, v1;
	v1 =	vmov s18;
	v0 =	vshll.u32 v0, $0xD  }
0xb7: {  	s2 =	sadd.s32 s6, s2;
	s6 =	simm.s32 $0x2;
	s14 =	sor.u32 $0x7A0, s5;
	v48 =	vmov s24;
	v47 =	vor.u32 v46, v0;
	v0 =	vshll.u32 v1, $0xD  }
0xb8: {  	[dreg:$0x5] =	wrdreg s2;
	s2 =	simm.s32 $0x1710;
	s25 =	sor.u32 $0x720, s5;
	v1 =	vshll.u32 v48, $0xD;
	v48 =	vor.u32 v46, v0;
	v0 =	vmov s15  }
0xb9: {  	s4 =	simm.s32 $0x1;
	s16 =	simm.s32 $0x110;
	s21 =	sor.u32 $0x790, s5;
	v49 =	vor.u32 v46, v1;
	v1 =	vmov s25;
	v0 =	vshll.u32 v0, $0xD  }
0xba: {  	[dreg:$0x9] =	wrdreg s16;
	s16 =	simm.s32 $0x410;
	s19 =	sor.u32 $0x740, s5;
	v57 =	vmov s21;
	v50 =	vor.u32 v46, v0;
	v0 =	vshll.u32 v1, $0xD  }
0xbb: {  	s20 =	sor.u32 $0x770, s5;
	s23 =	simm.s32 $0xB10;
	s22 =	sor.u32 $0x750, s5;
	v1 =	vshll.u32 v51, $0xD;
	v51 =	vor.u32 v46, v0;
	v0 =	vmov s19  }
0xbc: {  	s21 =	simm.s32 $0x1210;
	[dreg:$0xc] =	wrdreg s23;
	s23 =	simm.s32 $0x1310;
	v52 =	vor.u32 v46, v1;
	v1 =	vmov s22;
	v0 =	vshll.u32 v0, $0xD  }
0xbd: {  	[dreg:$0x4] =	wrdreg s1;
	s1 =	sor.u32 $0x7D0, s5;
	s26 =	simm.s32 $0x10;
	v53 =	vor.u32 v46, v0;
	v0 =	vshll.u32 v1, $0xD  }
0xbe: {  	[dreg:$0x6] =	wrdreg s26;
	s26 =	simm.s32 $0x210;
	s12 =	sor.u32 $0x780, s5;
	v1 =	vshll.u32 v54, $0xD;
	v54 =	vor.u32 v46, v0;
	v0 =	vmov s20  }
0xbf: {  	[dreg:$0xd] =	wrdreg s26;
	s13 =	simm.s32 $0x90;
	s18 =	sor.u32 $0x7C0, s5;
	v55 =	vor.u32 v46, v1;
	v1 =	vmov s12;
	v0 =	vshll.u32 v0, $0xD  }
0xc0: {  	s24 =	sor.u32 $0x7E0, s5;
	s26 =	simm.s32 $0x690;
	[dreg:$0x7] =	wrdreg s13;
	v60 =	vmov s18;
	v56 =	vor.u32 v46, v0;
	v0 =	vshll.u32 v1, $0xD  }
0xc1: {  	s13 =	simm.s32 $0xE10;
	s17 =	sor.u32 $0x7B0, s5;
	s18 =	simm.s32 $0x490;
	v1 =	vshll.u32 v57, $0xD;
	v57 =	vor.u32 v46, v0;
	v0 =	vmov s14  }
0xc2: {  	s15 =	simm.s32 $0x910;
	s25 =	sor.u32 $0x7F0, s5;
	s5 =	smax.u32 s7, $0x1;
	v58 =	vor.u32 v46, v1;
	v1 =	vmov s17;
	v0 =	vshll.u32 v0, $0xD  }
0xc3: {  	s7 =	simm.s32 $0x80;
	[dreg:$0x8] =	wrdreg s15;
	v63 =	vmov s25;
	s19 =	simm.s32 $0xA10;
	v59 =	vor.u32 v46, v0;
	v0 =	vshll.u32 v1, $0xD  }
0xc4: {  	s15 =	simm.s32 $0xF10;
	s22 =	simm.s32 $0x190;
	[dreg:$0xa] =	wrdreg s19;
	v1 =	vshll.u32 v60, $0xD;
	v60 =	vor.u32 v46, v0;
	v0 =	vmov s1  }
0xc5: {  	s25 =	simm.s32 $0x1410;
	[dreg:$0xb] =	wrdreg s22;
	s19 =	simm.s32 $0x1110;
	v61 =	vor.u32 v46, v1;
	v1 =	vmov s24;
	v0 =	vshll.u32 v0, $0xD  }
0xc6: {  	s22 =	simm.s32 $0x590;
	s12 =	simm.s32 $0x310;
	s20 =	simm.s32 $0x510;
	v62 =	vor.u32 v46, v0;
	v0 =	vshll.u32 v1, $0xD;
	v1 =	vshll.u32 v63, $0xD  }
0xc7: {  	s14 =	simm.s32 $0x390;
	s17 =	simm.s32 $0x1010;
	s24 =	simm.s32 $0x610;
	v63 =	vor.u32 v46, v0;
	v46 =	vor.u32 v46, v1;
	v0 =	vimm.f32 $0.0e+00  }
.LBB2_1:
0xc8: {  	s1 =	rddreg [dreg:$0x4]  }
0xc9: {  	[tilespmem:s3], [sflag:$0x2] =	stream.linear.gather [hbm4b:s1+s3], $0x10, $0x38;
	[tilespmem:$0x1810] =	vst v63  }
0xca: {  	_ =	swait.ge [sflag:s6], $0x10  }
0xcb: {  	[sflag:s6] =	ssyncset.done $0x0  }
0xcc: {  	[sflag:s6] =	ssyncadd.s32 $0xFFFFFFF0  }
0xcd: {  	v1 =	vld [tilespmem:$0x0];
	_ =	sdelay $0x4  }
0xce: {  	v2 =	vshll.u32 v1, $0x1  }
0xcf: {  	v1 =	vand.u32 $0x7F, v1;
	v2 =	vand.u32 $0xFFFFFF00, v2  }
0xd0: {  	v1 =	vor.u32 v1, v2;
	v2 =	vld [tilespmem:$0x1FBD0];
	_ =	sdelay $0x4  }
0xd1: {  	v2 =	vadd.s32 v2, v1  }
0xd2: {  	[tilespmem:$0x10] =	vst v2;
	v2 =	vld [tilespmem:$0x1FBE0];
	_ =	sdelay $0x4  }
0xd3: {  	v2 =	vadd.s32 v2, v1  }
0xd4: {  	[tilespmem:$0x20] =	vst v2;
	v2 =	vld [tilespmem:$0x1FBF0];
	_ =	sdelay $0x4  }
0xd5: {  	v2 =	vadd.s32 v2, v1  }
0xd6: {  	[tilespmem:$0x30] =	vst v2;
	v2 =	vld [tilespmem:$0x1FC00];
	_ =	sdelay $0x4  }
0xd7: {  	v2 =	vadd.s32 v2, v1  }
0xd8: {  	[tilespmem:$0x40] =	vst v2;
	v2 =	vld [tilespmem:$0x1FC10];
	_ =	sdelay $0x4  }
0xd9: {  	v2 =	vadd.s32 v2, v1  }
0xda: {  	[tilespmem:$0x50] =	vst v2;
	v2 =	vld [tilespmem:$0x1FC20];
	_ =	sdelay $0x4  }
0xdb: {  	v2 =	vadd.s32 v2, v1  }
0xdc: {  	[tilespmem:$0x60] =	vst v2;
	v2 =	vld [tilespmem:$0x1FC30];
	_ =	sdelay $0x4  }
0xdd: {  	v2 =	vadd.s32 v2, v1  }
0xde: {  	[tilespmem:$0x70] =	vst v2;
	v2 =	vld [tilespmem:$0x1FC40];
	_ =	sdelay $0x4  }
0xdf: {  	v2 =	vadd.s32 v2, v1  }
0xe0: {  	[tilespmem:$0x80] =	vst v2;
	v2 =	vld [tilespmem:$0x1FC50];
	_ =	sdelay $0x4  }
0xe1: {  	v2 =	vadd.s32 v2, v1  }
0xe2: {  	[tilespmem:$0x90] =	vst v2;
	v2 =	vld [tilespmem:$0x1FC60];
	_ =	sdelay $0x4  }
0xe3: {  	v2 =	vadd.s32 v2, v1  }
0xe4: {  	[tilespmem:$0xA0] =	vst v2;
	v2 =	vld [tilespmem:$0x1FC70];
	_ =	sdelay $0x4  }
0xe5: {  	v2 =	vadd.s32 v2, v1  }
0xe6: {  	[tilespmem:$0xB0] =	vst v2;
	v2 =	vld [tilespmem:$0x1FC80];
	_ =	sdelay $0x4  }
0xe7: {  	v2 =	vadd.s32 v2, v1  }
0xe8: {  	[tilespmem:$0xC0] =	vst v2;
	v2 =	vld [tilespmem:$0x1FC90];
	_ =	sdelay $0x4  }
0xe9: {  	v2 =	vadd.s32 v2, v1  }
0xea: {  	[tilespmem:$0xD0] =	vst v2;
	v2 =	vld [tilespmem:$0x1FCA0];
	_ =	sdelay $0x4  }
0xeb: {  	v2 =	vadd.s32 v2, v1  }
0xec: {  	[tilespmem:$0xE0] =	vst v2;
	v2 =	vld [tilespmem:$0x1FCB0];
	_ =	sdelay $0x4  }
0xed: {  	v2 =	vadd.s32 v2, v1  }
0xee: {  	[tilespmem:$0xF0] =	vst v2;
	v2 =	vld [tilespmem:$0x1FCC0];
	_ =	sdelay $0x4  }
0xef: {  	v2 =	vadd.s32 v2, v1  }
0xf0: {  	[tilespmem:$0x100] =	vst v2;
	v2 =	vld [tilespmem:$0x1FCD0];
	_ =	sdelay $0x4  }
0xf1: {  	v2 =	vadd.s32 v2, v1  }
0xf2: {  	[tilespmem:$0x110] =	vst v2;
	v2 =	vld [tilespmem:$0x1FCE0];
	_ =	sdelay $0x4  }
0xf3: {  	v2 =	vadd.s32 v2, v1  }
0xf4: {  	[tilespmem:$0x120] =	vst v2;
	v2 =	vld [tilespmem:$0x1FCF0];
	_ =	sdelay $0x4  }
0xf5: {  	v2 =	vadd.s32 v2, v1  }
0xf6: {  	[tilespmem:$0x130] =	vst v2;
	v2 =	vld [tilespmem:$0x1FD00];
	_ =	sdelay $0x4  }
0xf7: {  	v2 =	vadd.s32 v2, v1  }
0xf8: {  	[tilespmem:$0x140] =	vst v2;
	v2 =	vld [tilespmem:$0x1FD10];
	_ =	sdelay $0x4  }
0xf9: {  	v2 =	vadd.s32 v2, v1  }
0xfa: {  	[tilespmem:$0x150] =	vst v2;
	v2 =	vld [tilespmem:$0x1FD20];
	_ =	sdelay $0x4  }
0xfb: {  	v2 =	vadd.s32 v2, v1  }
0xfc: {  	[tilespmem:$0x160] =	vst v2;
	v2 =	vld [tilespmem:$0x1FD30];
	_ =	sdelay $0x4  }
0xfd: {  	v2 =	vadd.s32 v2, v1  }
0xfe: {  	[tilespmem:$0x170] =	vst v2;
	v2 =	vld [tilespmem:$0x1FD40];
	_ =	sdelay $0x4  }
0xff: {  	v2 =	vadd.s32 v2, v1  }
0x100: {  	[tilespmem:$0x180] =	vst v2;
	v2 =	vld [tilespmem:$0x1FD50];
	_ =	sdelay $0x4  }
0x101: {  	v2 =	vadd.s32 v2, v1  }
0x102: {  	[tilespmem:$0x190] =	vst v2;
	v2 =	vld [tilespmem:$0x1FD60];
	_ =	sdelay $0x4  }
0x103: {  	v2 =	vadd.s32 v2, v1  }
0x104: {  	[tilespmem:$0x1A0] =	vst v2;
	v2 =	vld [tilespmem:$0x1FD70];
	_ =	sdelay $0x4  }
0x105: {  	v2 =	vadd.s32 v2, v1  }
0x106: {  	[tilespmem:$0x1B0] =	vst v2;
	v2 =	vld [tilespmem:$0x1FD80];
	_ =	sdelay $0x4  }
0x107: {  	v2 =	vadd.s32 v2, v1  }
0x108: {  	[tilespmem:$0x1C0] =	vst v2;
	v2 =	vld [tilespmem:$0x1FD90];
	_ =	sdelay $0x4  }
0x109: {  	v2 =	vadd.s32 v2, v1  }
0x10a: {  	[tilespmem:$0x1D0] =	vst v2;
	v2 =	vld [tilespmem:$0x1FDA0];
	_ =	sdelay $0x4  }
0x10b: {  	v2 =	vadd.s32 v2, v1  }
0x10c: {  	[tilespmem:$0x1E0] =	vst v2;
	v2 =	vld [tilespmem:$0x1FDB0];
	_ =	sdelay $0x4  }
0x10d: {  	v2 =	vadd.s32 v2, v1  }
0x10e: {  	[tilespmem:$0x1F0] =	vst v2;
	v2 =	vld [tilespmem:$0x1FDC0];
	_ =	sdelay $0x4  }
0x10f: {  	v2 =	vadd.s32 v2, v1  }
0x110: {  	[tilespmem:$0x200] =	vst v2;
	v2 =	vld [tilespmem:$0x1FDD0];
	_ =	sdelay $0x4  }
0x111: {  	v2 =	vadd.s32 v2, v1  }
0x112: {  	[tilespmem:$0x210] =	vst v2;
	v2 =	vld [tilespmem:$0x1FDE0];
	_ =	sdelay $0x4  }
0x113: {  	v2 =	vadd.s32 v2, v1  }
0x114: {  	[tilespmem:$0x220] =	vst v2;
	v2 =	vld [tilespmem:$0x1FDF0];
	_ =	sdelay $0x4  }
0x115: {  	v2 =	vadd.s32 v2, v1  }
0x116: {  	[tilespmem:$0x230] =	vst v2;
	v2 =	vld [tilespmem:$0x1FE00];
	_ =	sdelay $0x4  }
0x117: {  	v2 =	vadd.s32 v2, v1  }
0x118: {  	[tilespmem:$0x240] =	vst v2;
	v2 =	vld [tilespmem:$0x1FE10];
	_ =	sdelay $0x4  }
0x119: {  	v2 =	vadd.s32 v2, v1  }
0x11a: {  	[tilespmem:$0x250] =	vst v2;
	v2 =	vld [tilespmem:$0x1FE20];
	_ =	sdelay $0x4  }
0x11b: {  	v2 =	vadd.s32 v2, v1  }
0x11c: {  	[tilespmem:$0x260] =	vst v2;
	v2 =	vld [tilespmem:$0x1FE30];
	_ =	sdelay $0x4  }
0x11d: {  	v2 =	vadd.s32 v2, v1  }
0x11e: {  	[tilespmem:$0x270] =	vst v2;
	v2 =	vld [tilespmem:$0x1FE40];
	_ =	sdelay $0x4  }
0x11f: {  	v2 =	vadd.s32 v2, v1  }
0x120: {  	[tilespmem:$0x280] =	vst v2;
	v2 =	vld [tilespmem:$0x1FE50];
	_ =	sdelay $0x4  }
0x121: {  	v2 =	vadd.s32 v2, v1  }
0x122: {  	[tilespmem:$0x290] =	vst v2;
	v2 =	vld [tilespmem:$0x1FE60];
	_ =	sdelay $0x2  }
0x123: {  	[tilespmem:$0x890] =	vst v0  }
0x124: {  	[tilespmem:$0x8A0] =	vst v0  }
0x125: {  	[tilespmem:$0x8B0] =	vst v0;
	v2 =	vadd.s32 v2, v1  }
0x126: {  	[tilespmem:$0x2A0] =	vst v2;
	v2 =	vld [tilespmem:$0x1FE70]  }
0x127: {  	[tilespmem:$0x8C0] =	vst v0  }
0x128: {  	[tilespmem:$0x8D0] =	vst v0  }
0x129: {  	[tilespmem:$0x8E0] =	vst v0  }
0x12a: {  	[tilespmem:$0x8F0] =	vst v0  }
0x12b: {  	[tilespmem:$0x900] =	vst v0;
	v2 =	vadd.s32 v2, v1  }
0x12c: {  	[tilespmem:$0x2B0] =	vst v2;
	v2 =	vld [tilespmem:$0x1FE80]  }
0x12d: {  	[tilespmem:$0x990] =	vst v0  }
0x12e: {  	[tilespmem:$0x9A0] =	vst v0  }
0x12f: {  	[tilespmem:$0x9B0] =	vst v0  }
0x130: {  	[tilespmem:$0x9C0] =	vst v0  }
0x131: {  	[tilespmem:$0x9D0] =	vst v0;
	v2 =	vadd.s32 v2, v1  }
0x132: {  	[tilespmem:$0x2C0] =	vst v2;
	v2 =	vld [tilespmem:$0x1FE90]  }
0x133: {  	[tilespmem:$0x9E0] =	vst v0  }
0x134: {  	[tilespmem:$0x9F0] =	vst v0  }
0x135: {  	[tilespmem:$0xA00] =	vst v0  }
0x136: {  	[tilespmem:$0xA90] =	vst v0  }
0x137: {  	[tilespmem:$0xAA0] =	vst v0;
	v2 =	vadd.s32 v2, v1  }
0x138: {  	[tilespmem:$0x2D0] =	vst v2;
	v2 =	vld [tilespmem:$0x1FEA0]  }
0x139: {  	[tilespmem:$0xAB0] =	vst v0  }
0x13a: {  	[tilespmem:$0xAC0] =	vst v0  }
0x13b: {  	[tilespmem:$0xAD0] =	vst v0  }
0x13c: {  	[tilespmem:$0xAE0] =	vst v0  }
0x13d: {  	[tilespmem:$0xAF0] =	vst v0;
	v2 =	vadd.s32 v2, v1  }
0x13e: {  	[tilespmem:$0x2E0] =	vst v2;
	v2 =	vld [tilespmem:$0x1FEB0]  }
0x13f: {  	[tilespmem:$0xB00] =	vst v0  }
0x140: {  	[tilespmem:$0xB90] =	vst v0  }
0x141: {  	[tilespmem:$0xBA0] =	vst v0  }
0x142: {  	[tilespmem:$0xBB0] =	vst v0  }
0x143: {  	[tilespmem:$0xBC0] =	vst v0;
	v2 =	vadd.s32 v2, v1  }
0x144: {  	[tilespmem:$0x2F0] =	vst v2;
	v2 =	vld [tilespmem:$0x1FEC0]  }
0x145: {  	[tilespmem:$0xBD0] =	vst v0  }
0x146: {  	[tilespmem:$0xBE0] =	vst v0  }
0x147: {  	[tilespmem:$0xBF0] =	vst v0  }
0x148: {  	[tilespmem:$0xC00] =	vst v0  }
0x149: {  	[tilespmem:$0xC90] =	vst v0;
	v2 =	vadd.s32 v2, v1  }
0x14a: {  	[tilespmem:$0x300] =	vst v2;
	v2 =	vld [tilespmem:$0x1FED0]  }
0x14b: {  	[tilespmem:$0xCA0] =	vst v0  }
0x14c: {  	[tilespmem:$0xCB0] =	vst v0  }
0x14d: {  	[tilespmem:$0xCC0] =	vst v0  }
0x14e: {  	[tilespmem:$0xCD0] =	vst v0  }
0x14f: {  	[tilespmem:$0xCE0] =	vst v0;
	v2 =	vadd.s32 v2, v1  }
0x150: {  	[tilespmem:$0x310] =	vst v2;
	v2 =	vld [tilespmem:$0x1FEE0]  }
0x151: {  	[tilespmem:$0xCF0] =	vst v0  }
0x152: {  	[tilespmem:$0xD00] =	vst v0  }
0x153: {  	[tilespmem:$0xD90] =	vst v0  }
0x154: {  	[tilespmem:$0xDA0] =	vst v0  }
0x155: {  	[tilespmem:$0xDB0] =	vst v0;
	v2 =	vadd.s32 v2, v1  }
0x156: {  	[tilespmem:$0x320] =	vst v2;
	v2 =	vld [tilespmem:$0x1FEF0]  }
0x157: {  	[tilespmem:$0xDC0] =	vst v0  }
0x158: {  	[tilespmem:$0xDD0] =	vst v0  }
0x159: {  	[tilespmem:$0xDE0] =	vst v0  }
0x15a: {  	[tilespmem:$0xDF0] =	vst v0  }
0x15b: {  	[tilespmem:$0xE00] =	vst v0;
	v2 =	vadd.s32 v2, v1  }
0x15c: {  	[tilespmem:$0x330] =	vst v2;
	v2 =	vld [tilespmem:$0x1FF00]  }
0x15d: {  	[tilespmem:$0xE90] =	vst v0  }
0x15e: {  	[tilespmem:$0xEA0] =	vst v0  }
0x15f: {  	[tilespmem:$0xEB0] =	vst v0  }
0x160: {  	[tilespmem:$0xEC0] =	vst v0  }
0x161: {  	[tilespmem:$0xED0] =	vst v0;
	v2 =	vadd.s32 v2, v1  }
0x162: {  	[tilespmem:$0x340] =	vst v2;
	v2 =	vld [tilespmem:$0x1FF10]  }
0x163: {  	[tilespmem:$0xEE0] =	vst v0  }
0x164: {  	[tilespmem:$0xEF0] =	vst v0  }
0x165: {  	[tilespmem:$0xF00] =	vst v0  }
0x166: {  	[tilespmem:$0xF90] =	vst v0  }
0x167: {  	[tilespmem:$0xFA0] =	vst v0;
	v2 =	vadd.s32 v2, v1  }
0x168: {  	[tilespmem:$0x350] =	vst v2;
	v2 =	vld [tilespmem:$0x1FF20]  }
0x169: {  	[tilespmem:$0xFB0] =	vst v0  }
0x16a: {  	[tilespmem:$0xFC0] =	vst v0  }
0x16b: {  	[tilespmem:$0xFD0] =	vst v0  }
0x16c: {  	[tilespmem:$0xFE0] =	vst v0  }
0x16d: {  	[tilespmem:$0xFF0] =	vst v0;
	v2 =	vadd.s32 v2, v1  }
0x16e: {  	[tilespmem:$0x360] =	vst v2;
	v2 =	vld [tilespmem:$0x1FF30]  }
0x16f: {  	[tilespmem:$0x1000] =	vst v0  }
0x170: {  	[tilespmem:$0x1090] =	vst v0  }
0x171: {  	[tilespmem:$0x10A0] =	vst v0  }
0x172: {  	[tilespmem:$0x10B0] =	vst v0  }
0x173: {  	[tilespmem:$0x10C0] =	vst v0;
	v2 =	vadd.s32 v2, v1  }
0x174: {  	[tilespmem:$0x370] =	vst v2;
	v2 =	vld [tilespmem:$0x1FF40]  }
0x175: {  	[tilespmem:$0x10D0] =	vst v0  }
0x176: {  	[tilespmem:$0x10E0] =	vst v0  }
0x177: {  	[tilespmem:$0x10F0] =	vst v0  }
0x178: {  	[tilespmem:$0x1100] =	vst v0  }
0x179: {  	[tilespmem:$0x1190] =	vst v0;
	v2 =	vadd.s32 v2, v1  }
0x17a: {  	[tilespmem:$0x380] =	vst v2;
	v2 =	vld [tilespmem:$0x1FF50]  }
0x17b: {  	[tilespmem:$0x11A0] =	vst v0  }
0x17c: {  	[tilespmem:$0x11B0] =	vst v0  }
0x17d: {  	[tilespmem:$0x11C0] =	vst v0  }
0x17e: {  	[tilespmem:$0x11D0] =	vst v0  }
0x17f: {  	[tilespmem:$0x11E0] =	vst v0;
	v2 =	vadd.s32 v2, v1  }
0x180: {  	[tilespmem:$0x390] =	vst v2;
	v2 =	vld [tilespmem:$0x1FF60]  }
0x181: {  	[tilespmem:$0x11F0] =	vst v0  }
0x182: {  	[tilespmem:$0x1200] =	vst v0  }
0x183: {  	[tilespmem:$0x1290] =	vst v0  }
0x184: {  	[tilespmem:$0x12A0] =	vst v0  }
0x185: {  	[tilespmem:$0x12B0] =	vst v0;
	v2 =	vadd.s32 v2, v1  }
0x186: {  	[tilespmem:$0x3A0] =	vst v2;
	v2 =	vld [tilespmem:$0x1FF70]  }
0x187: {  	[tilespmem:$0x12C0] =	vst v0  }
0x188: {  	[tilespmem:$0x12D0] =	vst v0  }
0x189: {  	[tilespmem:$0x12E0] =	vst v0  }
0x18a: {  	[tilespmem:$0x12F0] =	vst v0  }
0x18b: {  	[tilespmem:$0x1300] =	vst v0;
	v2 =	vadd.s32 v2, v1  }
0x18c: {  	[tilespmem:$0x3B0] =	vst v2;
	v2 =	vld [tilespmem:$0x1FF80]  }
0x18d: {  	[tilespmem:$0x1390] =	vst v0  }
0x18e: {  	[tilespmem:$0x13A0] =	vst v0  }
0x18f: {  	[tilespmem:$0x13B0] =	vst v0  }
0x190: {  	[tilespmem:$0x13C0] =	vst v0  }
0x191: {  	[tilespmem:$0x13D0] =	vst v0;
	v2 =	vadd.s32 v2, v1  }
0x192: {  	[tilespmem:$0x3C0] =	vst v2;
	v2 =	vld [tilespmem:$0x1FF90]  }
0x193: {  	[tilespmem:$0x13E0] =	vst v0  }
0x194: {  	[tilespmem:$0x13F0] =	vst v0  }
0x195: {  	[tilespmem:$0x1400] =	vst v0  }
0x196: {  	[tilespmem:$0x1490] =	vst v0  }
0x197: {  	[tilespmem:$0x14A0] =	vst v0;
	v2 =	vadd.s32 v2, v1  }
0x198: {  	[tilespmem:$0x3D0] =	vst v2;
	v2 =	vld [tilespmem:$0x1FFA0]  }
0x199: {  	[tilespmem:$0x14B0] =	vst v0  }
0x19a: {  	[tilespmem:$0x14C0] =	vst v0  }
0x19b: {  	[tilespmem:$0x14D0] =	vst v0  }
0x19c: {  	[tilespmem:$0x14E0] =	vst v0  }
0x19d: {  	[tilespmem:$0x14F0] =	vst v0;
	v2 =	vadd.s32 v2, v1  }
0x19e: {  	[tilespmem:$0x3E0] =	vst v2;
	v2 =	vld [tilespmem:$0x1FFB0]  }
0x19f: {  	[tilespmem:$0x1500] =	vst v0  }
0x1a0: {  	[tilespmem:$0x1590] =	vst v0  }
0x1a1: {  	[tilespmem:$0x15A0] =	vst v0  }
0x1a2: {  	[tilespmem:$0x15B0] =	vst v0  }
0x1a3: {  	[tilespmem:$0x15C0] =	vst v0;
	v2 =	vadd.s32 v2, v1  }
0x1a4: {  	[tilespmem:$0x3F0] =	vst v2;
	v2 =	vld [tilespmem:$0x1FFC0]  }
0x1a5: {  	[tilespmem:$0x15D0] =	vst v0  }
0x1a6: {  	[tilespmem:$0x15E0] =	vst v0  }
0x1a7: {  	[tilespmem:$0x15F0] =	vst v0  }
0x1a8: {  	[tilespmem:$0x1600] =	vst v0  }
0x1a9: {  	[tilespmem:$0x1690] =	vst v0;
	v2 =	vadd.s32 v2, v1  }
0x1aa: {  	[tilespmem:$0x400] =	vst v2;
	v2 =	vld [tilespmem:$0x1FFD0]  }
0x1ab: {  	[tilespmem:$0x16A0] =	vst v0  }
0x1ac: {  	[tilespmem:$0x16B0] =	vst v0  }
0x1ad: {  	[tilespmem:$0x16C0] =	vst v0  }
0x1ae: {  	[tilespmem:$0x16D0] =	vst v0  }
0x1af: {  	[tilespmem:$0x16E0] =	vst v0;
	v2 =	vadd.s32 v2, v1  }
0x1b0: {  	[tilespmem:$0x410] =	vst v2;
	v2 =	vld [tilespmem:$0x1FFE0]  }
0x1b1: {  	[tilespmem:$0x16F0] =	vst v0  }
0x1b2: {  	[tilespmem:$0x1700] =	vst v0  }
0x1b3: {  	[tilespmem:$0x1790] =	vst v0  }
0x1b4: {  	[tilespmem:$0x17A0] =	vst v0  }
0x1b5: {  	[tilespmem:$0x17B0] =	vst v0;
	v2 =	vadd.s32 v2, v1  }
0x1b6: {  	[tilespmem:$0x420] =	vst v2;
	v2 =	vld [tilespmem:$0x1FFF0]  }
0x1b7: {  	[tilespmem:$0x17C0] =	vst v0  }
0x1b8: {  	[tilespmem:$0x17D0] =	vst v0  }
0x1b9: {  	[tilespmem:$0x17E0] =	vst v0  }
0x1ba: {  	[tilespmem:$0x17F0] =	vst v0  }
0x1bb: {  	[tilespmem:$0x1800] =	vst v0;
	v2 =	vadd.s32 v2, v1  }
0x1bc: {  	[tilespmem:$0x430] =	vst v2;
	v2 =	vadd.s32 v3, v1  }
0x1bd: {  	[tilespmem:$0x440] =	vst v2;
	v2 =	vadd.s32 v4, v1  }
0x1be: {  	[tilespmem:$0x450] =	vst v2;
	v2 =	vadd.s32 v5, v1  }
0x1bf: {  	[tilespmem:$0x460] =	vst v2;
	v2 =	vadd.s32 v6, v1  }
0x1c0: {  	[tilespmem:$0x470] =	vst v2;
	v2 =	vadd.s32 v7, v1  }
0x1c1: {  	[tilespmem:$0x480] =	vst v2;
	v2 =	vadd.s32 v8, v1  }
0x1c2: {  	[tilespmem:$0x490] =	vst v2;
	v2 =	vadd.s32 v9, v1  }
0x1c3: {  	[tilespmem:$0x4A0] =	vst v2;
	v2 =	vadd.s32 v10, v1  }
0x1c4: {  	[tilespmem:$0x4B0] =	vst v2;
	v2 =	vadd.s32 v11, v1  }
0x1c5: {  	[tilespmem:$0x4C0] =	vst v2;
	v2 =	vadd.s32 v12, v1  }
0x1c6: {  	[tilespmem:$0x4D0] =	vst v2;
	v2 =	vadd.s32 v13, v1  }
0x1c7: {  	[tilespmem:$0x4E0] =	vst v2;
	v2 =	vadd.s32 v14, v1  }
0x1c8: {  	[tilespmem:$0x4F0] =	vst v2;
	v2 =	vadd.s32 v15, v1  }
0x1c9: {  	[tilespmem:$0x500] =	vst v2;
	v2 =	vadd.s32 v16, v1  }
0x1ca: {  	[tilespmem:$0x510] =	vst v2;
	v2 =	vadd.s32 v17, v1  }
0x1cb: {  	[tilespmem:$0x520] =	vst v2;
	v2 =	vadd.s32 v18, v1  }
0x1cc: {  	[tilespmem:$0x530] =	vst v2;
	v2 =	vadd.s32 v19, v1  }
0x1cd: {  	[tilespmem:$0x540] =	vst v2;
	v2 =	vadd.s32 v20, v1  }
0x1ce: {  	[tilespmem:$0x550] =	vst v2;
	v2 =	vadd.s32 v21, v1  }
0x1cf: {  	[tilespmem:$0x560] =	vst v2;
	v2 =	vadd.s32 v22, v1  }
0x1d0: {  	[tilespmem:$0x570] =	vst v2;
	v2 =	vadd.s32 v23, v1  }
0x1d1: {  	[tilespmem:$0x580] =	vst v2;
	v2 =	vadd.s32 v24, v1  }
0x1d2: {  	[tilespmem:$0x590] =	vst v2;
	v2 =	vadd.s32 v25, v1  }
0x1d3: {  	[tilespmem:$0x5A0] =	vst v2;
	v2 =	vadd.s32 v26, v1  }
0x1d4: {  	[tilespmem:$0x5B0] =	vst v2;
	v2 =	vadd.s32 v27, v1  }
0x1d5: {  	[tilespmem:$0x5C0] =	vst v2;
	v2 =	vadd.s32 v28, v1  }
0x1d6: {  	[tilespmem:$0x5D0] =	vst v2;
	v2 =	vadd.s32 v29, v1  }
0x1d7: {  	[tilespmem:$0x5E0] =	vst v2;
	v2 =	vadd.s32 v30, v1  }
0x1d8: {  	[tilespmem:$0x5F0] =	vst v2;
	v2 =	vadd.s32 v31, v1  }
0x1d9: {  	[tilespmem:$0x600] =	vst v2;
	v2 =	vadd.s32 v32, v1  }
0x1da: {  	[tilespmem:$0x610] =	vst v2;
	v2 =	vadd.s32 v33, v1  }
0x1db: {  	[tilespmem:$0x620] =	vst v2;
	v2 =	vadd.s32 v34, v1  }
0x1dc: {  	[tilespmem:$0x630] =	vst v2;
	v2 =	vadd.s32 v35, v1  }
0x1dd: {  	[tilespmem:$0x640] =	vst v2;
	v2 =	vadd.s32 v36, v1  }
0x1de: {  	[tilespmem:$0x650] =	vst v2;
	v2 =	vadd.s32 v37, v1  }
0x1df: {  	[tilespmem:$0x660] =	vst v2;
	v2 =	vadd.s32 v38, v1  }
0x1e0: {  	[tilespmem:$0x670] =	vst v2;
	v2 =	vadd.s32 v39, v1  }
0x1e1: {  	[tilespmem:$0x680] =	vst v2;
	v2 =	vadd.s32 v40, v1  }
0x1e2: {  	[tilespmem:$0x690] =	vst v2;
	v2 =	vadd.s32 v41, v1  }
0x1e3: {  	[tilespmem:$0x6A0] =	vst v2;
	v2 =	vadd.s32 v42, v1  }
0x1e4: {  	[tilespmem:$0x6B0] =	vst v2;
	v2 =	vadd.s32 v43, v1  }
0x1e5: {  	[tilespmem:$0x6C0] =	vst v2;
	v2 =	vadd.s32 v44, v1  }
0x1e6: {  	[tilespmem:$0x6D0] =	vst v2;
	v2 =	vadd.s32 v45, v1  }
0x1e7: {  	[tilespmem:$0x6E0] =	vst v2;
	v2 =	vadd.s32 v47, v1  }
0x1e8: {  	[tilespmem:$0x6F0] =	vst v2;
	v2 =	vadd.s32 v48, v1  }
0x1e9: {  	[tilespmem:$0x700] =	vst v2;
	v2 =	vadd.s32 v49, v1  }
0x1ea: {  	[tilespmem:$0x710] =	vst v2;
	v2 =	vadd.s32 v50, v1  }
0x1eb: {  	[tilespmem:$0x720] =	vst v2;
	v2 =	vadd.s32 v51, v1  }
0x1ec: {  	[tilespmem:$0x730] =	vst v2;
	v2 =	vadd.s32 v52, v1  }
0x1ed: {  	[tilespmem:$0x740] =	vst v2;
	v2 =	vadd.s32 v53, v1  }
0x1ee: {  	[tilespmem:$0x750] =	vst v2;
	v2 =	vadd.s32 v54, v1  }
0x1ef: {  	[tilespmem:$0x760] =	vst v2;
	v2 =	vadd.s32 v55, v1  }
0x1f0: {  	[tilespmem:$0x770] =	vst v2;
	v2 =	vadd.s32 v56, v1  }
0x1f1: {  	[tilespmem:$0x780] =	vst v2;
	v2 =	vadd.s32 v57, v1  }
0x1f2: {  	[tilespmem:$0x790] =	vst v2;
	v2 =	vadd.s32 v58, v1  }
0x1f3: {  	[tilespmem:$0x7A0] =	vst v2;
	v2 =	vadd.s32 v59, v1  }
0x1f4: {  	[tilespmem:$0x7B0] =	vst v2;
	v2 =	vadd.s32 v60, v1  }
0x1f5: {  	[tilespmem:$0x7C0] =	vst v2;
	v2 =	vadd.s32 v61, v1  }
0x1f6: {  	s11 =	rddreg [dreg:$0x6];
	[tilespmem:$0x7D0] =	vst v2;
	v2 =	vadd.s32 v62, v1  }
0x1f7: {  	s9 =	rddreg [dreg:$0x8];
	[tilespmem:$0x7E0] =	vst v2;
	v2 =	vadd.s32 v63, v1  }
0x1f8: {  	s10 =	rddreg [dreg:$0x7];
	v1 =	vadd.s32 v46, v1;
	[tilespmem:$0x7F0] =	vst v2  }
0x1f9: {  	s1 =	rddreg [dreg:$0x9];
	[tilespmem:$0x800] =	vst v1  }
0x1fa: {  	[tilespmem:s8], [sflag:$0x1] =	stream.indirect.gather [hbm4b:s0+s7], $0x1, s11, s7, $0xb8;
	[tilespmem:$0x1810] =	vst v63  }
0x1fb: {  	s11 =	rddreg [dreg:$0xc]  }
0x1fc: {  	[tilespmem:s9], [sflag:$0x1] =	stream.indirect.gather [hbm4b:s0+s7], $0x1, s10, s7, $0xb8;
	[tilespmem:$0x1810] =	vst v63  }
0x1fd: {  	s9 =	rddreg [dreg:$0xa]  }
0x1fe: {  	[tilespmem:s9], [sflag:$0x1] =	stream.indirect.gather [hbm4b:s0+s7], $0x1, s1, s7, $0xb8;
	[tilespmem:$0x1810] =	vst v63  }
0x1ff: {  	s10 =	rddreg [dreg:$0xb]  }
0x200: {  	[tilespmem:s11], [sflag:$0x1] =	stream.indirect.gather [hbm4b:s0+s7], $0x1, s10, s7, $0xb8;
	[tilespmem:$0x1810] =	vst v63  }
0x201: {  	s9 =	rddreg [dreg:$0xd];
	s11 =	simm.s32 $0xC10  }
0x202: {  	[tilespmem:s11], [sflag:$0x1] =	stream.indirect.gather [hbm4b:s0+s7], $0x1, s9, s7, $0xb8;
	[tilespmem:$0x1810] =	vst v63  }
0x203: {  	s10 =	simm.s32 $0xD10;
	s9 =	simm.s32 $0x290  }
0x204: {  	[tilespmem:s10], [sflag:$0x1] =	stream.indirect.gather [hbm4b:s0+s7], $0x1, s9, s7, $0xb8;
	[tilespmem:$0x1810] =	vst v63  }
0x205: {  	_ = 	snop  }
0x206: {  	[tilespmem:s13], [sflag:$0x1] =	stream.indirect.gather [hbm4b:s0+s7], $0x1, s12, s7, $0xb8;
	[tilespmem:$0x1810] =	vst v63  }
0x207: {  	_ = 	snop  }
0x208: {  	[tilespmem:s15], [sflag:$0x1] =	stream.indirect.gather [hbm4b:s0+s7], $0x1, s14, s7, $0xb8;
	[tilespmem:$0x1810] =	vst v63  }
0x209: {  	_ = 	snop  }
0x20a: {  	[tilespmem:s17], [sflag:$0x1] =	stream.indirect.gather [hbm4b:s0+s7], $0x1, s16, s7, $0xb8;
	[tilespmem:$0x1810] =	vst v63  }
0x20b: {  	_ = 	snop  }
0x20c: {  	[tilespmem:s19], [sflag:$0x1] =	stream.indirect.gather [hbm4b:s0+s7], $0x1, s18, s7, $0xb8;
	[tilespmem:$0x1810] =	vst v63  }
0x20d: {  	_ = 	snop  }
0x20e: {  	[tilespmem:s21], [sflag:$0x1] =	stream.indirect.gather [hbm4b:s0+s7], $0x1, s20, s7, $0xb8;
	[tilespmem:$0x1810] =	vst v63  }
0x20f: {  	_ = 	snop  }
0x210: {  	[tilespmem:s23], [sflag:$0x1] =	stream.indirect.gather [hbm4b:s0+s7], $0x1, s22, s7, $0xb8;
	[tilespmem:$0x1810] =	vst v63  }
0x211: {  	_ = 	snop  }
0x212: {  	[tilespmem:s25], [sflag:$0x1] =	stream.indirect.gather [hbm4b:s0+s7], $0x1, s24, s7, $0xb8;
	[tilespmem:$0x1810] =	vst v63  }
0x213: {  	_ = 	snop  }
0x214: {  	[tilespmem:s28], [sflag:$0x1] =	stream.indirect.gather [hbm4b:s0+s7], $0x1, s26, s7, $0xb8;
	[tilespmem:$0x1810] =	vst v63  }
0x215: {  	_ = 	snop  }
0x216: {  	[tilespmem:s30], [sflag:$0x1] =	stream.indirect.gather [hbm4b:s0+s7], $0x1, s29, s7, $0xb8;
	[tilespmem:$0x1810] =	vst v63  }
0x217: {  	_ = 	snop  }
0x218: {  	[tilespmem:s2], [sflag:$0x1] =	stream.indirect.gather [hbm4b:s0+s7], $0x1, s31, s7, $0xb8;
	[tilespmem:$0x1810] =	vst v63  }
0x219: {  	_ =	swait.ge [sflag:s4], $0x80  }
0x21a: {  	[sflag:s4] =	ssyncset.done $0x0  }
0x21b: {  	[sflag:s4] =	ssyncadd.s32 $0xFFFFFF80  }
0x21c: {  	_ =	swait.ge [sflag:s4], $0x80  }
0x21d: {  	[sflag:s4] =	ssyncset.done $0x0  }
0x21e: {  	[sflag:s4] =	ssyncadd.s32 $0xFFFFFF80  }
0x21f: {  	_ =	swait.ge [sflag:s4], $0x80  }
0x220: {  	[sflag:s4] =	ssyncset.done $0x0  }
0x221: {  	[sflag:s4] =	ssyncadd.s32 $0xFFFFFF80  }
0x222: {  	_ =	swait.ge [sflag:s4], $0x80  }
0x223: {  	[sflag:s4] =	ssyncset.done $0x0  }
0x224: {  	[sflag:s4] =	ssyncadd.s32 $0xFFFFFF80  }
0x225: {  	_ =	swait.ge [sflag:s4], $0x80  }
0x226: {  	[sflag:s4] =	ssyncset.done $0x0  }
0x227: {  	[sflag:s4] =	ssyncadd.s32 $0xFFFFFF80  }
0x228: {  	_ =	swait.ge [sflag:s4], $0x80  }
0x229: {  	[sflag:s4] =	ssyncset.done $0x0  }
0x22a: {  	[sflag:s4] =	ssyncadd.s32 $0xFFFFFF80  }
0x22b: {  	_ =	swait.ge [sflag:s4], $0x80  }
0x22c: {  	[sflag:s4] =	ssyncset.done $0x0  }
0x22d: {  	[sflag:s4] =	ssyncadd.s32 $0xFFFFFF80  }
0x22e: {  	_ =	swait.ge [sflag:s4], $0x80  }
0x22f: {  	[sflag:s4] =	ssyncset.done $0x0  }
0x230: {  	[sflag:s4] =	ssyncadd.s32 $0xFFFFFF80  }
0x231: {  	_ =	swait.ge [sflag:s4], $0x80  }
0x232: {  	[sflag:s4] =	ssyncset.done $0x0  }
0x233: {  	[sflag:s4] =	ssyncadd.s32 $0xFFFFFF80  }
0x234: {  	_ =	swait.ge [sflag:s4], $0x80  }
0x235: {  	[sflag:s4] =	ssyncset.done $0x0  }
0x236: {  	[sflag:s4] =	ssyncadd.s32 $0xFFFFFF80  }
0x237: {  	_ =	swait.ge [sflag:s4], $0x80  }
0x238: {  	[sflag:s4] =	ssyncset.done $0x0  }
0x239: {  	[sflag:s4] =	ssyncadd.s32 $0xFFFFFF80  }
0x23a: {  	_ =	swait.ge [sflag:s4], $0x80  }
0x23b: {  	[sflag:s4] =	ssyncset.done $0x0  }
0x23c: {  	[sflag:s4] =	ssyncadd.s32 $0xFFFFFF80  }
0x23d: {  	_ =	swait.ge [sflag:s4], $0x80  }
0x23e: {  	[sflag:s4] =	ssyncset.done $0x0  }
0x23f: {  	[sflag:s4] =	ssyncadd.s32 $0xFFFFFF80  }
0x240: {  	_ =	swait.ge [sflag:s4], $0x80  }
0x241: {  	[sflag:s4] =	ssyncset.done $0x0  }
0x242: {  	[sflag:s4] =	ssyncadd.s32 $0xFFFFFF80  }
0x243: {  	_ =	swait.ge [sflag:s4], $0x80  }
0x244: {  	[sflag:s4] =	ssyncset.done $0x0  }
0x245: {  	[sflag:s4] =	ssyncadd.s32 $0xFFFFFF80  }
0x246: {  	_ =	swait.ge [sflag:s4], $0x80  }
0x247: {  	p0 =	sne.s32 s5, $0x1;
	[sflag:s4] =	ssyncset.done $0x0  }
.Ltmp0:
0x248: {  	s11 =	rddreg [dreg:$0x5];
	[sflag:s4] =	ssyncadd.s32 $0xFFFFFF80;
	(pc) =	sbr.rel @p0 .LBB2_1-.Ltmp0, $4  }
0x249: {  	[hbm4b:s11+s3] =	stream.linear.scatter [tilespmem:s8], [sflag:$0x2], $0x1000, $0x38;
	[tilespmem:$0x1810] =	vst v63  }
0x24a: {  	_ =	swait.ge [sflag:s6], $0x1000  }
0x24b: {  	[sflag:s6] =	ssyncset.done $0x0  }
0x24c: {  	s5 =	sadd.s32 $0xFFFFFFFF, s5;
	[sflag:s6] =	ssyncadd.s32 $0xFFFFF000  }
0x24d: {  	_ =	sfence.sel $0x180000  }
0x24e: {  	[bflag:$0x0] =	sbarrier.arrive $0xFFFF  }
0x24f: {  	_ =	strace $0x90000047  }
0x250: {  	s0 =	stileid.u32;
	[bflag:$0x2] =	sbarrier.arrive $0xFFFF  }
0x251: {  	p0 =	sne.s32 s0, $0x0;
	s0 =	rddreg [dreg:$0x3]  }
0x252: {  	s0 =	sadd.s32 @!p0 $0x100000, s0  }
0x253: {  	[sflag:s0] =	ssyncadd.tile.s32 @!p0 $0x1;
	_ =	shalt  }
.Lfunc_end2:
_tile_overlayer_lowered:
.L_overlay_start_2:
0x254: {  	(tag) =	ssettag $0x2  }
0x255: {  	s0 =	rddreg [dreg:$0x0];
	s2 =	stileid.u32  }
0x256: {  	s1 =	rddreg [dreg:$0x1];
	p0 =	sne.s32 s2, $0x0  }
0x257: {  	s3 =	rddreg [dreg:$0x2];
	[bflag:$0x3] =	sbarrier.arrive $0xFFFF;
	s2 =	simm.s32 @!p0 $0x1C02  }
0x258: {  	[timem:s3], [sflag:s2] =	dma.local @!p0 [hbm:s0], s1  }
0x259: {  	s0 =	simm.s32 @!p0 $0x2  }
0x25a: {  	_ =	swait.ge @!p0 [sflag:s0], s1  }
0x25b: {  	s1 =	ssub.s32 @!p0 $0x0, s1;
	[sflag:s0] =	ssyncset.done @!p0 $0x0  }
0x25c: {  	[sflag:s0] =	ssyncadd.s32 @!p0 s1  }
0x25d: {  	[bflag:$0x3] =	sbarrier.arrive $0xFFFF  }
0x25e: {  	_ =	shalt  }

</sc_bundles>
